<compile_context>
chip_gen: v7x
topology: tpu7x:2x2x1
jax: 0.10.2.dev20260603
libtpu: 0.0.44.dev20260713+nightly
codegen_flags: <defaults>
</compile_context>

<pallas_src>
import functools

import jax
import jax.numpy as jnp
from jax import lax
from jax.experimental import pallas as pl
from jax.experimental.pallas import tpu as pltpu
from jax.experimental.pallas import tpu_sc as plsc

HIDDEN = 128
MLP_HID = 100
NUM_GRAPHS = 512
N_NODES = 100000
CHUNK = 128
RB = 800
TC_BLOCKS = 13
SC_ROWS = N_NODES - TC_BLOCKS * RB
TC_BLOCK0 = SC_ROWS // RB

_info = plsc.get_sparse_core_info()
NC = _info.num_cores
NS = _info.num_subcores
NW = NC * NS

N_FULL = SC_ROWS // CHUNK
Q, R = divmod(N_FULL, NW)
SEG_PER_SUB = NUM_GRAPHS // NS
LANES = 16


def _seg_sum_sc(x, batch_i32):
    mesh = plsc.VectorSubcoreMesh(core_axis_name="c", subcore_axis_name="s")

    @functools.partial(
        pl.kernel,
        mesh=mesh,
        out_type=jax.ShapeDtypeStruct((NC, NUM_GRAPHS, HIDDEN), jnp.float32),
        scratch_types=[
            pltpu.VMEM((3, CHUNK, HIDDEN), jnp.float32),
            pltpu.VMEM((3, CHUNK), jnp.int32),
            pltpu.VMEM((SEG_PER_SUB, HIDDEN), jnp.float32),
            pltpu.VMEM((LANES, HIDDEN), jnp.float32),
            pltpu.VMEM((LANES,), jnp.int32),
            pltpu.VMEM_SHARED((NUM_GRAPHS, HIDDEN), jnp.float32),
            pltpu.SemaphoreType.DMA,
            pltpu.SemaphoreType.DMA,
            pltpu.SemaphoreType.DMA,
        ],
    )
    def seg_sum(x_hbm, b_hbm, out_hbm, xbuf, ibuf, zbuf, srow, sidx, acc,
                gsem, isem, ssem):
        cid = lax.axis_index("c")
        sid = lax.axis_index("s")
        wid = sid * NC + cid

        n_my = Q + jnp.where(wid < R, 1, 0)
        chunk0 = wid * Q + jnp.minimum(wid, R)

        def gather(t, slot):
            base = (chunk0 + t) * CHUNK
            return (
                pltpu.make_async_copy(
                    x_hbm.at[pl.ds(base, CHUNK), :], xbuf.at[slot], gsem),
                pltpu.make_async_copy(
                    b_hbm.at[pl.ds(base, CHUNK)], ibuf.at[slot], isem),
            )

        def gather_start(t, slot):
            for d in gather(t, slot):
                d.start()

        def gather_wait(t, slot):
            for d in gather(t, slot):
                d.wait()

        def scatter_start(t, slot):
            pltpu.async_copy(xbuf.at[slot], acc.at[ibuf.at[slot]],
                             ssem, add=True)

        def scatter_wait(t, slot):
            pltpu.make_async_copy(
                xbuf.at[slot], acc.at[ibuf.at[slot]], ssem).wait()

        gather_start(0, 0)

        zv = jnp.zeros((LANES,), jnp.float32)
        for r in range(SEG_PER_SUB):
            for c in range(HIDDEN // LANES):
                zbuf[r, pl.ds(c * LANES, LANES)] = zv
        for r in range(1, LANES):
            for c in range(HIDDEN // LANES):
                srow[r, pl.ds(c * LANES, LANES)] = zv
        pltpu.sync_copy(zbuf, acc.at[pl.ds(sid * SEG_PER_SUB, SEG_PER_SUB), :])
        plsc.subcore_barrier()

        @pl.when(n_my > 1)
        def _prime():
            gather_start(1, 1)

        def body(t, prev_slow):
            slot = lax.rem(t, 3)
            gather_wait(t, slot)
            first16 = ibuf[slot, pl.ds(0, LANES)]
            last16 = ibuf[slot, pl.ds(CHUNK - LANES, LANES)]
            ndiff = last16[LANES - 1] - first16[0]
            is_slow = jnp.where(ndiff != 0, 1, 0)

            @pl.when(ndiff != 0)
            def _slow():
                scatter_start(t, slot)

            @pl.when(prev_slow == 1)
            def _drain():
                scatter_wait(t - 1, lax.rem(t - 1, 3))

            @pl.when(t + 2 < n_my)
            def _prefetch():
                gather_start(t + 2, lax.rem(t + 2, 3))

            @pl.when(ndiff == 0)
            def _fast():
                def sum_body(r, accs):
                    out = []
                    for c in range(HIDDEN // LANES):
                        a = accs[c]
                        for k in range(8):
                            a = a + xbuf[slot, r * 8 + k,
                                         pl.ds(c * LANES, LANES)]
                        out.append(a)
                    return tuple(out)

                accs = lax.fori_loop(
                    0, CHUNK // 8, sum_body,
                    tuple(jnp.zeros((LANES,), jnp.float32)
                          for _ in range(HIDDEN // LANES)))
                for c in range(HIDDEN // LANES):
                    srow[0, pl.ds(c * LANES, LANES)] = accs[c]
                sidx[...] = first16
                pltpu.sync_copy(srow, acc.at[sidx], add=True)

            return is_slow

        final_slow = lax.fori_loop(0, n_my, body, 0)

        @pl.when(final_slow == 1)
        def _final_drain():
            scatter_wait(n_my - 1, lax.rem(n_my - 1, 3))

        plsc.subcore_barrier()

        pltpu.sync_copy(acc.at[pl.ds(sid * SEG_PER_SUB, SEG_PER_SUB), :],
                        out_hbm.at[cid, pl.ds(sid * SEG_PER_SUB, SEG_PER_SUB), :])

    return seg_sum(x, batch_i32)


def _tc_seg_body(ids_ref, x_ref, o_ref):
    b = pl.program_id(0)
    ids = ids_ref[0, 0]
    oh_t = (ids[None, :] == lax.broadcasted_iota(jnp.int32, (NUM_GRAPHS, RB), 0)
            ).astype(jnp.bfloat16)
    p = lax.dot_general(oh_t, x_ref[...].astype(jnp.bfloat16),
                        (((1,), (0,)), ((), ())),
                        preferred_element_type=jnp.float32)

    @pl.when(b == 0)
    def _init():
        o_ref[...] = p

    @pl.when(b > 0)
    def _accum():
        o_ref[...] += p


def _seg_sum_tc(x, batch3d):
    return pl.pallas_call(
        _tc_seg_body,
        grid=(TC_BLOCKS,),
        in_specs=[
            pl.BlockSpec((1, 1, RB), lambda b: (TC_BLOCK0 + b, 0, 0)),
            pl.BlockSpec((RB, HIDDEN), lambda b: (TC_BLOCK0 + b, 0)),
        ],
        out_specs=pl.BlockSpec((NUM_GRAPHS, HIDDEN), lambda b: (0, 0)),
        out_shape=jax.ShapeDtypeStruct((NUM_GRAPHS, HIDDEN), jnp.float32),
    )(batch3d, x)


def _mlp_body(p_ref, ptc_ref, u_ref, w1a, w1b, b1, w2, b2, w3, b3, w4, b4,
              g, bt, o_ref):
    agg = p_ref[0] + p_ref[1] + ptc_ref[...]
    u = u_ref[...]
    f32 = jnp.float32
    h = (jnp.dot(u, w1a[...], preferred_element_type=f32)
         + jnp.dot(agg, w1b[...], preferred_element_type=f32) + b1[...])
    h = jnp.maximum(h, 0.0)
    h = jnp.maximum(jnp.dot(h, w2[...], preferred_element_type=f32) + b2[...], 0.0)
    h = jnp.maximum(jnp.dot(h, w3[...], preferred_element_type=f32) + b3[...], 0.0)
    h = jnp.dot(h, w4[...], preferred_element_type=f32) + b4[...]
    mu = jnp.mean(h, axis=-1, keepdims=True)
    var = jnp.mean((h - mu) ** 2, axis=-1, keepdims=True)
    h = (h - mu) / jnp.sqrt(var + 1e-5) * g[...] + bt[...]
    o_ref[...] = u + h


def kernel(x, edge_index, edge_attr, u, batch,
           W1, b1, W2, b2, W3, b3, W4, b4, gamma, beta):
    del edge_index, edge_attr
    batch_i32 = batch.astype(jnp.int32)
    batch3d = batch_i32.reshape(N_NODES // RB, 1, RB)

    partials = _seg_sum_sc(x, batch_i32)
    partial_tc = _seg_sum_tc(x, batch3d)

    out = pl.pallas_call(
        _mlp_body,
        out_shape=jax.ShapeDtypeStruct((NUM_GRAPHS, HIDDEN), jnp.float32),
    )(partials, partial_tc, u,
      W1[:HIDDEN], W1[HIDDEN:], b1.reshape(1, -1),
      W2, b2.reshape(1, -1), W3, b3.reshape(1, -1),
      W4, b4.reshape(1, -1), gamma.reshape(1, -1), beta.reshape(1, -1))
    return out

# --- scband reference (transcript-rebuilt; emitter-appended) ---
"""Pipeline reference for scband-global-model-49546742726709 (READ-ONLY COPY).

The authoritative reference and input builder live on the scoring server;
editing this copy changes nothing except your own understanding.
"""

import jax, jax.numpy as jnp
import numpy as np

HIDDEN = 128
MLP_HID = 100
NUM_GRAPHS = 512


def setup_inputs(seed: int = 0) -> dict:
    key = jax.random.key(seed)
    ks = jax.random.split(key, 16)
    N = 100000
    E = 1600000
    x = jax.random.normal(ks[0], (N, HIDDEN), dtype=jnp.float32)
    edge_index = jax.random.randint(ks[1], (2, E), 0, N, dtype=jnp.int64)
    edge_attr = jax.random.normal(ks[2], (E, 16), dtype=jnp.float32)
    u = jax.random.normal(ks[3], (NUM_GRAPHS, HIDDEN), dtype=jnp.float32)
    batch = jnp.sort(jax.random.randint(ks[4], (N,), 0, NUM_GRAPHS, dtype=jnp.int64))
    # MLP params: Linear(2*hidden -> 100), 2x Linear(100 -> 100), Linear(100 -> hidden), LayerNorm(hidden)
    def lin(k, n_in, n_out):
        bound = 1.0 / np.sqrt(n_in)
        kw, kb = jax.random.split(k)
        W = jax.random.uniform(kw, (n_in, n_out), minval=-bound, maxval=bound, dtype=jnp.float32)
        b = jax.random.uniform(kb, (n_out,), minval=-bound, maxval=bound, dtype=jnp.float32)
        return W, b
    W1, b1 = lin(ks[5], 2 * HIDDEN, MLP_HID)
    W2, b2 = lin(ks[6], MLP_HID, MLP_HID)
    W3, b3 = lin(ks[7], MLP_HID, MLP_HID)
    W4, b4 = lin(ks[8], MLP_HID, HIDDEN)
    gamma = jnp.ones((HIDDEN,), dtype=jnp.float32)
    beta = jnp.zeros((HIDDEN,), dtype=jnp.float32)
    return {"x": x, "edge_index": edge_index, "edge_attr": edge_attr, "u": u, "batch": batch,
            "W1": W1, "b1": b1, "W2": W2, "b2": b2, "W3": W3, "b3": b3, "W4": W4, "b4": b4,
            "gamma": gamma, "beta": beta}


def _layer_norm(h, gamma, beta, eps=1e-5):
    mu = jnp.mean(h, axis=-1, keepdims=True)
    var = jnp.mean((h - mu) ** 2, axis=-1, keepdims=True)
    return (h - mu) / jnp.sqrt(var + eps) * gamma + beta


def reference(x, edge_index, edge_attr, u, batch, W1, b1, W2, b2, W3, b3, W4, b4, gamma, beta):
    # scatter_sum(x, batch, dim=0) -> per-graph node-feature sums
    agg = jax.ops.segment_sum(x, batch, num_segments=u.shape[0])
    out = jnp.concatenate([u, agg], axis=1)
    h = jax.nn.relu(out @ W1 + b1)
    h = jax.nn.relu(h @ W2 + b2)
    h = jax.nn.relu(h @ W3 + b3)
    h = h @ W4 + b4
    h = _layer_norm(h, gamma, beta)
    return u + h

if __name__ == "__main__":
    import jax
    _d = setup_inputs()
    print(jax.jit(kernel)(*tuple(_d.values())))

</pallas_src>

<mosaic_0001>
#map = affine_map<(d0, d1) -> (0, 0)>
#map1 = affine_map<(d0, d1) -> (0)>
#map2 = affine_map<(d0, d1) -> (0, 0, 0)>
module attributes {stable_mosaic.version = 14 : i64} {
  func.func @seg_sum(%arg0: i32, %arg1: i32, %arg2: memref<100000x128xf32, #tpu.memory_space<hbm>>, %arg3: memref<100000xi32, #tpu.memory_space<hbm>>, %arg4: memref<2x512x128xf32, #tpu.memory_space<hbm>>, %arg5: memref<3x128x128xf32, #tpu.memory_space<vmem>>, %arg6: memref<3x128xi32, #tpu.memory_space<vmem>>, %arg7: memref<32x128xf32, #tpu.memory_space<vmem>>, %arg8: memref<16x128xf32, #tpu.memory_space<vmem>>, %arg9: memref<16xi32, #tpu.memory_space<vmem>>, %arg10: memref<512x128xf32, #tpu.memory_space<vmem_shared>>, %arg11: memref<!tpu.dma_semaphore, #tpu.memory_space<semaphore_mem>>, %arg12: memref<!tpu.dma_semaphore, #tpu.memory_space<semaphore_mem>>, %arg13: memref<!tpu.dma_semaphore, #tpu.memory_space<semaphore_mem>>) attributes {dimension_semantics = [#tpu.dimension_semantics<core_parallel>, #tpu.dimension_semantics<subcore_parallel>], iteration_bounds = array<i64: 2, 16>, scalar_prefetch = 0 : i64, scratch_operands = 9 : i64, tpu.core_type = #tpu.core_type<sc_vector_subcore>, window_params = [{transform_indices = #map}, {transform_indices = #map1}, {transform_indices = #map2}]} {
    %mul3A = arith.constant 2 : i32
    %mul3A_0 = arith.muli %arg1, %mul3A : i32
    %add3A = arith.addi %mul3A_0, %arg0 : i32
    %lt3A = arith.constant 28 : i32
    %lt3A_1 = arith.cmpi slt, %add3A, %lt3A : i32
    %jit3A = arith.constant 1 : i32
    %jit3A_2 = arith.constant 0 : i32
    %select_n3A = arith.select %lt3A_1, %jit3A, %jit3A_2 : i32
    %add3A_3 = arith.constant 21 : i32
    %add3A_4 = arith.addi %add3A_3, %select_n3A : i32
    %mul3A_5 = arith.constant 21 : i32
    %mul3A_6 = arith.muli %add3A, %mul3A_5 : i32
    %min3A = arith.constant 28 : i32
    %min3A_7 = arith.minsi %add3A, %min3A : i32
    %add3A_8 = arith.addi %mul3A_6, %min3A_7 : i32
    %add3A_9 = arith.constant 0 : i32
    %add3A_10 = arith.addi %add3A_8, %add3A_9 : i32
    %mul3A_11 = arith.constant 128 : i32
    %mul3A_12 = arith.muli %add3A_10, %mul3A_11 : i32
    %dma_start3A = arith.constant 0 : i32
    %dma_start3A_13 = arith.constant 0 : i32
    %dma_start3A_14 = arith.constant 0 : i32
    %dma_start3A_15 = tpu.memref_slice %arg5[%dma_start3A, %dma_start3A_13, %dma_start3A_14] : memref<3x128x128xf32, #tpu.memory_space<vmem>> -> memref<1x128x128xf32, #tpu.memory_space<vmem>>
    %dma_start3A_16 = tpu.memref_squeeze %dma_start3A_15 : memref<1x128x128xf32, #tpu.memory_space<vmem>> -> memref<128x128xf32, #tpu.memory_space<vmem>>
    %dma_start3A_17 = arith.constant 0 : i32
    %dma_start3A_18 = tpu.memref_slice %arg2[%mul3A_12, %dma_start3A_17] : memref<100000x128xf32, #tpu.memory_space<hbm>> -> memref<128x128xf32, #tpu.memory_space<hbm>>
    %dma_start3A_19 = arith.constant 0 : i32
    %dma_start3A_20 = arith.constant 0 : i32
    %dma_start3A_21 = tpu.memref_slice %arg5[%dma_start3A, %dma_start3A_19, %dma_start3A_20] : memref<3x128x128xf32, #tpu.memory_space<vmem>> -> memref<1x128x128xf32, #tpu.memory_space<vmem>>
    %dma_start3A_22 = tpu.memref_squeeze %dma_start3A_21 : memref<1x128x128xf32, #tpu.memory_space<vmem>> -> memref<128x128xf32, #tpu.memory_space<vmem>>
    %dma_start3A_23 = arith.constant 0 : i32
    %dma_start3A_24 = tpu.memref_slice %arg2[%mul3A_12, %dma_start3A_23] : memref<100000x128xf32, #tpu.memory_space<hbm>> -> memref<128x128xf32, #tpu.memory_space<hbm>>
    tpu.enqueue_dma source(%dma_start3A_24 : memref<128x128xf32, #tpu.memory_space<hbm>>) target(%dma_start3A_22 : memref<128x128xf32, #tpu.memory_space<vmem>>) target_semaphore(%arg11 : memref<!tpu.dma_semaphore, #tpu.memory_space<semaphore_mem>>)
    %dma_start3A_25 = arith.constant 0 : i32
    %dma_start3A_26 = arith.constant 0 : i32
    %dma_start3A_27 = tpu.memref_slice %arg6[%dma_start3A_25, %dma_start3A_26] : memref<3x128xi32, #tpu.memory_space<vmem>> -> memref<1x128xi32, #tpu.memory_space<vmem>>
    %dma_start3A_28 = tpu.memref_squeeze %dma_start3A_27 : memref<1x128xi32, #tpu.memory_space<vmem>> -> memref<128xi32, #tpu.memory_space<vmem>>
    %dma_start3A_29 = tpu.memref_slice %arg3[%mul3A_12] : memref<100000xi32, #tpu.memory_space<hbm>> -> memref<128xi32, #tpu.memory_space<hbm>>
    %dma_start3A_30 = arith.constant 0 : i32
    %dma_start3A_31 = tpu.memref_slice %arg6[%dma_start3A_25, %dma_start3A_30] : memref<3x128xi32, #tpu.memory_space<vmem>> -> memref<1x128xi32, #tpu.memory_space<vmem>>
    %dma_start3A_32 = tpu.memref_squeeze %dma_start3A_31 : memref<1x128xi32, #tpu.memory_space<vmem>> -> memref<128xi32, #tpu.memory_space<vmem>>
    %dma_start3A_33 = tpu.memref_slice %arg3[%mul3A_12] : memref<100000xi32, #tpu.memory_space<hbm>> -> memref<128xi32, #tpu.memory_space<hbm>>
    tpu.enqueue_dma source(%dma_start3A_33 : memref<128xi32, #tpu.memory_space<hbm>>) target(%dma_start3A_32 : memref<128xi32, #tpu.memory_space<vmem>>) target_semaphore(%arg12 : memref<!tpu.dma_semaphore, #tpu.memory_space<semaphore_mem>>)
    %broadcast_in_dim3A = arith.constant 0.000000e+00 : f32
    %broadcast_in_dim3A_34 = vector.broadcast %broadcast_in_dim3A : f32 to vector<16xf32>
    %swap3A = arith.constant 0 : i32
    %swap3A_35 = arith.index_cast %swap3A : i32 to index
    %swap3A_36 = arith.constant 0 : index
    %swap3A_37 = tpu.vector_load %arg7[%swap3A_35, %swap3A_36] {strides = array<i32>} : memref<32x128xf32, #tpu.memory_space<vmem>>, vector<1x16xf32>,
    %swap3A_38 = vector.shape_cast %swap3A_37 : vector<1x16xf32> to vector<16xf32>
    %swap3A_39 = vector.shape_cast %broadcast_in_dim3A_34 : vector<16xf32> to vector<1x16xf32>
    tpu.vector_store %arg7[%swap3A_35, %swap3A_36], %swap3A_39 {strides = array<i32>} : memref<32x128xf32, #tpu.memory_space<vmem>>, vector<1x16xf32>,
    %swap3A_40 = arith.constant 0 : i32
    %swap3A_41 = arith.index_cast %swap3A_40 : i32 to index
    %swap3A_42 = arith.constant 16 : index
    %swap3A_43 = tpu.vector_load %arg7[%swap3A_41, %swap3A_42] {strides = array<i32>} : memref<32x128xf32, #tpu.memory_space<vmem>>, vector<1x16xf32>,
    %swap3A_44 = vector.shape_cast %swap3A_43 : vector<1x16xf32> to vector<16xf32>
    %swap3A_45 = vector.shape_cast %broadcast_in_dim3A_34 : vector<16xf32> to vector<1x16xf32>
    tpu.vector_store %arg7[%swap3A_41, %swap3A_42], %swap3A_45 {strides = array<i32>} : memref<32x128xf32, #tpu.memory_space<vmem>>, vector<1x16xf32>,
    %swap3A_46 = arith.constant 0 : i32
    %swap3A_47 = arith.index_cast %swap3A_46 : i32 to index
    %swap3A_48 = arith.constant 32 : index
    %swap3A_49 = tpu.vector_load %arg7[%swap3A_47, %swap3A_48] {strides = array<i32>} : memref<32x128xf32, #tpu.memory_space<vmem>>, vector<1x16xf32>,
    %swap3A_50 = vector.shape_cast %swap3A_49 : vector<1x16xf32> to vector<16xf32>
    %swap3A_51 = vector.shape_cast %broadcast_in_dim3A_34 : vector<16xf32> to vector<1x16xf32>
    tpu.vector_store %arg7[%swap3A_47, %swap3A_48], %swap3A_51 {strides = array<i32>} : memref<32x128xf32, #tpu.memory_space<vmem>>, vector<1x16xf32>,
    %swap3A_52 = arith.constant 0 : i32
    %swap3A_53 = arith.index_cast %swap3A_52 : i32 to index
    %swap3A_54 = arith.constant 48 : index
    %swap3A_55 = tpu.vector_load %arg7[%swap3A_53, %swap3A_54] {strides = array<i32>} : memref<32x128xf32, #tpu.memory_space<vmem>>, vector<1x16xf32>,
    %swap3A_56 = vector.shape_cast %swap3A_55 : vector<1x16xf32> to vector<16xf32>
    %swap3A_57 = vector.shape_cast %broadcast_in_dim3A_34 : vector<16xf32> to vector<1x16xf32>
    tpu.vector_store %arg7[%swap3A_53, %swap3A_54], %swap3A_57 {strides = array<i32>} : memref<32x128xf32, #tpu.memory_space<vmem>>, vector<1x16xf32>,
    %swap3A_58 = arith.constant 0 : i32
    %swap3A_59 = arith.index_cast %swap3A_58 : i32 to index
    %swap3A_60 = arith.constant 64 : index
    %swap3A_61 = tpu.vector_load %arg7[%swap3A_59, %swap3A_60] {strides = array<i32>} : memref<32x128xf32, #tpu.memory_space<vmem>>, vector<1x16xf32>,
    %swap3A_62 = vector.shape_cast %swap3A_61 : vector<1x16xf32> to vector<16xf32>
    %swap3A_63 = vector.shape_cast %broadcast_in_dim3A_34 : vector<16xf32> to vector<1x16xf32>
    tpu.vector_store %arg7[%swap3A_59, %swap3A_60], %swap3A_63 {strides = array<i32>} : memref<32x128xf32, #tpu.memory_space<vmem>>, vector<1x16xf32>,
    %swap3A_64 = arith.constant 0 : i32
    %swap3A_65 = arith.index_cast %swap3A_64 : i32 to index
    %swap3A_66 = arith.constant 80 : index
    %swap3A_67 = tpu.vector_load %arg7[%swap3A_65, %swap3A_66] {strides = array<i32>} : memref<32x128xf32, #tpu.memory_space<vmem>>, vector<1x16xf32>,
    %swap3A_68 = vector.shape_cast %swap3A_67 : vector<1x16xf32> to vector<16xf32>
    %swap3A_69 = vector.shape_cast %broadcast_in_dim3A_34 : vector<16xf32> to vector<1x16xf32>
    tpu.vector_store %arg7[%swap3A_65, %swap3A_66], %swap3A_69 {strides = array<i32>} : memref<32x128xf32, #tpu.memory_space<vmem>>, vector<1x16xf32>,
    %swap3A_70 = arith.constant 0 : i32
    %swap3A_71 = arith.index_cast %swap3A_70 : i32 to index
    %swap3A_72 = arith.constant 96 : index
    %swap3A_73 = tpu.vector_load %arg7[%swap3A_71, %swap3A_72] {strides = array<i32>} : memref<32x128xf32, #tpu.memory_space<vmem>>, vector<1x16xf32>,
    %swap3A_74 = vector.shape_cast %swap3A_73 : vector<1x16xf32> to vector<16xf32>
    %swap3A_75 = vector.shape_cast %broadcast_in_dim3A_34 : vector<16xf32> to vector<1x16xf32>
    tpu.vector_store %arg7[%swap3A_71, %swap3A_72], %swap3A_75 {strides = array<i32>} : memref<32x128xf32, #tpu.memory_space<vmem>>, vector<1x16xf32>,
    %swap3A_76 = arith.constant 0 : i32
    %swap3A_77 = arith.index_cast %swap3A_76 : i32 to index
    %swap3A_78 = arith.constant 112 : index
    %swap3A_79 = tpu.vector_load %arg7[%swap3A_77, %swap3A_78] {strides = array<i32>} : memref<32x128xf32, #tpu.memory_space<vmem>>, vector<1x16xf32>,
    %swap3A_80 = vector.shape_cast %swap3A_79 : vector<1x16xf32> to vector<16xf32>
    %swap3A_81 = vector.shape_cast %broadcast_in_dim3A_34 : vector<16xf32> to vector<1x16xf32>
    tpu.vector_store %arg7[%swap3A_77, %swap3A_78], %swap3A_81 {strides = array<i32>} : memref<32x128xf32, #tpu.memory_space<vmem>>, vector<1x16xf32>,
    %swap3A_82 = arith.constant 1 : i32
    %swap3A_83 = arith.index_cast %swap3A_82 : i32 to index
    %swap3A_84 = arith.constant 0 : index
    %swap3A_85 = tpu.vector_load %arg7[%swap3A_83, %swap3A_84] {strides = array<i32>} : memref<32x128xf32, #tpu.memory_space<vmem>>, vector<1x16xf32>,
    %swap3A_86 = vector.shape_cast %swap3A_85 : vector<1x16xf32> to vector<16xf32>
    %swap3A_87 = vector.shape_cast %broadcast_in_dim3A_34 : vector<16xf32> to vector<1x16xf32>
    tpu.vector_store %arg7[%swap3A_83, %swap3A_84], %swap3A_87 {strides = array<i32>} : memref<32x128xf32, #tpu.memory_space<vmem>>, vector<1x16xf32>,
    %swap3A_88 = arith.constant 1 : i32
    %swap3A_89 = arith.index_cast %swap3A_88 : i32 to index
    %swap3A_90 = arith.constant 16 : index
    %swap3A_91 = tpu.vector_load %arg7[%swap3A_89, %swap3A_90] {strides = array<i32>} : memref<32x128xf32, #tpu.memory_space<vmem>>, vector<1x16xf32>,
    %swap3A_92 = vector.shape_cast %swap3A_91 : vector<1x16xf32> to vector<16xf32>
    %swap3A_93 = vector.shape_cast %broadcast_in_dim3A_34 : vector<16xf32> to vector<1x16xf32>
    tpu.vector_store %arg7[%swap3A_89, %swap3A_90], %swap3A_93 {strides = array<i32>} : memref<32x128xf32, #tpu.memory_space<vmem>>, vector<1x16xf32>,
    %swap3A_94 = arith.constant 1 : i32
    %swap3A_95 = arith.index_cast %swap3A_94 : i32 to index
    %swap3A_96 = arith.constant 32 : index
    %swap3A_97 = tpu.vector_load %arg7[%swap3A_95, %swap3A_96] {strides = array<i32>} : memref<32x128xf32, #tpu.memory_space<vmem>>, vector<1x16xf32>,
    %swap3A_98 = vector.shape_cast %swap3A_97 : vector<1x16xf32> to vector<16xf32>
    %swap3A_99 = vector.shape_cast %broadcast_in_dim3A_34 : vector<16xf32> to vector<1x16xf32>
    tpu.vector_store %arg7[%swap3A_95, %swap3A_96], %swap3A_99 {strides = array<i32>} : memref<32x128xf32, #tpu.memory_space<vmem>>, vector<1x16xf32>,
    %swap3A_100 = arith.constant 1 : i32
    %swap3A_101 = arith.index_cast %swap3A_100 : i32 to index
    %swap3A_102 = arith.constant 48 : index
    %swap3A_103 = tpu.vector_load %arg7[%swap3A_101, %swap3A_102] {strides = array<i32>} : memref<32x128xf32, #tpu.memory_space<vmem>>, vector<1x16xf32>,
    %swap3A_104 = vector.shape_cast %swap3A_103 : vector<1x16xf32> to vector<16xf32>
    %swap3A_105 = vector.shape_cast %broadcast_in_dim3A_34 : vector<16xf32> to vector<1x16xf32>
    tpu.vector_store %arg7[%swap3A_101, %swap3A_102], %swap3A_105 {strides = array<i32>} : memref<32x128xf32, #tpu.memory_space<vmem>>, vector<1x16xf32>,
    %swap3A_106 = arith.constant 1 : i32
    %swap3A_107 = arith.index_cast %swap3A_106 : i32 to index
    %swap3A_108 = arith.constant 64 : index
    %swap3A_109 = tpu.vector_load %arg7[%swap3A_107, %swap3A_108] {strides = array<i32>} : memref<32x128xf32, #tpu.memory_space<vmem>>, vector<1x16xf32>,
    %swap3A_110 = vector.shape_cast %swap3A_109 : vector<1x16xf32> to vector<16xf32>
    %swap3A_111 = vector.shape_cast %broadcast_in_dim3A_34 : vector<16xf32> to vector<1x16xf32>
    tpu.vector_store %arg7[%swap3A_107, %swap3A_108], %swap3A_111 {strides = array<i32>} : memref<32x128xf32, #tpu.memory_space<vmem>>, vector<1x16xf32>,
    %swap3A_112 = arith.constant 1 : i32
    %swap3A_113 = arith.index_cast %swap3A_112 : i32 to index
    %swap3A_114 = arith.constant 80 : index
    %swap3A_115 = tpu.vector_load %arg7[%swap3A_113, %swap3A_114] {strides = array<i32>} : memref<32x128xf32, #tpu.memory_space<vmem>>, vector<1x16xf32>,
    %swap3A_116 = vector.shape_cast %swap3A_115 : vector<1x16xf32> to vector<16xf32>
    %swap3A_117 = vector.shape_cast %broadcast_in_dim3A_34 : vector<16xf32> to vector<1x16xf32>
    tpu.vector_store %arg7[%swap3A_113, %swap3A_114], %swap3A_117 {strides = array<i32>} : memref<32x128xf32, #tpu.memory_space<vmem>>, vector<1x16xf32>,
    %swap3A_118 = arith.constant 1 : i32
    %swap3A_119 = arith.index_cast %swap3A_118 : i32 to index
    %swap3A_120 = arith.constant 96 : index
    %swap3A_121 = tpu.vector_load %arg7[%swap3A_119, %swap3A_120] {strides = array<i32>} : memref<32x128xf32, #tpu.memory_space<vmem>>, vector<1x16xf32>,
    %swap3A_122 = vector.shape_cast %swap3A_121 : vector<1x16xf32> to vector<16xf32>
    %swap3A_123 = vector.shape_cast %broadcast_in_dim3A_34 : vector<16xf32> to vector<1x16xf32>
    tpu.vector_store %arg7[%swap3A_119, %swap3A_120], %swap3A_123 {strides = array<i32>} : memref<32x128xf32, #tpu.memory_space<vmem>>, vector<1x16xf32>,
    %swap3A_124 = arith.constant 1 : i32
    %swap3A_125 = arith.index_cast %swap3A_124 : i32 to index
    %swap3A_126 = arith.constant 112 : index
    %swap3A_127 = tpu.vector_load %arg7[%swap3A_125, %swap3A_126] {strides = array<i32>} : memref<32x128xf32, #tpu.memory_space<vmem>>, vector<1x16xf32>,
    %swap3A_128 = vector.shape_cast %swap3A_127 : vector<1x16xf32> to vector<16xf32>
    %swap3A_129 = vector.shape_cast %broadcast_in_dim3A_34 : vector<16xf32> to vector<1x16xf32>
    tpu.vector_store %arg7[%swap3A_125, %swap3A_126], %swap3A_129 {strides = array<i32>} : memref<32x128xf32, #tpu.memory_space<vmem>>, vector<1x16xf32>,
    %swap3A_130 = arith.constant 2 : i32
    %swap3A_131 = arith.index_cast %swap3A_130 : i32 to index
    %swap3A_132 = arith.constant 0 : index
    %swap3A_133 = tpu.vector_load %arg7[%swap3A_131, %swap3A_132] {strides = array<i32>} : memref<32x128xf32, #tpu.memory_space<vmem>>, vector<1x16xf32>,
    %swap3A_134 = vector.shape_cast %swap3A_133 : vector<1x16xf32> to vector<16xf32>
    %swap3A_135 = vector.shape_cast %broadcast_in_dim3A_34 : vector<16xf32> to vector<1x16xf32>
    tpu.vector_store %arg7[%swap3A_131, %swap3A_132], %swap3A_135 {strides = array<i32>} : memref<32x128xf32, #tpu.memory_space<vmem>>, vector<1x16xf32>,
    %swap3A_136 = arith.constant 2 : i32
    %swap3A_137 = arith.index_cast %swap3A_136 : i32 to index
    %swap3A_138 = arith.constant 16 : index
    %swap3A_139 = tpu.vector_load %arg7[%swap3A_137, %swap3A_138] {strides = array<i32>} : memref<32x128xf32, #tpu.memory_space<vmem>>, vector<1x16xf32>,
    %swap3A_140 = vector.shape_cast %swap3A_139 : vector<1x16xf32> to vector<16xf32>
    %swap3A_141 = vector.shape_cast %broadcast_in_dim3A_34 : vector<16xf32> to vector<1x16xf32>
    tpu.vector_store %arg7[%swap3A_137, %swap3A_138], %swap3A_141 {strides = array<i32>} : memref<32x128xf32, #tpu.memory_space<vmem>>, vector<1x16xf32>,
    %swap3A_142 = arith.constant 2 : i32
    %swap3A_143 = arith.index_cast %swap3A_142 : i32 to index
    %swap3A_144 = arith.constant 32 : index
    %swap3A_145 = tpu.vector_load %arg7[%swap3A_143, %swap3A_144] {strides = array<i32>} : memref<32x128xf32, #tpu.memory_space<vmem>>, vector<1x16xf32>,
    %swap3A_146 = vector.shape_cast %swap3A_145 : vector<1x16xf32> to vector<16xf32>
    %swap3A_147 = vector.shape_cast %broadcast_in_dim3A_34 : vector<16xf32> to vector<1x16xf32>
    tpu.vector_store %arg7[%swap3A_143, %swap3A_144], %swap3A_147 {strides = array<i32>} : memref<32x128xf32, #tpu.memory_space<vmem>>, vector<1x16xf32>,
    %swap3A_148 = arith.constant 2 : i32
    %swap3A_149 = arith.index_cast %swap3A_148 : i32 to index
    %swap3A_150 = arith.constant 48 : index
    %swap3A_151 = tpu.vector_load %arg7[%swap3A_149, %swap3A_150] {strides = array<i32>} : memref<32x128xf32, #tpu.memory_space<vmem>>, vector<1x16xf32>,
    %swap3A_152 = vector.shape_cast %swap3A_151 : vector<1x16xf32> to vector<16xf32>
    %swap3A_153 = vector.shape_cast %broadcast_in_dim3A_34 : vector<16xf32> to vector<1x16xf32>
    tpu.vector_store %arg7[%swap3A_149, %swap3A_150], %swap3A_153 {strides = array<i32>} : memref<32x128xf32, #tpu.memory_space<vmem>>, vector<1x16xf32>,
    %swap3A_154 = arith.constant 2 : i32
    %swap3A_155 = arith.index_cast %swap3A_154 : i32 to index
    %swap3A_156 = arith.constant 64 : index
    %swap3A_157 = tpu.vector_load %arg7[%swap3A_155, %swap3A_156] {strides = array<i32>} : memref<32x128xf32, #tpu.memory_space<vmem>>, vector<1x16xf32>,
    %swap3A_158 = vector.shape_cast %swap3A_157 : vector<1x16xf32> to vector<16xf32>
    %swap3A_159 = vector.shape_cast %broadcast_in_dim3A_34 : vector<16xf32> to vector<1x16xf32>
    tpu.vector_store %arg7[%swap3A_155, %swap3A_156], %swap3A_159 {strides = array<i32>} : memref<32x128xf32, #tpu.memory_space<vmem>>, vector<1x16xf32>,
    %swap3A_160 = arith.constant 2 : i32
    %swap3A_161 = arith.index_cast %swap3A_160 : i32 to index
    %swap3A_162 = arith.constant 80 : index
    %swap3A_163 = tpu.vector_load %arg7[%swap3A_161, %swap3A_162] {strides = array<i32>} : memref<32x128xf32, #tpu.memory_space<vmem>>, vector<1x16xf32>,
    %swap3A_164 = vector.shape_cast %swap3A_163 : vector<1x16xf32> to vector<16xf32>
    %swap3A_165 = vector.shape_cast %broadcast_in_dim3A_34 : vector<16xf32> to vector<1x16xf32>
    tpu.vector_store %arg7[%swap3A_161, %swap3A_162], %swap3A_165 {strides = array<i32>} : memref<32x128xf32, #tpu.memory_space<vmem>>, vector<1x16xf32>,
    %swap3A_166 = arith.constant 2 : i32
    %swap3A_167 = arith.index_cast %swap3A_166 : i32 to index
    %swap3A_168 = arith.constant 96 : index
    %swap3A_169 = tpu.vector_load %arg7[%swap3A_167, %swap3A_168] {strides = array<i32>} : memref<32x128xf32, #tpu.memory_space<vmem>>, vector<1x16xf32>,
    %swap3A_170 = vector.shape_cast %swap3A_169 : vector<1x16xf32> to vector<16xf32>
    %swap3A_171 = vector.shape_cast %broadcast_in_dim3A_34 : vector<16xf32> to vector<1x16xf32>
    tpu.vector_store %arg7[%swap3A_167, %swap3A_168], %swap3A_171 {strides = array<i32>} : memref<32x128xf32, #tpu.memory_space<vmem>>, vector<1x16xf32>,
    %swap3A_172 = arith.constant 2 : i32
    %swap3A_173 = arith.index_cast %swap3A_172 : i32 to index
    %swap3A_174 = arith.constant 112 : index
    %swap3A_175 = tpu.vector_load %arg7[%swap3A_173, %swap3A_174] {strides = array<i32>} : memref<32x128xf32, #tpu.memory_space<vmem>>, vector<1x16xf32>,
    %swap3A_176 = vector.shape_cast %swap3A_175 : vector<1x16xf32> to vector<16xf32>
    %swap3A_177 = vector.shape_cast %broadcast_in_dim3A_34 : vector<16xf32> to vector<1x16xf32>
    tpu.vector_store %arg7[%swap3A_173, %swap3A_174], %swap3A_177 {strides = array<i32>} : memref<32x128xf32, #tpu.memory_space<vmem>>, vector<1x16xf32>,
    %swap3A_178 = arith.constant 3 : i32
    %swap3A_179 = arith.index_cast %swap3A_178 : i32 to index
    %swap3A_180 = arith.constant 0 : index
    %swap3A_181 = tpu.vector_load %arg7[%swap3A_179, %swap3A_180] {strides = array<i32>} : memref<32x128xf32, #tpu.memory_space<vmem>>, vector<1x16xf32>,
    %swap3A_182 = vector.shape_cast %swap3A_181 : vector<1x16xf32> to vector<16xf32>
    %swap3A_183 = vector.shape_cast %broadcast_in_dim3A_34 : vector<16xf32> to vector<1x16xf32>
    tpu.vector_store %arg7[%swap3A_179, %swap3A_180], %swap3A_183 {strides = array<i32>} : memref<32x128xf32, #tpu.memory_space<vmem>>, vector<1x16xf32>,
    %swap3A_184 = arith.constant 3 : i32
    %swap3A_185 = arith.index_cast %swap3A_184 : i32 to index
    %swap3A_186 = arith.constant 16 : index
    %swap3A_187 = tpu.vector_load %arg7[%swap3A_185, %swap3A_186] {strides = array<i32>} : memref<32x128xf32, #tpu.memory_space<vmem>>, vector<1x16xf32>,
    %swap3A_188 = vector.shape_cast %swap3A_187 : vector<1x16xf32> to vector<16xf32>
    %swap3A_189 = vector.shape_cast %broadcast_in_dim3A_34 : vector<16xf32> to vector<1x16xf32>
    tpu.vector_store %arg7[%swap3A_185, %swap3A_186], %swap3A_189 {strides = array<i32>} : memref<32x128xf32, #tpu.memory_space<vmem>>, vector<1x16xf32>,
    %swap3A_190 = arith.constant 3 : i32
    %swap3A_191 = arith.index_cast %swap3A_190 : i32 to index
    %swap3A_192 = arith.constant 32 : index
    %swap3A_193 = tpu.vector_load %arg7[%swap3A_191, %swap3A_192] {strides = array<i32>} : memref<32x128xf32, #tpu.memory_space<vmem>>, vector<1x16xf32>,
    %swap3A_194 = vector.shape_cast %swap3A_193 : vector<1x16xf32> to vector<16xf32>
    %swap3A_195 = vector.shape_cast %broadcast_in_dim3A_34 : vector<16xf32> to vector<1x16xf32>
    tpu.vector_store %arg7[%swap3A_191, %swap3A_192], %swap3A_195 {strides = array<i32>} : memref<32x128xf32, #tpu.memory_space<vmem>>, vector<1x16xf32>,
    %swap3A_196 = arith.constant 3 : i32
    %swap3A_197 = arith.index_cast %swap3A_196 : i32 to index
    %swap3A_198 = arith.constant 48 : index
    %swap3A_199 = tpu.vector_load %arg7[%swap3A_197, %swap3A_198] {strides = array<i32>} : memref<32x128xf32, #tpu.memory_space<vmem>>, vector<1x16xf32>,
    %swap3A_200 = vector.shape_cast %swap3A_199 : vector<1x16xf32> to vector<16xf32>
    %swap3A_201 = vector.shape_cast %broadcast_in_dim3A_34 : vector<16xf32> to vector<1x16xf32>
    tpu.vector_store %arg7[%swap3A_197, %swap3A_198], %swap3A_201 {strides = array<i32>} : memref<32x128xf32, #tpu.memory_space<vmem>>, vector<1x16xf32>,
    %swap3A_202 = arith.constant 3 : i32
    %swap3A_203 = arith.index_cast %swap3A_202 : i32 to index
    %swap3A_204 = arith.constant 64 : index
    %swap3A_205 = tpu.vector_load %arg7[%swap3A_203, %swap3A_204] {strides = array<i32>} : memref<32x128xf32, #tpu.memory_space<vmem>>, vector<1x16xf32>,
    %swap3A_206 = vector.shape_cast %swap3A_205 : vector<1x16xf32> to vector<16xf32>
    %swap3A_207 = vector.shape_cast %broadcast_in_dim3A_34 : vector<16xf32> to vector<1x16xf32>
    tpu.vector_store %arg7[%swap3A_203, %swap3A_204], %swap3A_207 {strides = array<i32>} : memref<32x128xf32, #tpu.memory_space<vmem>>, vector<1x16xf32>,
    %swap3A_208 = arith.constant 3 : i32
    %swap3A_209 = arith.index_cast %swap3A_208 : i32 to index
    %swap3A_210 = arith.constant 80 : index
    %swap3A_211 = tpu.vector_load %arg7[%swap3A_209, %swap3A_210] {strides = array<i32>} : memref<32x128xf32, #tpu.memory_space<vmem>>, vector<1x16xf32>,
    %swap3A_212 = vector.shape_cast %swap3A_211 : vector<1x16xf32> to vector<16xf32>
    %swap3A_213 = vector.shape_cast %broadcast_in_dim3A_34 : vector<16xf32> to vector<1x16xf32>
    tpu.vector_store %arg7[%swap3A_209, %swap3A_210], %swap3A_213 {strides = array<i32>} : memref<32x128xf32, #tpu.memory_space<vmem>>, vector<1x16xf32>,
    %swap3A_214 = arith.constant 3 : i32
    %swap3A_215 = arith.index_cast %swap3A_214 : i32 to index
    %swap3A_216 = arith.constant 96 : index
    %swap3A_217 = tpu.vector_load %arg7[%swap3A_215, %swap3A_216] {strides = array<i32>} : memref<32x128xf32, #tpu.memory_space<vmem>>, vector<1x16xf32>,
    %swap3A_218 = vector.shape_cast %swap3A_217 : vector<1x16xf32> to vector<16xf32>
    %swap3A_219 = vector.shape_cast %broadcast_in_dim3A_34 : vector<16xf32> to vector<1x16xf32>
    tpu.vector_store %arg7[%swap3A_215, %swap3A_216], %swap3A_219 {strides = array<i32>} : memref<32x128xf32, #tpu.memory_space<vmem>>, vector<1x16xf32>,
    %swap3A_220 = arith.constant 3 : i32
    %swap3A_221 = arith.index_cast %swap3A_220 : i32 to index
    %swap3A_222 = arith.constant 112 : index
    %swap3A_223 = tpu.vector_load %arg7[%swap3A_221, %swap3A_222] {strides = array<i32>} : memref<32x128xf32, #tpu.memory_space<vmem>>, vector<1x16xf32>,
    %swap3A_224 = vector.shape_cast %swap3A_223 : vector<1x16xf32> to vector<16xf32>
    %swap3A_225 = vector.shape_cast %broadcast_in_dim3A_34 : vector<16xf32> to vector<1x16xf32>
    tpu.vector_store %arg7[%swap3A_221, %swap3A_222], %swap3A_225 {strides = array<i32>} : memref<32x128xf32, #tpu.memory_space<vmem>>, vector<1x16xf32>,
    %swap3A_226 = arith.constant 4 : i32
    %swap3A_227 = arith.index_cast %swap3A_226 : i32 to index
    %swap3A_228 = arith.constant 0 : index
    %swap3A_229 = tpu.vector_load %arg7[%swap3A_227, %swap3A_228] {strides = array<i32>} : memref<32x128xf32, #tpu.memory_space<vmem>>, vector<1x16xf32>,
    %swap3A_230 = vector.shape_cast %swap3A_229 : vector<1x16xf32> to vector<16xf32>
    %swap3A_231 = vector.shape_cast %broadcast_in_dim3A_34 : vector<16xf32> to vector<1x16xf32>
    tpu.vector_store %arg7[%swap3A_227, %swap3A_228], %swap3A_231 {strides = array<i32>} : memref<32x128xf32, #tpu.memory_space<vmem>>, vector<1x16xf32>,
    %swap3A_232 = arith.constant 4 : i32
    %swap3A_233 = arith.index_cast %swap3A_232 : i32 to index
    %swap3A_234 = arith.constant 16 : index
    %swap3A_235 = tpu.vector_load %arg7[%swap3A_233, %swap3A_234] {strides = array<i32>} : memref<32x128xf32, #tpu.memory_space<vmem>>, vector<1x16xf32>,
    %swap3A_236 = vector.shape_cast %swap3A_235 : vector<1x16xf32> to vector<16xf32>
    %swap3A_237 = vector.shape_cast %broadcast_in_dim3A_34 : vector<16xf32> to vector<1x16xf32>
    tpu.vector_store %arg7[%swap3A_233, %swap3A_234], %swap3A_237 {strides = array<i32>} : memref<32x128xf32, #tpu.memory_space<vmem>>, vector<1x16xf32>,
    %swap3A_238 = arith.constant 4 : i32
    %swap3A_239 = arith.index_cast %swap3A_238 : i32 to index
    %swap3A_240 = arith.constant 32 : index
    %swap3A_241 = tpu.vector_load %arg7[%swap3A_239, %swap3A_240] {strides = array<i32>} : memref<32x128xf32, #tpu.memory_space<vmem>>, vector<1x16xf32>,
    %swap3A_242 = vector.shape_cast %swap3A_241 : vector<1x16xf32> to vector<16xf32>
    %swap3A_243 = vector.shape_cast %broadcast_in_dim3A_34 : vector<16xf32> to vector<1x16xf32>
    tpu.vector_store %arg7[%swap3A_239, %swap3A_240], %swap3A_243 {strides = array<i32>} : memref<32x128xf32, #tpu.memory_space<vmem>>, vector<1x16xf32>,
    %swap3A_244 = arith.constant 4 : i32
    %swap3A_245 = arith.index_cast %swap3A_244 : i32 to index
    %swap3A_246 = arith.constant 48 : index
    %swap3A_247 = tpu.vector_load %arg7[%swap3A_245, %swap3A_246] {strides = array<i32>} : memref<32x128xf32, #tpu.memory_space<vmem>>, vector<1x16xf32>,
    %swap3A_248 = vector.shape_cast %swap3A_247 : vector<1x16xf32> to vector<16xf32>
    %swap3A_249 = vector.shape_cast %broadcast_in_dim3A_34 : vector<16xf32> to vector<1x16xf32>
    tpu.vector_store %arg7[%swap3A_245, %swap3A_246], %swap3A_249 {strides = array<i32>} : memref<32x128xf32, #tpu.memory_space<vmem>>, vector<1x16xf32>,
    %swap3A_250 = arith.constant 4 : i32
    %swap3A_251 = arith.index_cast %swap3A_250 : i32 to index
    %swap3A_252 = arith.constant 64 : index
    %swap3A_253 = tpu.vector_load %arg7[%swap3A_251, %swap3A_252] {strides = array<i32>} : memref<32x128xf32, #tpu.memory_space<vmem>>, vector<1x16xf32>,
    %swap3A_254 = vector.shape_cast %swap3A_253 : vector<1x16xf32> to vector<16xf32>
    %swap3A_255 = vector.shape_cast %broadcast_in_dim3A_34 : vector<16xf32> to vector<1x16xf32>
    tpu.vector_store %arg7[%swap3A_251, %swap3A_252], %swap3A_255 {strides = array<i32>} : memref<32x128xf32, #tpu.memory_space<vmem>>, vector<1x16xf32>,
    %swap3A_256 = arith.constant 4 : i32
    %swap3A_257 = arith.index_cast %swap3A_256 : i32 to index
    %swap3A_258 = arith.constant 80 : index
    %swap3A_259 = tpu.vector_load %arg7[%swap3A_257, %swap3A_258] {strides = array<i32>} : memref<32x128xf32, #tpu.memory_space<vmem>>, vector<1x16xf32>,
    %swap3A_260 = vector.shape_cast %swap3A_259 : vector<1x16xf32> to vector<16xf32>
    %swap3A_261 = vector.shape_cast %broadcast_in_dim3A_34 : vector<16xf32> to vector<1x16xf32>
    tpu.vector_store %arg7[%swap3A_257, %swap3A_258], %swap3A_261 {strides = array<i32>} : memref<32x128xf32, #tpu.memory_space<vmem>>, vector<1x16xf32>,
    %swap3A_262 = arith.constant 4 : i32
    %swap3A_263 = arith.index_cast %swap3A_262 : i32 to index
    %swap3A_264 = arith.constant 96 : index
    %swap3A_265 = tpu.vector_load %arg7[%swap3A_263, %swap3A_264] {strides = array<i32>} : memref<32x128xf32, #tpu.memory_space<vmem>>, vector<1x16xf32>,
    %swap3A_266 = vector.shape_cast %swap3A_265 : vector<1x16xf32> to vector<16xf32>
    %swap3A_267 = vector.shape_cast %broadcast_in_dim3A_34 : vector<16xf32> to vector<1x16xf32>
    tpu.vector_store %arg7[%swap3A_263, %swap3A_264], %swap3A_267 {strides = array<i32>} : memref<32x128xf32, #tpu.memory_space<vmem>>, vector<1x16xf32>,
    %swap3A_268 = arith.constant 4 : i32
    %swap3A_269 = arith.index_cast %swap3A_268 : i32 to index
    %swap3A_270 = arith.constant 112 : index
    %swap3A_271 = tpu.vector_load %arg7[%swap3A_269, %swap3A_270] {strides = array<i32>} : memref<32x128xf32, #tpu.memory_space<vmem>>, vector<1x16xf32>,
    %swap3A_272 = vector.shape_cast %swap3A_271 : vector<1x16xf32> to vector<16xf32>
    %swap3A_273 = vector.shape_cast %broadcast_in_dim3A_34 : vector<16xf32> to vector<1x16xf32>
    tpu.vector_store %arg7[%swap3A_269, %swap3A_270], %swap3A_273 {strides = array<i32>} : memref<32x128xf32, #tpu.memory_space<vmem>>, vector<1x16xf32>,
    %swap3A_274 = arith.constant 5 : i32
    %swap3A_275 = arith.index_cast %swap3A_274 : i32 to index
    %swap3A_276 = arith.constant 0 : index
    %swap3A_277 = tpu.vector_load %arg7[%swap3A_275, %swap3A_276] {strides = array<i32>} : memref<32x128xf32, #tpu.memory_space<vmem>>, vector<1x16xf32>,
    %swap3A_278 = vector.shape_cast %swap3A_277 : vector<1x16xf32> to vector<16xf32>
    %swap3A_279 = vector.shape_cast %broadcast_in_dim3A_34 : vector<16xf32> to vector<1x16xf32>
    tpu.vector_store %arg7[%swap3A_275, %swap3A_276], %swap3A_279 {strides = array<i32>} : memref<32x128xf32, #tpu.memory_space<vmem>>, vector<1x16xf32>,
    %swap3A_280 = arith.constant 5 : i32
    %swap3A_281 = arith.index_cast %swap3A_280 : i32 to index
    %swap3A_282 = arith.constant 16 : index
    %swap3A_283 = tpu.vector_load %arg7[%swap3A_281, %swap3A_282] {strides = array<i32>} : memref<32x128xf32, #tpu.memory_space<vmem>>, vector<1x16xf32>,
    %swap3A_284 = vector.shape_cast %swap3A_283 : vector<1x16xf32> to vector<16xf32>
    %swap3A_285 = vector.shape_cast %broadcast_in_dim3A_34 : vector<16xf32> to vector<1x16xf32>
    tpu.vector_store %arg7[%swap3A_281, %swap3A_282], %swap3A_285 {strides = array<i32>} : memref<32x128xf32, #tpu.memory_space<vmem>>, vector<1x16xf32>,
    %swap3A_286 = arith.constant 5 : i32
    %swap3A_287 = arith.index_cast %swap3A_286 : i32 to index
    %swap3A_288 = arith.constant 32 : index
    %swap3A_289 = tpu.vector_load %arg7[%swap3A_287, %swap3A_288] {strides = array<i32>} : memref<32x128xf32, #tpu.memory_space<vmem>>, vector<1x16xf32>,
    %swap3A_290 = vector.shape_cast %swap3A_289 : vector<1x16xf32> to vector<16xf32>
    %swap3A_291 = vector.shape_cast %broadcast_in_dim3A_34 : vector<16xf32> to vector<1x16xf32>
    tpu.vector_store %arg7[%swap3A_287, %swap3A_288], %swap3A_291 {strides = array<i32>} : memref<32x128xf32, #tpu.memory_space<vmem>>, vector<1x16xf32>,
    %swap3A_292 = arith.constant 5 : i32
    %swap3A_293 = arith.index_cast %swap3A_292 : i32 to index
    %swap3A_294 = arith.constant 48 : index
    %swap3A_295 = tpu.vector_load %arg7[%swap3A_293, %swap3A_294] {strides = array<i32>} : memref<32x128xf32, #tpu.memory_space<vmem>>, vector<1x16xf32>,
    %swap3A_296 = vector.shape_cast %swap3A_295 : vector<1x16xf32> to vector<16xf32>
    %swap3A_297 = vector.shape_cast %broadcast_in_dim3A_34 : vector<16xf32> to vector<1x16xf32>
    tpu.vector_store %arg7[%swap3A_293, %swap3A_294], %swap3A_297 {strides = array<i32>} : memref<32x128xf32, #tpu.memory_space<vmem>>, vector<1x16xf32>,
    %swap3A_298 = arith.constant 5 : i32
    %swap3A_299 = arith.index_cast %swap3A_298 : i32 to index
    %swap3A_300 = arith.constant 64 : index
    %swap3A_301 = tpu.vector_load %arg7[%swap3A_299, %swap3A_300] {strides = array<i32>} : memref<32x128xf32, #tpu.memory_space<vmem>>, vector<1x16xf32>,
    %swap3A_302 = vector.shape_cast %swap3A_301 : vector<1x16xf32> to vector<16xf32>
    %swap3A_303 = vector.shape_cast %broadcast_in_dim3A_34 : vector<16xf32> to vector<1x16xf32>
    tpu.vector_store %arg7[%swap3A_299, %swap3A_300], %swap3A_303 {strides = array<i32>} : memref<32x128xf32, #tpu.memory_space<vmem>>, vector<1x16xf32>,
    %swap3A_304 = arith.constant 5 : i32
    %swap3A_305 = arith.index_cast %swap3A_304 : i32 to index
    %swap3A_306 = arith.constant 80 : index
    %swap3A_307 = tpu.vector_load %arg7[%swap3A_305, %swap3A_306] {strides = array<i32>} : memref<32x128xf32, #tpu.memory_space<vmem>>, vector<1x16xf32>,
    %swap3A_308 = vector.shape_cast %swap3A_307 : vector<1x16xf32> to vector<16xf32>
    %swap3A_309 = vector.shape_cast %broadcast_in_dim3A_34 : vector<16xf32> to vector<1x16xf32>
    tpu.vector_store %arg7[%swap3A_305, %swap3A_306], %swap3A_309 {strides = array<i32>} : memref<32x128xf32, #tpu.memory_space<vmem>>, vector<1x16xf32>,
    %swap3A_310 = arith.constant 5 : i32
    %swap3A_311 = arith.index_cast %swap3A_310 : i32 to index
    %swap3A_312 = arith.constant 96 : index
    %swap3A_313 = tpu.vector_load %arg7[%swap3A_311, %swap3A_312] {strides = array<i32>} : memref<32x128xf32, #tpu.memory_space<vmem>>, vector<1x16xf32>,
    %swap3A_314 = vector.shape_cast %swap3A_313 : vector<1x16xf32> to vector<16xf32>
    %swap3A_315 = vector.shape_cast %broadcast_in_dim3A_34 : vector<16xf32> to vector<1x16xf32>
    tpu.vector_store %arg7[%swap3A_311, %swap3A_312], %swap3A_315 {strides = array<i32>} : memref<32x128xf32, #tpu.memory_space<vmem>>, vector<1x16xf32>,
    %swap3A_316 = arith.constant 5 : i32
    %swap3A_317 = arith.index_cast %swap3A_316 : i32 to index
    %swap3A_318 = arith.constant 112 : index
    %swap3A_319 = tpu.vector_load %arg7[%swap3A_317, %swap3A_318] {strides = array<i32>} : memref<32x128xf32, #tpu.memory_space<vmem>>, vector<1x16xf32>,
    %swap3A_320 = vector.shape_cast %swap3A_319 : vector<1x16xf32> to vector<16xf32>
    %swap3A_321 = vector.shape_cast %broadcast_in_dim3A_34 : vector<16xf32> to vector<1x16xf32>
    tpu.vector_store %arg7[%swap3A_317, %swap3A_318], %swap3A_321 {strides = array<i32>} : memref<32x128xf32, #tpu.memory_space<vmem>>, vector<1x16xf32>,
    %swap3A_322 = arith.constant 6 : i32
    %swap3A_323 = arith.index_cast %swap3A_322 : i32 to index
    %swap3A_324 = arith.constant 0 : index
    %swap3A_325 = tpu.vector_load %arg7[%swap3A_323, %swap3A_324] {strides = array<i32>} : memref<32x128xf32, #tpu.memory_space<vmem>>, vector<1x16xf32>,
    %swap3A_326 = vector.shape_cast %swap3A_325 : vector<1x16xf32> to vector<16xf32>
    %swap3A_327 = vector.shape_cast %broadcast_in_dim3A_34 : vector<16xf32> to vector<1x16xf32>
    tpu.vector_store %arg7[%swap3A_323, %swap3A_324], %swap3A_327 {strides = array<i32>} : memref<32x128xf32, #tpu.memory_space<vmem>>, vector<1x16xf32>,
    %swap3A_328 = arith.constant 6 : i32
    %swap3A_329 = arith.index_cast %swap3A_328 : i32 to index
    %swap3A_330 = arith.constant 16 : index
    %swap3A_331 = tpu.vector_load %arg7[%swap3A_329, %swap3A_330] {strides = array<i32>} : memref<32x128xf32, #tpu.memory_space<vmem>>, vector<1x16xf32>,
    %swap3A_332 = vector.shape_cast %swap3A_331 : vector<1x16xf32> to vector<16xf32>
    %swap3A_333 = vector.shape_cast %broadcast_in_dim3A_34 : vector<16xf32> to vector<1x16xf32>
    tpu.vector_store %arg7[%swap3A_329, %swap3A_330], %swap3A_333 {strides = array<i32>} : memref<32x128xf32, #tpu.memory_space<vmem>>, vector<1x16xf32>,
    %swap3A_334 = arith.constant 6 : i32
    %swap3A_335 = arith.index_cast %swap3A_334 : i32 to index
    %swap3A_336 = arith.constant 32 : index
    %swap3A_337 = tpu.vector_load %arg7[%swap3A_335, %swap3A_336] {strides = array<i32>} : memref<32x128xf32, #tpu.memory_space<vmem>>, vector<1x16xf32>,
    %swap3A_338 = vector.shape_cast %swap3A_337 : vector<1x16xf32> to vector<16xf32>
    %swap3A_339 = vector.shape_cast %broadcast_in_dim3A_34 : vector<16xf32> to vector<1x16xf32>
    tpu.vector_store %arg7[%swap3A_335, %swap3A_336], %swap3A_339 {strides = array<i32>} : memref<32x128xf32, #tpu.memory_space<vmem>>, vector<1x16xf32>,
    %swap3A_340 = arith.constant 6 : i32
    %swap3A_341 = arith.index_cast %swap3A_340 : i32 to index
    %swap3A_342 = arith.constant 48 : index
    %swap3A_343 = tpu.vector_load %arg7[%swap3A_341, %swap3A_342] {strides = array<i32>} : memref<32x128xf32, #tpu.memory_space<vmem>>, vector<1x16xf32>,
    %swap3A_344 = vector.shape_cast %swap3A_343 : vector<1x16xf32> to vector<16xf32>
    %swap3A_345 = vector.shape_cast %broadcast_in_dim3A_34 : vector<16xf32> to vector<1x16xf32>
    tpu.vector_store %arg7[%swap3A_341, %swap3A_342], %swap3A_345 {strides = array<i32>} : memref<32x128xf32, #tpu.memory_space<vmem>>, vector<1x16xf32>,
    %swap3A_346 = arith.constant 6 : i32
    %swap3A_347 = arith.index_cast %swap3A_346 : i32 to index
    %swap3A_348 = arith.constant 64 : index
    %swap3A_349 = tpu.vector_load %arg7[%swap3A_347, %swap3A_348] {strides = array<i32>} : memref<32x128xf32, #tpu.memory_space<vmem>>, vector<1x16xf32>,
    %swap3A_350 = vector.shape_cast %swap3A_349 : vector<1x16xf32> to vector<16xf32>
    %swap3A_351 = vector.shape_cast %broadcast_in_dim3A_34 : vector<16xf32> to vector<1x16xf32>
    tpu.vector_store %arg7[%swap3A_347, %swap3A_348], %swap3A_351 {strides = array<i32>} : memref<32x128xf32, #tpu.memory_space<vmem>>, vector<1x16xf32>,
    %swap3A_352 = arith.constant 6 : i32
    %swap3A_353 = arith.index_cast %swap3A_352 : i32 to index
    %swap3A_354 = arith.constant 80 : index
    %swap3A_355 = tpu.vector_load %arg7[%swap3A_353, %swap3A_354] {strides = array<i32>} : memref<32x128xf32, #tpu.memory_space<vmem>>, vector<1x16xf32>,
    %swap3A_356 = vector.shape_cast %swap3A_355 : vector<1x16xf32> to vector<16xf32>
    %swap3A_357 = vector.shape_cast %broadcast_in_dim3A_34 : vector<16xf32> to vector<1x16xf32>
    tpu.vector_store %arg7[%swap3A_353, %swap3A_354], %swap3A_357 {strides = array<i32>} : memref<32x128xf32, #tpu.memory_space<vmem>>, vector<1x16xf32>,
    %swap3A_358 = arith.constant 6 : i32
    %swap3A_359 = arith.index_cast %swap3A_358 : i32 to index
    %swap3A_360 = arith.constant 96 : index
    %swap3A_361 = tpu.vector_load %arg7[%swap3A_359, %swap3A_360] {strides = array<i32>} : memref<32x128xf32, #tpu.memory_space<vmem>>, vector<1x16xf32>,
    %swap3A_362 = vector.shape_cast %swap3A_361 : vector<1x16xf32> to vector<16xf32>
    %swap3A_363 = vector.shape_cast %broadcast_in_dim3A_34 : vector<16xf32> to vector<1x16xf32>
    tpu.vector_store %arg7[%swap3A_359, %swap3A_360], %swap3A_363 {strides = array<i32>} : memref<32x128xf32, #tpu.memory_space<vmem>>, vector<1x16xf32>,
    %swap3A_364 = arith.constant 6 : i32
    %swap3A_365 = arith.index_cast %swap3A_364 : i32 to index
    %swap3A_366 = arith.constant 112 : index
    %swap3A_367 = tpu.vector_load %arg7[%swap3A_365, %swap3A_366] {strides = array<i32>} : memref<32x128xf32, #tpu.memory_space<vmem>>, vector<1x16xf32>,
    %swap3A_368 = vector.shape_cast %swap3A_367 : vector<1x16xf32> to vector<16xf32>
    %swap3A_369 = vector.shape_cast %broadcast_in_dim3A_34 : vector<16xf32> to vector<1x16xf32>
    tpu.vector_store %arg7[%swap3A_365, %swap3A_366], %swap3A_369 {strides = array<i32>} : memref<32x128xf32, #tpu.memory_space<vmem>>, vector<1x16xf32>,
    %swap3A_370 = arith.constant 7 : i32
    %swap3A_371 = arith.index_cast %swap3A_370 : i32 to index
    %swap3A_372 = arith.constant 0 : index
    %swap3A_373 = tpu.vector_load %arg7[%swap3A_371, %swap3A_372] {strides = array<i32>} : memref<32x128xf32, #tpu.memory_space<vmem>>, vector<1x16xf32>,
    %swap3A_374 = vector.shape_cast %swap3A_373 : vector<1x16xf32> to vector<16xf32>
    %swap3A_375 = vector.shape_cast %broadcast_in_dim3A_34 : vector<16xf32> to vector<1x16xf32>
    tpu.vector_store %arg7[%swap3A_371, %swap3A_372], %swap3A_375 {strides = array<i32>} : memref<32x128xf32, #tpu.memory_space<vmem>>, vector<1x16xf32>,
    %swap3A_376 = arith.constant 7 : i32
    %swap3A_377 = arith.index_cast %swap3A_376 : i32 to index
    %swap3A_378 = arith.constant 16 : index
    %swap3A_379 = tpu.vector_load %arg7[%swap3A_377, %swap3A_378] {strides = array<i32>} : memref<32x128xf32, #tpu.memory_space<vmem>>, vector<1x16xf32>,
    %swap3A_380 = vector.shape_cast %swap3A_379 : vector<1x16xf32> to vector<16xf32>
    %swap3A_381 = vector.shape_cast %broadcast_in_dim3A_34 : vector<16xf32> to vector<1x16xf32>
    tpu.vector_store %arg7[%swap3A_377, %swap3A_378], %swap3A_381 {strides = array<i32>} : memref<32x128xf32, #tpu.memory_space<vmem>>, vector<1x16xf32>,
    %swap3A_382 = arith.constant 7 : i32
    %swap3A_383 = arith.index_cast %swap3A_382 : i32 to index
    %swap3A_384 = arith.constant 32 : index
    %swap3A_385 = tpu.vector_load %arg7[%swap3A_383, %swap3A_384] {strides = array<i32>} : memref<32x128xf32, #tpu.memory_space<vmem>>, vector<1x16xf32>,
    %swap3A_386 = vector.shape_cast %swap3A_385 : vector<1x16xf32> to vector<16xf32>
    %swap3A_387 = vector.shape_cast %broadcast_in_dim3A_34 : vector<16xf32> to vector<1x16xf32>
    tpu.vector_store %arg7[%swap3A_383, %swap3A_384], %swap3A_387 {strides = array<i32>} : memref<32x128xf32, #tpu.memory_space<vmem>>, vector<1x16xf32>,
    %swap3A_388 = arith.constant 7 : i32
    %swap3A_389 = arith.index_cast %swap3A_388 : i32 to index
    %swap3A_390 = arith.constant 48 : index
    %swap3A_391 = tpu.vector_load %arg7[%swap3A_389, %swap3A_390] {strides = array<i32>} : memref<32x128xf32, #tpu.memory_space<vmem>>, vector<1x16xf32>,
    %swap3A_392 = vector.shape_cast %swap3A_391 : vector<1x16xf32> to vector<16xf32>
    %swap3A_393 = vector.shape_cast %broadcast_in_dim3A_34 : vector<16xf32> to vector<1x16xf32>
    tpu.vector_store %arg7[%swap3A_389, %swap3A_390], %swap3A_393 {strides = array<i32>} : memref<32x128xf32, #tpu.memory_space<vmem>>, vector<1x16xf32>,
    %swap3A_394 = arith.constant 7 : i32
    %swap3A_395 = arith.index_cast %swap3A_394 : i32 to index
    %swap3A_396 = arith.constant 64 : index
    %swap3A_397 = tpu.vector_load %arg7[%swap3A_395, %swap3A_396] {strides = array<i32>} : memref<32x128xf32, #tpu.memory_space<vmem>>, vector<1x16xf32>,
    %swap3A_398 = vector.shape_cast %swap3A_397 : vector<1x16xf32> to vector<16xf32>
    %swap3A_399 = vector.shape_cast %broadcast_in_dim3A_34 : vector<16xf32> to vector<1x16xf32>
    tpu.vector_store %arg7[%swap3A_395, %swap3A_396], %swap3A_399 {strides = array<i32>} : memref<32x128xf32, #tpu.memory_space<vmem>>, vector<1x16xf32>,
    %swap3A_400 = arith.constant 7 : i32
    %swap3A_401 = arith.index_cast %swap3A_400 : i32 to index
    %swap3A_402 = arith.constant 80 : index
    %swap3A_403 = tpu.vector_load %arg7[%swap3A_401, %swap3A_402] {strides = array<i32>} : memref<32x128xf32, #tpu.memory_space<vmem>>, vector<1x16xf32>,
    %swap3A_404 = vector.shape_cast %swap3A_403 : vector<1x16xf32> to vector<16xf32>
    %swap3A_405 = vector.shape_cast %broadcast_in_dim3A_34 : vector<16xf32> to vector<1x16xf32>
    tpu.vector_store %arg7[%swap3A_401, %swap3A_402], %swap3A_405 {strides = array<i32>} : memref<32x128xf32, #tpu.memory_space<vmem>>, vector<1x16xf32>,
    %swap3A_406 = arith.constant 7 : i32
    %swap3A_407 = arith.index_cast %swap3A_406 : i32 to index
    %swap3A_408 = arith.constant 96 : index
    %swap3A_409 = tpu.vector_load %arg7[%swap3A_407, %swap3A_408] {strides = array<i32>} : memref<32x128xf32, #tpu.memory_space<vmem>>, vector<1x16xf32>,
    %swap3A_410 = vector.shape_cast %swap3A_409 : vector<1x16xf32> to vector<16xf32>
    %swap3A_411 = vector.shape_cast %broadcast_in_dim3A_34 : vector<16xf32> to vector<1x16xf32>
    tpu.vector_store %arg7[%swap3A_407, %swap3A_408], %swap3A_411 {strides = array<i32>} : memref<32x128xf32, #tpu.memory_space<vmem>>, vector<1x16xf32>,
    %swap3A_412 = arith.constant 7 : i32
    %swap3A_413 = arith.index_cast %swap3A_412 : i32 to index
    %swap3A_414 = arith.constant 112 : index
    %swap3A_415 = tpu.vector_load %arg7[%swap3A_413, %swap3A_414] {strides = array<i32>} : memref<32x128xf32, #tpu.memory_space<vmem>>, vector<1x16xf32>,
    %swap3A_416 = vector.shape_cast %swap3A_415 : vector<1x16xf32> to vector<16xf32>
    %swap3A_417 = vector.shape_cast %broadcast_in_dim3A_34 : vector<16xf32> to vector<1x16xf32>
    tpu.vector_store %arg7[%swap3A_413, %swap3A_414], %swap3A_417 {strides = array<i32>} : memref<32x128xf32, #tpu.memory_space<vmem>>, vector<1x16xf32>,
    %swap3A_418 = arith.constant 8 : i32
    %swap3A_419 = arith.index_cast %swap3A_418 : i32 to index
    %swap3A_420 = arith.constant 0 : index
    %swap3A_421 = tpu.vector_load %arg7[%swap3A_419, %swap3A_420] {strides = array<i32>} : memref<32x128xf32, #tpu.memory_space<vmem>>, vector<1x16xf32>,
    %swap3A_422 = vector.shape_cast %swap3A_421 : vector<1x16xf32> to vector<16xf32>
    %swap3A_423 = vector.shape_cast %broadcast_in_dim3A_34 : vector<16xf32> to vector<1x16xf32>
    tpu.vector_store %arg7[%swap3A_419, %swap3A_420], %swap3A_423 {strides = array<i32>} : memref<32x128xf32, #tpu.memory_space<vmem>>, vector<1x16xf32>,
    %swap3A_424 = arith.constant 8 : i32
    %swap3A_425 = arith.index_cast %swap3A_424 : i32 to index
    %swap3A_426 = arith.constant 16 : index
    %swap3A_427 = tpu.vector_load %arg7[%swap3A_425, %swap3A_426] {strides = array<i32>} : memref<32x128xf32, #tpu.memory_space<vmem>>, vector<1x16xf32>,
    %swap3A_428 = vector.shape_cast %swap3A_427 : vector<1x16xf32> to vector<16xf32>
    %swap3A_429 = vector.shape_cast %broadcast_in_dim3A_34 : vector<16xf32> to vector<1x16xf32>
    tpu.vector_store %arg7[%swap3A_425, %swap3A_426], %swap3A_429 {strides = array<i32>} : memref<32x128xf32, #tpu.memory_space<vmem>>, vector<1x16xf32>,
    %swap3A_430 = arith.constant 8 : i32
    %swap3A_431 = arith.index_cast %swap3A_430 : i32 to index
    %swap3A_432 = arith.constant 32 : index
    %swap3A_433 = tpu.vector_load %arg7[%swap3A_431, %swap3A_432] {strides = array<i32>} : memref<32x128xf32, #tpu.memory_space<vmem>>, vector<1x16xf32>,
    %swap3A_434 = vector.shape_cast %swap3A_433 : vector<1x16xf32> to vector<16xf32>
    %swap3A_435 = vector.shape_cast %broadcast_in_dim3A_34 : vector<16xf32> to vector<1x16xf32>
    tpu.vector_store %arg7[%swap3A_431, %swap3A_432], %swap3A_435 {strides = array<i32>} : memref<32x128xf32, #tpu.memory_space<vmem>>, vector<1x16xf32>,
    %swap3A_436 = arith.constant 8 : i32
    %swap3A_437 = arith.index_cast %swap3A_436 : i32 to index
    %swap3A_438 = arith.constant 48 : index
    %swap3A_439 = tpu.vector_load %arg7[%swap3A_437, %swap3A_438] {strides = array<i32>} : memref<32x128xf32, #tpu.memory_space<vmem>>, vector<1x16xf32>,
    %swap3A_440 = vector.shape_cast %swap3A_439 : vector<1x16xf32> to vector<16xf32>
    %swap3A_441 = vector.shape_cast %broadcast_in_dim3A_34 : vector<16xf32> to vector<1x16xf32>
    tpu.vector_store %arg7[%swap3A_437, %swap3A_438], %swap3A_441 {strides = array<i32>} : memref<32x128xf32, #tpu.memory_space<vmem>>, vector<1x16xf32>,
    %swap3A_442 = arith.constant 8 : i32
    %swap3A_443 = arith.index_cast %swap3A_442 : i32 to index
    %swap3A_444 = arith.constant 64 : index
    %swap3A_445 = tpu.vector_load %arg7[%swap3A_443, %swap3A_444] {strides = array<i32>} : memref<32x128xf32, #tpu.memory_space<vmem>>, vector<1x16xf32>,
    %swap3A_446 = vector.shape_cast %swap3A_445 : vector<1x16xf32> to vector<16xf32>
    %swap3A_447 = vector.shape_cast %broadcast_in_dim3A_34 : vector<16xf32> to vector<1x16xf32>
    tpu.vector_store %arg7[%swap3A_443, %swap3A_444], %swap3A_447 {strides = array<i32>} : memref<32x128xf32, #tpu.memory_space<vmem>>, vector<1x16xf32>,
    %swap3A_448 = arith.constant 8 : i32
    %swap3A_449 = arith.index_cast %swap3A_448 : i32 to index
    %swap3A_450 = arith.constant 80 : index
    %swap3A_451 = tpu.vector_load %arg7[%swap3A_449, %swap3A_450] {strides = array<i32>} : memref<32x128xf32, #tpu.memory_space<vmem>>, vector<1x16xf32>,
    %swap3A_452 = vector.shape_cast %swap3A_451 : vector<1x16xf32> to vector<16xf32>
    %swap3A_453 = vector.shape_cast %broadcast_in_dim3A_34 : vector<16xf32> to vector<1x16xf32>
    tpu.vector_store %arg7[%swap3A_449, %swap3A_450], %swap3A_453 {strides = array<i32>} : memref<32x128xf32, #tpu.memory_space<vmem>>, vector<1x16xf32>,
    %swap3A_454 = arith.constant 8 : i32
    %swap3A_455 = arith.index_cast %swap3A_454 : i32 to index
    %swap3A_456 = arith.constant 96 : index
    %swap3A_457 = tpu.vector_load %arg7[%swap3A_455, %swap3A_456] {strides = array<i32>} : memref<32x128xf32, #tpu.memory_space<vmem>>, vector<1x16xf32>,
    %swap3A_458 = vector.shape_cast %swap3A_457 : vector<1x16xf32> to vector<16xf32>
    %swap3A_459 = vector.shape_cast %broadcast_in_dim3A_34 : vector<16xf32> to vector<1x16xf32>
    tpu.vector_store %arg7[%swap3A_455, %swap3A_456], %swap3A_459 {strides = array<i32>} : memref<32x128xf32, #tpu.memory_space<vmem>>, vector<1x16xf32>,
    %swap3A_460 = arith.constant 8 : i32
    %swap3A_461 = arith.index_cast %swap3A_460 : i32 to index
    %swap3A_462 = arith.constant 112 : index
    %swap3A_463 = tpu.vector_load %arg7[%swap3A_461, %swap3A_462] {strides = array<i32>} : memref<32x128xf32, #tpu.memory_space<vmem>>, vector<1x16xf32>,
    %swap3A_464 = vector.shape_cast %swap3A_463 : vector<1x16xf32> to vector<16xf32>
    %swap3A_465 = vector.shape_cast %broadcast_in_dim3A_34 : vector<16xf32> to vector<1x16xf32>
    tpu.vector_store %arg7[%swap3A_461, %swap3A_462], %swap3A_465 {strides = array<i32>} : memref<32x128xf32, #tpu.memory_space<vmem>>, vector<1x16xf32>,
    %swap3A_466 = arith.constant 9 : i32
    %swap3A_467 = arith.index_cast %swap3A_466 : i32 to index
    %swap3A_468 = arith.constant 0 : index
    %swap3A_469 = tpu.vector_load %arg7[%swap3A_467, %swap3A_468] {strides = array<i32>} : memref<32x128xf32, #tpu.memory_space<vmem>>, vector<1x16xf32>,
    %swap3A_470 = vector.shape_cast %swap3A_469 : vector<1x16xf32> to vector<16xf32>
    %swap3A_471 = vector.shape_cast %broadcast_in_dim3A_34 : vector<16xf32> to vector<1x16xf32>
    tpu.vector_store %arg7[%swap3A_467, %swap3A_468], %swap3A_471 {strides = array<i32>} : memref<32x128xf32, #tpu.memory_space<vmem>>, vector<1x16xf32>,
    %swap3A_472 = arith.constant 9 : i32
    %swap3A_473 = arith.index_cast %swap3A_472 : i32 to index
    %swap3A_474 = arith.constant 16 : index
    %swap3A_475 = tpu.vector_load %arg7[%swap3A_473, %swap3A_474] {strides = array<i32>} : memref<32x128xf32, #tpu.memory_space<vmem>>, vector<1x16xf32>,
    %swap3A_476 = vector.shape_cast %swap3A_475 : vector<1x16xf32> to vector<16xf32>
    %swap3A_477 = vector.shape_cast %broadcast_in_dim3A_34 : vector<16xf32> to vector<1x16xf32>
    tpu.vector_store %arg7[%swap3A_473, %swap3A_474], %swap3A_477 {strides = array<i32>} : memref<32x128xf32, #tpu.memory_space<vmem>>, vector<1x16xf32>,
    %swap3A_478 = arith.constant 9 : i32
    %swap3A_479 = arith.index_cast %swap3A_478 : i32 to index
    %swap3A_480 = arith.constant 32 : index
    %swap3A_481 = tpu.vector_load %arg7[%swap3A_479, %swap3A_480] {strides = array<i32>} : memref<32x128xf32, #tpu.memory_space<vmem>>, vector<1x16xf32>,
    %swap3A_482 = vector.shape_cast %swap3A_481 : vector<1x16xf32> to vector<16xf32>
    %swap3A_483 = vector.shape_cast %broadcast_in_dim3A_34 : vector<16xf32> to vector<1x16xf32>
    tpu.vector_store %arg7[%swap3A_479, %swap3A_480], %swap3A_483 {strides = array<i32>} : memref<32x128xf32, #tpu.memory_space<vmem>>, vector<1x16xf32>,
    %swap3A_484 = arith.constant 9 : i32
    %swap3A_485 = arith.index_cast %swap3A_484 : i32 to index
    %swap3A_486 = arith.constant 48 : index
    %swap3A_487 = tpu.vector_load %arg7[%swap3A_485, %swap3A_486] {strides = array<i32>} : memref<32x128xf32, #tpu.memory_space<vmem>>, vector<1x16xf32>,
    %swap3A_488 = vector.shape_cast %swap3A_487 : vector<1x16xf32> to vector<16xf32>
    %swap3A_489 = vector.shape_cast %broadcast_in_dim3A_34 : vector<16xf32> to vector<1x16xf32>
    tpu.vector_store %arg7[%swap3A_485, %swap3A_486], %swap3A_489 {strides = array<i32>} : memref<32x128xf32, #tpu.memory_space<vmem>>, vector<1x16xf32>,
    %swap3A_490 = arith.constant 9 : i32
    %swap3A_491 = arith.index_cast %swap3A_490 : i32 to index
    %swap3A_492 = arith.constant 64 : index
    %swap3A_493 = tpu.vector_load %arg7[%swap3A_491, %swap3A_492] {strides = array<i32>} : memref<32x128xf32, #tpu.memory_space<vmem>>, vector<1x16xf32>,
    %swap3A_494 = vector.shape_cast %swap3A_493 : vector<1x16xf32> to vector<16xf32>
    %swap3A_495 = vector.shape_cast %broadcast_in_dim3A_34 : vector<16xf32> to vector<1x16xf32>
    tpu.vector_store %arg7[%swap3A_491, %swap3A_492], %swap3A_495 {strides = array<i32>} : memref<32x128xf32, #tpu.memory_space<vmem>>, vector<1x16xf32>,
    %swap3A_496 = arith.constant 9 : i32
    %swap3A_497 = arith.index_cast %swap3A_496 : i32 to index
    %swap3A_498 = arith.constant 80 : index
    %swap3A_499 = tpu.vector_load %arg7[%swap3A_497, %swap3A_498] {strides = array<i32>} : memref<32x128xf32, #tpu.memory_space<vmem>>, vector<1x16xf32>,
    %swap3A_500 = vector.shape_cast %swap3A_499 : vector<1x16xf32> to vector<16xf32>
    %swap3A_501 = vector.shape_cast %broadcast_in_dim3A_34 : vector<16xf32> to vector<1x16xf32>
    tpu.vector_store %arg7[%swap3A_497, %swap3A_498], %swap3A_501 {strides = array<i32>} : memref<32x128xf32, #tpu.memory_space<vmem>>, vector<1x16xf32>,
    %swap3A_502 = arith.constant 9 : i32
    %swap3A_503 = arith.index_cast %swap3A_502 : i32 to index
    %swap3A_504 = arith.constant 96 : index
    %swap3A_505 = tpu.vector_load %arg7[%swap3A_503, %swap3A_504] {strides = array<i32>} : memref<32x128xf32, #tpu.memory_space<vmem>>, vector<1x16xf32>,
    %swap3A_506 = vector.shape_cast %swap3A_505 : vector<1x16xf32> to vector<16xf32>
    %swap3A_507 = vector.shape_cast %broadcast_in_dim3A_34 : vector<16xf32> to vector<1x16xf32>
    tpu.vector_store %arg7[%swap3A_503, %swap3A_504], %swap3A_507 {strides = array<i32>} : memref<32x128xf32, #tpu.memory_space<vmem>>, vector<1x16xf32>,
    %swap3A_508 = arith.constant 9 : i32
    %swap3A_509 = arith.index_cast %swap3A_508 : i32 to index
    %swap3A_510 = arith.constant 112 : index
    %swap3A_511 = tpu.vector_load %arg7[%swap3A_509, %swap3A_510] {strides = array<i32>} : memref<32x128xf32, #tpu.memory_space<vmem>>, vector<1x16xf32>,
    %swap3A_512 = vector.shape_cast %swap3A_511 : vector<1x16xf32> to vector<16xf32>
    %swap3A_513 = vector.shape_cast %broadcast_in_dim3A_34 : vector<16xf32> to vector<1x16xf32>
    tpu.vector_store %arg7[%swap3A_509, %swap3A_510], %swap3A_513 {strides = array<i32>} : memref<32x128xf32, #tpu.memory_space<vmem>>, vector<1x16xf32>,
    %swap3A_514 = arith.constant 10 : i32
    %swap3A_515 = arith.index_cast %swap3A_514 : i32 to index
    %swap3A_516 = arith.constant 0 : index
    %swap3A_517 = tpu.vector_load %arg7[%swap3A_515, %swap3A_516] {strides = array<i32>} : memref<32x128xf32, #tpu.memory_space<vmem>>, vector<1x16xf32>,
    %swap3A_518 = vector.shape_cast %swap3A_517 : vector<1x16xf32> to vector<16xf32>
    %swap3A_519 = vector.shape_cast %broadcast_in_dim3A_34 : vector<16xf32> to vector<1x16xf32>
    tpu.vector_store %arg7[%swap3A_515, %swap3A_516], %swap3A_519 {strides = array<i32>} : memref<32x128xf32, #tpu.memory_space<vmem>>, vector<1x16xf32>,
    %swap3A_520 = arith.constant 10 : i32
    %swap3A_521 = arith.index_cast %swap3A_520 : i32 to index
    %swap3A_522 = arith.constant 16 : index
    %swap3A_523 = tpu.vector_load %arg7[%swap3A_521, %swap3A_522] {strides = array<i32>} : memref<32x128xf32, #tpu.memory_space<vmem>>, vector<1x16xf32>,
    %swap3A_524 = vector.shape_cast %swap3A_523 : vector<1x16xf32> to vector<16xf32>
    %swap3A_525 = vector.shape_cast %broadcast_in_dim3A_34 : vector<16xf32> to vector<1x16xf32>
    tpu.vector_store %arg7[%swap3A_521, %swap3A_522], %swap3A_525 {strides = array<i32>} : memref<32x128xf32, #tpu.memory_space<vmem>>, vector<1x16xf32>,
    %swap3A_526 = arith.constant 10 : i32
    %swap3A_527 = arith.index_cast %swap3A_526 : i32 to index
    %swap3A_528 = arith.constant 32 : index
    %swap3A_529 = tpu.vector_load %arg7[%swap3A_527, %swap3A_528] {strides = array<i32>} : memref<32x128xf32, #tpu.memory_space<vmem>>, vector<1x16xf32>,
    %swap3A_530 = vector.shape_cast %swap3A_529 : vector<1x16xf32> to vector<16xf32>
    %swap3A_531 = vector.shape_cast %broadcast_in_dim3A_34 : vector<16xf32> to vector<1x16xf32>
    tpu.vector_store %arg7[%swap3A_527, %swap3A_528], %swap3A_531 {strides = array<i32>} : memref<32x128xf32, #tpu.memory_space<vmem>>, vector<1x16xf32>,
    %swap3A_532 = arith.constant 10 : i32
    %swap3A_533 = arith.index_cast %swap3A_532 : i32 to index
    %swap3A_534 = arith.constant 48 : index
    %swap3A_535 = tpu.vector_load %arg7[%swap3A_533, %swap3A_534] {strides = array<i32>} : memref<32x128xf32, #tpu.memory_space<vmem>>, vector<1x16xf32>,
    %swap3A_536 = vector.shape_cast %swap3A_535 : vector<1x16xf32> to vector<16xf32>
    %swap3A_537 = vector.shape_cast %broadcast_in_dim3A_34 : vector<16xf32> to vector<1x16xf32>
    tpu.vector_store %arg7[%swap3A_533, %swap3A_534], %swap3A_537 {strides = array<i32>} : memref<32x128xf32, #tpu.memory_space<vmem>>, vector<1x16xf32>,
    %swap3A_538 = arith.constant 10 : i32
    %swap3A_539 = arith.index_cast %swap3A_538 : i32 to index
    %swap3A_540 = arith.constant 64 : index
    %swap3A_541 = tpu.vector_load %arg7[%swap3A_539, %swap3A_540] {strides = array<i32>} : memref<32x128xf32, #tpu.memory_space<vmem>>, vector<1x16xf32>,
    %swap3A_542 = vector.shape_cast %swap3A_541 : vector<1x16xf32> to vector<16xf32>
    %swap3A_543 = vector.shape_cast %broadcast_in_dim3A_34 : vector<16xf32> to vector<1x16xf32>
    tpu.vector_store %arg7[%swap3A_539, %swap3A_540], %swap3A_543 {strides = array<i32>} : memref<32x128xf32, #tpu.memory_space<vmem>>, vector<1x16xf32>,
    %swap3A_544 = arith.constant 10 : i32
    %swap3A_545 = arith.index_cast %swap3A_544 : i32 to index
    %swap3A_546 = arith.constant 80 : index
    %swap3A_547 = tpu.vector_load %arg7[%swap3A_545, %swap3A_546] {strides = array<i32>} : memref<32x128xf32, #tpu.memory_space<vmem>>, vector<1x16xf32>,
    %swap3A_548 = vector.shape_cast %swap3A_547 : vector<1x16xf32> to vector<16xf32>
    %swap3A_549 = vector.shape_cast %broadcast_in_dim3A_34 : vector<16xf32> to vector<1x16xf32>
    tpu.vector_store %arg7[%swap3A_545, %swap3A_546], %swap3A_549 {strides = array<i32>} : memref<32x128xf32, #tpu.memory_space<vmem>>, vector<1x16xf32>,
    %swap3A_550 = arith.constant 10 : i32
    %swap3A_551 = arith.index_cast %swap3A_550 : i32 to index
    %swap3A_552 = arith.constant 96 : index
    %swap3A_553 = tpu.vector_load %arg7[%swap3A_551, %swap3A_552] {strides = array<i32>} : memref<32x128xf32, #tpu.memory_space<vmem>>, vector<1x16xf32>,
    %swap3A_554 = vector.shape_cast %swap3A_553 : vector<1x16xf32> to vector<16xf32>
    %swap3A_555 = vector.shape_cast %broadcast_in_dim3A_34 : vector<16xf32> to vector<1x16xf32>
    tpu.vector_store %arg7[%swap3A_551, %swap3A_552], %swap3A_555 {strides = array<i32>} : memref<32x128xf32, #tpu.memory_space<vmem>>, vector<1x16xf32>,
    %swap3A_556 = arith.constant 10 : i32
    %swap3A_557 = arith.index_cast %swap3A_556 : i32 to index
    %swap3A_558 = arith.constant 112 : index
    %swap3A_559 = tpu.vector_load %arg7[%swap3A_557, %swap3A_558] {strides = array<i32>} : memref<32x128xf32, #tpu.memory_space<vmem>>, vector<1x16xf32>,
    %swap3A_560 = vector.shape_cast %swap3A_559 : vector<1x16xf32> to vector<16xf32>
    %swap3A_561 = vector.shape_cast %broadcast_in_dim3A_34 : vector<16xf32> to vector<1x16xf32>
    tpu.vector_store %arg7[%swap3A_557, %swap3A_558], %swap3A_561 {strides = array<i32>} : memref<32x128xf32, #tpu.memory_space<vmem>>, vector<1x16xf32>,
    %swap3A_562 = arith.constant 11 : i32
    %swap3A_563 = arith.index_cast %swap3A_562 : i32 to index
    %swap3A_564 = arith.constant 0 : index
    %swap3A_565 = tpu.vector_load %arg7[%swap3A_563, %swap3A_564] {strides = array<i32>} : memref<32x128xf32, #tpu.memory_space<vmem>>, vector<1x16xf32>,
    %swap3A_566 = vector.shape_cast %swap3A_565 : vector<1x16xf32> to vector<16xf32>
    %swap3A_567 = vector.shape_cast %broadcast_in_dim3A_34 : vector<16xf32> to vector<1x16xf32>
    tpu.vector_store %arg7[%swap3A_563, %swap3A_564], %swap3A_567 {strides = array<i32>} : memref<32x128xf32, #tpu.memory_space<vmem>>, vector<1x16xf32>,
    %swap3A_568 = arith.constant 11 : i32
    %swap3A_569 = arith.index_cast %swap3A_568 : i32 to index
    %swap3A_570 = arith.constant 16 : index
    %swap3A_571 = tpu.vector_load %arg7[%swap3A_569, %swap3A_570] {strides = array<i32>} : memref<32x128xf32, #tpu.memory_space<vmem>>, vector<1x16xf32>,
    %swap3A_572 = vector.shape_cast %swap3A_571 : vector<1x16xf32> to vector<16xf32>
    %swap3A_573 = vector.shape_cast %broadcast_in_dim3A_34 : vector<16xf32> to vector<1x16xf32>
    tpu.vector_store %arg7[%swap3A_569, %swap3A_570], %swap3A_573 {strides = array<i32>} : memref<32x128xf32, #tpu.memory_space<vmem>>, vector<1x16xf32>,
    %swap3A_574 = arith.constant 11 : i32
    %swap3A_575 = arith.index_cast %swap3A_574 : i32 to index
    %swap3A_576 = arith.constant 32 : index
    %swap3A_577 = tpu.vector_load %arg7[%swap3A_575, %swap3A_576] {strides = array<i32>} : memref<32x128xf32, #tpu.memory_space<vmem>>, vector<1x16xf32>,
    %swap3A_578 = vector.shape_cast %swap3A_577 : vector<1x16xf32> to vector<16xf32>
    %swap3A_579 = vector.shape_cast %broadcast_in_dim3A_34 : vector<16xf32> to vector<1x16xf32>
    tpu.vector_store %arg7[%swap3A_575, %swap3A_576], %swap3A_579 {strides = array<i32>} : memref<32x128xf32, #tpu.memory_space<vmem>>, vector<1x16xf32>,
    %swap3A_580 = arith.constant 11 : i32
    %swap3A_581 = arith.index_cast %swap3A_580 : i32 to index
    %swap3A_582 = arith.constant 48 : index
    %swap3A_583 = tpu.vector_load %arg7[%swap3A_581, %swap3A_582] {strides = array<i32>} : memref<32x128xf32, #tpu.memory_space<vmem>>, vector<1x16xf32>,
    %swap3A_584 = vector.shape_cast %swap3A_583 : vector<1x16xf32> to vector<16xf32>
    %swap3A_585 = vector.shape_cast %broadcast_in_dim3A_34 : vector<16xf32> to vector<1x16xf32>
    tpu.vector_store %arg7[%swap3A_581, %swap3A_582], %swap3A_585 {strides = array<i32>} : memref<32x128xf32, #tpu.memory_space<vmem>>, vector<1x16xf32>,
    %swap3A_586 = arith.constant 11 : i32
    %swap3A_587 = arith.index_cast %swap3A_586 : i32 to index
    %swap3A_588 = arith.constant 64 : index
    %swap3A_589 = tpu.vector_load %arg7[%swap3A_587, %swap3A_588] {strides = array<i32>} : memref<32x128xf32, #tpu.memory_space<vmem>>, vector<1x16xf32>,
    %swap3A_590 = vector.shape_cast %swap3A_589 : vector<1x16xf32> to vector<16xf32>
    %swap3A_591 = vector.shape_cast %broadcast_in_dim3A_34 : vector<16xf32> to vector<1x16xf32>
    tpu.vector_store %arg7[%swap3A_587, %swap3A_588], %swap3A_591 {strides = array<i32>} : memref<32x128xf32, #tpu.memory_space<vmem>>, vector<1x16xf32>,
    %swap3A_592 = arith.constant 11 : i32
    %swap3A_593 = arith.index_cast %swap3A_592 : i32 to index
    %swap3A_594 = arith.constant 80 : index
    %swap3A_595 = tpu.vector_load %arg7[%swap3A_593, %swap3A_594] {strides = array<i32>} : memref<32x128xf32, #tpu.memory_space<vmem>>, vector<1x16xf32>,
    %swap3A_596 = vector.shape_cast %swap3A_595 : vector<1x16xf32> to vector<16xf32>
    %swap3A_597 = vector.shape_cast %broadcast_in_dim3A_34 : vector<16xf32> to vector<1x16xf32>
    tpu.vector_store %arg7[%swap3A_593, %swap3A_594], %swap3A_597 {strides = array<i32>} : memref<32x128xf32, #tpu.memory_space<vmem>>, vector<1x16xf32>,
    %swap3A_598 = arith.constant 11 : i32
    %swap3A_599 = arith.index_cast %swap3A_598 : i32 to index
    %swap3A_600 = arith.constant 96 : index
    %swap3A_601 = tpu.vector_load %arg7[%swap3A_599, %swap3A_600] {strides = array<i32>} : memref<32x128xf32, #tpu.memory_space<vmem>>, vector<1x16xf32>,
    %swap3A_602 = vector.shape_cast %swap3A_601 : vector<1x16xf32> to vector<16xf32>
    %swap3A_603 = vector.shape_cast %broadcast_in_dim3A_34 : vector<16xf32> to vector<1x16xf32>
    tpu.vector_store %arg7[%swap3A_599, %swap3A_600], %swap3A_603 {strides = array<i32>} : memref<32x128xf32, #tpu.memory_space<vmem>>, vector<1x16xf32>,
    %swap3A_604 = arith.constant 11 : i32
    %swap3A_605 = arith.index_cast %swap3A_604 : i32 to index
    %swap3A_606 = arith.constant 112 : index
    %swap3A_607 = tpu.vector_load %arg7[%swap3A_605, %swap3A_606] {strides = array<i32>} : memref<32x128xf32, #tpu.memory_space<vmem>>, vector<1x16xf32>,
    %swap3A_608 = vector.shape_cast %swap3A_607 : vector<1x16xf32> to vector<16xf32>
    %swap3A_609 = vector.shape_cast %broadcast_in_dim3A_34 : vector<16xf32> to vector<1x16xf32>
    tpu.vector_store %arg7[%swap3A_605, %swap3A_606], %swap3A_609 {strides = array<i32>} : memref<32x128xf32, #tpu.memory_space<vmem>>, vector<1x16xf32>,
    %swap3A_610 = arith.constant 12 : i32
    %swap3A_611 = arith.index_cast %swap3A_610 : i32 to index
    %swap3A_612 = arith.constant 0 : index
    %swap3A_613 = tpu.vector_load %arg7[%swap3A_611, %swap3A_612] {strides = array<i32>} : memref<32x128xf32, #tpu.memory_space<vmem>>, vector<1x16xf32>,
    %swap3A_614 = vector.shape_cast %swap3A_613 : vector<1x16xf32> to vector<16xf32>
    %swap3A_615 = vector.shape_cast %broadcast_in_dim3A_34 : vector<16xf32> to vector<1x16xf32>
    tpu.vector_store %arg7[%swap3A_611, %swap3A_612], %swap3A_615 {strides = array<i32>} : memref<32x128xf32, #tpu.memory_space<vmem>>, vector<1x16xf32>,
    %swap3A_616 = arith.constant 12 : i32
    %swap3A_617 = arith.index_cast %swap3A_616 : i32 to index
    %swap3A_618 = arith.constant 16 : index
    %swap3A_619 = tpu.vector_load %arg7[%swap3A_617, %swap3A_618] {strides = array<i32>} : memref<32x128xf32, #tpu.memory_space<vmem>>, vector<1x16xf32>,
    %swap3A_620 = vector.shape_cast %swap3A_619 : vector<1x16xf32> to vector<16xf32>
    %swap3A_621 = vector.shape_cast %broadcast_in_dim3A_34 : vector<16xf32> to vector<1x16xf32>
    tpu.vector_store %arg7[%swap3A_617, %swap3A_618], %swap3A_621 {strides = array<i32>} : memref<32x128xf32, #tpu.memory_space<vmem>>, vector<1x16xf32>,
    %swap3A_622 = arith.constant 12 : i32
    %swap3A_623 = arith.index_cast %swap3A_622 : i32 to index
    %swap3A_624 = arith.constant 32 : index
    %swap3A_625 = tpu.vector_load %arg7[%swap3A_623, %swap3A_624] {strides = array<i32>} : memref<32x128xf32, #tpu.memory_space<vmem>>, vector<1x16xf32>,
    %swap3A_626 = vector.shape_cast %swap3A_625 : vector<1x16xf32> to vector<16xf32>
    %swap3A_627 = vector.shape_cast %broadcast_in_dim3A_34 : vector<16xf32> to vector<1x16xf32>
    tpu.vector_store %arg7[%swap3A_623, %swap3A_624], %swap3A_627 {strides = array<i32>} : memref<32x128xf32, #tpu.memory_space<vmem>>, vector<1x16xf32>,
    %swap3A_628 = arith.constant 12 : i32
    %swap3A_629 = arith.index_cast %swap3A_628 : i32 to index
    %swap3A_630 = arith.constant 48 : index
    %swap3A_631 = tpu.vector_load %arg7[%swap3A_629, %swap3A_630] {strides = array<i32>} : memref<32x128xf32, #tpu.memory_space<vmem>>, vector<1x16xf32>,
    %swap3A_632 = vector.shape_cast %swap3A_631 : vector<1x16xf32> to vector<16xf32>
    %swap3A_633 = vector.shape_cast %broadcast_in_dim3A_34 : vector<16xf32> to vector<1x16xf32>
    tpu.vector_store %arg7[%swap3A_629, %swap3A_630], %swap3A_633 {strides = array<i32>} : memref<32x128xf32, #tpu.memory_space<vmem>>, vector<1x16xf32>,
    %swap3A_634 = arith.constant 12 : i32
    %swap3A_635 = arith.index_cast %swap3A_634 : i32 to index
    %swap3A_636 = arith.constant 64 : index
    %swap3A_637 = tpu.vector_load %arg7[%swap3A_635, %swap3A_636] {strides = array<i32>} : memref<32x128xf32, #tpu.memory_space<vmem>>, vector<1x16xf32>,
    %swap3A_638 = vector.shape_cast %swap3A_637 : vector<1x16xf32> to vector<16xf32>
    %swap3A_639 = vector.shape_cast %broadcast_in_dim3A_34 : vector<16xf32> to vector<1x16xf32>
    tpu.vector_store %arg7[%swap3A_635, %swap3A_636], %swap3A_639 {strides = array<i32>} : memref<32x128xf32, #tpu.memory_space<vmem>>, vector<1x16xf32>,
    %swap3A_640 = arith.constant 12 : i32
    %swap3A_641 = arith.index_cast %swap3A_640 : i32 to index
    %swap3A_642 = arith.constant 80 : index
    %swap3A_643 = tpu.vector_load %arg7[%swap3A_641, %swap3A_642] {strides = array<i32>} : memref<32x128xf32, #tpu.memory_space<vmem>>, vector<1x16xf32>,
    %swap3A_644 = vector.shape_cast %swap3A_643 : vector<1x16xf32> to vector<16xf32>
    %swap3A_645 = vector.shape_cast %broadcast_in_dim3A_34 : vector<16xf32> to vector<1x16xf32>
    tpu.vector_store %arg7[%swap3A_641, %swap3A_642], %swap3A_645 {strides = array<i32>} : memref<32x128xf32, #tpu.memory_space<vmem>>, vector<1x16xf32>,
    %swap3A_646 = arith.constant 12 : i32
    %swap3A_647 = arith.index_cast %swap3A_646 : i32 to index
    %swap3A_648 = arith.constant 96 : index
    %swap3A_649 = tpu.vector_load %arg7[%swap3A_647, %swap3A_648] {strides = array<i32>} : memref<32x128xf32, #tpu.memory_space<vmem>>, vector<1x16xf32>,
    %swap3A_650 = vector.shape_cast %swap3A_649 : vector<1x16xf32> to vector<16xf32>
    %swap3A_651 = vector.shape_cast %broadcast_in_dim3A_34 : vector<16xf32> to vector<1x16xf32>
    tpu.vector_store %arg7[%swap3A_647, %swap3A_648], %swap3A_651 {strides = array<i32>} : memref<32x128xf32, #tpu.memory_space<vmem>>, vector<1x16xf32>,
    %swap3A_652 = arith.constant 12 : i32
    %swap3A_653 = arith.index_cast %swap3A_652 : i32 to index
    %swap3A_654 = arith.constant 112 : index
    %swap3A_655 = tpu.vector_load %arg7[%swap3A_653, %swap3A_654] {strides = array<i32>} : memref<32x128xf32, #tpu.memory_space<vmem>>, vector<1x16xf32>,
    %swap3A_656 = vector.shape_cast %swap3A_655 : vector<1x16xf32> to vector<16xf32>
    %swap3A_657 = vector.shape_cast %broadcast_in_dim3A_34 : vector<16xf32> to vector<1x16xf32>
    tpu.vector_store %arg7[%swap3A_653, %swap3A_654], %swap3A_657 {strides = array<i32>} : memref<32x128xf32, #tpu.memory_space<vmem>>, vector<1x16xf32>,
    %swap3A_658 = arith.constant 13 : i32
    %swap3A_659 = arith.index_cast %swap3A_658 : i32 to index
    %swap3A_660 = arith.constant 0 : index
    %swap3A_661 = tpu.vector_load %arg7[%swap3A_659, %swap3A_660] {strides = array<i32>} : memref<32x128xf32, #tpu.memory_space<vmem>>, vector<1x16xf32>,
    %swap3A_662 = vector.shape_cast %swap3A_661 : vector<1x16xf32> to vector<16xf32>
    %swap3A_663 = vector.shape_cast %broadcast_in_dim3A_34 : vector<16xf32> to vector<1x16xf32>
    tpu.vector_store %arg7[%swap3A_659, %swap3A_660], %swap3A_663 {strides = array<i32>} : memref<32x128xf32, #tpu.memory_space<vmem>>, vector<1x16xf32>,
    %swap3A_664 = arith.constant 13 : i32
    %swap3A_665 = arith.index_cast %swap3A_664 : i32 to index
    %swap3A_666 = arith.constant 16 : index
    %swap3A_667 = tpu.vector_load %arg7[%swap3A_665, %swap3A_666] {strides = array<i32>} : memref<32x128xf32, #tpu.memory_space<vmem>>, vector<1x16xf32>,
    %swap3A_668 = vector.shape_cast %swap3A_667 : vector<1x16xf32> to vector<16xf32>
    %swap3A_669 = vector.shape_cast %broadcast_in_dim3A_34 : vector<16xf32> to vector<1x16xf32>
    tpu.vector_store %arg7[%swap3A_665, %swap3A_666], %swap3A_669 {strides = array<i32>} : memref<32x128xf32, #tpu.memory_space<vmem>>, vector<1x16xf32>,
    %swap3A_670 = arith.constant 13 : i32
    %swap3A_671 = arith.index_cast %swap3A_670 : i32 to index
    %swap3A_672 = arith.constant 32 : index
    %swap3A_673 = tpu.vector_load %arg7[%swap3A_671, %swap3A_672] {strides = array<i32>} : memref<32x128xf32, #tpu.memory_space<vmem>>, vector<1x16xf32>,
    %swap3A_674 = vector.shape_cast %swap3A_673 : vector<1x16xf32> to vector<16xf32>
    %swap3A_675 = vector.shape_cast %broadcast_in_dim3A_34 : vector<16xf32> to vector<1x16xf32>
    tpu.vector_store %arg7[%swap3A_671, %swap3A_672], %swap3A_675 {strides = array<i32>} : memref<32x128xf32, #tpu.memory_space<vmem>>, vector<1x16xf32>,
    %swap3A_676 = arith.constant 13 : i32
    %swap3A_677 = arith.index_cast %swap3A_676 : i32 to index
    %swap3A_678 = arith.constant 48 : index
    %swap3A_679 = tpu.vector_load %arg7[%swap3A_677, %swap3A_678] {strides = array<i32>} : memref<32x128xf32, #tpu.memory_space<vmem>>, vector<1x16xf32>,
    %swap3A_680 = vector.shape_cast %swap3A_679 : vector<1x16xf32> to vector<16xf32>
    %swap3A_681 = vector.shape_cast %broadcast_in_dim3A_34 : vector<16xf32> to vector<1x16xf32>
    tpu.vector_store %arg7[%swap3A_677, %swap3A_678], %swap3A_681 {strides = array<i32>} : memref<32x128xf32, #tpu.memory_space<vmem>>, vector<1x16xf32>,
    %swap3A_682 = arith.constant 13 : i32
    %swap3A_683 = arith.index_cast %swap3A_682 : i32 to index
    %swap3A_684 = arith.constant 64 : index
    %swap3A_685 = tpu.vector_load %arg7[%swap3A_683, %swap3A_684] {strides = array<i32>} : memref<32x128xf32, #tpu.memory_space<vmem>>, vector<1x16xf32>,
    %swap3A_686 = vector.shape_cast %swap3A_685 : vector<1x16xf32> to vector<16xf32>
    %swap3A_687 = vector.shape_cast %broadcast_in_dim3A_34 : vector<16xf32> to vector<1x16xf32>
    tpu.vector_store %arg7[%swap3A_683, %swap3A_684], %swap3A_687 {strides = array<i32>} : memref<32x128xf32, #tpu.memory_space<vmem>>, vector<1x16xf32>,
    %swap3A_688 = arith.constant 13 : i32
    %swap3A_689 = arith.index_cast %swap3A_688 : i32 to index
    %swap3A_690 = arith.constant 80 : index
    %swap3A_691 = tpu.vector_load %arg7[%swap3A_689, %swap3A_690] {strides = array<i32>} : memref<32x128xf32, #tpu.memory_space<vmem>>, vector<1x16xf32>,
    %swap3A_692 = vector.shape_cast %swap3A_691 : vector<1x16xf32> to vector<16xf32>
    %swap3A_693 = vector.shape_cast %broadcast_in_dim3A_34 : vector<16xf32> to vector<1x16xf32>
    tpu.vector_store %arg7[%swap3A_689, %swap3A_690], %swap3A_693 {strides = array<i32>} : memref<32x128xf32, #tpu.memory_space<vmem>>, vector<1x16xf32>,
    %swap3A_694 = arith.constant 13 : i32
    %swap3A_695 = arith.index_cast %swap3A_694 : i32 to index
    %swap3A_696 = arith.constant 96 : index
    %swap3A_697 = tpu.vector_load %arg7[%swap3A_695, %swap3A_696] {strides = array<i32>} : memref<32x128xf32, #tpu.memory_space<vmem>>, vector<1x16xf32>,
    %swap3A_698 = vector.shape_cast %swap3A_697 : vector<1x16xf32> to vector<16xf32>
    %swap3A_699 = vector.shape_cast %broadcast_in_dim3A_34 : vector<16xf32> to vector<1x16xf32>
    tpu.vector_store %arg7[%swap3A_695, %swap3A_696], %swap3A_699 {strides = array<i32>} : memref<32x128xf32, #tpu.memory_space<vmem>>, vector<1x16xf32>,
    %swap3A_700 = arith.constant 13 : i32
    %swap3A_701 = arith.index_cast %swap3A_700 : i32 to index
    %swap3A_702 = arith.constant 112 : index
    %swap3A_703 = tpu.vector_load %arg7[%swap3A_701, %swap3A_702] {strides = array<i32>} : memref<32x128xf32, #tpu.memory_space<vmem>>, vector<1x16xf32>,
    %swap3A_704 = vector.shape_cast %swap3A_703 : vector<1x16xf32> to vector<16xf32>
    %swap3A_705 = vector.shape_cast %broadcast_in_dim3A_34 : vector<16xf32> to vector<1x16xf32>
    tpu.vector_store %arg7[%swap3A_701, %swap3A_702], %swap3A_705 {strides = array<i32>} : memref<32x128xf32, #tpu.memory_space<vmem>>, vector<1x16xf32>,
    %swap3A_706 = arith.constant 14 : i32
    %swap3A_707 = arith.index_cast %swap3A_706 : i32 to index
    %swap3A_708 = arith.constant 0 : index
    %swap3A_709 = tpu.vector_load %arg7[%swap3A_707, %swap3A_708] {strides = array<i32>} : memref<32x128xf32, #tpu.memory_space<vmem>>, vector<1x16xf32>,
    %swap3A_710 = vector.shape_cast %swap3A_709 : vector<1x16xf32> to vector<16xf32>
    %swap3A_711 = vector.shape_cast %broadcast_in_dim3A_34 : vector<16xf32> to vector<1x16xf32>
    tpu.vector_store %arg7[%swap3A_707, %swap3A_708], %swap3A_711 {strides = array<i32>} : memref<32x128xf32, #tpu.memory_space<vmem>>, vector<1x16xf32>,
    %swap3A_712 = arith.constant 14 : i32
    %swap3A_713 = arith.index_cast %swap3A_712 : i32 to index
    %swap3A_714 = arith.constant 16 : index
    %swap3A_715 = tpu.vector_load %arg7[%swap3A_713, %swap3A_714] {strides = array<i32>} : memref<32x128xf32, #tpu.memory_space<vmem>>, vector<1x16xf32>,
    %swap3A_716 = vector.shape_cast %swap3A_715 : vector<1x16xf32> to vector<16xf32>
    %swap3A_717 = vector.shape_cast %broadcast_in_dim3A_34 : vector<16xf32> to vector<1x16xf32>
    tpu.vector_store %arg7[%swap3A_713, %swap3A_714], %swap3A_717 {strides = array<i32>} : memref<32x128xf32, #tpu.memory_space<vmem>>, vector<1x16xf32>,
    %swap3A_718 = arith.constant 14 : i32
    %swap3A_719 = arith.index_cast %swap3A_718 : i32 to index
    %swap3A_720 = arith.constant 32 : index
    %swap3A_721 = tpu.vector_load %arg7[%swap3A_719, %swap3A_720] {strides = array<i32>} : memref<32x128xf32, #tpu.memory_space<vmem>>, vector<1x16xf32>,
    %swap3A_722 = vector.shape_cast %swap3A_721 : vector<1x16xf32> to vector<16xf32>
    %swap3A_723 = vector.shape_cast %broadcast_in_dim3A_34 : vector<16xf32> to vector<1x16xf32>
    tpu.vector_store %arg7[%swap3A_719, %swap3A_720], %swap3A_723 {strides = array<i32>} : memref<32x128xf32, #tpu.memory_space<vmem>>, vector<1x16xf32>,
    %swap3A_724 = arith.constant 14 : i32
    %swap3A_725 = arith.index_cast %swap3A_724 : i32 to index
    %swap3A_726 = arith.constant 48 : index
    %swap3A_727 = tpu.vector_load %arg7[%swap3A_725, %swap3A_726] {strides = array<i32>} : memref<32x128xf32, #tpu.memory_space<vmem>>, vector<1x16xf32>,
    %swap3A_728 = vector.shape_cast %swap3A_727 : vector<1x16xf32> to vector<16xf32>
    %swap3A_729 = vector.shape_cast %broadcast_in_dim3A_34 : vector<16xf32> to vector<1x16xf32>
    tpu.vector_store %arg7[%swap3A_725, %swap3A_726], %swap3A_729 {strides = array<i32>} : memref<32x128xf32, #tpu.memory_space<vmem>>, vector<1x16xf32>,
    %swap3A_730 = arith.constant 14 : i32
    %swap3A_731 = arith.index_cast %swap3A_730 : i32 to index
    %swap3A_732 = arith.constant 64 : index
    %swap3A_733 = tpu.vector_load %arg7[%swap3A_731, %swap3A_732] {strides = array<i32>} : memref<32x128xf32, #tpu.memory_space<vmem>>, vector<1x16xf32>,
    %swap3A_734 = vector.shape_cast %swap3A_733 : vector<1x16xf32> to vector<16xf32>
    %swap3A_735 = vector.shape_cast %broadcast_in_dim3A_34 : vector<16xf32> to vector<1x16xf32>
    tpu.vector_store %arg7[%swap3A_731, %swap3A_732], %swap3A_735 {strides = array<i32>} : memref<32x128xf32, #tpu.memory_space<vmem>>, vector<1x16xf32>,
    %swap3A_736 = arith.constant 14 : i32
    %swap3A_737 = arith.index_cast %swap3A_736 : i32 to index
    %swap3A_738 = arith.constant 80 : index
    %swap3A_739 = tpu.vector_load %arg7[%swap3A_737, %swap3A_738] {strides = array<i32>} : memref<32x128xf32, #tpu.memory_space<vmem>>, vector<1x16xf32>,
    %swap3A_740 = vector.shape_cast %swap3A_739 : vector<1x16xf32> to vector<16xf32>
    %swap3A_741 = vector.shape_cast %broadcast_in_dim3A_34 : vector<16xf32> to vector<1x16xf32>
    tpu.vector_store %arg7[%swap3A_737, %swap3A_738], %swap3A_741 {strides = array<i32>} : memref<32x128xf32, #tpu.memory_space<vmem>>, vector<1x16xf32>,
    %swap3A_742 = arith.constant 14 : i32
    %swap3A_743 = arith.index_cast %swap3A_742 : i32 to index
    %swap3A_744 = arith.constant 96 : index
    %swap3A_745 = tpu.vector_load %arg7[%swap3A_743, %swap3A_744] {strides = array<i32>} : memref<32x128xf32, #tpu.memory_space<vmem>>, vector<1x16xf32>,
    %swap3A_746 = vector.shape_cast %swap3A_745 : vector<1x16xf32> to vector<16xf32>
    %swap3A_747 = vector.shape_cast %broadcast_in_dim3A_34 : vector<16xf32> to vector<1x16xf32>
    tpu.vector_store %arg7[%swap3A_743, %swap3A_744], %swap3A_747 {strides = array<i32>} : memref<32x128xf32, #tpu.memory_space<vmem>>, vector<1x16xf32>,
    %swap3A_748 = arith.constant 14 : i32
    %swap3A_749 = arith.index_cast %swap3A_748 : i32 to index
    %swap3A_750 = arith.constant 112 : index
    %swap3A_751 = tpu.vector_load %arg7[%swap3A_749, %swap3A_750] {strides = array<i32>} : memref<32x128xf32, #tpu.memory_space<vmem>>, vector<1x16xf32>,
    %swap3A_752 = vector.shape_cast %swap3A_751 : vector<1x16xf32> to vector<16xf32>
    %swap3A_753 = vector.shape_cast %broadcast_in_dim3A_34 : vector<16xf32> to vector<1x16xf32>
    tpu.vector_store %arg7[%swap3A_749, %swap3A_750], %swap3A_753 {strides = array<i32>} : memref<32x128xf32, #tpu.memory_space<vmem>>, vector<1x16xf32>,
    %swap3A_754 = arith.constant 15 : i32
    %swap3A_755 = arith.index_cast %swap3A_754 : i32 to index
    %swap3A_756 = arith.constant 0 : index
    %swap3A_757 = tpu.vector_load %arg7[%swap3A_755, %swap3A_756] {strides = array<i32>} : memref<32x128xf32, #tpu.memory_space<vmem>>, vector<1x16xf32>,
    %swap3A_758 = vector.shape_cast %swap3A_757 : vector<1x16xf32> to vector<16xf32>
    %swap3A_759 = vector.shape_cast %broadcast_in_dim3A_34 : vector<16xf32> to vector<1x16xf32>
    tpu.vector_store %arg7[%swap3A_755, %swap3A_756], %swap3A_759 {strides = array<i32>} : memref<32x128xf32, #tpu.memory_space<vmem>>, vector<1x16xf32>,
    %swap3A_760 = arith.constant 15 : i32
    %swap3A_761 = arith.index_cast %swap3A_760 : i32 to index
    %swap3A_762 = arith.constant 16 : index
    %swap3A_763 = tpu.vector_load %arg7[%swap3A_761, %swap3A_762] {strides = array<i32>} : memref<32x128xf32, #tpu.memory_space<vmem>>, vector<1x16xf32>,
    %swap3A_764 = vector.shape_cast %swap3A_763 : vector<1x16xf32> to vector<16xf32>
    %swap3A_765 = vector.shape_cast %broadcast_in_dim3A_34 : vector<16xf32> to vector<1x16xf32>
    tpu.vector_store %arg7[%swap3A_761, %swap3A_762], %swap3A_765 {strides = array<i32>} : memref<32x128xf32, #tpu.memory_space<vmem>>, vector<1x16xf32>,
    %swap3A_766 = arith.constant 15 : i32
    %swap3A_767 = arith.index_cast %swap3A_766 : i32 to index
    %swap3A_768 = arith.constant 32 : index
    %swap3A_769 = tpu.vector_load %arg7[%swap3A_767, %swap3A_768] {strides = array<i32>} : memref<32x128xf32, #tpu.memory_space<vmem>>, vector<1x16xf32>,
    %swap3A_770 = vector.shape_cast %swap3A_769 : vector<1x16xf32> to vector<16xf32>
    %swap3A_771 = vector.shape_cast %broadcast_in_dim3A_34 : vector<16xf32> to vector<1x16xf32>
    tpu.vector_store %arg7[%swap3A_767, %swap3A_768], %swap3A_771 {strides = array<i32>} : memref<32x128xf32, #tpu.memory_space<vmem>>, vector<1x16xf32>,
    %swap3A_772 = arith.constant 15 : i32
    %swap3A_773 = arith.index_cast %swap3A_772 : i32 to index
    %swap3A_774 = arith.constant 48 : index
    %swap3A_775 = tpu.vector_load %arg7[%swap3A_773, %swap3A_774] {strides = array<i32>} : memref<32x128xf32, #tpu.memory_space<vmem>>, vector<1x16xf32>,
    %swap3A_776 = vector.shape_cast %swap3A_775 : vector<1x16xf32> to vector<16xf32>
    %swap3A_777 = vector.shape_cast %broadcast_in_dim3A_34 : vector<16xf32> to vector<1x16xf32>
    tpu.vector_store %arg7[%swap3A_773, %swap3A_774], %swap3A_777 {strides = array<i32>} : memref<32x128xf32, #tpu.memory_space<vmem>>, vector<1x16xf32>,
    %swap3A_778 = arith.constant 15 : i32
    %swap3A_779 = arith.index_cast %swap3A_778 : i32 to index
    %swap3A_780 = arith.constant 64 : index
    %swap3A_781 = tpu.vector_load %arg7[%swap3A_779, %swap3A_780] {strides = array<i32>} : memref<32x128xf32, #tpu.memory_space<vmem>>, vector<1x16xf32>,
    %swap3A_782 = vector.shape_cast %swap3A_781 : vector<1x16xf32> to vector<16xf32>
    %swap3A_783 = vector.shape_cast %broadcast_in_dim3A_34 : vector<16xf32> to vector<1x16xf32>
    tpu.vector_store %arg7[%swap3A_779, %swap3A_780], %swap3A_783 {strides = array<i32>} : memref<32x128xf32, #tpu.memory_space<vmem>>, vector<1x16xf32>,
    %swap3A_784 = arith.constant 15 : i32
    %swap3A_785 = arith.index_cast %swap3A_784 : i32 to index
    %swap3A_786 = arith.constant 80 : index
    %swap3A_787 = tpu.vector_load %arg7[%swap3A_785, %swap3A_786] {strides = array<i32>} : memref<32x128xf32, #tpu.memory_space<vmem>>, vector<1x16xf32>,
    %swap3A_788 = vector.shape_cast %swap3A_787 : vector<1x16xf32> to vector<16xf32>
    %swap3A_789 = vector.shape_cast %broadcast_in_dim3A_34 : vector<16xf32> to vector<1x16xf32>
    tpu.vector_store %arg7[%swap3A_785, %swap3A_786], %swap3A_789 {strides = array<i32>} : memref<32x128xf32, #tpu.memory_space<vmem>>, vector<1x16xf32>,
    %swap3A_790 = arith.constant 15 : i32
    %swap3A_791 = arith.index_cast %swap3A_790 : i32 to index
    %swap3A_792 = arith.constant 96 : index
    %swap3A_793 = tpu.vector_load %arg7[%swap3A_791, %swap3A_792] {strides = array<i32>} : memref<32x128xf32, #tpu.memory_space<vmem>>, vector<1x16xf32>,
    %swap3A_794 = vector.shape_cast %swap3A_793 : vector<1x16xf32> to vector<16xf32>
    %swap3A_795 = vector.shape_cast %broadcast_in_dim3A_34 : vector<16xf32> to vector<1x16xf32>
    tpu.vector_store %arg7[%swap3A_791, %swap3A_792], %swap3A_795 {strides = array<i32>} : memref<32x128xf32, #tpu.memory_space<vmem>>, vector<1x16xf32>,
    %swap3A_796 = arith.constant 15 : i32
    %swap3A_797 = arith.index_cast %swap3A_796 : i32 to index
    %swap3A_798 = arith.constant 112 : index
    %swap3A_799 = tpu.vector_load %arg7[%swap3A_797, %swap3A_798] {strides = array<i32>} : memref<32x128xf32, #tpu.memory_space<vmem>>, vector<1x16xf32>,
    %swap3A_800 = vector.shape_cast %swap3A_799 : vector<1x16xf32> to vector<16xf32>
    %swap3A_801 = vector.shape_cast %broadcast_in_dim3A_34 : vector<16xf32> to vector<1x16xf32>
    tpu.vector_store %arg7[%swap3A_797, %swap3A_798], %swap3A_801 {strides = array<i32>} : memref<32x128xf32, #tpu.memory_space<vmem>>, vector<1x16xf32>,
    %swap3A_802 = arith.constant 16 : i32
    %swap3A_803 = arith.index_cast %swap3A_802 : i32 to index
    %swap3A_804 = arith.constant 0 : index
    %swap3A_805 = tpu.vector_load %arg7[%swap3A_803, %swap3A_804] {strides = array<i32>} : memref<32x128xf32, #tpu.memory_space<vmem>>, vector<1x16xf32>,
    %swap3A_806 = vector.shape_cast %swap3A_805 : vector<1x16xf32> to vector<16xf32>
    %swap3A_807 = vector.shape_cast %broadcast_in_dim3A_34 : vector<16xf32> to vector<1x16xf32>
    tpu.vector_store %arg7[%swap3A_803, %swap3A_804], %swap3A_807 {strides = array<i32>} : memref<32x128xf32, #tpu.memory_space<vmem>>, vector<1x16xf32>,
    %swap3A_808 = arith.constant 16 : i32
    %swap3A_809 = arith.index_cast %swap3A_808 : i32 to index
    %swap3A_810 = arith.constant 16 : index
    %swap3A_811 = tpu.vector_load %arg7[%swap3A_809, %swap3A_810] {strides = array<i32>} : memref<32x128xf32, #tpu.memory_space<vmem>>, vector<1x16xf32>,
    %swap3A_812 = vector.shape_cast %swap3A_811 : vector<1x16xf32> to vector<16xf32>
    %swap3A_813 = vector.shape_cast %broadcast_in_dim3A_34 : vector<16xf32> to vector<1x16xf32>
    tpu.vector_store %arg7[%swap3A_809, %swap3A_810], %swap3A_813 {strides = array<i32>} : memref<32x128xf32, #tpu.memory_space<vmem>>, vector<1x16xf32>,
    %swap3A_814 = arith.constant 16 : i32
    %swap3A_815 = arith.index_cast %swap3A_814 : i32 to index
    %swap3A_816 = arith.constant 32 : index
    %swap3A_817 = tpu.vector_load %arg7[%swap3A_815, %swap3A_816] {strides = array<i32>} : memref<32x128xf32, #tpu.memory_space<vmem>>, vector<1x16xf32>,
    %swap3A_818 = vector.shape_cast %swap3A_817 : vector<1x16xf32> to vector<16xf32>
    %swap3A_819 = vector.shape_cast %broadcast_in_dim3A_34 : vector<16xf32> to vector<1x16xf32>
    tpu.vector_store %arg7[%swap3A_815, %swap3A_816], %swap3A_819 {strides = array<i32>} : memref<32x128xf32, #tpu.memory_space<vmem>>, vector<1x16xf32>,
    %swap3A_820 = arith.constant 16 : i32
    %swap3A_821 = arith.index_cast %swap3A_820 : i32 to index
    %swap3A_822 = arith.constant 48 : index
    %swap3A_823 = tpu.vector_load %arg7[%swap3A_821, %swap3A_822] {strides = array<i32>} : memref<32x128xf32, #tpu.memory_space<vmem>>, vector<1x16xf32>,
    %swap3A_824 = vector.shape_cast %swap3A_823 : vector<1x16xf32> to vector<16xf32>
    %swap3A_825 = vector.shape_cast %broadcast_in_dim3A_34 : vector<16xf32> to vector<1x16xf32>
    tpu.vector_store %arg7[%swap3A_821, %swap3A_822], %swap3A_825 {strides = array<i32>} : memref<32x128xf32, #tpu.memory_space<vmem>>, vector<1x16xf32>,
    %swap3A_826 = arith.constant 16 : i32
    %swap3A_827 = arith.index_cast %swap3A_826 : i32 to index
    %swap3A_828 = arith.constant 64 : index
    %swap3A_829 = tpu.vector_load %arg7[%swap3A_827, %swap3A_828] {strides = array<i32>} : memref<32x128xf32, #tpu.memory_space<vmem>>, vector<1x16xf32>,
    %swap3A_830 = vector.shape_cast %swap3A_829 : vector<1x16xf32> to vector<16xf32>
    %swap3A_831 = vector.shape_cast %broadcast_in_dim3A_34 : vector<16xf32> to vector<1x16xf32>
    tpu.vector_store %arg7[%swap3A_827, %swap3A_828], %swap3A_831 {strides = array<i32>} : memref<32x128xf32, #tpu.memory_space<vmem>>, vector<1x16xf32>,
    %swap3A_832 = arith.constant 16 : i32
    %swap3A_833 = arith.index_cast %swap3A_832 : i32 to index
    %swap3A_834 = arith.constant 80 : index
    %swap3A_835 = tpu.vector_load %arg7[%swap3A_833, %swap3A_834] {strides = array<i32>} : memref<32x128xf32, #tpu.memory_space<vmem>>, vector<1x16xf32>,
    %swap3A_836 = vector.shape_cast %swap3A_835 : vector<1x16xf32> to vector<16xf32>
    %swap3A_837 = vector.shape_cast %broadcast_in_dim3A_34 : vector<16xf32> to vector<1x16xf32>
    tpu.vector_store %arg7[%swap3A_833, %swap3A_834], %swap3A_837 {strides = array<i32>} : memref<32x128xf32, #tpu.memory_space<vmem>>, vector<1x16xf32>,
    %swap3A_838 = arith.constant 16 : i32
    %swap3A_839 = arith.index_cast %swap3A_838 : i32 to index
    %swap3A_840 = arith.constant 96 : index
    %swap3A_841 = tpu.vector_load %arg7[%swap3A_839, %swap3A_840] {strides = array<i32>} : memref<32x128xf32, #tpu.memory_space<vmem>>, vector<1x16xf32>,
    %swap3A_842 = vector.shape_cast %swap3A_841 : vector<1x16xf32> to vector<16xf32>
    %swap3A_843 = vector.shape_cast %broadcast_in_dim3A_34 : vector<16xf32> to vector<1x16xf32>
    tpu.vector_store %arg7[%swap3A_839, %swap3A_840], %swap3A_843 {strides = array<i32>} : memref<32x128xf32, #tpu.memory_space<vmem>>, vector<1x16xf32>,
    %swap3A_844 = arith.constant 16 : i32
    %swap3A_845 = arith.index_cast %swap3A_844 : i32 to index
    %swap3A_846 = arith.constant 112 : index
    %swap3A_847 = tpu.vector_load %arg7[%swap3A_845, %swap3A_846] {strides = array<i32>} : memref<32x128xf32, #tpu.memory_space<vmem>>, vector<1x16xf32>,
    %swap3A_848 = vector.shape_cast %swap3A_847 : vector<1x16xf32> to vector<16xf32>
    %swap3A_849 = vector.shape_cast %broadcast_in_dim3A_34 : vector<16xf32> to vector<1x16xf32>
    tpu.vector_store %arg7[%swap3A_845, %swap3A_846], %swap3A_849 {strides = array<i32>} : memref<32x128xf32, #tpu.memory_space<vmem>>, vector<1x16xf32>,
    %swap3A_850 = arith.constant 17 : i32
    %swap3A_851 = arith.index_cast %swap3A_850 : i32 to index
    %swap3A_852 = arith.constant 0 : index
    %swap3A_853 = tpu.vector_load %arg7[%swap3A_851, %swap3A_852] {strides = array<i32>} : memref<32x128xf32, #tpu.memory_space<vmem>>, vector<1x16xf32>,
    %swap3A_854 = vector.shape_cast %swap3A_853 : vector<1x16xf32> to vector<16xf32>
    %swap3A_855 = vector.shape_cast %broadcast_in_dim3A_34 : vector<16xf32> to vector<1x16xf32>
    tpu.vector_store %arg7[%swap3A_851, %swap3A_852], %swap3A_855 {strides = array<i32>} : memref<32x128xf32, #tpu.memory_space<vmem>>, vector<1x16xf32>,
    %swap3A_856 = arith.constant 17 : i32
    %swap3A_857 = arith.index_cast %swap3A_856 : i32 to index
    %swap3A_858 = arith.constant 16 : index
    %swap3A_859 = tpu.vector_load %arg7[%swap3A_857, %swap3A_858] {strides = array<i32>} : memref<32x128xf32, #tpu.memory_space<vmem>>, vector<1x16xf32>,
    %swap3A_860 = vector.shape_cast %swap3A_859 : vector<1x16xf32> to vector<16xf32>
    %swap3A_861 = vector.shape_cast %broadcast_in_dim3A_34 : vector<16xf32> to vector<1x16xf32>
    tpu.vector_store %arg7[%swap3A_857, %swap3A_858], %swap3A_861 {strides = array<i32>} : memref<32x128xf32, #tpu.memory_space<vmem>>, vector<1x16xf32>,
    %swap3A_862 = arith.constant 17 : i32
    %swap3A_863 = arith.index_cast %swap3A_862 : i32 to index
    %swap3A_864 = arith.constant 32 : index
    %swap3A_865 = tpu.vector_load %arg7[%swap3A_863, %swap3A_864] {strides = array<i32>} : memref<32x128xf32, #tpu.memory_space<vmem>>, vector<1x16xf32>,
    %swap3A_866 = vector.shape_cast %swap3A_865 : vector<1x16xf32> to vector<16xf32>
    %swap3A_867 = vector.shape_cast %broadcast_in_dim3A_34 : vector<16xf32> to vector<1x16xf32>
    tpu.vector_store %arg7[%swap3A_863, %swap3A_864], %swap3A_867 {strides = array<i32>} : memref<32x128xf32, #tpu.memory_space<vmem>>, vector<1x16xf32>,
    %swap3A_868 = arith.constant 17 : i32
    %swap3A_869 = arith.index_cast %swap3A_868 : i32 to index
    %swap3A_870 = arith.constant 48 : index
    %swap3A_871 = tpu.vector_load %arg7[%swap3A_869, %swap3A_870] {strides = array<i32>} : memref<32x128xf32, #tpu.memory_space<vmem>>, vector<1x16xf32>,
    %swap3A_872 = vector.shape_cast %swap3A_871 : vector<1x16xf32> to vector<16xf32>
    %swap3A_873 = vector.shape_cast %broadcast_in_dim3A_34 : vector<16xf32> to vector<1x16xf32>
    tpu.vector_store %arg7[%swap3A_869, %swap3A_870], %swap3A_873 {strides = array<i32>} : memref<32x128xf32, #tpu.memory_space<vmem>>, vector<1x16xf32>,
    %swap3A_874 = arith.constant 17 : i32
    %swap3A_875 = arith.index_cast %swap3A_874 : i32 to index
    %swap3A_876 = arith.constant 64 : index
    %swap3A_877 = tpu.vector_load %arg7[%swap3A_875, %swap3A_876] {strides = array<i32>} : memref<32x128xf32, #tpu.memory_space<vmem>>, vector<1x16xf32>,
    %swap3A_878 = vector.shape_cast %swap3A_877 : vector<1x16xf32> to vector<16xf32>
    %swap3A_879 = vector.shape_cast %broadcast_in_dim3A_34 : vector<16xf32> to vector<1x16xf32>
    tpu.vector_store %arg7[%swap3A_875, %swap3A_876], %swap3A_879 {strides = array<i32>} : memref<32x128xf32, #tpu.memory_space<vmem>>, vector<1x16xf32>,
    %swap3A_880 = arith.constant 17 : i32
    %swap3A_881 = arith.index_cast %swap3A_880 : i32 to index
    %swap3A_882 = arith.constant 80 : index
    %swap3A_883 = tpu.vector_load %arg7[%swap3A_881, %swap3A_882] {strides = array<i32>} : memref<32x128xf32, #tpu.memory_space<vmem>>, vector<1x16xf32>,
    %swap3A_884 = vector.shape_cast %swap3A_883 : vector<1x16xf32> to vector<16xf32>
    %swap3A_885 = vector.shape_cast %broadcast_in_dim3A_34 : vector<16xf32> to vector<1x16xf32>
    tpu.vector_store %arg7[%swap3A_881, %swap3A_882], %swap3A_885 {strides = array<i32>} : memref<32x128xf32, #tpu.memory_space<vmem>>, vector<1x16xf32>,
    %swap3A_886 = arith.constant 17 : i32
    %swap3A_887 = arith.index_cast %swap3A_886 : i32 to index
    %swap3A_888 = arith.constant 96 : index
    %swap3A_889 = tpu.vector_load %arg7[%swap3A_887, %swap3A_888] {strides = array<i32>} : memref<32x128xf32, #tpu.memory_space<vmem>>, vector<1x16xf32>,
    %swap3A_890 = vector.shape_cast %swap3A_889 : vector<1x16xf32> to vector<16xf32>
    %swap3A_891 = vector.shape_cast %broadcast_in_dim3A_34 : vector<16xf32> to vector<1x16xf32>
    tpu.vector_store %arg7[%swap3A_887, %swap3A_888], %swap3A_891 {strides = array<i32>} : memref<32x128xf32, #tpu.memory_space<vmem>>, vector<1x16xf32>,
    %swap3A_892 = arith.constant 17 : i32
    %swap3A_893 = arith.index_cast %swap3A_892 : i32 to index
    %swap3A_894 = arith.constant 112 : index
    %swap3A_895 = tpu.vector_load %arg7[%swap3A_893, %swap3A_894] {strides = array<i32>} : memref<32x128xf32, #tpu.memory_space<vmem>>, vector<1x16xf32>,
    %swap3A_896 = vector.shape_cast %swap3A_895 : vector<1x16xf32> to vector<16xf32>
    %swap3A_897 = vector.shape_cast %broadcast_in_dim3A_34 : vector<16xf32> to vector<1x16xf32>
    tpu.vector_store %arg7[%swap3A_893, %swap3A_894], %swap3A_897 {strides = array<i32>} : memref<32x128xf32, #tpu.memory_space<vmem>>, vector<1x16xf32>,
    %swap3A_898 = arith.constant 18 : i32
    %swap3A_899 = arith.index_cast %swap3A_898 : i32 to index
    %swap3A_900 = arith.constant 0 : index
    %swap3A_901 = tpu.vector_load %arg7[%swap3A_899, %swap3A_900] {strides = array<i32>} : memref<32x128xf32, #tpu.memory_space<vmem>>, vector<1x16xf32>,
    %swap3A_902 = vector.shape_cast %swap3A_901 : vector<1x16xf32> to vector<16xf32>
    %swap3A_903 = vector.shape_cast %broadcast_in_dim3A_34 : vector<16xf32> to vector<1x16xf32>
    tpu.vector_store %arg7[%swap3A_899, %swap3A_900], %swap3A_903 {strides = array<i32>} : memref<32x128xf32, #tpu.memory_space<vmem>>, vector<1x16xf32>,
    %swap3A_904 = arith.constant 18 : i32
    %swap3A_905 = arith.index_cast %swap3A_904 : i32 to index
    %swap3A_906 = arith.constant 16 : index
    %swap3A_907 = tpu.vector_load %arg7[%swap3A_905, %swap3A_906] {strides = array<i32>} : memref<32x128xf32, #tpu.memory_space<vmem>>, vector<1x16xf32>,
    %swap3A_908 = vector.shape_cast %swap3A_907 : vector<1x16xf32> to vector<16xf32>
    %swap3A_909 = vector.shape_cast %broadcast_in_dim3A_34 : vector<16xf32> to vector<1x16xf32>
    tpu.vector_store %arg7[%swap3A_905, %swap3A_906], %swap3A_909 {strides = array<i32>} : memref<32x128xf32, #tpu.memory_space<vmem>>, vector<1x16xf32>,
    %swap3A_910 = arith.constant 18 : i32
    %swap3A_911 = arith.index_cast %swap3A_910 : i32 to index
    %swap3A_912 = arith.constant 32 : index
    %swap3A_913 = tpu.vector_load %arg7[%swap3A_911, %swap3A_912] {strides = array<i32>} : memref<32x128xf32, #tpu.memory_space<vmem>>, vector<1x16xf32>,
    %swap3A_914 = vector.shape_cast %swap3A_913 : vector<1x16xf32> to vector<16xf32>
    %swap3A_915 = vector.shape_cast %broadcast_in_dim3A_34 : vector<16xf32> to vector<1x16xf32>
    tpu.vector_store %arg7[%swap3A_911, %swap3A_912], %swap3A_915 {strides = array<i32>} : memref<32x128xf32, #tpu.memory_space<vmem>>, vector<1x16xf32>,
    %swap3A_916 = arith.constant 18 : i32
    %swap3A_917 = arith.index_cast %swap3A_916 : i32 to index
    %swap3A_918 = arith.constant 48 : index
    %swap3A_919 = tpu.vector_load %arg7[%swap3A_917, %swap3A_918] {strides = array<i32>} : memref<32x128xf32, #tpu.memory_space<vmem>>, vector<1x16xf32>,
    %swap3A_920 = vector.shape_cast %swap3A_919 : vector<1x16xf32> to vector<16xf32>
    %swap3A_921 = vector.shape_cast %broadcast_in_dim3A_34 : vector<16xf32> to vector<1x16xf32>
    tpu.vector_store %arg7[%swap3A_917, %swap3A_918], %swap3A_921 {strides = array<i32>} : memref<32x128xf32, #tpu.memory_space<vmem>>, vector<1x16xf32>,
    %swap3A_922 = arith.constant 18 : i32
    %swap3A_923 = arith.index_cast %swap3A_922 : i32 to index
    %swap3A_924 = arith.constant 64 : index
    %swap3A_925 = tpu.vector_load %arg7[%swap3A_923, %swap3A_924] {strides = array<i32>} : memref<32x128xf32, #tpu.memory_space<vmem>>, vector<1x16xf32>,
    %swap3A_926 = vector.shape_cast %swap3A_925 : vector<1x16xf32> to vector<16xf32>
    %swap3A_927 = vector.shape_cast %broadcast_in_dim3A_34 : vector<16xf32> to vector<1x16xf32>
    tpu.vector_store %arg7[%swap3A_923, %swap3A_924], %swap3A_927 {strides = array<i32>} : memref<32x128xf32, #tpu.memory_space<vmem>>, vector<1x16xf32>,
    %swap3A_928 = arith.constant 18 : i32
    %swap3A_929 = arith.index_cast %swap3A_928 : i32 to index
    %swap3A_930 = arith.constant 80 : index
    %swap3A_931 = tpu.vector_load %arg7[%swap3A_929, %swap3A_930] {strides = array<i32>} : memref<32x128xf32, #tpu.memory_space<vmem>>, vector<1x16xf32>,
    %swap3A_932 = vector.shape_cast %swap3A_931 : vector<1x16xf32> to vector<16xf32>
    %swap3A_933 = vector.shape_cast %broadcast_in_dim3A_34 : vector<16xf32> to vector<1x16xf32>
    tpu.vector_store %arg7[%swap3A_929, %swap3A_930], %swap3A_933 {strides = array<i32>} : memref<32x128xf32, #tpu.memory_space<vmem>>, vector<1x16xf32>,
    %swap3A_934 = arith.constant 18 : i32
    %swap3A_935 = arith.index_cast %swap3A_934 : i32 to index
    %swap3A_936 = arith.constant 96 : index
    %swap3A_937 = tpu.vector_load %arg7[%swap3A_935, %swap3A_936] {strides = array<i32>} : memref<32x128xf32, #tpu.memory_space<vmem>>, vector<1x16xf32>,
    %swap3A_938 = vector.shape_cast %swap3A_937 : vector<1x16xf32> to vector<16xf32>
    %swap3A_939 = vector.shape_cast %broadcast_in_dim3A_34 : vector<16xf32> to vector<1x16xf32>
    tpu.vector_store %arg7[%swap3A_935, %swap3A_936], %swap3A_939 {strides = array<i32>} : memref<32x128xf32, #tpu.memory_space<vmem>>, vector<1x16xf32>,
    %swap3A_940 = arith.constant 18 : i32
    %swap3A_941 = arith.index_cast %swap3A_940 : i32 to index
    %swap3A_942 = arith.constant 112 : index
    %swap3A_943 = tpu.vector_load %arg7[%swap3A_941, %swap3A_942] {strides = array<i32>} : memref<32x128xf32, #tpu.memory_space<vmem>>, vector<1x16xf32>,
    %swap3A_944 = vector.shape_cast %swap3A_943 : vector<1x16xf32> to vector<16xf32>
    %swap3A_945 = vector.shape_cast %broadcast_in_dim3A_34 : vector<16xf32> to vector<1x16xf32>
    tpu.vector_store %arg7[%swap3A_941, %swap3A_942], %swap3A_945 {strides = array<i32>} : memref<32x128xf32, #tpu.memory_space<vmem>>, vector<1x16xf32>,
    %swap3A_946 = arith.constant 19 : i32
    %swap3A_947 = arith.index_cast %swap3A_946 : i32 to index
    %swap3A_948 = arith.constant 0 : index
    %swap3A_949 = tpu.vector_load %arg7[%swap3A_947, %swap3A_948] {strides = array<i32>} : memref<32x128xf32, #tpu.memory_space<vmem>>, vector<1x16xf32>,
    %swap3A_950 = vector.shape_cast %swap3A_949 : vector<1x16xf32> to vector<16xf32>
    %swap3A_951 = vector.shape_cast %broadcast_in_dim3A_34 : vector<16xf32> to vector<1x16xf32>
    tpu.vector_store %arg7[%swap3A_947, %swap3A_948], %swap3A_951 {strides = array<i32>} : memref<32x128xf32, #tpu.memory_space<vmem>>, vector<1x16xf32>,
    %swap3A_952 = arith.constant 19 : i32
    %swap3A_953 = arith.index_cast %swap3A_952 : i32 to index
    %swap3A_954 = arith.constant 16 : index
    %swap3A_955 = tpu.vector_load %arg7[%swap3A_953, %swap3A_954] {strides = array<i32>} : memref<32x128xf32, #tpu.memory_space<vmem>>, vector<1x16xf32>,
    %swap3A_956 = vector.shape_cast %swap3A_955 : vector<1x16xf32> to vector<16xf32>
    %swap3A_957 = vector.shape_cast %broadcast_in_dim3A_34 : vector<16xf32> to vector<1x16xf32>
    tpu.vector_store %arg7[%swap3A_953, %swap3A_954], %swap3A_957 {strides = array<i32>} : memref<32x128xf32, #tpu.memory_space<vmem>>, vector<1x16xf32>,
    %swap3A_958 = arith.constant 19 : i32
    %swap3A_959 = arith.index_cast %swap3A_958 : i32 to index
    %swap3A_960 = arith.constant 32 : index
    %swap3A_961 = tpu.vector_load %arg7[%swap3A_959, %swap3A_960] {strides = array<i32>} : memref<32x128xf32, #tpu.memory_space<vmem>>, vector<1x16xf32>,
    %swap3A_962 = vector.shape_cast %swap3A_961 : vector<1x16xf32> to vector<16xf32>
    %swap3A_963 = vector.shape_cast %broadcast_in_dim3A_34 : vector<16xf32> to vector<1x16xf32>
    tpu.vector_store %arg7[%swap3A_959, %swap3A_960], %swap3A_963 {strides = array<i32>} : memref<32x128xf32, #tpu.memory_space<vmem>>, vector<1x16xf32>,
    %swap3A_964 = arith.constant 19 : i32
    %swap3A_965 = arith.index_cast %swap3A_964 : i32 to index
    %swap3A_966 = arith.constant 48 : index
    %swap3A_967 = tpu.vector_load %arg7[%swap3A_965, %swap3A_966] {strides = array<i32>} : memref<32x128xf32, #tpu.memory_space<vmem>>, vector<1x16xf32>,
    %swap3A_968 = vector.shape_cast %swap3A_967 : vector<1x16xf32> to vector<16xf32>
    %swap3A_969 = vector.shape_cast %broadcast_in_dim3A_34 : vector<16xf32> to vector<1x16xf32>
    tpu.vector_store %arg7[%swap3A_965, %swap3A_966], %swap3A_969 {strides = array<i32>} : memref<32x128xf32, #tpu.memory_space<vmem>>, vector<1x16xf32>,
    %swap3A_970 = arith.constant 19 : i32
    %swap3A_971 = arith.index_cast %swap3A_970 : i32 to index
    %swap3A_972 = arith.constant 64 : index
    %swap3A_973 = tpu.vector_load %arg7[%swap3A_971, %swap3A_972] {strides = array<i32>} : memref<32x128xf32, #tpu.memory_space<vmem>>, vector<1x16xf32>,
    %swap3A_974 = vector.shape_cast %swap3A_973 : vector<1x16xf32> to vector<16xf32>
    %swap3A_975 = vector.shape_cast %broadcast_in_dim3A_34 : vector<16xf32> to vector<1x16xf32>
    tpu.vector_store %arg7[%swap3A_971, %swap3A_972], %swap3A_975 {strides = array<i32>} : memref<32x128xf32, #tpu.memory_space<vmem>>, vector<1x16xf32>,
    %swap3A_976 = arith.constant 19 : i32
    %swap3A_977 = arith.index_cast %swap3A_976 : i32 to index
    %swap3A_978 = arith.constant 80 : index
    %swap3A_979 = tpu.vector_load %arg7[%swap3A_977, %swap3A_978] {strides = array<i32>} : memref<32x128xf32, #tpu.memory_space<vmem>>, vector<1x16xf32>,
    %swap3A_980 = vector.shape_cast %swap3A_979 : vector<1x16xf32> to vector<16xf32>
    %swap3A_981 = vector.shape_cast %broadcast_in_dim3A_34 : vector<16xf32> to vector<1x16xf32>
    tpu.vector_store %arg7[%swap3A_977, %swap3A_978], %swap3A_981 {strides = array<i32>} : memref<32x128xf32, #tpu.memory_space<vmem>>, vector<1x16xf32>,
    %swap3A_982 = arith.constant 19 : i32
    %swap3A_983 = arith.index_cast %swap3A_982 : i32 to index
    %swap3A_984 = arith.constant 96 : index
    %swap3A_985 = tpu.vector_load %arg7[%swap3A_983, %swap3A_984] {strides = array<i32>} : memref<32x128xf32, #tpu.memory_space<vmem>>, vector<1x16xf32>,
    %swap3A_986 = vector.shape_cast %swap3A_985 : vector<1x16xf32> to vector<16xf32>
    %swap3A_987 = vector.shape_cast %broadcast_in_dim3A_34 : vector<16xf32> to vector<1x16xf32>
    tpu.vector_store %arg7[%swap3A_983, %swap3A_984], %swap3A_987 {strides = array<i32>} : memref<32x128xf32, #tpu.memory_space<vmem>>, vector<1x16xf32>,
    %swap3A_988 = arith.constant 19 : i32
    %swap3A_989 = arith.index_cast %swap3A_988 : i32 to index
    %swap3A_990 = arith.constant 112 : index
    %swap3A_991 = tpu.vector_load %arg7[%swap3A_989, %swap3A_990] {strides = array<i32>} : memref<32x128xf32, #tpu.memory_space<vmem>>, vector<1x16xf32>,
    %swap3A_992 = vector.shape_cast %swap3A_991 : vector<1x16xf32> to vector<16xf32>
    %swap3A_993 = vector.shape_cast %broadcast_in_dim3A_34 : vector<16xf32> to vector<1x16xf32>
    tpu.vector_store %arg7[%swap3A_989, %swap3A_990], %swap3A_993 {strides = array<i32>} : memref<32x128xf32, #tpu.memory_space<vmem>>, vector<1x16xf32>,
    %swap3A_994 = arith.constant 20 : i32
    %swap3A_995 = arith.index_cast %swap3A_994 : i32 to index
    %swap3A_996 = arith.constant 0 : index
    %swap3A_997 = tpu.vector_load %arg7[%swap3A_995, %swap3A_996] {strides = array<i32>} : memref<32x128xf32, #tpu.memory_space<vmem>>, vector<1x16xf32>,
    %swap3A_998 = vector.shape_cast %swap3A_997 : vector<1x16xf32> to vector<16xf32>
    %swap3A_999 = vector.shape_cast %broadcast_in_dim3A_34 : vector<16xf32> to vector<1x16xf32>
    tpu.vector_store %arg7[%swap3A_995, %swap3A_996], %swap3A_999 {strides = array<i32>} : memref<32x128xf32, #tpu.memory_space<vmem>>, vector<1x16xf32>,
    %swap3A_1000 = arith.constant 20 : i32
    %swap3A_1001 = arith.index_cast %swap3A_1000 : i32 to index
    %swap3A_1002 = arith.constant 16 : index
    %swap3A_1003 = tpu.vector_load %arg7[%swap3A_1001, %swap3A_1002] {strides = array<i32>} : memref<32x128xf32, #tpu.memory_space<vmem>>, vector<1x16xf32>,
    %swap3A_1004 = vector.shape_cast %swap3A_1003 : vector<1x16xf32> to vector<16xf32>
    %swap3A_1005 = vector.shape_cast %broadcast_in_dim3A_34 : vector<16xf32> to vector<1x16xf32>
    tpu.vector_store %arg7[%swap3A_1001, %swap3A_1002], %swap3A_1005 {strides = array<i32>} : memref<32x128xf32, #tpu.memory_space<vmem>>, vector<1x16xf32>,
    %swap3A_1006 = arith.constant 20 : i32
    %swap3A_1007 = arith.index_cast %swap3A_1006 : i32 to index
    %swap3A_1008 = arith.constant 32 : index
    %swap3A_1009 = tpu.vector_load %arg7[%swap3A_1007, %swap3A_1008] {strides = array<i32>} : memref<32x128xf32, #tpu.memory_space<vmem>>, vector<1x16xf32>,
    %swap3A_1010 = vector.shape_cast %swap3A_1009 : vector<1x16xf32> to vector<16xf32>
    %swap3A_1011 = vector.shape_cast %broadcast_in_dim3A_34 : vector<16xf32> to vector<1x16xf32>
    tpu.vector_store %arg7[%swap3A_1007, %swap3A_1008], %swap3A_1011 {strides = array<i32>} : memref<32x128xf32, #tpu.memory_space<vmem>>, vector<1x16xf32>,
    %swap3A_1012 = arith.constant 20 : i32
    %swap3A_1013 = arith.index_cast %swap3A_1012 : i32 to index
    %swap3A_1014 = arith.constant 48 : index
    %swap3A_1015 = tpu.vector_load %arg7[%swap3A_1013, %swap3A_1014] {strides = array<i32>} : memref<32x128xf32, #tpu.memory_space<vmem>>, vector<1x16xf32>,
    %swap3A_1016 = vector.shape_cast %swap3A_1015 : vector<1x16xf32> to vector<16xf32>
    %swap3A_1017 = vector.shape_cast %broadcast_in_dim3A_34 : vector<16xf32> to vector<1x16xf32>
    tpu.vector_store %arg7[%swap3A_1013, %swap3A_1014], %swap3A_1017 {strides = array<i32>} : memref<32x128xf32, #tpu.memory_space<vmem>>, vector<1x16xf32>,
    %swap3A_1018 = arith.constant 20 : i32
    %swap3A_1019 = arith.index_cast %swap3A_1018 : i32 to index
    %swap3A_1020 = arith.constant 64 : index
    %swap3A_1021 = tpu.vector_load %arg7[%swap3A_1019, %swap3A_1020] {strides = array<i32>} : memref<32x128xf32, #tpu.memory_space<vmem>>, vector<1x16xf32>,
    %swap3A_1022 = vector.shape_cast %swap3A_1021 : vector<1x16xf32> to vector<16xf32>
    %swap3A_1023 = vector.shape_cast %broadcast_in_dim3A_34 : vector<16xf32> to vector<1x16xf32>
    tpu.vector_store %arg7[%swap3A_1019, %swap3A_1020], %swap3A_1023 {strides = array<i32>} : memref<32x128xf32, #tpu.memory_space<vmem>>, vector<1x16xf32>,
    %swap3A_1024 = arith.constant 20 : i32
    %swap3A_1025 = arith.index_cast %swap3A_1024 : i32 to index
    %swap3A_1026 = arith.constant 80 : index
    %swap3A_1027 = tpu.vector_load %arg7[%swap3A_1025, %swap3A_1026] {strides = array<i32>} : memref<32x128xf32, #tpu.memory_space<vmem>>, vector<1x16xf32>,
    %swap3A_1028 = vector.shape_cast %swap3A_1027 : vector<1x16xf32> to vector<16xf32>
    %swap3A_1029 = vector.shape_cast %broadcast_in_dim3A_34 : vector<16xf32> to vector<1x16xf32>
    tpu.vector_store %arg7[%swap3A_1025, %swap3A_1026], %swap3A_1029 {strides = array<i32>} : memref<32x128xf32, #tpu.memory_space<vmem>>, vector<1x16xf32>,
    %swap3A_1030 = arith.constant 20 : i32
    %swap3A_1031 = arith.index_cast %swap3A_1030 : i32 to index
    %swap3A_1032 = arith.constant 96 : index
    %swap3A_1033 = tpu.vector_load %arg7[%swap3A_1031, %swap3A_1032] {strides = array<i32>} : memref<32x128xf32, #tpu.memory_space<vmem>>, vector<1x16xf32>,
    %swap3A_1034 = vector.shape_cast %swap3A_1033 : vector<1x16xf32> to vector<16xf32>
    %swap3A_1035 = vector.shape_cast %broadcast_in_dim3A_34 : vector<16xf32> to vector<1x16xf32>
    tpu.vector_store %arg7[%swap3A_1031, %swap3A_1032], %swap3A_1035 {strides = array<i32>} : memref<32x128xf32, #tpu.memory_space<vmem>>, vector<1x16xf32>,
    %swap3A_1036 = arith.constant 20 : i32
    %swap3A_1037 = arith.index_cast %swap3A_1036 : i32 to index
    %swap3A_1038 = arith.constant 112 : index
    %swap3A_1039 = tpu.vector_load %arg7[%swap3A_1037, %swap3A_1038] {strides = array<i32>} : memref<32x128xf32, #tpu.memory_space<vmem>>, vector<1x16xf32>,
    %swap3A_1040 = vector.shape_cast %swap3A_1039 : vector<1x16xf32> to vector<16xf32>
    %swap3A_1041 = vector.shape_cast %broadcast_in_dim3A_34 : vector<16xf32> to vector<1x16xf32>
    tpu.vector_store %arg7[%swap3A_1037, %swap3A_1038], %swap3A_1041 {strides = array<i32>} : memref<32x128xf32, #tpu.memory_space<vmem>>, vector<1x16xf32>,
    %swap3A_1042 = arith.constant 21 : i32
    %swap3A_1043 = arith.index_cast %swap3A_1042 : i32 to index
    %swap3A_1044 = arith.constant 0 : index
    %swap3A_1045 = tpu.vector_load %arg7[%swap3A_1043, %swap3A_1044] {strides = array<i32>} : memref<32x128xf32, #tpu.memory_space<vmem>>, vector<1x16xf32>,
    %swap3A_1046 = vector.shape_cast %swap3A_1045 : vector<1x16xf32> to vector<16xf32>
    %swap3A_1047 = vector.shape_cast %broadcast_in_dim3A_34 : vector<16xf32> to vector<1x16xf32>
    tpu.vector_store %arg7[%swap3A_1043, %swap3A_1044], %swap3A_1047 {strides = array<i32>} : memref<32x128xf32, #tpu.memory_space<vmem>>, vector<1x16xf32>,
    %swap3A_1048 = arith.constant 21 : i32
    %swap3A_1049 = arith.index_cast %swap3A_1048 : i32 to index
    %swap3A_1050 = arith.constant 16 : index
    %swap3A_1051 = tpu.vector_load %arg7[%swap3A_1049, %swap3A_1050] {strides = array<i32>} : memref<32x128xf32, #tpu.memory_space<vmem>>, vector<1x16xf32>,
    %swap3A_1052 = vector.shape_cast %swap3A_1051 : vector<1x16xf32> to vector<16xf32>
    %swap3A_1053 = vector.shape_cast %broadcast_in_dim3A_34 : vector<16xf32> to vector<1x16xf32>
    tpu.vector_store %arg7[%swap3A_1049, %swap3A_1050], %swap3A_1053 {strides = array<i32>} : memref<32x128xf32, #tpu.memory_space<vmem>>, vector<1x16xf32>,
    %swap3A_1054 = arith.constant 21 : i32
    %swap3A_1055 = arith.index_cast %swap3A_1054 : i32 to index
    %swap3A_1056 = arith.constant 32 : index
    %swap3A_1057 = tpu.vector_load %arg7[%swap3A_1055, %swap3A_1056] {strides = array<i32>} : memref<32x128xf32, #tpu.memory_space<vmem>>, vector<1x16xf32>,
    %swap3A_1058 = vector.shape_cast %swap3A_1057 : vector<1x16xf32> to vector<16xf32>
    %swap3A_1059 = vector.shape_cast %broadcast_in_dim3A_34 : vector<16xf32> to vector<1x16xf32>
    tpu.vector_store %arg7[%swap3A_1055, %swap3A_1056], %swap3A_1059 {strides = array<i32>} : memref<32x128xf32, #tpu.memory_space<vmem>>, vector<1x16xf32>,
    %swap3A_1060 = arith.constant 21 : i32
    %swap3A_1061 = arith.index_cast %swap3A_1060 : i32 to index
    %swap3A_1062 = arith.constant 48 : index
    %swap3A_1063 = tpu.vector_load %arg7[%swap3A_1061, %swap3A_1062] {strides = array<i32>} : memref<32x128xf32, #tpu.memory_space<vmem>>, vector<1x16xf32>,
    %swap3A_1064 = vector.shape_cast %swap3A_1063 : vector<1x16xf32> to vector<16xf32>
    %swap3A_1065 = vector.shape_cast %broadcast_in_dim3A_34 : vector<16xf32> to vector<1x16xf32>
    tpu.vector_store %arg7[%swap3A_1061, %swap3A_1062], %swap3A_1065 {strides = array<i32>} : memref<32x128xf32, #tpu.memory_space<vmem>>, vector<1x16xf32>,
    %swap3A_1066 = arith.constant 21 : i32
    %swap3A_1067 = arith.index_cast %swap3A_1066 : i32 to index
    %swap3A_1068 = arith.constant 64 : index
    %swap3A_1069 = tpu.vector_load %arg7[%swap3A_1067, %swap3A_1068] {strides = array<i32>} : memref<32x128xf32, #tpu.memory_space<vmem>>, vector<1x16xf32>,
    %swap3A_1070 = vector.shape_cast %swap3A_1069 : vector<1x16xf32> to vector<16xf32>
    %swap3A_1071 = vector.shape_cast %broadcast_in_dim3A_34 : vector<16xf32> to vector<1x16xf32>
    tpu.vector_store %arg7[%swap3A_1067, %swap3A_1068], %swap3A_1071 {strides = array<i32>} : memref<32x128xf32, #tpu.memory_space<vmem>>, vector<1x16xf32>,
    %swap3A_1072 = arith.constant 21 : i32
    %swap3A_1073 = arith.index_cast %swap3A_1072 : i32 to index
    %swap3A_1074 = arith.constant 80 : index
    %swap3A_1075 = tpu.vector_load %arg7[%swap3A_1073, %swap3A_1074] {strides = array<i32>} : memref<32x128xf32, #tpu.memory_space<vmem>>, vector<1x16xf32>,
    %swap3A_1076 = vector.shape_cast %swap3A_1075 : vector<1x16xf32> to vector<16xf32>
    %swap3A_1077 = vector.shape_cast %broadcast_in_dim3A_34 : vector<16xf32> to vector<1x16xf32>
    tpu.vector_store %arg7[%swap3A_1073, %swap3A_1074], %swap3A_1077 {strides = array<i32>} : memref<32x128xf32, #tpu.memory_space<vmem>>, vector<1x16xf32>,
    %swap3A_1078 = arith.constant 21 : i32
    %swap3A_1079 = arith.index_cast %swap3A_1078 : i32 to index
    %swap3A_1080 = arith.constant 96 : index
    %swap3A_1081 = tpu.vector_load %arg7[%swap3A_1079, %swap3A_1080] {strides = array<i32>} : memref<32x128xf32, #tpu.memory_space<vmem>>, vector<1x16xf32>,
    %swap3A_1082 = vector.shape_cast %swap3A_1081 : vector<1x16xf32> to vector<16xf32>
    %swap3A_1083 = vector.shape_cast %broadcast_in_dim3A_34 : vector<16xf32> to vector<1x16xf32>
    tpu.vector_store %arg7[%swap3A_1079, %swap3A_1080], %swap3A_1083 {strides = array<i32>} : memref<32x128xf32, #tpu.memory_space<vmem>>, vector<1x16xf32>,
    %swap3A_1084 = arith.constant 21 : i32
    %swap3A_1085 = arith.index_cast %swap3A_1084 : i32 to index
    %swap3A_1086 = arith.constant 112 : index
    %swap3A_1087 = tpu.vector_load %arg7[%swap3A_1085, %swap3A_1086] {strides = array<i32>} : memref<32x128xf32, #tpu.memory_space<vmem>>, vector<1x16xf32>,
    %swap3A_1088 = vector.shape_cast %swap3A_1087 : vector<1x16xf32> to vector<16xf32>
    %swap3A_1089 = vector.shape_cast %broadcast_in_dim3A_34 : vector<16xf32> to vector<1x16xf32>
    tpu.vector_store %arg7[%swap3A_1085, %swap3A_1086], %swap3A_1089 {strides = array<i32>} : memref<32x128xf32, #tpu.memory_space<vmem>>, vector<1x16xf32>,
    %swap3A_1090 = arith.constant 22 : i32
    %swap3A_1091 = arith.index_cast %swap3A_1090 : i32 to index
    %swap3A_1092 = arith.constant 0 : index
    %swap3A_1093 = tpu.vector_load %arg7[%swap3A_1091, %swap3A_1092] {strides = array<i32>} : memref<32x128xf32, #tpu.memory_space<vmem>>, vector<1x16xf32>,
    %swap3A_1094 = vector.shape_cast %swap3A_1093 : vector<1x16xf32> to vector<16xf32>
    %swap3A_1095 = vector.shape_cast %broadcast_in_dim3A_34 : vector<16xf32> to vector<1x16xf32>
    tpu.vector_store %arg7[%swap3A_1091, %swap3A_1092], %swap3A_1095 {strides = array<i32>} : memref<32x128xf32, #tpu.memory_space<vmem>>, vector<1x16xf32>,
    %swap3A_1096 = arith.constant 22 : i32
    %swap3A_1097 = arith.index_cast %swap3A_1096 : i32 to index
    %swap3A_1098 = arith.constant 16 : index
    %swap3A_1099 = tpu.vector_load %arg7[%swap3A_1097, %swap3A_1098] {strides = array<i32>} : memref<32x128xf32, #tpu.memory_space<vmem>>, vector<1x16xf32>,
    %swap3A_1100 = vector.shape_cast %swap3A_1099 : vector<1x16xf32> to vector<16xf32>
    %swap3A_1101 = vector.shape_cast %broadcast_in_dim3A_34 : vector<16xf32> to vector<1x16xf32>
    tpu.vector_store %arg7[%swap3A_1097, %swap3A_1098], %swap3A_1101 {strides = array<i32>} : memref<32x128xf32, #tpu.memory_space<vmem>>, vector<1x16xf32>,
    %swap3A_1102 = arith.constant 22 : i32
    %swap3A_1103 = arith.index_cast %swap3A_1102 : i32 to index
    %swap3A_1104 = arith.constant 32 : index
    %swap3A_1105 = tpu.vector_load %arg7[%swap3A_1103, %swap3A_1104] {strides = array<i32>} : memref<32x128xf32, #tpu.memory_space<vmem>>, vector<1x16xf32>,
    %swap3A_1106 = vector.shape_cast %swap3A_1105 : vector<1x16xf32> to vector<16xf32>
    %swap3A_1107 = vector.shape_cast %broadcast_in_dim3A_34 : vector<16xf32> to vector<1x16xf32>
    tpu.vector_store %arg7[%swap3A_1103, %swap3A_1104], %swap3A_1107 {strides = array<i32>} : memref<32x128xf32, #tpu.memory_space<vmem>>, vector<1x16xf32>,
    %swap3A_1108 = arith.constant 22 : i32
    %swap3A_1109 = arith.index_cast %swap3A_1108 : i32 to index
    %swap3A_1110 = arith.constant 48 : index
    %swap3A_1111 = tpu.vector_load %arg7[%swap3A_1109, %swap3A_1110] {strides = array<i32>} : memref<32x128xf32, #tpu.memory_space<vmem>>, vector<1x16xf32>,
    %swap3A_1112 = vector.shape_cast %swap3A_1111 : vector<1x16xf32> to vector<16xf32>
    %swap3A_1113 = vector.shape_cast %broadcast_in_dim3A_34 : vector<16xf32> to vector<1x16xf32>
    tpu.vector_store %arg7[%swap3A_1109, %swap3A_1110], %swap3A_1113 {strides = array<i32>} : memref<32x128xf32, #tpu.memory_space<vmem>>, vector<1x16xf32>,
    %swap3A_1114 = arith.constant 22 : i32
    %swap3A_1115 = arith.index_cast %swap3A_1114 : i32 to index
    %swap3A_1116 = arith.constant 64 : index
    %swap3A_1117 = tpu.vector_load %arg7[%swap3A_1115, %swap3A_1116] {strides = array<i32>} : memref<32x128xf32, #tpu.memory_space<vmem>>, vector<1x16xf32>,
    %swap3A_1118 = vector.shape_cast %swap3A_1117 : vector<1x16xf32> to vector<16xf32>
    %swap3A_1119 = vector.shape_cast %broadcast_in_dim3A_34 : vector<16xf32> to vector<1x16xf32>
    tpu.vector_store %arg7[%swap3A_1115, %swap3A_1116], %swap3A_1119 {strides = array<i32>} : memref<32x128xf32, #tpu.memory_space<vmem>>, vector<1x16xf32>,
    %swap3A_1120 = arith.constant 22 : i32
    %swap3A_1121 = arith.index_cast %swap3A_1120 : i32 to index
    %swap3A_1122 = arith.constant 80 : index
    %swap3A_1123 = tpu.vector_load %arg7[%swap3A_1121, %swap3A_1122] {strides = array<i32>} : memref<32x128xf32, #tpu.memory_space<vmem>>, vector<1x16xf32>,
    %swap3A_1124 = vector.shape_cast %swap3A_1123 : vector<1x16xf32> to vector<16xf32>
    %swap3A_1125 = vector.shape_cast %broadcast_in_dim3A_34 : vector<16xf32> to vector<1x16xf32>
    tpu.vector_store %arg7[%swap3A_1121, %swap3A_1122], %swap3A_1125 {strides = array<i32>} : memref<32x128xf32, #tpu.memory_space<vmem>>, vector<1x16xf32>,
    %swap3A_1126 = arith.constant 22 : i32
    %swap3A_1127 = arith.index_cast %swap3A_1126 : i32 to index
    %swap3A_1128 = arith.constant 96 : index
    %swap3A_1129 = tpu.vector_load %arg7[%swap3A_1127, %swap3A_1128] {strides = array<i32>} : memref<32x128xf32, #tpu.memory_space<vmem>>, vector<1x16xf32>,
    %swap3A_1130 = vector.shape_cast %swap3A_1129 : vector<1x16xf32> to vector<16xf32>
    %swap3A_1131 = vector.shape_cast %broadcast_in_dim3A_34 : vector<16xf32> to vector<1x16xf32>
    tpu.vector_store %arg7[%swap3A_1127, %swap3A_1128], %swap3A_1131 {strides = array<i32>} : memref<32x128xf32, #tpu.memory_space<vmem>>, vector<1x16xf32>,
    %swap3A_1132 = arith.constant 22 : i32
    %swap3A_1133 = arith.index_cast %swap3A_1132 : i32 to index
    %swap3A_1134 = arith.constant 112 : index
    %swap3A_1135 = tpu.vector_load %arg7[%swap3A_1133, %swap3A_1134] {strides = array<i32>} : memref<32x128xf32, #tpu.memory_space<vmem>>, vector<1x16xf32>,
    %swap3A_1136 = vector.shape_cast %swap3A_1135 : vector<1x16xf32> to vector<16xf32>
    %swap3A_1137 = vector.shape_cast %broadcast_in_dim3A_34 : vector<16xf32> to vector<1x16xf32>
    tpu.vector_store %arg7[%swap3A_1133, %swap3A_1134], %swap3A_1137 {strides = array<i32>} : memref<32x128xf32, #tpu.memory_space<vmem>>, vector<1x16xf32>,
    %swap3A_1138 = arith.constant 23 : i32
    %swap3A_1139 = arith.index_cast %swap3A_1138 : i32 to index
    %swap3A_1140 = arith.constant 0 : index
    %swap3A_1141 = tpu.vector_load %arg7[%swap3A_1139, %swap3A_1140] {strides = array<i32>} : memref<32x128xf32, #tpu.memory_space<vmem>>, vector<1x16xf32>,
    %swap3A_1142 = vector.shape_cast %swap3A_1141 : vector<1x16xf32> to vector<16xf32>
    %swap3A_1143 = vector.shape_cast %broadcast_in_dim3A_34 : vector<16xf32> to vector<1x16xf32>
    tpu.vector_store %arg7[%swap3A_1139, %swap3A_1140], %swap3A_1143 {strides = array<i32>} : memref<32x128xf32, #tpu.memory_space<vmem>>, vector<1x16xf32>,
    %swap3A_1144 = arith.constant 23 : i32
    %swap3A_1145 = arith.index_cast %swap3A_1144 : i32 to index
    %swap3A_1146 = arith.constant 16 : index
    %swap3A_1147 = tpu.vector_load %arg7[%swap3A_1145, %swap3A_1146] {strides = array<i32>} : memref<32x128xf32, #tpu.memory_space<vmem>>, vector<1x16xf32>,
    %swap3A_1148 = vector.shape_cast %swap3A_1147 : vector<1x16xf32> to vector<16xf32>
    %swap3A_1149 = vector.shape_cast %broadcast_in_dim3A_34 : vector<16xf32> to vector<1x16xf32>
    tpu.vector_store %arg7[%swap3A_1145, %swap3A_1146], %swap3A_1149 {strides = array<i32>} : memref<32x128xf32, #tpu.memory_space<vmem>>, vector<1x16xf32>,
    %swap3A_1150 = arith.constant 23 : i32
    %swap3A_1151 = arith.index_cast %swap3A_1150 : i32 to index
    %swap3A_1152 = arith.constant 32 : index
    %swap3A_1153 = tpu.vector_load %arg7[%swap3A_1151, %swap3A_1152] {strides = array<i32>} : memref<32x128xf32, #tpu.memory_space<vmem>>, vector<1x16xf32>,
    %swap3A_1154 = vector.shape_cast %swap3A_1153 : vector<1x16xf32> to vector<16xf32>
    %swap3A_1155 = vector.shape_cast %broadcast_in_dim3A_34 : vector<16xf32> to vector<1x16xf32>
    tpu.vector_store %arg7[%swap3A_1151, %swap3A_1152], %swap3A_1155 {strides = array<i32>} : memref<32x128xf32, #tpu.memory_space<vmem>>, vector<1x16xf32>,
    %swap3A_1156 = arith.constant 23 : i32
    %swap3A_1157 = arith.index_cast %swap3A_1156 : i32 to index
    %swap3A_1158 = arith.constant 48 : index
    %swap3A_1159 = tpu.vector_load %arg7[%swap3A_1157, %swap3A_1158] {strides = array<i32>} : memref<32x128xf32, #tpu.memory_space<vmem>>, vector<1x16xf32>,
    %swap3A_1160 = vector.shape_cast %swap3A_1159 : vector<1x16xf32> to vector<16xf32>
    %swap3A_1161 = vector.shape_cast %broadcast_in_dim3A_34 : vector<16xf32> to vector<1x16xf32>
    tpu.vector_store %arg7[%swap3A_1157, %swap3A_1158], %swap3A_1161 {strides = array<i32>} : memref<32x128xf32, #tpu.memory_space<vmem>>, vector<1x16xf32>,
    %swap3A_1162 = arith.constant 23 : i32
    %swap3A_1163 = arith.index_cast %swap3A_1162 : i32 to index
    %swap3A_1164 = arith.constant 64 : index
    %swap3A_1165 = tpu.vector_load %arg7[%swap3A_1163, %swap3A_1164] {strides = array<i32>} : memref<32x128xf32, #tpu.memory_space<vmem>>, vector<1x16xf32>,
    %swap3A_1166 = vector.shape_cast %swap3A_1165 : vector<1x16xf32> to vector<16xf32>
    %swap3A_1167 = vector.shape_cast %broadcast_in_dim3A_34 : vector<16xf32> to vector<1x16xf32>
    tpu.vector_store %arg7[%swap3A_1163, %swap3A_1164], %swap3A_1167 {strides = array<i32>} : memref<32x128xf32, #tpu.memory_space<vmem>>, vector<1x16xf32>,
    %swap3A_1168 = arith.constant 23 : i32
    %swap3A_1169 = arith.index_cast %swap3A_1168 : i32 to index
    %swap3A_1170 = arith.constant 80 : index
    %swap3A_1171 = tpu.vector_load %arg7[%swap3A_1169, %swap3A_1170] {strides = array<i32>} : memref<32x128xf32, #tpu.memory_space<vmem>>, vector<1x16xf32>,
    %swap3A_1172 = vector.shape_cast %swap3A_1171 : vector<1x16xf32> to vector<16xf32>
    %swap3A_1173 = vector.shape_cast %broadcast_in_dim3A_34 : vector<16xf32> to vector<1x16xf32>
    tpu.vector_store %arg7[%swap3A_1169, %swap3A_1170], %swap3A_1173 {strides = array<i32>} : memref<32x128xf32, #tpu.memory_space<vmem>>, vector<1x16xf32>,
    %swap3A_1174 = arith.constant 23 : i32
    %swap3A_1175 = arith.index_cast %swap3A_1174 : i32 to index
    %swap3A_1176 = arith.constant 96 : index
    %swap3A_1177 = tpu.vector_load %arg7[%swap3A_1175, %swap3A_1176] {strides = array<i32>} : memref<32x128xf32, #tpu.memory_space<vmem>>, vector<1x16xf32>,
    %swap3A_1178 = vector.shape_cast %swap3A_1177 : vector<1x16xf32> to vector<16xf32>
    %swap3A_1179 = vector.shape_cast %broadcast_in_dim3A_34 : vector<16xf32> to vector<1x16xf32>
    tpu.vector_store %arg7[%swap3A_1175, %swap3A_1176], %swap3A_1179 {strides = array<i32>} : memref<32x128xf32, #tpu.memory_space<vmem>>, vector<1x16xf32>,
    %swap3A_1180 = arith.constant 23 : i32
    %swap3A_1181 = arith.index_cast %swap3A_1180 : i32 to index
    %swap3A_1182 = arith.constant 112 : index
    %swap3A_1183 = tpu.vector_load %arg7[%swap3A_1181, %swap3A_1182] {strides = array<i32>} : memref<32x128xf32, #tpu.memory_space<vmem>>, vector<1x16xf32>,
    %swap3A_1184 = vector.shape_cast %swap3A_1183 : vector<1x16xf32> to vector<16xf32>
    %swap3A_1185 = vector.shape_cast %broadcast_in_dim3A_34 : vector<16xf32> to vector<1x16xf32>
    tpu.vector_store %arg7[%swap3A_1181, %swap3A_1182], %swap3A_1185 {strides = array<i32>} : memref<32x128xf32, #tpu.memory_space<vmem>>, vector<1x16xf32>,
    %swap3A_1186 = arith.constant 24 : i32
    %swap3A_1187 = arith.index_cast %swap3A_1186 : i32 to index
    %swap3A_1188 = arith.constant 0 : index
    %swap3A_1189 = tpu.vector_load %arg7[%swap3A_1187, %swap3A_1188] {strides = array<i32>} : memref<32x128xf32, #tpu.memory_space<vmem>>, vector<1x16xf32>,
    %swap3A_1190 = vector.shape_cast %swap3A_1189 : vector<1x16xf32> to vector<16xf32>
    %swap3A_1191 = vector.shape_cast %broadcast_in_dim3A_34 : vector<16xf32> to vector<1x16xf32>
    tpu.vector_store %arg7[%swap3A_1187, %swap3A_1188], %swap3A_1191 {strides = array<i32>} : memref<32x128xf32, #tpu.memory_space<vmem>>, vector<1x16xf32>,
    %swap3A_1192 = arith.constant 24 : i32
    %swap3A_1193 = arith.index_cast %swap3A_1192 : i32 to index
    %swap3A_1194 = arith.constant 16 : index
    %swap3A_1195 = tpu.vector_load %arg7[%swap3A_1193, %swap3A_1194] {strides = array<i32>} : memref<32x128xf32, #tpu.memory_space<vmem>>, vector<1x16xf32>,
    %swap3A_1196 = vector.shape_cast %swap3A_1195 : vector<1x16xf32> to vector<16xf32>
    %swap3A_1197 = vector.shape_cast %broadcast_in_dim3A_34 : vector<16xf32> to vector<1x16xf32>
    tpu.vector_store %arg7[%swap3A_1193, %swap3A_1194], %swap3A_1197 {strides = array<i32>} : memref<32x128xf32, #tpu.memory_space<vmem>>, vector<1x16xf32>,
    %swap3A_1198 = arith.constant 24 : i32
    %swap3A_1199 = arith.index_cast %swap3A_1198 : i32 to index
    %swap3A_1200 = arith.constant 32 : index
    %swap3A_1201 = tpu.vector_load %arg7[%swap3A_1199, %swap3A_1200] {strides = array<i32>} : memref<32x128xf32, #tpu.memory_space<vmem>>, vector<1x16xf32>,
    %swap3A_1202 = vector.shape_cast %swap3A_1201 : vector<1x16xf32> to vector<16xf32>
    %swap3A_1203 = vector.shape_cast %broadcast_in_dim3A_34 : vector<16xf32> to vector<1x16xf32>
    tpu.vector_store %arg7[%swap3A_1199, %swap3A_1200], %swap3A_1203 {strides = array<i32>} : memref<32x128xf32, #tpu.memory_space<vmem>>, vector<1x16xf32>,
    %swap3A_1204 = arith.constant 24 : i32
    %swap3A_1205 = arith.index_cast %swap3A_1204 : i32 to index
    %swap3A_1206 = arith.constant 48 : index
    %swap3A_1207 = tpu.vector_load %arg7[%swap3A_1205, %swap3A_1206] {strides = array<i32>} : memref<32x128xf32, #tpu.memory_space<vmem>>, vector<1x16xf32>,
    %swap3A_1208 = vector.shape_cast %swap3A_1207 : vector<1x16xf32> to vector<16xf32>
    %swap3A_1209 = vector.shape_cast %broadcast_in_dim3A_34 : vector<16xf32> to vector<1x16xf32>
    tpu.vector_store %arg7[%swap3A_1205, %swap3A_1206], %swap3A_1209 {strides = array<i32>} : memref<32x128xf32, #tpu.memory_space<vmem>>, vector<1x16xf32>,
    %swap3A_1210 = arith.constant 24 : i32
    %swap3A_1211 = arith.index_cast %swap3A_1210 : i32 to index
    %swap3A_1212 = arith.constant 64 : index
    %swap3A_1213 = tpu.vector_load %arg7[%swap3A_1211, %swap3A_1212] {strides = array<i32>} : memref<32x128xf32, #tpu.memory_space<vmem>>, vector<1x16xf32>,
    %swap3A_1214 = vector.shape_cast %swap3A_1213 : vector<1x16xf32> to vector<16xf32>
    %swap3A_1215 = vector.shape_cast %broadcast_in_dim3A_34 : vector<16xf32> to vector<1x16xf32>
    tpu.vector_store %arg7[%swap3A_1211, %swap3A_1212], %swap3A_1215 {strides = array<i32>} : memref<32x128xf32, #tpu.memory_space<vmem>>, vector<1x16xf32>,
    %swap3A_1216 = arith.constant 24 : i32
    %swap3A_1217 = arith.index_cast %swap3A_1216 : i32 to index
    %swap3A_1218 = arith.constant 80 : index
    %swap3A_1219 = tpu.vector_load %arg7[%swap3A_1217, %swap3A_1218] {strides = array<i32>} : memref<32x128xf32, #tpu.memory_space<vmem>>, vector<1x16xf32>,
    %swap3A_1220 = vector.shape_cast %swap3A_1219 : vector<1x16xf32> to vector<16xf32>
    %swap3A_1221 = vector.shape_cast %broadcast_in_dim3A_34 : vector<16xf32> to vector<1x16xf32>
    tpu.vector_store %arg7[%swap3A_1217, %swap3A_1218], %swap3A_1221 {strides = array<i32>} : memref<32x128xf32, #tpu.memory_space<vmem>>, vector<1x16xf32>,
    %swap3A_1222 = arith.constant 24 : i32
    %swap3A_1223 = arith.index_cast %swap3A_1222 : i32 to index
    %swap3A_1224 = arith.constant 96 : index
    %swap3A_1225 = tpu.vector_load %arg7[%swap3A_1223, %swap3A_1224] {strides = array<i32>} : memref<32x128xf32, #tpu.memory_space<vmem>>, vector<1x16xf32>,
    %swap3A_1226 = vector.shape_cast %swap3A_1225 : vector<1x16xf32> to vector<16xf32>
    %swap3A_1227 = vector.shape_cast %broadcast_in_dim3A_34 : vector<16xf32> to vector<1x16xf32>
    tpu.vector_store %arg7[%swap3A_1223, %swap3A_1224], %swap3A_1227 {strides = array<i32>} : memref<32x128xf32, #tpu.memory_space<vmem>>, vector<1x16xf32>,
    %swap3A_1228 = arith.constant 24 : i32
    %swap3A_1229 = arith.index_cast %swap3A_1228 : i32 to index
    %swap3A_1230 = arith.constant 112 : index
    %swap3A_1231 = tpu.vector_load %arg7[%swap3A_1229, %swap3A_1230] {strides = array<i32>} : memref<32x128xf32, #tpu.memory_space<vmem>>, vector<1x16xf32>,
    %swap3A_1232 = vector.shape_cast %swap3A_1231 : vector<1x16xf32> to vector<16xf32>
    %swap3A_1233 = vector.shape_cast %broadcast_in_dim3A_34 : vector<16xf32> to vector<1x16xf32>
    tpu.vector_store %arg7[%swap3A_1229, %swap3A_1230], %swap3A_1233 {strides = array<i32>} : memref<32x128xf32, #tpu.memory_space<vmem>>, vector<1x16xf32>,
    %swap3A_1234 = arith.constant 25 : i32
    %swap3A_1235 = arith.index_cast %swap3A_1234 : i32 to index
    %swap3A_1236 = arith.constant 0 : index
    %swap3A_1237 = tpu.vector_load %arg7[%swap3A_1235, %swap3A_1236] {strides = array<i32>} : memref<32x128xf32, #tpu.memory_space<vmem>>, vector<1x16xf32>,
    %swap3A_1238 = vector.shape_cast %swap3A_1237 : vector<1x16xf32> to vector<16xf32>
    %swap3A_1239 = vector.shape_cast %broadcast_in_dim3A_34 : vector<16xf32> to vector<1x16xf32>
    tpu.vector_store %arg7[%swap3A_1235, %swap3A_1236], %swap3A_1239 {strides = array<i32>} : memref<32x128xf32, #tpu.memory_space<vmem>>, vector<1x16xf32>,
    %swap3A_1240 = arith.constant 25 : i32
    %swap3A_1241 = arith.index_cast %swap3A_1240 : i32 to index
    %swap3A_1242 = arith.constant 16 : index
    %swap3A_1243 = tpu.vector_load %arg7[%swap3A_1241, %swap3A_1242] {strides = array<i32>} : memref<32x128xf32, #tpu.memory_space<vmem>>, vector<1x16xf32>,
    %swap3A_1244 = vector.shape_cast %swap3A_1243 : vector<1x16xf32> to vector<16xf32>
    %swap3A_1245 = vector.shape_cast %broadcast_in_dim3A_34 : vector<16xf32> to vector<1x16xf32>
    tpu.vector_store %arg7[%swap3A_1241, %swap3A_1242], %swap3A_1245 {strides = array<i32>} : memref<32x128xf32, #tpu.memory_space<vmem>>, vector<1x16xf32>,
    %swap3A_1246 = arith.constant 25 : i32
    %swap3A_1247 = arith.index_cast %swap3A_1246 : i32 to index
    %swap3A_1248 = arith.constant 32 : index
    %swap3A_1249 = tpu.vector_load %arg7[%swap3A_1247, %swap3A_1248] {strides = array<i32>} : memref<32x128xf32, #tpu.memory_space<vmem>>, vector<1x16xf32>,
    %swap3A_1250 = vector.shape_cast %swap3A_1249 : vector<1x16xf32> to vector<16xf32>
    %swap3A_1251 = vector.shape_cast %broadcast_in_dim3A_34 : vector<16xf32> to vector<1x16xf32>
    tpu.vector_store %arg7[%swap3A_1247, %swap3A_1248], %swap3A_1251 {strides = array<i32>} : memref<32x128xf32, #tpu.memory_space<vmem>>, vector<1x16xf32>,
    %swap3A_1252 = arith.constant 25 : i32
    %swap3A_1253 = arith.index_cast %swap3A_1252 : i32 to index
    %swap3A_1254 = arith.constant 48 : index
    %swap3A_1255 = tpu.vector_load %arg7[%swap3A_1253, %swap3A_1254] {strides = array<i32>} : memref<32x128xf32, #tpu.memory_space<vmem>>, vector<1x16xf32>,
    %swap3A_1256 = vector.shape_cast %swap3A_1255 : vector<1x16xf32> to vector<16xf32>
    %swap3A_1257 = vector.shape_cast %broadcast_in_dim3A_34 : vector<16xf32> to vector<1x16xf32>
    tpu.vector_store %arg7[%swap3A_1253, %swap3A_1254], %swap3A_1257 {strides = array<i32>} : memref<32x128xf32, #tpu.memory_space<vmem>>, vector<1x16xf32>,
    %swap3A_1258 = arith.constant 25 : i32
    %swap3A_1259 = arith.index_cast %swap3A_1258 : i32 to index
    %swap3A_1260 = arith.constant 64 : index
    %swap3A_1261 = tpu.vector_load %arg7[%swap3A_1259, %swap3A_1260] {strides = array<i32>} : memref<32x128xf32, #tpu.memory_space<vmem>>, vector<1x16xf32>,
    %swap3A_1262 = vector.shape_cast %swap3A_1261 : vector<1x16xf32> to vector<16xf32>
    %swap3A_1263 = vector.shape_cast %broadcast_in_dim3A_34 : vector<16xf32> to vector<1x16xf32>
    tpu.vector_store %arg7[%swap3A_1259, %swap3A_1260], %swap3A_1263 {strides = array<i32>} : memref<32x128xf32, #tpu.memory_space<vmem>>, vector<1x16xf32>,
    %swap3A_1264 = arith.constant 25 : i32
    %swap3A_1265 = arith.index_cast %swap3A_1264 : i32 to index
    %swap3A_1266 = arith.constant 80 : index
    %swap3A_1267 = tpu.vector_load %arg7[%swap3A_1265, %swap3A_1266] {strides = array<i32>} : memref<32x128xf32, #tpu.memory_space<vmem>>, vector<1x16xf32>,
    %swap3A_1268 = vector.shape_cast %swap3A_1267 : vector<1x16xf32> to vector<16xf32>
    %swap3A_1269 = vector.shape_cast %broadcast_in_dim3A_34 : vector<16xf32> to vector<1x16xf32>
    tpu.vector_store %arg7[%swap3A_1265, %swap3A_1266], %swap3A_1269 {strides = array<i32>} : memref<32x128xf32, #tpu.memory_space<vmem>>, vector<1x16xf32>,
    %swap3A_1270 = arith.constant 25 : i32
    %swap3A_1271 = arith.index_cast %swap3A_1270 : i32 to index
    %swap3A_1272 = arith.constant 96 : index
    %swap3A_1273 = tpu.vector_load %arg7[%swap3A_1271, %swap3A_1272] {strides = array<i32>} : memref<32x128xf32, #tpu.memory_space<vmem>>, vector<1x16xf32>,
    %swap3A_1274 = vector.shape_cast %swap3A_1273 : vector<1x16xf32> to vector<16xf32>
    %swap3A_1275 = vector.shape_cast %broadcast_in_dim3A_34 : vector<16xf32> to vector<1x16xf32>
    tpu.vector_store %arg7[%swap3A_1271, %swap3A_1272], %swap3A_1275 {strides = array<i32>} : memref<32x128xf32, #tpu.memory_space<vmem>>, vector<1x16xf32>,
    %swap3A_1276 = arith.constant 25 : i32
    %swap3A_1277 = arith.index_cast %swap3A_1276 : i32 to index
    %swap3A_1278 = arith.constant 112 : index
    %swap3A_1279 = tpu.vector_load %arg7[%swap3A_1277, %swap3A_1278] {strides = array<i32>} : memref<32x128xf32, #tpu.memory_space<vmem>>, vector<1x16xf32>,
    %swap3A_1280 = vector.shape_cast %swap3A_1279 : vector<1x16xf32> to vector<16xf32>
    %swap3A_1281 = vector.shape_cast %broadcast_in_dim3A_34 : vector<16xf32> to vector<1x16xf32>
    tpu.vector_store %arg7[%swap3A_1277, %swap3A_1278], %swap3A_1281 {strides = array<i32>} : memref<32x128xf32, #tpu.memory_space<vmem>>, vector<1x16xf32>,
    %swap3A_1282 = arith.constant 26 : i32
    %swap3A_1283 = arith.index_cast %swap3A_1282 : i32 to index
    %swap3A_1284 = arith.constant 0 : index
    %swap3A_1285 = tpu.vector_load %arg7[%swap3A_1283, %swap3A_1284] {strides = array<i32>} : memref<32x128xf32, #tpu.memory_space<vmem>>, vector<1x16xf32>,
    %swap3A_1286 = vector.shape_cast %swap3A_1285 : vector<1x16xf32> to vector<16xf32>
    %swap3A_1287 = vector.shape_cast %broadcast_in_dim3A_34 : vector<16xf32> to vector<1x16xf32>
    tpu.vector_store %arg7[%swap3A_1283, %swap3A_1284], %swap3A_1287 {strides = array<i32>} : memref<32x128xf32, #tpu.memory_space<vmem>>, vector<1x16xf32>,
    %swap3A_1288 = arith.constant 26 : i32
    %swap3A_1289 = arith.index_cast %swap3A_1288 : i32 to index
    %swap3A_1290 = arith.constant 16 : index
    %swap3A_1291 = tpu.vector_load %arg7[%swap3A_1289, %swap3A_1290] {strides = array<i32>} : memref<32x128xf32, #tpu.memory_space<vmem>>, vector<1x16xf32>,
    %swap3A_1292 = vector.shape_cast %swap3A_1291 : vector<1x16xf32> to vector<16xf32>
    %swap3A_1293 = vector.shape_cast %broadcast_in_dim3A_34 : vector<16xf32> to vector<1x16xf32>
    tpu.vector_store %arg7[%swap3A_1289, %swap3A_1290], %swap3A_1293 {strides = array<i32>} : memref<32x128xf32, #tpu.memory_space<vmem>>, vector<1x16xf32>,
    %swap3A_1294 = arith.constant 26 : i32
    %swap3A_1295 = arith.index_cast %swap3A_1294 : i32 to index
    %swap3A_1296 = arith.constant 32 : index
    %swap3A_1297 = tpu.vector_load %arg7[%swap3A_1295, %swap3A_1296] {strides = array<i32>} : memref<32x128xf32, #tpu.memory_space<vmem>>, vector<1x16xf32>,
    %swap3A_1298 = vector.shape_cast %swap3A_1297 : vector<1x16xf32> to vector<16xf32>
    %swap3A_1299 = vector.shape_cast %broadcast_in_dim3A_34 : vector<16xf32> to vector<1x16xf32>
    tpu.vector_store %arg7[%swap3A_1295, %swap3A_1296], %swap3A_1299 {strides = array<i32>} : memref<32x128xf32, #tpu.memory_space<vmem>>, vector<1x16xf32>,
    %swap3A_1300 = arith.constant 26 : i32
    %swap3A_1301 = arith.index_cast %swap3A_1300 : i32 to index
    %swap3A_1302 = arith.constant 48 : index
    %swap3A_1303 = tpu.vector_load %arg7[%swap3A_1301, %swap3A_1302] {strides = array<i32>} : memref<32x128xf32, #tpu.memory_space<vmem>>, vector<1x16xf32>,
    %swap3A_1304 = vector.shape_cast %swap3A_1303 : vector<1x16xf32> to vector<16xf32>
    %swap3A_1305 = vector.shape_cast %broadcast_in_dim3A_34 : vector<16xf32> to vector<1x16xf32>
    tpu.vector_store %arg7[%swap3A_1301, %swap3A_1302], %swap3A_1305 {strides = array<i32>} : memref<32x128xf32, #tpu.memory_space<vmem>>, vector<1x16xf32>,
    %swap3A_1306 = arith.constant 26 : i32
    %swap3A_1307 = arith.index_cast %swap3A_1306 : i32 to index
    %swap3A_1308 = arith.constant 64 : index
    %swap3A_1309 = tpu.vector_load %arg7[%swap3A_1307, %swap3A_1308] {strides = array<i32>} : memref<32x128xf32, #tpu.memory_space<vmem>>, vector<1x16xf32>,
    %swap3A_1310 = vector.shape_cast %swap3A_1309 : vector<1x16xf32> to vector<16xf32>
    %swap3A_1311 = vector.shape_cast %broadcast_in_dim3A_34 : vector<16xf32> to vector<1x16xf32>
    tpu.vector_store %arg7[%swap3A_1307, %swap3A_1308], %swap3A_1311 {strides = array<i32>} : memref<32x128xf32, #tpu.memory_space<vmem>>, vector<1x16xf32>,
    %swap3A_1312 = arith.constant 26 : i32
    %swap3A_1313 = arith.index_cast %swap3A_1312 : i32 to index
    %swap3A_1314 = arith.constant 80 : index
    %swap3A_1315 = tpu.vector_load %arg7[%swap3A_1313, %swap3A_1314] {strides = array<i32>} : memref<32x128xf32, #tpu.memory_space<vmem>>, vector<1x16xf32>,
    %swap3A_1316 = vector.shape_cast %swap3A_1315 : vector<1x16xf32> to vector<16xf32>
    %swap3A_1317 = vector.shape_cast %broadcast_in_dim3A_34 : vector<16xf32> to vector<1x16xf32>
    tpu.vector_store %arg7[%swap3A_1313, %swap3A_1314], %swap3A_1317 {strides = array<i32>} : memref<32x128xf32, #tpu.memory_space<vmem>>, vector<1x16xf32>,
    %swap3A_1318 = arith.constant 26 : i32
    %swap3A_1319 = arith.index_cast %swap3A_1318 : i32 to index
    %swap3A_1320 = arith.constant 96 : index
    %swap3A_1321 = tpu.vector_load %arg7[%swap3A_1319, %swap3A_1320] {strides = array<i32>} : memref<32x128xf32, #tpu.memory_space<vmem>>, vector<1x16xf32>,
    %swap3A_1322 = vector.shape_cast %swap3A_1321 : vector<1x16xf32> to vector<16xf32>
    %swap3A_1323 = vector.shape_cast %broadcast_in_dim3A_34 : vector<16xf32> to vector<1x16xf32>
    tpu.vector_store %arg7[%swap3A_1319, %swap3A_1320], %swap3A_1323 {strides = array<i32>} : memref<32x128xf32, #tpu.memory_space<vmem>>, vector<1x16xf32>,
    %swap3A_1324 = arith.constant 26 : i32
    %swap3A_1325 = arith.index_cast %swap3A_1324 : i32 to index
    %swap3A_1326 = arith.constant 112 : index
    %swap3A_1327 = tpu.vector_load %arg7[%swap3A_1325, %swap3A_1326] {strides = array<i32>} : memref<32x128xf32, #tpu.memory_space<vmem>>, vector<1x16xf32>,
    %swap3A_1328 = vector.shape_cast %swap3A_1327 : vector<1x16xf32> to vector<16xf32>
    %swap3A_1329 = vector.shape_cast %broadcast_in_dim3A_34 : vector<16xf32> to vector<1x16xf32>
    tpu.vector_store %arg7[%swap3A_1325, %swap3A_1326], %swap3A_1329 {strides = array<i32>} : memref<32x128xf32, #tpu.memory_space<vmem>>, vector<1x16xf32>,
    %swap3A_1330 = arith.constant 27 : i32
    %swap3A_1331 = arith.index_cast %swap3A_1330 : i32 to index
    %swap3A_1332 = arith.constant 0 : index
    %swap3A_1333 = tpu.vector_load %arg7[%swap3A_1331, %swap3A_1332] {strides = array<i32>} : memref<32x128xf32, #tpu.memory_space<vmem>>, vector<1x16xf32>,
    %swap3A_1334 = vector.shape_cast %swap3A_1333 : vector<1x16xf32> to vector<16xf32>
    %swap3A_1335 = vector.shape_cast %broadcast_in_dim3A_34 : vector<16xf32> to vector<1x16xf32>
    tpu.vector_store %arg7[%swap3A_1331, %swap3A_1332], %swap3A_1335 {strides = array<i32>} : memref<32x128xf32, #tpu.memory_space<vmem>>, vector<1x16xf32>,
    %swap3A_1336 = arith.constant 27 : i32
    %swap3A_1337 = arith.index_cast %swap3A_1336 : i32 to index
    %swap3A_1338 = arith.constant 16 : index
    %swap3A_1339 = tpu.vector_load %arg7[%swap3A_1337, %swap3A_1338] {strides = array<i32>} : memref<32x128xf32, #tpu.memory_space<vmem>>, vector<1x16xf32>,
    %swap3A_1340 = vector.shape_cast %swap3A_1339 : vector<1x16xf32> to vector<16xf32>
    %swap3A_1341 = vector.shape_cast %broadcast_in_dim3A_34 : vector<16xf32> to vector<1x16xf32>
    tpu.vector_store %arg7[%swap3A_1337, %swap3A_1338], %swap3A_1341 {strides = array<i32>} : memref<32x128xf32, #tpu.memory_space<vmem>>, vector<1x16xf32>,
    %swap3A_1342 = arith.constant 27 : i32
    %swap3A_1343 = arith.index_cast %swap3A_1342 : i32 to index
    %swap3A_1344 = arith.constant 32 : index
    %swap3A_1345 = tpu.vector_load %arg7[%swap3A_1343, %swap3A_1344] {strides = array<i32>} : memref<32x128xf32, #tpu.memory_space<vmem>>, vector<1x16xf32>,
    %swap3A_1346 = vector.shape_cast %swap3A_1345 : vector<1x16xf32> to vector<16xf32>
    %swap3A_1347 = vector.shape_cast %broadcast_in_dim3A_34 : vector<16xf32> to vector<1x16xf32>
    tpu.vector_store %arg7[%swap3A_1343, %swap3A_1344], %swap3A_1347 {strides = array<i32>} : memref<32x128xf32, #tpu.memory_space<vmem>>, vector<1x16xf32>,
    %swap3A_1348 = arith.constant 27 : i32
    %swap3A_1349 = arith.index_cast %swap3A_1348 : i32 to index
    %swap3A_1350 = arith.constant 48 : index
    %swap3A_1351 = tpu.vector_load %arg7[%swap3A_1349, %swap3A_1350] {strides = array<i32>} : memref<32x128xf32, #tpu.memory_space<vmem>>, vector<1x16xf32>,
    %swap3A_1352 = vector.shape_cast %swap3A_1351 : vector<1x16xf32> to vector<16xf32>
    %swap3A_1353 = vector.shape_cast %broadcast_in_dim3A_34 : vector<16xf32> to vector<1x16xf32>
    tpu.vector_store %arg7[%swap3A_1349, %swap3A_1350], %swap3A_1353 {strides = array<i32>} : memref<32x128xf32, #tpu.memory_space<vmem>>, vector<1x16xf32>,
    %swap3A_1354 = arith.constant 27 : i32
    %swap3A_1355 = arith.index_cast %swap3A_1354 : i32 to index
    %swap3A_1356 = arith.constant 64 : index
    %swap3A_1357 = tpu.vector_load %arg7[%swap3A_1355, %swap3A_1356] {strides = array<i32>} : memref<32x128xf32, #tpu.memory_space<vmem>>, vector<1x16xf32>,
    %swap3A_1358 = vector.shape_cast %swap3A_1357 : vector<1x16xf32> to vector<16xf32>
    %swap3A_1359 = vector.shape_cast %broadcast_in_dim3A_34 : vector<16xf32> to vector<1x16xf32>
    tpu.vector_store %arg7[%swap3A_1355, %swap3A_1356], %swap3A_1359 {strides = array<i32>} : memref<32x128xf32, #tpu.memory_space<vmem>>, vector<1x16xf32>,
    %swap3A_1360 = arith.constant 27 : i32
    %swap3A_1361 = arith.index_cast %swap3A_1360 : i32 to index
    %swap3A_1362 = arith.constant 80 : index
    %swap3A_1363 = tpu.vector_load %arg7[%swap3A_1361, %swap3A_1362] {strides = array<i32>} : memref<32x128xf32, #tpu.memory_space<vmem>>, vector<1x16xf32>,
    %swap3A_1364 = vector.shape_cast %swap3A_1363 : vector<1x16xf32> to vector<16xf32>
    %swap3A_1365 = vector.shape_cast %broadcast_in_dim3A_34 : vector<16xf32> to vector<1x16xf32>
    tpu.vector_store %arg7[%swap3A_1361, %swap3A_1362], %swap3A_1365 {strides = array<i32>} : memref<32x128xf32, #tpu.memory_space<vmem>>, vector<1x16xf32>,
    %swap3A_1366 = arith.constant 27 : i32
    %swap3A_1367 = arith.index_cast %swap3A_1366 : i32 to index
    %swap3A_1368 = arith.constant 96 : index
    %swap3A_1369 = tpu.vector_load %arg7[%swap3A_1367, %swap3A_1368] {strides = array<i32>} : memref<32x128xf32, #tpu.memory_space<vmem>>, vector<1x16xf32>,
    %swap3A_1370 = vector.shape_cast %swap3A_1369 : vector<1x16xf32> to vector<16xf32>
    %swap3A_1371 = vector.shape_cast %broadcast_in_dim3A_34 : vector<16xf32> to vector<1x16xf32>
    tpu.vector_store %arg7[%swap3A_1367, %swap3A_1368], %swap3A_1371 {strides = array<i32>} : memref<32x128xf32, #tpu.memory_space<vmem>>, vector<1x16xf32>,
    %swap3A_1372 = arith.constant 27 : i32
    %swap3A_1373 = arith.index_cast %swap3A_1372 : i32 to index
    %swap3A_1374 = arith.constant 112 : index
    %swap3A_1375 = tpu.vector_load %arg7[%swap3A_1373, %swap3A_1374] {strides = array<i32>} : memref<32x128xf32, #tpu.memory_space<vmem>>, vector<1x16xf32>,
    %swap3A_1376 = vector.shape_cast %swap3A_1375 : vector<1x16xf32> to vector<16xf32>
    %swap3A_1377 = vector.shape_cast %broadcast_in_dim3A_34 : vector<16xf32> to vector<1x16xf32>
    tpu.vector_store %arg7[%swap3A_1373, %swap3A_1374], %swap3A_1377 {strides = array<i32>} : memref<32x128xf32, #tpu.memory_space<vmem>>, vector<1x16xf32>,
    %swap3A_1378 = arith.constant 28 : i32
    %swap3A_1379 = arith.index_cast %swap3A_1378 : i32 to index
    %swap3A_1380 = arith.constant 0 : index
    %swap3A_1381 = tpu.vector_load %arg7[%swap3A_1379, %swap3A_1380] {strides = array<i32>} : memref<32x128xf32, #tpu.memory_space<vmem>>, vector<1x16xf32>,
    %swap3A_1382 = vector.shape_cast %swap3A_1381 : vector<1x16xf32> to vector<16xf32>
    %swap3A_1383 = vector.shape_cast %broadcast_in_dim3A_34 : vector<16xf32> to vector<1x16xf32>
    tpu.vector_store %arg7[%swap3A_1379, %swap3A_1380], %swap3A_1383 {strides = array<i32>} : memref<32x128xf32, #tpu.memory_space<vmem>>, vector<1x16xf32>,
    %swap3A_1384 = arith.constant 28 : i32
    %swap3A_1385 = arith.index_cast %swap3A_1384 : i32 to index
    %swap3A_1386 = arith.constant 16 : index
    %swap3A_1387 = tpu.vector_load %arg7[%swap3A_1385, %swap3A_1386] {strides = array<i32>} : memref<32x128xf32, #tpu.memory_space<vmem>>, vector<1x16xf32>,
    %swap3A_1388 = vector.shape_cast %swap3A_1387 : vector<1x16xf32> to vector<16xf32>
    %swap3A_1389 = vector.shape_cast %broadcast_in_dim3A_34 : vector<16xf32> to vector<1x16xf32>
    tpu.vector_store %arg7[%swap3A_1385, %swap3A_1386], %swap3A_1389 {strides = array<i32>} : memref<32x128xf32, #tpu.memory_space<vmem>>, vector<1x16xf32>,
    %swap3A_1390 = arith.constant 28 : i32
    %swap3A_1391 = arith.index_cast %swap3A_1390 : i32 to index
    %swap3A_1392 = arith.constant 32 : index
    %swap3A_1393 = tpu.vector_load %arg7[%swap3A_1391, %swap3A_1392] {strides = array<i32>} : memref<32x128xf32, #tpu.memory_space<vmem>>, vector<1x16xf32>,
    %swap3A_1394 = vector.shape_cast %swap3A_1393 : vector<1x16xf32> to vector<16xf32>
    %swap3A_1395 = vector.shape_cast %broadcast_in_dim3A_34 : vector<16xf32> to vector<1x16xf32>
    tpu.vector_store %arg7[%swap3A_1391, %swap3A_1392], %swap3A_1395 {strides = array<i32>} : memref<32x128xf32, #tpu.memory_space<vmem>>, vector<1x16xf32>,
    %swap3A_1396 = arith.constant 28 : i32
    %swap3A_1397 = arith.index_cast %swap3A_1396 : i32 to index
    %swap3A_1398 = arith.constant 48 : index
    %swap3A_1399 = tpu.vector_load %arg7[%swap3A_1397, %swap3A_1398] {strides = array<i32>} : memref<32x128xf32, #tpu.memory_space<vmem>>, vector<1x16xf32>,
    %swap3A_1400 = vector.shape_cast %swap3A_1399 : vector<1x16xf32> to vector<16xf32>
    %swap3A_1401 = vector.shape_cast %broadcast_in_dim3A_34 : vector<16xf32> to vector<1x16xf32>
    tpu.vector_store %arg7[%swap3A_1397, %swap3A_1398], %swap3A_1401 {strides = array<i32>} : memref<32x128xf32, #tpu.memory_space<vmem>>, vector<1x16xf32>,
    %swap3A_1402 = arith.constant 28 : i32
    %swap3A_1403 = arith.index_cast %swap3A_1402 : i32 to index
    %swap3A_1404 = arith.constant 64 : index
    %swap3A_1405 = tpu.vector_load %arg7[%swap3A_1403, %swap3A_1404] {strides = array<i32>} : memref<32x128xf32, #tpu.memory_space<vmem>>, vector<1x16xf32>,
    %swap3A_1406 = vector.shape_cast %swap3A_1405 : vector<1x16xf32> to vector<16xf32>
    %swap3A_1407 = vector.shape_cast %broadcast_in_dim3A_34 : vector<16xf32> to vector<1x16xf32>
    tpu.vector_store %arg7[%swap3A_1403, %swap3A_1404], %swap3A_1407 {strides = array<i32>} : memref<32x128xf32, #tpu.memory_space<vmem>>, vector<1x16xf32>,
    %swap3A_1408 = arith.constant 28 : i32
    %swap3A_1409 = arith.index_cast %swap3A_1408 : i32 to index
    %swap3A_1410 = arith.constant 80 : index
    %swap3A_1411 = tpu.vector_load %arg7[%swap3A_1409, %swap3A_1410] {strides = array<i32>} : memref<32x128xf32, #tpu.memory_space<vmem>>, vector<1x16xf32>,
    %swap3A_1412 = vector.shape_cast %swap3A_1411 : vector<1x16xf32> to vector<16xf32>
    %swap3A_1413 = vector.shape_cast %broadcast_in_dim3A_34 : vector<16xf32> to vector<1x16xf32>
    tpu.vector_store %arg7[%swap3A_1409, %swap3A_1410], %swap3A_1413 {strides = array<i32>} : memref<32x128xf32, #tpu.memory_space<vmem>>, vector<1x16xf32>,
    %swap3A_1414 = arith.constant 28 : i32
    %swap3A_1415 = arith.index_cast %swap3A_1414 : i32 to index
    %swap3A_1416 = arith.constant 96 : index
    %swap3A_1417 = tpu.vector_load %arg7[%swap3A_1415, %swap3A_1416] {strides = array<i32>} : memref<32x128xf32, #tpu.memory_space<vmem>>, vector<1x16xf32>,
    %swap3A_1418 = vector.shape_cast %swap3A_1417 : vector<1x16xf32> to vector<16xf32>
    %swap3A_1419 = vector.shape_cast %broadcast_in_dim3A_34 : vector<16xf32> to vector<1x16xf32>
    tpu.vector_store %arg7[%swap3A_1415, %swap3A_1416], %swap3A_1419 {strides = array<i32>} : memref<32x128xf32, #tpu.memory_space<vmem>>, vector<1x16xf32>,
    %swap3A_1420 = arith.constant 28 : i32
    %swap3A_1421 = arith.index_cast %swap3A_1420 : i32 to index
    %swap3A_1422 = arith.constant 112 : index
    %swap3A_1423 = tpu.vector_load %arg7[%swap3A_1421, %swap3A_1422] {strides = array<i32>} : memref<32x128xf32, #tpu.memory_space<vmem>>, vector<1x16xf32>,
    %swap3A_1424 = vector.shape_cast %swap3A_1423 : vector<1x16xf32> to vector<16xf32>
    %swap3A_1425 = vector.shape_cast %broadcast_in_dim3A_34 : vector<16xf32> to vector<1x16xf32>
    tpu.vector_store %arg7[%swap3A_1421, %swap3A_1422], %swap3A_1425 {strides = array<i32>} : memref<32x128xf32, #tpu.memory_space<vmem>>, vector<1x16xf32>,
    %swap3A_1426 = arith.constant 29 : i32
    %swap3A_1427 = arith.index_cast %swap3A_1426 : i32 to index
    %swap3A_1428 = arith.constant 0 : index
    %swap3A_1429 = tpu.vector_load %arg7[%swap3A_1427, %swap3A_1428] {strides = array<i32>} : memref<32x128xf32, #tpu.memory_space<vmem>>, vector<1x16xf32>,
    %swap3A_1430 = vector.shape_cast %swap3A_1429 : vector<1x16xf32> to vector<16xf32>
    %swap3A_1431 = vector.shape_cast %broadcast_in_dim3A_34 : vector<16xf32> to vector<1x16xf32>
    tpu.vector_store %arg7[%swap3A_1427, %swap3A_1428], %swap3A_1431 {strides = array<i32>} : memref<32x128xf32, #tpu.memory_space<vmem>>, vector<1x16xf32>,
    %swap3A_1432 = arith.constant 29 : i32
    %swap3A_1433 = arith.index_cast %swap3A_1432 : i32 to index
    %swap3A_1434 = arith.constant 16 : index
    %swap3A_1435 = tpu.vector_load %arg7[%swap3A_1433, %swap3A_1434] {strides = array<i32>} : memref<32x128xf32, #tpu.memory_space<vmem>>, vector<1x16xf32>,
    %swap3A_1436 = vector.shape_cast %swap3A_1435 : vector<1x16xf32> to vector<16xf32>
    %swap3A_1437 = vector.shape_cast %broadcast_in_dim3A_34 : vector<16xf32> to vector<1x16xf32>
    tpu.vector_store %arg7[%swap3A_1433, %swap3A_1434], %swap3A_1437 {strides = array<i32>} : memref<32x128xf32, #tpu.memory_space<vmem>>, vector<1x16xf32>,
    %swap3A_1438 = arith.constant 29 : i32
    %swap3A_1439 = arith.index_cast %swap3A_1438 : i32 to index
    %swap3A_1440 = arith.constant 32 : index
    %swap3A_1441 = tpu.vector_load %arg7[%swap3A_1439, %swap3A_1440] {strides = array<i32>} : memref<32x128xf32, #tpu.memory_space<vmem>>, vector<1x16xf32>,
    %swap3A_1442 = vector.shape_cast %swap3A_1441 : vector<1x16xf32> to vector<16xf32>
    %swap3A_1443 = vector.shape_cast %broadcast_in_dim3A_34 : vector<16xf32> to vector<1x16xf32>
    tpu.vector_store %arg7[%swap3A_1439, %swap3A_1440], %swap3A_1443 {strides = array<i32>} : memref<32x128xf32, #tpu.memory_space<vmem>>, vector<1x16xf32>,
    %swap3A_1444 = arith.constant 29 : i32
    %swap3A_1445 = arith.index_cast %swap3A_1444 : i32 to index
    %swap3A_1446 = arith.constant 48 : index
    %swap3A_1447 = tpu.vector_load %arg7[%swap3A_1445, %swap3A_1446] {strides = array<i32>} : memref<32x128xf32, #tpu.memory_space<vmem>>, vector<1x16xf32>,
    %swap3A_1448 = vector.shape_cast %swap3A_1447 : vector<1x16xf32> to vector<16xf32>
    %swap3A_1449 = vector.shape_cast %broadcast_in_dim3A_34 : vector<16xf32> to vector<1x16xf32>
    tpu.vector_store %arg7[%swap3A_1445, %swap3A_1446], %swap3A_1449 {strides = array<i32>} : memref<32x128xf32, #tpu.memory_space<vmem>>, vector<1x16xf32>,
    %swap3A_1450 = arith.constant 29 : i32
    %swap3A_1451 = arith.index_cast %swap3A_1450 : i32 to index
    %swap3A_1452 = arith.constant 64 : index
    %swap3A_1453 = tpu.vector_load %arg7[%swap3A_1451, %swap3A_1452] {strides = array<i32>} : memref<32x128xf32, #tpu.memory_space<vmem>>, vector<1x16xf32>,
    %swap3A_1454 = vector.shape_cast %swap3A_1453 : vector<1x16xf32> to vector<16xf32>
    %swap3A_1455 = vector.shape_cast %broadcast_in_dim3A_34 : vector<16xf32> to vector<1x16xf32>
    tpu.vector_store %arg7[%swap3A_1451, %swap3A_1452], %swap3A_1455 {strides = array<i32>} : memref<32x128xf32, #tpu.memory_space<vmem>>, vector<1x16xf32>,
    %swap3A_1456 = arith.constant 29 : i32
    %swap3A_1457 = arith.index_cast %swap3A_1456 : i32 to index
    %swap3A_1458 = arith.constant 80 : index
    %swap3A_1459 = tpu.vector_load %arg7[%swap3A_1457, %swap3A_1458] {strides = array<i32>} : memref<32x128xf32, #tpu.memory_space<vmem>>, vector<1x16xf32>,
    %swap3A_1460 = vector.shape_cast %swap3A_1459 : vector<1x16xf32> to vector<16xf32>
    %swap3A_1461 = vector.shape_cast %broadcast_in_dim3A_34 : vector<16xf32> to vector<1x16xf32>
    tpu.vector_store %arg7[%swap3A_1457, %swap3A_1458], %swap3A_1461 {strides = array<i32>} : memref<32x128xf32, #tpu.memory_space<vmem>>, vector<1x16xf32>,
    %swap3A_1462 = arith.constant 29 : i32
    %swap3A_1463 = arith.index_cast %swap3A_1462 : i32 to index
    %swap3A_1464 = arith.constant 96 : index
    %swap3A_1465 = tpu.vector_load %arg7[%swap3A_1463, %swap3A_1464] {strides = array<i32>} : memref<32x128xf32, #tpu.memory_space<vmem>>, vector<1x16xf32>,
    %swap3A_1466 = vector.shape_cast %swap3A_1465 : vector<1x16xf32> to vector<16xf32>
    %swap3A_1467 = vector.shape_cast %broadcast_in_dim3A_34 : vector<16xf32> to vector<1x16xf32>
    tpu.vector_store %arg7[%swap3A_1463, %swap3A_1464], %swap3A_1467 {strides = array<i32>} : memref<32x128xf32, #tpu.memory_space<vmem>>, vector<1x16xf32>,
    %swap3A_1468 = arith.constant 29 : i32
    %swap3A_1469 = arith.index_cast %swap3A_1468 : i32 to index
    %swap3A_1470 = arith.constant 112 : index
    %swap3A_1471 = tpu.vector_load %arg7[%swap3A_1469, %swap3A_1470] {strides = array<i32>} : memref<32x128xf32, #tpu.memory_space<vmem>>, vector<1x16xf32>,
    %swap3A_1472 = vector.shape_cast %swap3A_1471 : vector<1x16xf32> to vector<16xf32>
    %swap3A_1473 = vector.shape_cast %broadcast_in_dim3A_34 : vector<16xf32> to vector<1x16xf32>
    tpu.vector_store %arg7[%swap3A_1469, %swap3A_1470], %swap3A_1473 {strides = array<i32>} : memref<32x128xf32, #tpu.memory_space<vmem>>, vector<1x16xf32>,
    %swap3A_1474 = arith.constant 30 : i32
    %swap3A_1475 = arith.index_cast %swap3A_1474 : i32 to index
    %swap3A_1476 = arith.constant 0 : index
    %swap3A_1477 = tpu.vector_load %arg7[%swap3A_1475, %swap3A_1476] {strides = array<i32>} : memref<32x128xf32, #tpu.memory_space<vmem>>, vector<1x16xf32>,
    %swap3A_1478 = vector.shape_cast %swap3A_1477 : vector<1x16xf32> to vector<16xf32>
    %swap3A_1479 = vector.shape_cast %broadcast_in_dim3A_34 : vector<16xf32> to vector<1x16xf32>
    tpu.vector_store %arg7[%swap3A_1475, %swap3A_1476], %swap3A_1479 {strides = array<i32>} : memref<32x128xf32, #tpu.memory_space<vmem>>, vector<1x16xf32>,
    %swap3A_1480 = arith.constant 30 : i32
    %swap3A_1481 = arith.index_cast %swap3A_1480 : i32 to index
    %swap3A_1482 = arith.constant 16 : index
    %swap3A_1483 = tpu.vector_load %arg7[%swap3A_1481, %swap3A_1482] {strides = array<i32>} : memref<32x128xf32, #tpu.memory_space<vmem>>, vector<1x16xf32>,
    %swap3A_1484 = vector.shape_cast %swap3A_1483 : vector<1x16xf32> to vector<16xf32>
    %swap3A_1485 = vector.shape_cast %broadcast_in_dim3A_34 : vector<16xf32> to vector<1x16xf32>
    tpu.vector_store %arg7[%swap3A_1481, %swap3A_1482], %swap3A_1485 {strides = array<i32>} : memref<32x128xf32, #tpu.memory_space<vmem>>, vector<1x16xf32>,
    %swap3A_1486 = arith.constant 30 : i32
    %swap3A_1487 = arith.index_cast %swap3A_1486 : i32 to index
    %swap3A_1488 = arith.constant 32 : index
    %swap3A_1489 = tpu.vector_load %arg7[%swap3A_1487, %swap3A_1488] {strides = array<i32>} : memref<32x128xf32, #tpu.memory_space<vmem>>, vector<1x16xf32>,
    %swap3A_1490 = vector.shape_cast %swap3A_1489 : vector<1x16xf32> to vector<16xf32>
    %swap3A_1491 = vector.shape_cast %broadcast_in_dim3A_34 : vector<16xf32> to vector<1x16xf32>
    tpu.vector_store %arg7[%swap3A_1487, %swap3A_1488], %swap3A_1491 {strides = array<i32>} : memref<32x128xf32, #tpu.memory_space<vmem>>, vector<1x16xf32>,
    %swap3A_1492 = arith.constant 30 : i32
    %swap3A_1493 = arith.index_cast %swap3A_1492 : i32 to index
    %swap3A_1494 = arith.constant 48 : index
    %swap3A_1495 = tpu.vector_load %arg7[%swap3A_1493, %swap3A_1494] {strides = array<i32>} : memref<32x128xf32, #tpu.memory_space<vmem>>, vector<1x16xf32>,
    %swap3A_1496 = vector.shape_cast %swap3A_1495 : vector<1x16xf32> to vector<16xf32>
    %swap3A_1497 = vector.shape_cast %broadcast_in_dim3A_34 : vector<16xf32> to vector<1x16xf32>
    tpu.vector_store %arg7[%swap3A_1493, %swap3A_1494], %swap3A_1497 {strides = array<i32>} : memref<32x128xf32, #tpu.memory_space<vmem>>, vector<1x16xf32>,
    %swap3A_1498 = arith.constant 30 : i32
    %swap3A_1499 = arith.index_cast %swap3A_1498 : i32 to index
    %swap3A_1500 = arith.constant 64 : index
    %swap3A_1501 = tpu.vector_load %arg7[%swap3A_1499, %swap3A_1500] {strides = array<i32>} : memref<32x128xf32, #tpu.memory_space<vmem>>, vector<1x16xf32>,
    %swap3A_1502 = vector.shape_cast %swap3A_1501 : vector<1x16xf32> to vector<16xf32>
    %swap3A_1503 = vector.shape_cast %broadcast_in_dim3A_34 : vector<16xf32> to vector<1x16xf32>
    tpu.vector_store %arg7[%swap3A_1499, %swap3A_1500], %swap3A_1503 {strides = array<i32>} : memref<32x128xf32, #tpu.memory_space<vmem>>, vector<1x16xf32>,
    %swap3A_1504 = arith.constant 30 : i32
    %swap3A_1505 = arith.index_cast %swap3A_1504 : i32 to index
    %swap3A_1506 = arith.constant 80 : index
    %swap3A_1507 = tpu.vector_load %arg7[%swap3A_1505, %swap3A_1506] {strides = array<i32>} : memref<32x128xf32, #tpu.memory_space<vmem>>, vector<1x16xf32>,
    %swap3A_1508 = vector.shape_cast %swap3A_1507 : vector<1x16xf32> to vector<16xf32>
    %swap3A_1509 = vector.shape_cast %broadcast_in_dim3A_34 : vector<16xf32> to vector<1x16xf32>
    tpu.vector_store %arg7[%swap3A_1505, %swap3A_1506], %swap3A_1509 {strides = array<i32>} : memref<32x128xf32, #tpu.memory_space<vmem>>, vector<1x16xf32>,
    %swap3A_1510 = arith.constant 30 : i32
    %swap3A_1511 = arith.index_cast %swap3A_1510 : i32 to index
    %swap3A_1512 = arith.constant 96 : index
    %swap3A_1513 = tpu.vector_load %arg7[%swap3A_1511, %swap3A_1512] {strides = array<i32>} : memref<32x128xf32, #tpu.memory_space<vmem>>, vector<1x16xf32>,
    %swap3A_1514 = vector.shape_cast %swap3A_1513 : vector<1x16xf32> to vector<16xf32>
    %swap3A_1515 = vector.shape_cast %broadcast_in_dim3A_34 : vector<16xf32> to vector<1x16xf32>
    tpu.vector_store %arg7[%swap3A_1511, %swap3A_1512], %swap3A_1515 {strides = array<i32>} : memref<32x128xf32, #tpu.memory_space<vmem>>, vector<1x16xf32>,
    %swap3A_1516 = arith.constant 30 : i32
    %swap3A_1517 = arith.index_cast %swap3A_1516 : i32 to index
    %swap3A_1518 = arith.constant 112 : index
    %swap3A_1519 = tpu.vector_load %arg7[%swap3A_1517, %swap3A_1518] {strides = array<i32>} : memref<32x128xf32, #tpu.memory_space<vmem>>, vector<1x16xf32>,
    %swap3A_1520 = vector.shape_cast %swap3A_1519 : vector<1x16xf32> to vector<16xf32>
    %swap3A_1521 = vector.shape_cast %broadcast_in_dim3A_34 : vector<16xf32> to vector<1x16xf32>
    tpu.vector_store %arg7[%swap3A_1517, %swap3A_1518], %swap3A_1521 {strides = array<i32>} : memref<32x128xf32, #tpu.memory_space<vmem>>, vector<1x16xf32>,
    %swap3A_1522 = arith.constant 31 : i32
    %swap3A_1523 = arith.index_cast %swap3A_1522 : i32 to index
    %swap3A_1524 = arith.constant 0 : index
    %swap3A_1525 = tpu.vector_load %arg7[%swap3A_1523, %swap3A_1524] {strides = array<i32>} : memref<32x128xf32, #tpu.memory_space<vmem>>, vector<1x16xf32>,
    %swap3A_1526 = vector.shape_cast %swap3A_1525 : vector<1x16xf32> to vector<16xf32>
    %swap3A_1527 = vector.shape_cast %broadcast_in_dim3A_34 : vector<16xf32> to vector<1x16xf32>
    tpu.vector_store %arg7[%swap3A_1523, %swap3A_1524], %swap3A_1527 {strides = array<i32>} : memref<32x128xf32, #tpu.memory_space<vmem>>, vector<1x16xf32>,
    %swap3A_1528 = arith.constant 31 : i32
    %swap3A_1529 = arith.index_cast %swap3A_1528 : i32 to index
    %swap3A_1530 = arith.constant 16 : index
    %swap3A_1531 = tpu.vector_load %arg7[%swap3A_1529, %swap3A_1530] {strides = array<i32>} : memref<32x128xf32, #tpu.memory_space<vmem>>, vector<1x16xf32>,
    %swap3A_1532 = vector.shape_cast %swap3A_1531 : vector<1x16xf32> to vector<16xf32>
    %swap3A_1533 = vector.shape_cast %broadcast_in_dim3A_34 : vector<16xf32> to vector<1x16xf32>
    tpu.vector_store %arg7[%swap3A_1529, %swap3A_1530], %swap3A_1533 {strides = array<i32>} : memref<32x128xf32, #tpu.memory_space<vmem>>, vector<1x16xf32>,
    %swap3A_1534 = arith.constant 31 : i32
    %swap3A_1535 = arith.index_cast %swap3A_1534 : i32 to index
    %swap3A_1536 = arith.constant 32 : index
    %swap3A_1537 = tpu.vector_load %arg7[%swap3A_1535, %swap3A_1536] {strides = array<i32>} : memref<32x128xf32, #tpu.memory_space<vmem>>, vector<1x16xf32>,
    %swap3A_1538 = vector.shape_cast %swap3A_1537 : vector<1x16xf32> to vector<16xf32>
    %swap3A_1539 = vector.shape_cast %broadcast_in_dim3A_34 : vector<16xf32> to vector<1x16xf32>
    tpu.vector_store %arg7[%swap3A_1535, %swap3A_1536], %swap3A_1539 {strides = array<i32>} : memref<32x128xf32, #tpu.memory_space<vmem>>, vector<1x16xf32>,
    %swap3A_1540 = arith.constant 31 : i32
    %swap3A_1541 = arith.index_cast %swap3A_1540 : i32 to index
    %swap3A_1542 = arith.constant 48 : index
    %swap3A_1543 = tpu.vector_load %arg7[%swap3A_1541, %swap3A_1542] {strides = array<i32>} : memref<32x128xf32, #tpu.memory_space<vmem>>, vector<1x16xf32>,
    %swap3A_1544 = vector.shape_cast %swap3A_1543 : vector<1x16xf32> to vector<16xf32>
    %swap3A_1545 = vector.shape_cast %broadcast_in_dim3A_34 : vector<16xf32> to vector<1x16xf32>
    tpu.vector_store %arg7[%swap3A_1541, %swap3A_1542], %swap3A_1545 {strides = array<i32>} : memref<32x128xf32, #tpu.memory_space<vmem>>, vector<1x16xf32>,
    %swap3A_1546 = arith.constant 31 : i32
    %swap3A_1547 = arith.index_cast %swap3A_1546 : i32 to index
    %swap3A_1548 = arith.constant 64 : index
    %swap3A_1549 = tpu.vector_load %arg7[%swap3A_1547, %swap3A_1548] {strides = array<i32>} : memref<32x128xf32, #tpu.memory_space<vmem>>, vector<1x16xf32>,
    %swap3A_1550 = vector.shape_cast %swap3A_1549 : vector<1x16xf32> to vector<16xf32>
    %swap3A_1551 = vector.shape_cast %broadcast_in_dim3A_34 : vector<16xf32> to vector<1x16xf32>
    tpu.vector_store %arg7[%swap3A_1547, %swap3A_1548], %swap3A_1551 {strides = array<i32>} : memref<32x128xf32, #tpu.memory_space<vmem>>, vector<1x16xf32>,
    %swap3A_1552 = arith.constant 31 : i32
    %swap3A_1553 = arith.index_cast %swap3A_1552 : i32 to index
    %swap3A_1554 = arith.constant 80 : index
    %swap3A_1555 = tpu.vector_load %arg7[%swap3A_1553, %swap3A_1554] {strides = array<i32>} : memref<32x128xf32, #tpu.memory_space<vmem>>, vector<1x16xf32>,
    %swap3A_1556 = vector.shape_cast %swap3A_1555 : vector<1x16xf32> to vector<16xf32>
    %swap3A_1557 = vector.shape_cast %broadcast_in_dim3A_34 : vector<16xf32> to vector<1x16xf32>
    tpu.vector_store %arg7[%swap3A_1553, %swap3A_1554], %swap3A_1557 {strides = array<i32>} : memref<32x128xf32, #tpu.memory_space<vmem>>, vector<1x16xf32>,
    %swap3A_1558 = arith.constant 31 : i32
    %swap3A_1559 = arith.index_cast %swap3A_1558 : i32 to index
    %swap3A_1560 = arith.constant 96 : index
    %swap3A_1561 = tpu.vector_load %arg7[%swap3A_1559, %swap3A_1560] {strides = array<i32>} : memref<32x128xf32, #tpu.memory_space<vmem>>, vector<1x16xf32>,
    %swap3A_1562 = vector.shape_cast %swap3A_1561 : vector<1x16xf32> to vector<16xf32>
    %swap3A_1563 = vector.shape_cast %broadcast_in_dim3A_34 : vector<16xf32> to vector<1x16xf32>
    tpu.vector_store %arg7[%swap3A_1559, %swap3A_1560], %swap3A_1563 {strides = array<i32>} : memref<32x128xf32, #tpu.memory_space<vmem>>, vector<1x16xf32>,
    %swap3A_1564 = arith.constant 31 : i32
    %swap3A_1565 = arith.index_cast %swap3A_1564 : i32 to index
    %swap3A_1566 = arith.constant 112 : index
    %swap3A_1567 = tpu.vector_load %arg7[%swap3A_1565, %swap3A_1566] {strides = array<i32>} : memref<32x128xf32, #tpu.memory_space<vmem>>, vector<1x16xf32>,
    %swap3A_1568 = vector.shape_cast %swap3A_1567 : vector<1x16xf32> to vector<16xf32>
    %swap3A_1569 = vector.shape_cast %broadcast_in_dim3A_34 : vector<16xf32> to vector<1x16xf32>
    tpu.vector_store %arg7[%swap3A_1565, %swap3A_1566], %swap3A_1569 {strides = array<i32>} : memref<32x128xf32, #tpu.memory_space<vmem>>, vector<1x16xf32>,
    %swap3A_1570 = arith.constant 1 : i32
    %swap3A_1571 = arith.index_cast %swap3A_1570 : i32 to index
    %swap3A_1572 = arith.constant 0 : index
    %swap3A_1573 = tpu.vector_load %arg8[%swap3A_1571, %swap3A_1572] {strides = array<i32>} : memref<16x128xf32, #tpu.memory_space<vmem>>, vector<1x16xf32>,
    %swap3A_1574 = vector.shape_cast %swap3A_1573 : vector<1x16xf32> to vector<16xf32>
    %swap3A_1575 = vector.shape_cast %broadcast_in_dim3A_34 : vector<16xf32> to vector<1x16xf32>
    tpu.vector_store %arg8[%swap3A_1571, %swap3A_1572], %swap3A_1575 {strides = array<i32>} : memref<16x128xf32, #tpu.memory_space<vmem>>, vector<1x16xf32>,
    %swap3A_1576 = arith.constant 1 : i32
    %swap3A_1577 = arith.index_cast %swap3A_1576 : i32 to index
    %swap3A_1578 = arith.constant 16 : index
    %swap3A_1579 = tpu.vector_load %arg8[%swap3A_1577, %swap3A_1578] {strides = array<i32>} : memref<16x128xf32, #tpu.memory_space<vmem>>, vector<1x16xf32>,
    %swap3A_1580 = vector.shape_cast %swap3A_1579 : vector<1x16xf32> to vector<16xf32>
    %swap3A_1581 = vector.shape_cast %broadcast_in_dim3A_34 : vector<16xf32> to vector<1x16xf32>
    tpu.vector_store %arg8[%swap3A_1577, %swap3A_1578], %swap3A_1581 {strides = array<i32>} : memref<16x128xf32, #tpu.memory_space<vmem>>, vector<1x16xf32>,
    %swap3A_1582 = arith.constant 1 : i32
    %swap3A_1583 = arith.index_cast %swap3A_1582 : i32 to index
    %swap3A_1584 = arith.constant 32 : index
    %swap3A_1585 = tpu.vector_load %arg8[%swap3A_1583, %swap3A_1584] {strides = array<i32>} : memref<16x128xf32, #tpu.memory_space<vmem>>, vector<1x16xf32>,
    %swap3A_1586 = vector.shape_cast %swap3A_1585 : vector<1x16xf32> to vector<16xf32>
    %swap3A_1587 = vector.shape_cast %broadcast_in_dim3A_34 : vector<16xf32> to vector<1x16xf32>
    tpu.vector_store %arg8[%swap3A_1583, %swap3A_1584], %swap3A_1587 {strides = array<i32>} : memref<16x128xf32, #tpu.memory_space<vmem>>, vector<1x16xf32>,
    %swap3A_1588 = arith.constant 1 : i32
    %swap3A_1589 = arith.index_cast %swap3A_1588 : i32 to index
    %swap3A_1590 = arith.constant 48 : index
    %swap3A_1591 = tpu.vector_load %arg8[%swap3A_1589, %swap3A_1590] {strides = array<i32>} : memref<16x128xf32, #tpu.memory_space<vmem>>, vector<1x16xf32>,
    %swap3A_1592 = vector.shape_cast %swap3A_1591 : vector<1x16xf32> to vector<16xf32>
    %swap3A_1593 = vector.shape_cast %broadcast_in_dim3A_34 : vector<16xf32> to vector<1x16xf32>
    tpu.vector_store %arg8[%swap3A_1589, %swap3A_1590], %swap3A_1593 {strides = array<i32>} : memref<16x128xf32, #tpu.memory_space<vmem>>, vector<1x16xf32>,
    %swap3A_1594 = arith.constant 1 : i32
    %swap3A_1595 = arith.index_cast %swap3A_1594 : i32 to index
    %swap3A_1596 = arith.constant 64 : index
    %swap3A_1597 = tpu.vector_load %arg8[%swap3A_1595, %swap3A_1596] {strides = array<i32>} : memref<16x128xf32, #tpu.memory_space<vmem>>, vector<1x16xf32>,
    %swap3A_1598 = vector.shape_cast %swap3A_1597 : vector<1x16xf32> to vector<16xf32>
    %swap3A_1599 = vector.shape_cast %broadcast_in_dim3A_34 : vector<16xf32> to vector<1x16xf32>
    tpu.vector_store %arg8[%swap3A_1595, %swap3A_1596], %swap3A_1599 {strides = array<i32>} : memref<16x128xf32, #tpu.memory_space<vmem>>, vector<1x16xf32>,
    %swap3A_1600 = arith.constant 1 : i32
    %swap3A_1601 = arith.index_cast %swap3A_1600 : i32 to index
    %swap3A_1602 = arith.constant 80 : index
    %swap3A_1603 = tpu.vector_load %arg8[%swap3A_1601, %swap3A_1602] {strides = array<i32>} : memref<16x128xf32, #tpu.memory_space<vmem>>, vector<1x16xf32>,
    %swap3A_1604 = vector.shape_cast %swap3A_1603 : vector<1x16xf32> to vector<16xf32>
    %swap3A_1605 = vector.shape_cast %broadcast_in_dim3A_34 : vector<16xf32> to vector<1x16xf32>
    tpu.vector_store %arg8[%swap3A_1601, %swap3A_1602], %swap3A_1605 {strides = array<i32>} : memref<16x128xf32, #tpu.memory_space<vmem>>, vector<1x16xf32>,
    %swap3A_1606 = arith.constant 1 : i32
    %swap3A_1607 = arith.index_cast %swap3A_1606 : i32 to index
    %swap3A_1608 = arith.constant 96 : index
    %swap3A_1609 = tpu.vector_load %arg8[%swap3A_1607, %swap3A_1608] {strides = array<i32>} : memref<16x128xf32, #tpu.memory_space<vmem>>, vector<1x16xf32>,
    %swap3A_1610 = vector.shape_cast %swap3A_1609 : vector<1x16xf32> to vector<16xf32>
    %swap3A_1611 = vector.shape_cast %broadcast_in_dim3A_34 : vector<16xf32> to vector<1x16xf32>
    tpu.vector_store %arg8[%swap3A_1607, %swap3A_1608], %swap3A_1611 {strides = array<i32>} : memref<16x128xf32, #tpu.memory_space<vmem>>, vector<1x16xf32>,
    %swap3A_1612 = arith.constant 1 : i32
    %swap3A_1613 = arith.index_cast %swap3A_1612 : i32 to index
    %swap3A_1614 = arith.constant 112 : index
    %swap3A_1615 = tpu.vector_load %arg8[%swap3A_1613, %swap3A_1614] {strides = array<i32>} : memref<16x128xf32, #tpu.memory_space<vmem>>, vector<1x16xf32>,
    %swap3A_1616 = vector.shape_cast %swap3A_1615 : vector<1x16xf32> to vector<16xf32>
    %swap3A_1617 = vector.shape_cast %broadcast_in_dim3A_34 : vector<16xf32> to vector<1x16xf32>
    tpu.vector_store %arg8[%swap3A_1613, %swap3A_1614], %swap3A_1617 {strides = array<i32>} : memref<16x128xf32, #tpu.memory_space<vmem>>, vector<1x16xf32>,
    %swap3A_1618 = arith.constant 2 : i32
    %swap3A_1619 = arith.index_cast %swap3A_1618 : i32 to index
    %swap3A_1620 = arith.constant 0 : index
    %swap3A_1621 = tpu.vector_load %arg8[%swap3A_1619, %swap3A_1620] {strides = array<i32>} : memref<16x128xf32, #tpu.memory_space<vmem>>, vector<1x16xf32>,
    %swap3A_1622 = vector.shape_cast %swap3A_1621 : vector<1x16xf32> to vector<16xf32>
    %swap3A_1623 = vector.shape_cast %broadcast_in_dim3A_34 : vector<16xf32> to vector<1x16xf32>
    tpu.vector_store %arg8[%swap3A_1619, %swap3A_1620], %swap3A_1623 {strides = array<i32>} : memref<16x128xf32, #tpu.memory_space<vmem>>, vector<1x16xf32>,
    %swap3A_1624 = arith.constant 2 : i32
    %swap3A_1625 = arith.index_cast %swap3A_1624 : i32 to index
    %swap3A_1626 = arith.constant 16 : index
    %swap3A_1627 = tpu.vector_load %arg8[%swap3A_1625, %swap3A_1626] {strides = array<i32>} : memref<16x128xf32, #tpu.memory_space<vmem>>, vector<1x16xf32>,
    %swap3A_1628 = vector.shape_cast %swap3A_1627 : vector<1x16xf32> to vector<16xf32>
    %swap3A_1629 = vector.shape_cast %broadcast_in_dim3A_34 : vector<16xf32> to vector<1x16xf32>
    tpu.vector_store %arg8[%swap3A_1625, %swap3A_1626], %swap3A_1629 {strides = array<i32>} : memref<16x128xf32, #tpu.memory_space<vmem>>, vector<1x16xf32>,
    %swap3A_1630 = arith.constant 2 : i32
    %swap3A_1631 = arith.index_cast %swap3A_1630 : i32 to index
    %swap3A_1632 = arith.constant 32 : index
    %swap3A_1633 = tpu.vector_load %arg8[%swap3A_1631, %swap3A_1632] {strides = array<i32>} : memref<16x128xf32, #tpu.memory_space<vmem>>, vector<1x16xf32>,
    %swap3A_1634 = vector.shape_cast %swap3A_1633 : vector<1x16xf32> to vector<16xf32>
    %swap3A_1635 = vector.shape_cast %broadcast_in_dim3A_34 : vector<16xf32> to vector<1x16xf32>
    tpu.vector_store %arg8[%swap3A_1631, %swap3A_1632], %swap3A_1635 {strides = array<i32>} : memref<16x128xf32, #tpu.memory_space<vmem>>, vector<1x16xf32>,
    %swap3A_1636 = arith.constant 2 : i32
    %swap3A_1637 = arith.index_cast %swap3A_1636 : i32 to index
    %swap3A_1638 = arith.constant 48 : index
    %swap3A_1639 = tpu.vector_load %arg8[%swap3A_1637, %swap3A_1638] {strides = array<i32>} : memref<16x128xf32, #tpu.memory_space<vmem>>, vector<1x16xf32>,
    %swap3A_1640 = vector.shape_cast %swap3A_1639 : vector<1x16xf32> to vector<16xf32>
    %swap3A_1641 = vector.shape_cast %broadcast_in_dim3A_34 : vector<16xf32> to vector<1x16xf32>
    tpu.vector_store %arg8[%swap3A_1637, %swap3A_1638], %swap3A_1641 {strides = array<i32>} : memref<16x128xf32, #tpu.memory_space<vmem>>, vector<1x16xf32>,
    %swap3A_1642 = arith.constant 2 : i32
    %swap3A_1643 = arith.index_cast %swap3A_1642 : i32 to index
    %swap3A_1644 = arith.constant 64 : index
    %swap3A_1645 = tpu.vector_load %arg8[%swap3A_1643, %swap3A_1644] {strides = array<i32>} : memref<16x128xf32, #tpu.memory_space<vmem>>, vector<1x16xf32>,
    %swap3A_1646 = vector.shape_cast %swap3A_1645 : vector<1x16xf32> to vector<16xf32>
    %swap3A_1647 = vector.shape_cast %broadcast_in_dim3A_34 : vector<16xf32> to vector<1x16xf32>
    tpu.vector_store %arg8[%swap3A_1643, %swap3A_1644], %swap3A_1647 {strides = array<i32>} : memref<16x128xf32, #tpu.memory_space<vmem>>, vector<1x16xf32>,
    %swap3A_1648 = arith.constant 2 : i32
    %swap3A_1649 = arith.index_cast %swap3A_1648 : i32 to index
    %swap3A_1650 = arith.constant 80 : index
    %swap3A_1651 = tpu.vector_load %arg8[%swap3A_1649, %swap3A_1650] {strides = array<i32>} : memref<16x128xf32, #tpu.memory_space<vmem>>, vector<1x16xf32>,
    %swap3A_1652 = vector.shape_cast %swap3A_1651 : vector<1x16xf32> to vector<16xf32>
    %swap3A_1653 = vector.shape_cast %broadcast_in_dim3A_34 : vector<16xf32> to vector<1x16xf32>
    tpu.vector_store %arg8[%swap3A_1649, %swap3A_1650], %swap3A_1653 {strides = array<i32>} : memref<16x128xf32, #tpu.memory_space<vmem>>, vector<1x16xf32>,
    %swap3A_1654 = arith.constant 2 : i32
    %swap3A_1655 = arith.index_cast %swap3A_1654 : i32 to index
    %swap3A_1656 = arith.constant 96 : index
    %swap3A_1657 = tpu.vector_load %arg8[%swap3A_1655, %swap3A_1656] {strides = array<i32>} : memref<16x128xf32, #tpu.memory_space<vmem>>, vector<1x16xf32>,
    %swap3A_1658 = vector.shape_cast %swap3A_1657 : vector<1x16xf32> to vector<16xf32>
    %swap3A_1659 = vector.shape_cast %broadcast_in_dim3A_34 : vector<16xf32> to vector<1x16xf32>
    tpu.vector_store %arg8[%swap3A_1655, %swap3A_1656], %swap3A_1659 {strides = array<i32>} : memref<16x128xf32, #tpu.memory_space<vmem>>, vector<1x16xf32>,
    %swap3A_1660 = arith.constant 2 : i32
    %swap3A_1661 = arith.index_cast %swap3A_1660 : i32 to index
    %swap3A_1662 = arith.constant 112 : index
    %swap3A_1663 = tpu.vector_load %arg8[%swap3A_1661, %swap3A_1662] {strides = array<i32>} : memref<16x128xf32, #tpu.memory_space<vmem>>, vector<1x16xf32>,
    %swap3A_1664 = vector.shape_cast %swap3A_1663 : vector<1x16xf32> to vector<16xf32>
    %swap3A_1665 = vector.shape_cast %broadcast_in_dim3A_34 : vector<16xf32> to vector<1x16xf32>
    tpu.vector_store %arg8[%swap3A_1661, %swap3A_1662], %swap3A_1665 {strides = array<i32>} : memref<16x128xf32, #tpu.memory_space<vmem>>, vector<1x16xf32>,
    %swap3A_1666 = arith.constant 3 : i32
    %swap3A_1667 = arith.index_cast %swap3A_1666 : i32 to index
    %swap3A_1668 = arith.constant 0 : index
    %swap3A_1669 = tpu.vector_load %arg8[%swap3A_1667, %swap3A_1668] {strides = array<i32>} : memref<16x128xf32, #tpu.memory_space<vmem>>, vector<1x16xf32>,
    %swap3A_1670 = vector.shape_cast %swap3A_1669 : vector<1x16xf32> to vector<16xf32>
    %swap3A_1671 = vector.shape_cast %broadcast_in_dim3A_34 : vector<16xf32> to vector<1x16xf32>
    tpu.vector_store %arg8[%swap3A_1667, %swap3A_1668], %swap3A_1671 {strides = array<i32>} : memref<16x128xf32, #tpu.memory_space<vmem>>, vector<1x16xf32>,
    %swap3A_1672 = arith.constant 3 : i32
    %swap3A_1673 = arith.index_cast %swap3A_1672 : i32 to index
    %swap3A_1674 = arith.constant 16 : index
    %swap3A_1675 = tpu.vector_load %arg8[%swap3A_1673, %swap3A_1674] {strides = array<i32>} : memref<16x128xf32, #tpu.memory_space<vmem>>, vector<1x16xf32>,
    %swap3A_1676 = vector.shape_cast %swap3A_1675 : vector<1x16xf32> to vector<16xf32>
    %swap3A_1677 = vector.shape_cast %broadcast_in_dim3A_34 : vector<16xf32> to vector<1x16xf32>
    tpu.vector_store %arg8[%swap3A_1673, %swap3A_1674], %swap3A_1677 {strides = array<i32>} : memref<16x128xf32, #tpu.memory_space<vmem>>, vector<1x16xf32>,
    %swap3A_1678 = arith.constant 3 : i32
    %swap3A_1679 = arith.index_cast %swap3A_1678 : i32 to index
    %swap3A_1680 = arith.constant 32 : index
    %swap3A_1681 = tpu.vector_load %arg8[%swap3A_1679, %swap3A_1680] {strides = array<i32>} : memref<16x128xf32, #tpu.memory_space<vmem>>, vector<1x16xf32>,
    %swap3A_1682 = vector.shape_cast %swap3A_1681 : vector<1x16xf32> to vector<16xf32>
    %swap3A_1683 = vector.shape_cast %broadcast_in_dim3A_34 : vector<16xf32> to vector<1x16xf32>
    tpu.vector_store %arg8[%swap3A_1679, %swap3A_1680], %swap3A_1683 {strides = array<i32>} : memref<16x128xf32, #tpu.memory_space<vmem>>, vector<1x16xf32>,
    %swap3A_1684 = arith.constant 3 : i32
    %swap3A_1685 = arith.index_cast %swap3A_1684 : i32 to index
    %swap3A_1686 = arith.constant 48 : index
    %swap3A_1687 = tpu.vector_load %arg8[%swap3A_1685, %swap3A_1686] {strides = array<i32>} : memref<16x128xf32, #tpu.memory_space<vmem>>, vector<1x16xf32>,
    %swap3A_1688 = vector.shape_cast %swap3A_1687 : vector<1x16xf32> to vector<16xf32>
    %swap3A_1689 = vector.shape_cast %broadcast_in_dim3A_34 : vector<16xf32> to vector<1x16xf32>
    tpu.vector_store %arg8[%swap3A_1685, %swap3A_1686], %swap3A_1689 {strides = array<i32>} : memref<16x128xf32, #tpu.memory_space<vmem>>, vector<1x16xf32>,
    %swap3A_1690 = arith.constant 3 : i32
    %swap3A_1691 = arith.index_cast %swap3A_1690 : i32 to index
    %swap3A_1692 = arith.constant 64 : index
    %swap3A_1693 = tpu.vector_load %arg8[%swap3A_1691, %swap3A_1692] {strides = array<i32>} : memref<16x128xf32, #tpu.memory_space<vmem>>, vector<1x16xf32>,
    %swap3A_1694 = vector.shape_cast %swap3A_1693 : vector<1x16xf32> to vector<16xf32>
    %swap3A_1695 = vector.shape_cast %broadcast_in_dim3A_34 : vector<16xf32> to vector<1x16xf32>
    tpu.vector_store %arg8[%swap3A_1691, %swap3A_1692], %swap3A_1695 {strides = array<i32>} : memref<16x128xf32, #tpu.memory_space<vmem>>, vector<1x16xf32>,
    %swap3A_1696 = arith.constant 3 : i32
    %swap3A_1697 = arith.index_cast %swap3A_1696 : i32 to index
    %swap3A_1698 = arith.constant 80 : index
    %swap3A_1699 = tpu.vector_load %arg8[%swap3A_1697, %swap3A_1698] {strides = array<i32>} : memref<16x128xf32, #tpu.memory_space<vmem>>, vector<1x16xf32>,
    %swap3A_1700 = vector.shape_cast %swap3A_1699 : vector<1x16xf32> to vector<16xf32>
    %swap3A_1701 = vector.shape_cast %broadcast_in_dim3A_34 : vector<16xf32> to vector<1x16xf32>
    tpu.vector_store %arg8[%swap3A_1697, %swap3A_1698], %swap3A_1701 {strides = array<i32>} : memref<16x128xf32, #tpu.memory_space<vmem>>, vector<1x16xf32>,
    %swap3A_1702 = arith.constant 3 : i32
    %swap3A_1703 = arith.index_cast %swap3A_1702 : i32 to index
    %swap3A_1704 = arith.constant 96 : index
    %swap3A_1705 = tpu.vector_load %arg8[%swap3A_1703, %swap3A_1704] {strides = array<i32>} : memref<16x128xf32, #tpu.memory_space<vmem>>, vector<1x16xf32>,
    %swap3A_1706 = vector.shape_cast %swap3A_1705 : vector<1x16xf32> to vector<16xf32>
    %swap3A_1707 = vector.shape_cast %broadcast_in_dim3A_34 : vector<16xf32> to vector<1x16xf32>
    tpu.vector_store %arg8[%swap3A_1703, %swap3A_1704], %swap3A_1707 {strides = array<i32>} : memref<16x128xf32, #tpu.memory_space<vmem>>, vector<1x16xf32>,
    %swap3A_1708 = arith.constant 3 : i32
    %swap3A_1709 = arith.index_cast %swap3A_1708 : i32 to index
    %swap3A_1710 = arith.constant 112 : index
    %swap3A_1711 = tpu.vector_load %arg8[%swap3A_1709, %swap3A_1710] {strides = array<i32>} : memref<16x128xf32, #tpu.memory_space<vmem>>, vector<1x16xf32>,
    %swap3A_1712 = vector.shape_cast %swap3A_1711 : vector<1x16xf32> to vector<16xf32>
    %swap3A_1713 = vector.shape_cast %broadcast_in_dim3A_34 : vector<16xf32> to vector<1x16xf32>
    tpu.vector_store %arg8[%swap3A_1709, %swap3A_1710], %swap3A_1713 {strides = array<i32>} : memref<16x128xf32, #tpu.memory_space<vmem>>, vector<1x16xf32>,
    %swap3A_1714 = arith.constant 4 : i32
    %swap3A_1715 = arith.index_cast %swap3A_1714 : i32 to index
    %swap3A_1716 = arith.constant 0 : index
    %swap3A_1717 = tpu.vector_load %arg8[%swap3A_1715, %swap3A_1716] {strides = array<i32>} : memref<16x128xf32, #tpu.memory_space<vmem>>, vector<1x16xf32>,
    %swap3A_1718 = vector.shape_cast %swap3A_1717 : vector<1x16xf32> to vector<16xf32>
    %swap3A_1719 = vector.shape_cast %broadcast_in_dim3A_34 : vector<16xf32> to vector<1x16xf32>
    tpu.vector_store %arg8[%swap3A_1715, %swap3A_1716], %swap3A_1719 {strides = array<i32>} : memref<16x128xf32, #tpu.memory_space<vmem>>, vector<1x16xf32>,
    %swap3A_1720 = arith.constant 4 : i32
    %swap3A_1721 = arith.index_cast %swap3A_1720 : i32 to index
    %swap3A_1722 = arith.constant 16 : index
    %swap3A_1723 = tpu.vector_load %arg8[%swap3A_1721, %swap3A_1722] {strides = array<i32>} : memref<16x128xf32, #tpu.memory_space<vmem>>, vector<1x16xf32>,
    %swap3A_1724 = vector.shape_cast %swap3A_1723 : vector<1x16xf32> to vector<16xf32>
    %swap3A_1725 = vector.shape_cast %broadcast_in_dim3A_34 : vector<16xf32> to vector<1x16xf32>
    tpu.vector_store %arg8[%swap3A_1721, %swap3A_1722], %swap3A_1725 {strides = array<i32>} : memref<16x128xf32, #tpu.memory_space<vmem>>, vector<1x16xf32>,
    %swap3A_1726 = arith.constant 4 : i32
    %swap3A_1727 = arith.index_cast %swap3A_1726 : i32 to index
    %swap3A_1728 = arith.constant 32 : index
    %swap3A_1729 = tpu.vector_load %arg8[%swap3A_1727, %swap3A_1728] {strides = array<i32>} : memref<16x128xf32, #tpu.memory_space<vmem>>, vector<1x16xf32>,
    %swap3A_1730 = vector.shape_cast %swap3A_1729 : vector<1x16xf32> to vector<16xf32>
    %swap3A_1731 = vector.shape_cast %broadcast_in_dim3A_34 : vector<16xf32> to vector<1x16xf32>
    tpu.vector_store %arg8[%swap3A_1727, %swap3A_1728], %swap3A_1731 {strides = array<i32>} : memref<16x128xf32, #tpu.memory_space<vmem>>, vector<1x16xf32>,
    %swap3A_1732 = arith.constant 4 : i32
    %swap3A_1733 = arith.index_cast %swap3A_1732 : i32 to index
    %swap3A_1734 = arith.constant 48 : index
    %swap3A_1735 = tpu.vector_load %arg8[%swap3A_1733, %swap3A_1734] {strides = array<i32>} : memref<16x128xf32, #tpu.memory_space<vmem>>, vector<1x16xf32>,
    %swap3A_1736 = vector.shape_cast %swap3A_1735 : vector<1x16xf32> to vector<16xf32>
    %swap3A_1737 = vector.shape_cast %broadcast_in_dim3A_34 : vector<16xf32> to vector<1x16xf32>
    tpu.vector_store %arg8[%swap3A_1733, %swap3A_1734], %swap3A_1737 {strides = array<i32>} : memref<16x128xf32, #tpu.memory_space<vmem>>, vector<1x16xf32>,
    %swap3A_1738 = arith.constant 4 : i32
    %swap3A_1739 = arith.index_cast %swap3A_1738 : i32 to index
    %swap3A_1740 = arith.constant 64 : index
    %swap3A_1741 = tpu.vector_load %arg8[%swap3A_1739, %swap3A_1740] {strides = array<i32>} : memref<16x128xf32, #tpu.memory_space<vmem>>, vector<1x16xf32>,
    %swap3A_1742 = vector.shape_cast %swap3A_1741 : vector<1x16xf32> to vector<16xf32>
    %swap3A_1743 = vector.shape_cast %broadcast_in_dim3A_34 : vector<16xf32> to vector<1x16xf32>
    tpu.vector_store %arg8[%swap3A_1739, %swap3A_1740], %swap3A_1743 {strides = array<i32>} : memref<16x128xf32, #tpu.memory_space<vmem>>, vector<1x16xf32>,
    %swap3A_1744 = arith.constant 4 : i32
    %swap3A_1745 = arith.index_cast %swap3A_1744 : i32 to index
    %swap3A_1746 = arith.constant 80 : index
    %swap3A_1747 = tpu.vector_load %arg8[%swap3A_1745, %swap3A_1746] {strides = array<i32>} : memref<16x128xf32, #tpu.memory_space<vmem>>, vector<1x16xf32>,
    %swap3A_1748 = vector.shape_cast %swap3A_1747 : vector<1x16xf32> to vector<16xf32>
    %swap3A_1749 = vector.shape_cast %broadcast_in_dim3A_34 : vector<16xf32> to vector<1x16xf32>
    tpu.vector_store %arg8[%swap3A_1745, %swap3A_1746], %swap3A_1749 {strides = array<i32>} : memref<16x128xf32, #tpu.memory_space<vmem>>, vector<1x16xf32>,
    %swap3A_1750 = arith.constant 4 : i32
    %swap3A_1751 = arith.index_cast %swap3A_1750 : i32 to index
    %swap3A_1752 = arith.constant 96 : index
    %swap3A_1753 = tpu.vector_load %arg8[%swap3A_1751, %swap3A_1752] {strides = array<i32>} : memref<16x128xf32, #tpu.memory_space<vmem>>, vector<1x16xf32>,
    %swap3A_1754 = vector.shape_cast %swap3A_1753 : vector<1x16xf32> to vector<16xf32>
    %swap3A_1755 = vector.shape_cast %broadcast_in_dim3A_34 : vector<16xf32> to vector<1x16xf32>
    tpu.vector_store %arg8[%swap3A_1751, %swap3A_1752], %swap3A_1755 {strides = array<i32>} : memref<16x128xf32, #tpu.memory_space<vmem>>, vector<1x16xf32>,
    %swap3A_1756 = arith.constant 4 : i32
    %swap3A_1757 = arith.index_cast %swap3A_1756 : i32 to index
    %swap3A_1758 = arith.constant 112 : index
    %swap3A_1759 = tpu.vector_load %arg8[%swap3A_1757, %swap3A_1758] {strides = array<i32>} : memref<16x128xf32, #tpu.memory_space<vmem>>, vector<1x16xf32>,
    %swap3A_1760 = vector.shape_cast %swap3A_1759 : vector<1x16xf32> to vector<16xf32>
    %swap3A_1761 = vector.shape_cast %broadcast_in_dim3A_34 : vector<16xf32> to vector<1x16xf32>
    tpu.vector_store %arg8[%swap3A_1757, %swap3A_1758], %swap3A_1761 {strides = array<i32>} : memref<16x128xf32, #tpu.memory_space<vmem>>, vector<1x16xf32>,
    %swap3A_1762 = arith.constant 5 : i32
    %swap3A_1763 = arith.index_cast %swap3A_1762 : i32 to index
    %swap3A_1764 = arith.constant 0 : index
    %swap3A_1765 = tpu.vector_load %arg8[%swap3A_1763, %swap3A_1764] {strides = array<i32>} : memref<16x128xf32, #tpu.memory_space<vmem>>, vector<1x16xf32>,
    %swap3A_1766 = vector.shape_cast %swap3A_1765 : vector<1x16xf32> to vector<16xf32>
    %swap3A_1767 = vector.shape_cast %broadcast_in_dim3A_34 : vector<16xf32> to vector<1x16xf32>
    tpu.vector_store %arg8[%swap3A_1763, %swap3A_1764], %swap3A_1767 {strides = array<i32>} : memref<16x128xf32, #tpu.memory_space<vmem>>, vector<1x16xf32>,
    %swap3A_1768 = arith.constant 5 : i32
    %swap3A_1769 = arith.index_cast %swap3A_1768 : i32 to index
    %swap3A_1770 = arith.constant 16 : index
    %swap3A_1771 = tpu.vector_load %arg8[%swap3A_1769, %swap3A_1770] {strides = array<i32>} : memref<16x128xf32, #tpu.memory_space<vmem>>, vector<1x16xf32>,
    %swap3A_1772 = vector.shape_cast %swap3A_1771 : vector<1x16xf32> to vector<16xf32>
    %swap3A_1773 = vector.shape_cast %broadcast_in_dim3A_34 : vector<16xf32> to vector<1x16xf32>
    tpu.vector_store %arg8[%swap3A_1769, %swap3A_1770], %swap3A_1773 {strides = array<i32>} : memref<16x128xf32, #tpu.memory_space<vmem>>, vector<1x16xf32>,
    %swap3A_1774 = arith.constant 5 : i32
    %swap3A_1775 = arith.index_cast %swap3A_1774 : i32 to index
    %swap3A_1776 = arith.constant 32 : index
    %swap3A_1777 = tpu.vector_load %arg8[%swap3A_1775, %swap3A_1776] {strides = array<i32>} : memref<16x128xf32, #tpu.memory_space<vmem>>, vector<1x16xf32>,
    %swap3A_1778 = vector.shape_cast %swap3A_1777 : vector<1x16xf32> to vector<16xf32>
    %swap3A_1779 = vector.shape_cast %broadcast_in_dim3A_34 : vector<16xf32> to vector<1x16xf32>
    tpu.vector_store %arg8[%swap3A_1775, %swap3A_1776], %swap3A_1779 {strides = array<i32>} : memref<16x128xf32, #tpu.memory_space<vmem>>, vector<1x16xf32>,
    %swap3A_1780 = arith.constant 5 : i32
    %swap3A_1781 = arith.index_cast %swap3A_1780 : i32 to index
    %swap3A_1782 = arith.constant 48 : index
    %swap3A_1783 = tpu.vector_load %arg8[%swap3A_1781, %swap3A_1782] {strides = array<i32>} : memref<16x128xf32, #tpu.memory_space<vmem>>, vector<1x16xf32>,
    %swap3A_1784 = vector.shape_cast %swap3A_1783 : vector<1x16xf32> to vector<16xf32>
    %swap3A_1785 = vector.shape_cast %broadcast_in_dim3A_34 : vector<16xf32> to vector<1x16xf32>
    tpu.vector_store %arg8[%swap3A_1781, %swap3A_1782], %swap3A_1785 {strides = array<i32>} : memref<16x128xf32, #tpu.memory_space<vmem>>, vector<1x16xf32>,
    %swap3A_1786 = arith.constant 5 : i32
    %swap3A_1787 = arith.index_cast %swap3A_1786 : i32 to index
    %swap3A_1788 = arith.constant 64 : index
    %swap3A_1789 = tpu.vector_load %arg8[%swap3A_1787, %swap3A_1788] {strides = array<i32>} : memref<16x128xf32, #tpu.memory_space<vmem>>, vector<1x16xf32>,
    %swap3A_1790 = vector.shape_cast %swap3A_1789 : vector<1x16xf32> to vector<16xf32>
    %swap3A_1791 = vector.shape_cast %broadcast_in_dim3A_34 : vector<16xf32> to vector<1x16xf32>
    tpu.vector_store %arg8[%swap3A_1787, %swap3A_1788], %swap3A_1791 {strides = array<i32>} : memref<16x128xf32, #tpu.memory_space<vmem>>, vector<1x16xf32>,
    %swap3A_1792 = arith.constant 5 : i32
    %swap3A_1793 = arith.index_cast %swap3A_1792 : i32 to index
    %swap3A_1794 = arith.constant 80 : index
    %swap3A_1795 = tpu.vector_load %arg8[%swap3A_1793, %swap3A_1794] {strides = array<i32>} : memref<16x128xf32, #tpu.memory_space<vmem>>, vector<1x16xf32>,
    %swap3A_1796 = vector.shape_cast %swap3A_1795 : vector<1x16xf32> to vector<16xf32>
    %swap3A_1797 = vector.shape_cast %broadcast_in_dim3A_34 : vector<16xf32> to vector<1x16xf32>
    tpu.vector_store %arg8[%swap3A_1793, %swap3A_1794], %swap3A_1797 {strides = array<i32>} : memref<16x128xf32, #tpu.memory_space<vmem>>, vector<1x16xf32>,
    %swap3A_1798 = arith.constant 5 : i32
    %swap3A_1799 = arith.index_cast %swap3A_1798 : i32 to index
    %swap3A_1800 = arith.constant 96 : index
    %swap3A_1801 = tpu.vector_load %arg8[%swap3A_1799, %swap3A_1800] {strides = array<i32>} : memref<16x128xf32, #tpu.memory_space<vmem>>, vector<1x16xf32>,
    %swap3A_1802 = vector.shape_cast %swap3A_1801 : vector<1x16xf32> to vector<16xf32>
    %swap3A_1803 = vector.shape_cast %broadcast_in_dim3A_34 : vector<16xf32> to vector<1x16xf32>
    tpu.vector_store %arg8[%swap3A_1799, %swap3A_1800], %swap3A_1803 {strides = array<i32>} : memref<16x128xf32, #tpu.memory_space<vmem>>, vector<1x16xf32>,
    %swap3A_1804 = arith.constant 5 : i32
    %swap3A_1805 = arith.index_cast %swap3A_1804 : i32 to index
    %swap3A_1806 = arith.constant 112 : index
    %swap3A_1807 = tpu.vector_load %arg8[%swap3A_1805, %swap3A_1806] {strides = array<i32>} : memref<16x128xf32, #tpu.memory_space<vmem>>, vector<1x16xf32>,
    %swap3A_1808 = vector.shape_cast %swap3A_1807 : vector<1x16xf32> to vector<16xf32>
    %swap3A_1809 = vector.shape_cast %broadcast_in_dim3A_34 : vector<16xf32> to vector<1x16xf32>
    tpu.vector_store %arg8[%swap3A_1805, %swap3A_1806], %swap3A_1809 {strides = array<i32>} : memref<16x128xf32, #tpu.memory_space<vmem>>, vector<1x16xf32>,
    %swap3A_1810 = arith.constant 6 : i32
    %swap3A_1811 = arith.index_cast %swap3A_1810 : i32 to index
    %swap3A_1812 = arith.constant 0 : index
    %swap3A_1813 = tpu.vector_load %arg8[%swap3A_1811, %swap3A_1812] {strides = array<i32>} : memref<16x128xf32, #tpu.memory_space<vmem>>, vector<1x16xf32>,
    %swap3A_1814 = vector.shape_cast %swap3A_1813 : vector<1x16xf32> to vector<16xf32>
    %swap3A_1815 = vector.shape_cast %broadcast_in_dim3A_34 : vector<16xf32> to vector<1x16xf32>
    tpu.vector_store %arg8[%swap3A_1811, %swap3A_1812], %swap3A_1815 {strides = array<i32>} : memref<16x128xf32, #tpu.memory_space<vmem>>, vector<1x16xf32>,
    %swap3A_1816 = arith.constant 6 : i32
    %swap3A_1817 = arith.index_cast %swap3A_1816 : i32 to index
    %swap3A_1818 = arith.constant 16 : index
    %swap3A_1819 = tpu.vector_load %arg8[%swap3A_1817, %swap3A_1818] {strides = array<i32>} : memref<16x128xf32, #tpu.memory_space<vmem>>, vector<1x16xf32>,
    %swap3A_1820 = vector.shape_cast %swap3A_1819 : vector<1x16xf32> to vector<16xf32>
    %swap3A_1821 = vector.shape_cast %broadcast_in_dim3A_34 : vector<16xf32> to vector<1x16xf32>
    tpu.vector_store %arg8[%swap3A_1817, %swap3A_1818], %swap3A_1821 {strides = array<i32>} : memref<16x128xf32, #tpu.memory_space<vmem>>, vector<1x16xf32>,
    %swap3A_1822 = arith.constant 6 : i32
    %swap3A_1823 = arith.index_cast %swap3A_1822 : i32 to index
    %swap3A_1824 = arith.constant 32 : index
    %swap3A_1825 = tpu.vector_load %arg8[%swap3A_1823, %swap3A_1824] {strides = array<i32>} : memref<16x128xf32, #tpu.memory_space<vmem>>, vector<1x16xf32>,
    %swap3A_1826 = vector.shape_cast %swap3A_1825 : vector<1x16xf32> to vector<16xf32>
    %swap3A_1827 = vector.shape_cast %broadcast_in_dim3A_34 : vector<16xf32> to vector<1x16xf32>
    tpu.vector_store %arg8[%swap3A_1823, %swap3A_1824], %swap3A_1827 {strides = array<i32>} : memref<16x128xf32, #tpu.memory_space<vmem>>, vector<1x16xf32>,
    %swap3A_1828 = arith.constant 6 : i32
    %swap3A_1829 = arith.index_cast %swap3A_1828 : i32 to index
    %swap3A_1830 = arith.constant 48 : index
    %swap3A_1831 = tpu.vector_load %arg8[%swap3A_1829, %swap3A_1830] {strides = array<i32>} : memref<16x128xf32, #tpu.memory_space<vmem>>, vector<1x16xf32>,
    %swap3A_1832 = vector.shape_cast %swap3A_1831 : vector<1x16xf32> to vector<16xf32>
    %swap3A_1833 = vector.shape_cast %broadcast_in_dim3A_34 : vector<16xf32> to vector<1x16xf32>
    tpu.vector_store %arg8[%swap3A_1829, %swap3A_1830], %swap3A_1833 {strides = array<i32>} : memref<16x128xf32, #tpu.memory_space<vmem>>, vector<1x16xf32>,
    %swap3A_1834 = arith.constant 6 : i32
    %swap3A_1835 = arith.index_cast %swap3A_1834 : i32 to index
    %swap3A_1836 = arith.constant 64 : index
    %swap3A_1837 = tpu.vector_load %arg8[%swap3A_1835, %swap3A_1836] {strides = array<i32>} : memref<16x128xf32, #tpu.memory_space<vmem>>, vector<1x16xf32>,
    %swap3A_1838 = vector.shape_cast %swap3A_1837 : vector<1x16xf32> to vector<16xf32>
    %swap3A_1839 = vector.shape_cast %broadcast_in_dim3A_34 : vector<16xf32> to vector<1x16xf32>
    tpu.vector_store %arg8[%swap3A_1835, %swap3A_1836], %swap3A_1839 {strides = array<i32>} : memref<16x128xf32, #tpu.memory_space<vmem>>, vector<1x16xf32>,
    %swap3A_1840 = arith.constant 6 : i32
    %swap3A_1841 = arith.index_cast %swap3A_1840 : i32 to index
    %swap3A_1842 = arith.constant 80 : index
    %swap3A_1843 = tpu.vector_load %arg8[%swap3A_1841, %swap3A_1842] {strides = array<i32>} : memref<16x128xf32, #tpu.memory_space<vmem>>, vector<1x16xf32>,
    %swap3A_1844 = vector.shape_cast %swap3A_1843 : vector<1x16xf32> to vector<16xf32>
    %swap3A_1845 = vector.shape_cast %broadcast_in_dim3A_34 : vector<16xf32> to vector<1x16xf32>
    tpu.vector_store %arg8[%swap3A_1841, %swap3A_1842], %swap3A_1845 {strides = array<i32>} : memref<16x128xf32, #tpu.memory_space<vmem>>, vector<1x16xf32>,
    %swap3A_1846 = arith.constant 6 : i32
    %swap3A_1847 = arith.index_cast %swap3A_1846 : i32 to index
    %swap3A_1848 = arith.constant 96 : index
    %swap3A_1849 = tpu.vector_load %arg8[%swap3A_1847, %swap3A_1848] {strides = array<i32>} : memref<16x128xf32, #tpu.memory_space<vmem>>, vector<1x16xf32>,
    %swap3A_1850 = vector.shape_cast %swap3A_1849 : vector<1x16xf32> to vector<16xf32>
    %swap3A_1851 = vector.shape_cast %broadcast_in_dim3A_34 : vector<16xf32> to vector<1x16xf32>
    tpu.vector_store %arg8[%swap3A_1847, %swap3A_1848], %swap3A_1851 {strides = array<i32>} : memref<16x128xf32, #tpu.memory_space<vmem>>, vector<1x16xf32>,
    %swap3A_1852 = arith.constant 6 : i32
    %swap3A_1853 = arith.index_cast %swap3A_1852 : i32 to index
    %swap3A_1854 = arith.constant 112 : index
    %swap3A_1855 = tpu.vector_load %arg8[%swap3A_1853, %swap3A_1854] {strides = array<i32>} : memref<16x128xf32, #tpu.memory_space<vmem>>, vector<1x16xf32>,
    %swap3A_1856 = vector.shape_cast %swap3A_1855 : vector<1x16xf32> to vector<16xf32>
    %swap3A_1857 = vector.shape_cast %broadcast_in_dim3A_34 : vector<16xf32> to vector<1x16xf32>
    tpu.vector_store %arg8[%swap3A_1853, %swap3A_1854], %swap3A_1857 {strides = array<i32>} : memref<16x128xf32, #tpu.memory_space<vmem>>, vector<1x16xf32>,
    %swap3A_1858 = arith.constant 7 : i32
    %swap3A_1859 = arith.index_cast %swap3A_1858 : i32 to index
    %swap3A_1860 = arith.constant 0 : index
    %swap3A_1861 = tpu.vector_load %arg8[%swap3A_1859, %swap3A_1860] {strides = array<i32>} : memref<16x128xf32, #tpu.memory_space<vmem>>, vector<1x16xf32>,
    %swap3A_1862 = vector.shape_cast %swap3A_1861 : vector<1x16xf32> to vector<16xf32>
    %swap3A_1863 = vector.shape_cast %broadcast_in_dim3A_34 : vector<16xf32> to vector<1x16xf32>
    tpu.vector_store %arg8[%swap3A_1859, %swap3A_1860], %swap3A_1863 {strides = array<i32>} : memref<16x128xf32, #tpu.memory_space<vmem>>, vector<1x16xf32>,
    %swap3A_1864 = arith.constant 7 : i32
    %swap3A_1865 = arith.index_cast %swap3A_1864 : i32 to index
    %swap3A_1866 = arith.constant 16 : index
    %swap3A_1867 = tpu.vector_load %arg8[%swap3A_1865, %swap3A_1866] {strides = array<i32>} : memref<16x128xf32, #tpu.memory_space<vmem>>, vector<1x16xf32>,
    %swap3A_1868 = vector.shape_cast %swap3A_1867 : vector<1x16xf32> to vector<16xf32>
    %swap3A_1869 = vector.shape_cast %broadcast_in_dim3A_34 : vector<16xf32> to vector<1x16xf32>
    tpu.vector_store %arg8[%swap3A_1865, %swap3A_1866], %swap3A_1869 {strides = array<i32>} : memref<16x128xf32, #tpu.memory_space<vmem>>, vector<1x16xf32>,
    %swap3A_1870 = arith.constant 7 : i32
    %swap3A_1871 = arith.index_cast %swap3A_1870 : i32 to index
    %swap3A_1872 = arith.constant 32 : index
    %swap3A_1873 = tpu.vector_load %arg8[%swap3A_1871, %swap3A_1872] {strides = array<i32>} : memref<16x128xf32, #tpu.memory_space<vmem>>, vector<1x16xf32>,
    %swap3A_1874 = vector.shape_cast %swap3A_1873 : vector<1x16xf32> to vector<16xf32>
    %swap3A_1875 = vector.shape_cast %broadcast_in_dim3A_34 : vector<16xf32> to vector<1x16xf32>
    tpu.vector_store %arg8[%swap3A_1871, %swap3A_1872], %swap3A_1875 {strides = array<i32>} : memref<16x128xf32, #tpu.memory_space<vmem>>, vector<1x16xf32>,
    %swap3A_1876 = arith.constant 7 : i32
    %swap3A_1877 = arith.index_cast %swap3A_1876 : i32 to index
    %swap3A_1878 = arith.constant 48 : index
    %swap3A_1879 = tpu.vector_load %arg8[%swap3A_1877, %swap3A_1878] {strides = array<i32>} : memref<16x128xf32, #tpu.memory_space<vmem>>, vector<1x16xf32>,
    %swap3A_1880 = vector.shape_cast %swap3A_1879 : vector<1x16xf32> to vector<16xf32>
    %swap3A_1881 = vector.shape_cast %broadcast_in_dim3A_34 : vector<16xf32> to vector<1x16xf32>
    tpu.vector_store %arg8[%swap3A_1877, %swap3A_1878], %swap3A_1881 {strides = array<i32>} : memref<16x128xf32, #tpu.memory_space<vmem>>, vector<1x16xf32>,
    %swap3A_1882 = arith.constant 7 : i32
    %swap3A_1883 = arith.index_cast %swap3A_1882 : i32 to index
    %swap3A_1884 = arith.constant 64 : index
    %swap3A_1885 = tpu.vector_load %arg8[%swap3A_1883, %swap3A_1884] {strides = array<i32>} : memref<16x128xf32, #tpu.memory_space<vmem>>, vector<1x16xf32>,
    %swap3A_1886 = vector.shape_cast %swap3A_1885 : vector<1x16xf32> to vector<16xf32>
    %swap3A_1887 = vector.shape_cast %broadcast_in_dim3A_34 : vector<16xf32> to vector<1x16xf32>
    tpu.vector_store %arg8[%swap3A_1883, %swap3A_1884], %swap3A_1887 {strides = array<i32>} : memref<16x128xf32, #tpu.memory_space<vmem>>, vector<1x16xf32>,
    %swap3A_1888 = arith.constant 7 : i32
    %swap3A_1889 = arith.index_cast %swap3A_1888 : i32 to index
    %swap3A_1890 = arith.constant 80 : index
    %swap3A_1891 = tpu.vector_load %arg8[%swap3A_1889, %swap3A_1890] {strides = array<i32>} : memref<16x128xf32, #tpu.memory_space<vmem>>, vector<1x16xf32>,
    %swap3A_1892 = vector.shape_cast %swap3A_1891 : vector<1x16xf32> to vector<16xf32>
    %swap3A_1893 = vector.shape_cast %broadcast_in_dim3A_34 : vector<16xf32> to vector<1x16xf32>
    tpu.vector_store %arg8[%swap3A_1889, %swap3A_1890], %swap3A_1893 {strides = array<i32>} : memref<16x128xf32, #tpu.memory_space<vmem>>, vector<1x16xf32>,
    %swap3A_1894 = arith.constant 7 : i32
    %swap3A_1895 = arith.index_cast %swap3A_1894 : i32 to index
    %swap3A_1896 = arith.constant 96 : index
    %swap3A_1897 = tpu.vector_load %arg8[%swap3A_1895, %swap3A_1896] {strides = array<i32>} : memref<16x128xf32, #tpu.memory_space<vmem>>, vector<1x16xf32>,
    %swap3A_1898 = vector.shape_cast %swap3A_1897 : vector<1x16xf32> to vector<16xf32>
    %swap3A_1899 = vector.shape_cast %broadcast_in_dim3A_34 : vector<16xf32> to vector<1x16xf32>
    tpu.vector_store %arg8[%swap3A_1895, %swap3A_1896], %swap3A_1899 {strides = array<i32>} : memref<16x128xf32, #tpu.memory_space<vmem>>, vector<1x16xf32>,
    %swap3A_1900 = arith.constant 7 : i32
    %swap3A_1901 = arith.index_cast %swap3A_1900 : i32 to index
    %swap3A_1902 = arith.constant 112 : index
    %swap3A_1903 = tpu.vector_load %arg8[%swap3A_1901, %swap3A_1902] {strides = array<i32>} : memref<16x128xf32, #tpu.memory_space<vmem>>, vector<1x16xf32>,
    %swap3A_1904 = vector.shape_cast %swap3A_1903 : vector<1x16xf32> to vector<16xf32>
    %swap3A_1905 = vector.shape_cast %broadcast_in_dim3A_34 : vector<16xf32> to vector<1x16xf32>
    tpu.vector_store %arg8[%swap3A_1901, %swap3A_1902], %swap3A_1905 {strides = array<i32>} : memref<16x128xf32, #tpu.memory_space<vmem>>, vector<1x16xf32>,
    %swap3A_1906 = arith.constant 8 : i32
    %swap3A_1907 = arith.index_cast %swap3A_1906 : i32 to index
    %swap3A_1908 = arith.constant 0 : index
    %swap3A_1909 = tpu.vector_load %arg8[%swap3A_1907, %swap3A_1908] {strides = array<i32>} : memref<16x128xf32, #tpu.memory_space<vmem>>, vector<1x16xf32>,
    %swap3A_1910 = vector.shape_cast %swap3A_1909 : vector<1x16xf32> to vector<16xf32>
    %swap3A_1911 = vector.shape_cast %broadcast_in_dim3A_34 : vector<16xf32> to vector<1x16xf32>
    tpu.vector_store %arg8[%swap3A_1907, %swap3A_1908], %swap3A_1911 {strides = array<i32>} : memref<16x128xf32, #tpu.memory_space<vmem>>, vector<1x16xf32>,
    %swap3A_1912 = arith.constant 8 : i32
    %swap3A_1913 = arith.index_cast %swap3A_1912 : i32 to index
    %swap3A_1914 = arith.constant 16 : index
    %swap3A_1915 = tpu.vector_load %arg8[%swap3A_1913, %swap3A_1914] {strides = array<i32>} : memref<16x128xf32, #tpu.memory_space<vmem>>, vector<1x16xf32>,
    %swap3A_1916 = vector.shape_cast %swap3A_1915 : vector<1x16xf32> to vector<16xf32>
    %swap3A_1917 = vector.shape_cast %broadcast_in_dim3A_34 : vector<16xf32> to vector<1x16xf32>
    tpu.vector_store %arg8[%swap3A_1913, %swap3A_1914], %swap3A_1917 {strides = array<i32>} : memref<16x128xf32, #tpu.memory_space<vmem>>, vector<1x16xf32>,
    %swap3A_1918 = arith.constant 8 : i32
    %swap3A_1919 = arith.index_cast %swap3A_1918 : i32 to index
    %swap3A_1920 = arith.constant 32 : index
    %swap3A_1921 = tpu.vector_load %arg8[%swap3A_1919, %swap3A_1920] {strides = array<i32>} : memref<16x128xf32, #tpu.memory_space<vmem>>, vector<1x16xf32>,
    %swap3A_1922 = vector.shape_cast %swap3A_1921 : vector<1x16xf32> to vector<16xf32>
    %swap3A_1923 = vector.shape_cast %broadcast_in_dim3A_34 : vector<16xf32> to vector<1x16xf32>
    tpu.vector_store %arg8[%swap3A_1919, %swap3A_1920], %swap3A_1923 {strides = array<i32>} : memref<16x128xf32, #tpu.memory_space<vmem>>, vector<1x16xf32>,
    %swap3A_1924 = arith.constant 8 : i32
    %swap3A_1925 = arith.index_cast %swap3A_1924 : i32 to index
    %swap3A_1926 = arith.constant 48 : index
    %swap3A_1927 = tpu.vector_load %arg8[%swap3A_1925, %swap3A_1926] {strides = array<i32>} : memref<16x128xf32, #tpu.memory_space<vmem>>, vector<1x16xf32>,
    %swap3A_1928 = vector.shape_cast %swap3A_1927 : vector<1x16xf32> to vector<16xf32>
    %swap3A_1929 = vector.shape_cast %broadcast_in_dim3A_34 : vector<16xf32> to vector<1x16xf32>
    tpu.vector_store %arg8[%swap3A_1925, %swap3A_1926], %swap3A_1929 {strides = array<i32>} : memref<16x128xf32, #tpu.memory_space<vmem>>, vector<1x16xf32>,
    %swap3A_1930 = arith.constant 8 : i32
    %swap3A_1931 = arith.index_cast %swap3A_1930 : i32 to index
    %swap3A_1932 = arith.constant 64 : index
    %swap3A_1933 = tpu.vector_load %arg8[%swap3A_1931, %swap3A_1932] {strides = array<i32>} : memref<16x128xf32, #tpu.memory_space<vmem>>, vector<1x16xf32>,
    %swap3A_1934 = vector.shape_cast %swap3A_1933 : vector<1x16xf32> to vector<16xf32>
    %swap3A_1935 = vector.shape_cast %broadcast_in_dim3A_34 : vector<16xf32> to vector<1x16xf32>
    tpu.vector_store %arg8[%swap3A_1931, %swap3A_1932], %swap3A_1935 {strides = array<i32>} : memref<16x128xf32, #tpu.memory_space<vmem>>, vector<1x16xf32>,
    %swap3A_1936 = arith.constant 8 : i32
    %swap3A_1937 = arith.index_cast %swap3A_1936 : i32 to index
    %swap3A_1938 = arith.constant 80 : index
    %swap3A_1939 = tpu.vector_load %arg8[%swap3A_1937, %swap3A_1938] {strides = array<i32>} : memref<16x128xf32, #tpu.memory_space<vmem>>, vector<1x16xf32>,
    %swap3A_1940 = vector.shape_cast %swap3A_1939 : vector<1x16xf32> to vector<16xf32>
    %swap3A_1941 = vector.shape_cast %broadcast_in_dim3A_34 : vector<16xf32> to vector<1x16xf32>
    tpu.vector_store %arg8[%swap3A_1937, %swap3A_1938], %swap3A_1941 {strides = array<i32>} : memref<16x128xf32, #tpu.memory_space<vmem>>, vector<1x16xf32>,
    %swap3A_1942 = arith.constant 8 : i32
    %swap3A_1943 = arith.index_cast %swap3A_1942 : i32 to index
    %swap3A_1944 = arith.constant 96 : index
    %swap3A_1945 = tpu.vector_load %arg8[%swap3A_1943, %swap3A_1944] {strides = array<i32>} : memref<16x128xf32, #tpu.memory_space<vmem>>, vector<1x16xf32>,
    %swap3A_1946 = vector.shape_cast %swap3A_1945 : vector<1x16xf32> to vector<16xf32>
    %swap3A_1947 = vector.shape_cast %broadcast_in_dim3A_34 : vector<16xf32> to vector<1x16xf32>
    tpu.vector_store %arg8[%swap3A_1943, %swap3A_1944], %swap3A_1947 {strides = array<i32>} : memref<16x128xf32, #tpu.memory_space<vmem>>, vector<1x16xf32>,
    %swap3A_1948 = arith.constant 8 : i32
    %swap3A_1949 = arith.index_cast %swap3A_1948 : i32 to index
    %swap3A_1950 = arith.constant 112 : index
    %swap3A_1951 = tpu.vector_load %arg8[%swap3A_1949, %swap3A_1950] {strides = array<i32>} : memref<16x128xf32, #tpu.memory_space<vmem>>, vector<1x16xf32>,
    %swap3A_1952 = vector.shape_cast %swap3A_1951 : vector<1x16xf32> to vector<16xf32>
    %swap3A_1953 = vector.shape_cast %broadcast_in_dim3A_34 : vector<16xf32> to vector<1x16xf32>
    tpu.vector_store %arg8[%swap3A_1949, %swap3A_1950], %swap3A_1953 {strides = array<i32>} : memref<16x128xf32, #tpu.memory_space<vmem>>, vector<1x16xf32>,
    %swap3A_1954 = arith.constant 9 : i32
    %swap3A_1955 = arith.index_cast %swap3A_1954 : i32 to index
    %swap3A_1956 = arith.constant 0 : index
    %swap3A_1957 = tpu.vector_load %arg8[%swap3A_1955, %swap3A_1956] {strides = array<i32>} : memref<16x128xf32, #tpu.memory_space<vmem>>, vector<1x16xf32>,
    %swap3A_1958 = vector.shape_cast %swap3A_1957 : vector<1x16xf32> to vector<16xf32>
    %swap3A_1959 = vector.shape_cast %broadcast_in_dim3A_34 : vector<16xf32> to vector<1x16xf32>
    tpu.vector_store %arg8[%swap3A_1955, %swap3A_1956], %swap3A_1959 {strides = array<i32>} : memref<16x128xf32, #tpu.memory_space<vmem>>, vector<1x16xf32>,
    %swap3A_1960 = arith.constant 9 : i32
    %swap3A_1961 = arith.index_cast %swap3A_1960 : i32 to index
    %swap3A_1962 = arith.constant 16 : index
    %swap3A_1963 = tpu.vector_load %arg8[%swap3A_1961, %swap3A_1962] {strides = array<i32>} : memref<16x128xf32, #tpu.memory_space<vmem>>, vector<1x16xf32>,
    %swap3A_1964 = vector.shape_cast %swap3A_1963 : vector<1x16xf32> to vector<16xf32>
    %swap3A_1965 = vector.shape_cast %broadcast_in_dim3A_34 : vector<16xf32> to vector<1x16xf32>
    tpu.vector_store %arg8[%swap3A_1961, %swap3A_1962], %swap3A_1965 {strides = array<i32>} : memref<16x128xf32, #tpu.memory_space<vmem>>, vector<1x16xf32>,
    %swap3A_1966 = arith.constant 9 : i32
    %swap3A_1967 = arith.index_cast %swap3A_1966 : i32 to index
    %swap3A_1968 = arith.constant 32 : index
    %swap3A_1969 = tpu.vector_load %arg8[%swap3A_1967, %swap3A_1968] {strides = array<i32>} : memref<16x128xf32, #tpu.memory_space<vmem>>, vector<1x16xf32>,
    %swap3A_1970 = vector.shape_cast %swap3A_1969 : vector<1x16xf32> to vector<16xf32>
    %swap3A_1971 = vector.shape_cast %broadcast_in_dim3A_34 : vector<16xf32> to vector<1x16xf32>
    tpu.vector_store %arg8[%swap3A_1967, %swap3A_1968], %swap3A_1971 {strides = array<i32>} : memref<16x128xf32, #tpu.memory_space<vmem>>, vector<1x16xf32>,
    %swap3A_1972 = arith.constant 9 : i32
    %swap3A_1973 = arith.index_cast %swap3A_1972 : i32 to index
    %swap3A_1974 = arith.constant 48 : index
    %swap3A_1975 = tpu.vector_load %arg8[%swap3A_1973, %swap3A_1974] {strides = array<i32>} : memref<16x128xf32, #tpu.memory_space<vmem>>, vector<1x16xf32>,
    %swap3A_1976 = vector.shape_cast %swap3A_1975 : vector<1x16xf32> to vector<16xf32>
    %swap3A_1977 = vector.shape_cast %broadcast_in_dim3A_34 : vector<16xf32> to vector<1x16xf32>
    tpu.vector_store %arg8[%swap3A_1973, %swap3A_1974], %swap3A_1977 {strides = array<i32>} : memref<16x128xf32, #tpu.memory_space<vmem>>, vector<1x16xf32>,
    %swap3A_1978 = arith.constant 9 : i32
    %swap3A_1979 = arith.index_cast %swap3A_1978 : i32 to index
    %swap3A_1980 = arith.constant 64 : index
    %swap3A_1981 = tpu.vector_load %arg8[%swap3A_1979, %swap3A_1980] {strides = array<i32>} : memref<16x128xf32, #tpu.memory_space<vmem>>, vector<1x16xf32>,
    %swap3A_1982 = vector.shape_cast %swap3A_1981 : vector<1x16xf32> to vector<16xf32>
    %swap3A_1983 = vector.shape_cast %broadcast_in_dim3A_34 : vector<16xf32> to vector<1x16xf32>
    tpu.vector_store %arg8[%swap3A_1979, %swap3A_1980], %swap3A_1983 {strides = array<i32>} : memref<16x128xf32, #tpu.memory_space<vmem>>, vector<1x16xf32>,
    %swap3A_1984 = arith.constant 9 : i32
    %swap3A_1985 = arith.index_cast %swap3A_1984 : i32 to index
    %swap3A_1986 = arith.constant 80 : index
    %swap3A_1987 = tpu.vector_load %arg8[%swap3A_1985, %swap3A_1986] {strides = array<i32>} : memref<16x128xf32, #tpu.memory_space<vmem>>, vector<1x16xf32>,
    %swap3A_1988 = vector.shape_cast %swap3A_1987 : vector<1x16xf32> to vector<16xf32>
    %swap3A_1989 = vector.shape_cast %broadcast_in_dim3A_34 : vector<16xf32> to vector<1x16xf32>
    tpu.vector_store %arg8[%swap3A_1985, %swap3A_1986], %swap3A_1989 {strides = array<i32>} : memref<16x128xf32, #tpu.memory_space<vmem>>, vector<1x16xf32>,
    %swap3A_1990 = arith.constant 9 : i32
    %swap3A_1991 = arith.index_cast %swap3A_1990 : i32 to index
    %swap3A_1992 = arith.constant 96 : index
    %swap3A_1993 = tpu.vector_load %arg8[%swap3A_1991, %swap3A_1992] {strides = array<i32>} : memref<16x128xf32, #tpu.memory_space<vmem>>, vector<1x16xf32>,
    %swap3A_1994 = vector.shape_cast %swap3A_1993 : vector<1x16xf32> to vector<16xf32>
    %swap3A_1995 = vector.shape_cast %broadcast_in_dim3A_34 : vector<16xf32> to vector<1x16xf32>
    tpu.vector_store %arg8[%swap3A_1991, %swap3A_1992], %swap3A_1995 {strides = array<i32>} : memref<16x128xf32, #tpu.memory_space<vmem>>, vector<1x16xf32>,
    %swap3A_1996 = arith.constant 9 : i32
    %swap3A_1997 = arith.index_cast %swap3A_1996 : i32 to index
    %swap3A_1998 = arith.constant 112 : index
    %swap3A_1999 = tpu.vector_load %arg8[%swap3A_1997, %swap3A_1998] {strides = array<i32>} : memref<16x128xf32, #tpu.memory_space<vmem>>, vector<1x16xf32>,
    %swap3A_2000 = vector.shape_cast %swap3A_1999 : vector<1x16xf32> to vector<16xf32>
    %swap3A_2001 = vector.shape_cast %broadcast_in_dim3A_34 : vector<16xf32> to vector<1x16xf32>
    tpu.vector_store %arg8[%swap3A_1997, %swap3A_1998], %swap3A_2001 {strides = array<i32>} : memref<16x128xf32, #tpu.memory_space<vmem>>, vector<1x16xf32>,
    %swap3A_2002 = arith.constant 10 : i32
    %swap3A_2003 = arith.index_cast %swap3A_2002 : i32 to index
    %swap3A_2004 = arith.constant 0 : index
    %swap3A_2005 = tpu.vector_load %arg8[%swap3A_2003, %swap3A_2004] {strides = array<i32>} : memref<16x128xf32, #tpu.memory_space<vmem>>, vector<1x16xf32>,
    %swap3A_2006 = vector.shape_cast %swap3A_2005 : vector<1x16xf32> to vector<16xf32>
    %swap3A_2007 = vector.shape_cast %broadcast_in_dim3A_34 : vector<16xf32> to vector<1x16xf32>
    tpu.vector_store %arg8[%swap3A_2003, %swap3A_2004], %swap3A_2007 {strides = array<i32>} : memref<16x128xf32, #tpu.memory_space<vmem>>, vector<1x16xf32>,
    %swap3A_2008 = arith.constant 10 : i32
    %swap3A_2009 = arith.index_cast %swap3A_2008 : i32 to index
    %swap3A_2010 = arith.constant 16 : index
    %swap3A_2011 = tpu.vector_load %arg8[%swap3A_2009, %swap3A_2010] {strides = array<i32>} : memref<16x128xf32, #tpu.memory_space<vmem>>, vector<1x16xf32>,
    %swap3A_2012 = vector.shape_cast %swap3A_2011 : vector<1x16xf32> to vector<16xf32>
    %swap3A_2013 = vector.shape_cast %broadcast_in_dim3A_34 : vector<16xf32> to vector<1x16xf32>
    tpu.vector_store %arg8[%swap3A_2009, %swap3A_2010], %swap3A_2013 {strides = array<i32>} : memref<16x128xf32, #tpu.memory_space<vmem>>, vector<1x16xf32>,
    %swap3A_2014 = arith.constant 10 : i32
    %swap3A_2015 = arith.index_cast %swap3A_2014 : i32 to index
    %swap3A_2016 = arith.constant 32 : index
    %swap3A_2017 = tpu.vector_load %arg8[%swap3A_2015, %swap3A_2016] {strides = array<i32>} : memref<16x128xf32, #tpu.memory_space<vmem>>, vector<1x16xf32>,
    %swap3A_2018 = vector.shape_cast %swap3A_2017 : vector<1x16xf32> to vector<16xf32>
    %swap3A_2019 = vector.shape_cast %broadcast_in_dim3A_34 : vector<16xf32> to vector<1x16xf32>
    tpu.vector_store %arg8[%swap3A_2015, %swap3A_2016], %swap3A_2019 {strides = array<i32>} : memref<16x128xf32, #tpu.memory_space<vmem>>, vector<1x16xf32>,
    %swap3A_2020 = arith.constant 10 : i32
    %swap3A_2021 = arith.index_cast %swap3A_2020 : i32 to index
    %swap3A_2022 = arith.constant 48 : index
    %swap3A_2023 = tpu.vector_load %arg8[%swap3A_2021, %swap3A_2022] {strides = array<i32>} : memref<16x128xf32, #tpu.memory_space<vmem>>, vector<1x16xf32>,
    %swap3A_2024 = vector.shape_cast %swap3A_2023 : vector<1x16xf32> to vector<16xf32>
    %swap3A_2025 = vector.shape_cast %broadcast_in_dim3A_34 : vector<16xf32> to vector<1x16xf32>
    tpu.vector_store %arg8[%swap3A_2021, %swap3A_2022], %swap3A_2025 {strides = array<i32>} : memref<16x128xf32, #tpu.memory_space<vmem>>, vector<1x16xf32>,
    %swap3A_2026 = arith.constant 10 : i32
    %swap3A_2027 = arith.index_cast %swap3A_2026 : i32 to index
    %swap3A_2028 = arith.constant 64 : index
    %swap3A_2029 = tpu.vector_load %arg8[%swap3A_2027, %swap3A_2028] {strides = array<i32>} : memref<16x128xf32, #tpu.memory_space<vmem>>, vector<1x16xf32>,
    %swap3A_2030 = vector.shape_cast %swap3A_2029 : vector<1x16xf32> to vector<16xf32>
    %swap3A_2031 = vector.shape_cast %broadcast_in_dim3A_34 : vector<16xf32> to vector<1x16xf32>
    tpu.vector_store %arg8[%swap3A_2027, %swap3A_2028], %swap3A_2031 {strides = array<i32>} : memref<16x128xf32, #tpu.memory_space<vmem>>, vector<1x16xf32>,
    %swap3A_2032 = arith.constant 10 : i32
    %swap3A_2033 = arith.index_cast %swap3A_2032 : i32 to index
    %swap3A_2034 = arith.constant 80 : index
    %swap3A_2035 = tpu.vector_load %arg8[%swap3A_2033, %swap3A_2034] {strides = array<i32>} : memref<16x128xf32, #tpu.memory_space<vmem>>, vector<1x16xf32>,
    %swap3A_2036 = vector.shape_cast %swap3A_2035 : vector<1x16xf32> to vector<16xf32>
    %swap3A_2037 = vector.shape_cast %broadcast_in_dim3A_34 : vector<16xf32> to vector<1x16xf32>
    tpu.vector_store %arg8[%swap3A_2033, %swap3A_2034], %swap3A_2037 {strides = array<i32>} : memref<16x128xf32, #tpu.memory_space<vmem>>, vector<1x16xf32>,
    %swap3A_2038 = arith.constant 10 : i32
    %swap3A_2039 = arith.index_cast %swap3A_2038 : i32 to index
    %swap3A_2040 = arith.constant 96 : index
    %swap3A_2041 = tpu.vector_load %arg8[%swap3A_2039, %swap3A_2040] {strides = array<i32>} : memref<16x128xf32, #tpu.memory_space<vmem>>, vector<1x16xf32>,
    %swap3A_2042 = vector.shape_cast %swap3A_2041 : vector<1x16xf32> to vector<16xf32>
    %swap3A_2043 = vector.shape_cast %broadcast_in_dim3A_34 : vector<16xf32> to vector<1x16xf32>
    tpu.vector_store %arg8[%swap3A_2039, %swap3A_2040], %swap3A_2043 {strides = array<i32>} : memref<16x128xf32, #tpu.memory_space<vmem>>, vector<1x16xf32>,
    %swap3A_2044 = arith.constant 10 : i32
    %swap3A_2045 = arith.index_cast %swap3A_2044 : i32 to index
    %swap3A_2046 = arith.constant 112 : index
    %swap3A_2047 = tpu.vector_load %arg8[%swap3A_2045, %swap3A_2046] {strides = array<i32>} : memref<16x128xf32, #tpu.memory_space<vmem>>, vector<1x16xf32>,
    %swap3A_2048 = vector.shape_cast %swap3A_2047 : vector<1x16xf32> to vector<16xf32>
    %swap3A_2049 = vector.shape_cast %broadcast_in_dim3A_34 : vector<16xf32> to vector<1x16xf32>
    tpu.vector_store %arg8[%swap3A_2045, %swap3A_2046], %swap3A_2049 {strides = array<i32>} : memref<16x128xf32, #tpu.memory_space<vmem>>, vector<1x16xf32>,
    %swap3A_2050 = arith.constant 11 : i32
    %swap3A_2051 = arith.index_cast %swap3A_2050 : i32 to index
    %swap3A_2052 = arith.constant 0 : index
    %swap3A_2053 = tpu.vector_load %arg8[%swap3A_2051, %swap3A_2052] {strides = array<i32>} : memref<16x128xf32, #tpu.memory_space<vmem>>, vector<1x16xf32>,
    %swap3A_2054 = vector.shape_cast %swap3A_2053 : vector<1x16xf32> to vector<16xf32>
    %swap3A_2055 = vector.shape_cast %broadcast_in_dim3A_34 : vector<16xf32> to vector<1x16xf32>
    tpu.vector_store %arg8[%swap3A_2051, %swap3A_2052], %swap3A_2055 {strides = array<i32>} : memref<16x128xf32, #tpu.memory_space<vmem>>, vector<1x16xf32>,
    %swap3A_2056 = arith.constant 11 : i32
    %swap3A_2057 = arith.index_cast %swap3A_2056 : i32 to index
    %swap3A_2058 = arith.constant 16 : index
    %swap3A_2059 = tpu.vector_load %arg8[%swap3A_2057, %swap3A_2058] {strides = array<i32>} : memref<16x128xf32, #tpu.memory_space<vmem>>, vector<1x16xf32>,
    %swap3A_2060 = vector.shape_cast %swap3A_2059 : vector<1x16xf32> to vector<16xf32>
    %swap3A_2061 = vector.shape_cast %broadcast_in_dim3A_34 : vector<16xf32> to vector<1x16xf32>
    tpu.vector_store %arg8[%swap3A_2057, %swap3A_2058], %swap3A_2061 {strides = array<i32>} : memref<16x128xf32, #tpu.memory_space<vmem>>, vector<1x16xf32>,
    %swap3A_2062 = arith.constant 11 : i32
    %swap3A_2063 = arith.index_cast %swap3A_2062 : i32 to index
    %swap3A_2064 = arith.constant 32 : index
    %swap3A_2065 = tpu.vector_load %arg8[%swap3A_2063, %swap3A_2064] {strides = array<i32>} : memref<16x128xf32, #tpu.memory_space<vmem>>, vector<1x16xf32>,
    %swap3A_2066 = vector.shape_cast %swap3A_2065 : vector<1x16xf32> to vector<16xf32>
    %swap3A_2067 = vector.shape_cast %broadcast_in_dim3A_34 : vector<16xf32> to vector<1x16xf32>
    tpu.vector_store %arg8[%swap3A_2063, %swap3A_2064], %swap3A_2067 {strides = array<i32>} : memref<16x128xf32, #tpu.memory_space<vmem>>, vector<1x16xf32>,
    %swap3A_2068 = arith.constant 11 : i32
    %swap3A_2069 = arith.index_cast %swap3A_2068 : i32 to index
    %swap3A_2070 = arith.constant 48 : index
    %swap3A_2071 = tpu.vector_load %arg8[%swap3A_2069, %swap3A_2070] {strides = array<i32>} : memref<16x128xf32, #tpu.memory_space<vmem>>, vector<1x16xf32>,
    %swap3A_2072 = vector.shape_cast %swap3A_2071 : vector<1x16xf32> to vector<16xf32>
    %swap3A_2073 = vector.shape_cast %broadcast_in_dim3A_34 : vector<16xf32> to vector<1x16xf32>
    tpu.vector_store %arg8[%swap3A_2069, %swap3A_2070], %swap3A_2073 {strides = array<i32>} : memref<16x128xf32, #tpu.memory_space<vmem>>, vector<1x16xf32>,
    %swap3A_2074 = arith.constant 11 : i32
    %swap3A_2075 = arith.index_cast %swap3A_2074 : i32 to index
    %swap3A_2076 = arith.constant 64 : index
    %swap3A_2077 = tpu.vector_load %arg8[%swap3A_2075, %swap3A_2076] {strides = array<i32>} : memref<16x128xf32, #tpu.memory_space<vmem>>, vector<1x16xf32>,
    %swap3A_2078 = vector.shape_cast %swap3A_2077 : vector<1x16xf32> to vector<16xf32>
    %swap3A_2079 = vector.shape_cast %broadcast_in_dim3A_34 : vector<16xf32> to vector<1x16xf32>
    tpu.vector_store %arg8[%swap3A_2075, %swap3A_2076], %swap3A_2079 {strides = array<i32>} : memref<16x128xf32, #tpu.memory_space<vmem>>, vector<1x16xf32>,
    %swap3A_2080 = arith.constant 11 : i32
    %swap3A_2081 = arith.index_cast %swap3A_2080 : i32 to index
    %swap3A_2082 = arith.constant 80 : index
    %swap3A_2083 = tpu.vector_load %arg8[%swap3A_2081, %swap3A_2082] {strides = array<i32>} : memref<16x128xf32, #tpu.memory_space<vmem>>, vector<1x16xf32>,
    %swap3A_2084 = vector.shape_cast %swap3A_2083 : vector<1x16xf32> to vector<16xf32>
    %swap3A_2085 = vector.shape_cast %broadcast_in_dim3A_34 : vector<16xf32> to vector<1x16xf32>
    tpu.vector_store %arg8[%swap3A_2081, %swap3A_2082], %swap3A_2085 {strides = array<i32>} : memref<16x128xf32, #tpu.memory_space<vmem>>, vector<1x16xf32>,
    %swap3A_2086 = arith.constant 11 : i32
    %swap3A_2087 = arith.index_cast %swap3A_2086 : i32 to index
    %swap3A_2088 = arith.constant 96 : index
    %swap3A_2089 = tpu.vector_load %arg8[%swap3A_2087, %swap3A_2088] {strides = array<i32>} : memref<16x128xf32, #tpu.memory_space<vmem>>, vector<1x16xf32>,
    %swap3A_2090 = vector.shape_cast %swap3A_2089 : vector<1x16xf32> to vector<16xf32>
    %swap3A_2091 = vector.shape_cast %broadcast_in_dim3A_34 : vector<16xf32> to vector<1x16xf32>
    tpu.vector_store %arg8[%swap3A_2087, %swap3A_2088], %swap3A_2091 {strides = array<i32>} : memref<16x128xf32, #tpu.memory_space<vmem>>, vector<1x16xf32>,
    %swap3A_2092 = arith.constant 11 : i32
    %swap3A_2093 = arith.index_cast %swap3A_2092 : i32 to index
    %swap3A_2094 = arith.constant 112 : index
    %swap3A_2095 = tpu.vector_load %arg8[%swap3A_2093, %swap3A_2094] {strides = array<i32>} : memref<16x128xf32, #tpu.memory_space<vmem>>, vector<1x16xf32>,
    %swap3A_2096 = vector.shape_cast %swap3A_2095 : vector<1x16xf32> to vector<16xf32>
    %swap3A_2097 = vector.shape_cast %broadcast_in_dim3A_34 : vector<16xf32> to vector<1x16xf32>
    tpu.vector_store %arg8[%swap3A_2093, %swap3A_2094], %swap3A_2097 {strides = array<i32>} : memref<16x128xf32, #tpu.memory_space<vmem>>, vector<1x16xf32>,
    %swap3A_2098 = arith.constant 12 : i32
    %swap3A_2099 = arith.index_cast %swap3A_2098 : i32 to index
    %swap3A_2100 = arith.constant 0 : index
    %swap3A_2101 = tpu.vector_load %arg8[%swap3A_2099, %swap3A_2100] {strides = array<i32>} : memref<16x128xf32, #tpu.memory_space<vmem>>, vector<1x16xf32>,
    %swap3A_2102 = vector.shape_cast %swap3A_2101 : vector<1x16xf32> to vector<16xf32>
    %swap3A_2103 = vector.shape_cast %broadcast_in_dim3A_34 : vector<16xf32> to vector<1x16xf32>
    tpu.vector_store %arg8[%swap3A_2099, %swap3A_2100], %swap3A_2103 {strides = array<i32>} : memref<16x128xf32, #tpu.memory_space<vmem>>, vector<1x16xf32>,
    %swap3A_2104 = arith.constant 12 : i32
    %swap3A_2105 = arith.index_cast %swap3A_2104 : i32 to index
    %swap3A_2106 = arith.constant 16 : index
    %swap3A_2107 = tpu.vector_load %arg8[%swap3A_2105, %swap3A_2106] {strides = array<i32>} : memref<16x128xf32, #tpu.memory_space<vmem>>, vector<1x16xf32>,
    %swap3A_2108 = vector.shape_cast %swap3A_2107 : vector<1x16xf32> to vector<16xf32>
    %swap3A_2109 = vector.shape_cast %broadcast_in_dim3A_34 : vector<16xf32> to vector<1x16xf32>
    tpu.vector_store %arg8[%swap3A_2105, %swap3A_2106], %swap3A_2109 {strides = array<i32>} : memref<16x128xf32, #tpu.memory_space<vmem>>, vector<1x16xf32>,
    %swap3A_2110 = arith.constant 12 : i32
    %swap3A_2111 = arith.index_cast %swap3A_2110 : i32 to index
    %swap3A_2112 = arith.constant 32 : index
    %swap3A_2113 = tpu.vector_load %arg8[%swap3A_2111, %swap3A_2112] {strides = array<i32>} : memref<16x128xf32, #tpu.memory_space<vmem>>, vector<1x16xf32>,
    %swap3A_2114 = vector.shape_cast %swap3A_2113 : vector<1x16xf32> to vector<16xf32>
    %swap3A_2115 = vector.shape_cast %broadcast_in_dim3A_34 : vector<16xf32> to vector<1x16xf32>
    tpu.vector_store %arg8[%swap3A_2111, %swap3A_2112], %swap3A_2115 {strides = array<i32>} : memref<16x128xf32, #tpu.memory_space<vmem>>, vector<1x16xf32>,
    %swap3A_2116 = arith.constant 12 : i32
    %swap3A_2117 = arith.index_cast %swap3A_2116 : i32 to index
    %swap3A_2118 = arith.constant 48 : index
    %swap3A_2119 = tpu.vector_load %arg8[%swap3A_2117, %swap3A_2118] {strides = array<i32>} : memref<16x128xf32, #tpu.memory_space<vmem>>, vector<1x16xf32>,
    %swap3A_2120 = vector.shape_cast %swap3A_2119 : vector<1x16xf32> to vector<16xf32>
    %swap3A_2121 = vector.shape_cast %broadcast_in_dim3A_34 : vector<16xf32> to vector<1x16xf32>
    tpu.vector_store %arg8[%swap3A_2117, %swap3A_2118], %swap3A_2121 {strides = array<i32>} : memref<16x128xf32, #tpu.memory_space<vmem>>, vector<1x16xf32>,
    %swap3A_2122 = arith.constant 12 : i32
    %swap3A_2123 = arith.index_cast %swap3A_2122 : i32 to index
    %swap3A_2124 = arith.constant 64 : index
    %swap3A_2125 = tpu.vector_load %arg8[%swap3A_2123, %swap3A_2124] {strides = array<i32>} : memref<16x128xf32, #tpu.memory_space<vmem>>, vector<1x16xf32>,
    %swap3A_2126 = vector.shape_cast %swap3A_2125 : vector<1x16xf32> to vector<16xf32>
    %swap3A_2127 = vector.shape_cast %broadcast_in_dim3A_34 : vector<16xf32> to vector<1x16xf32>
    tpu.vector_store %arg8[%swap3A_2123, %swap3A_2124], %swap3A_2127 {strides = array<i32>} : memref<16x128xf32, #tpu.memory_space<vmem>>, vector<1x16xf32>,
    %swap3A_2128 = arith.constant 12 : i32
    %swap3A_2129 = arith.index_cast %swap3A_2128 : i32 to index
    %swap3A_2130 = arith.constant 80 : index
    %swap3A_2131 = tpu.vector_load %arg8[%swap3A_2129, %swap3A_2130] {strides = array<i32>} : memref<16x128xf32, #tpu.memory_space<vmem>>, vector<1x16xf32>,
    %swap3A_2132 = vector.shape_cast %swap3A_2131 : vector<1x16xf32> to vector<16xf32>
    %swap3A_2133 = vector.shape_cast %broadcast_in_dim3A_34 : vector<16xf32> to vector<1x16xf32>
    tpu.vector_store %arg8[%swap3A_2129, %swap3A_2130], %swap3A_2133 {strides = array<i32>} : memref<16x128xf32, #tpu.memory_space<vmem>>, vector<1x16xf32>,
    %swap3A_2134 = arith.constant 12 : i32
    %swap3A_2135 = arith.index_cast %swap3A_2134 : i32 to index
    %swap3A_2136 = arith.constant 96 : index
    %swap3A_2137 = tpu.vector_load %arg8[%swap3A_2135, %swap3A_2136] {strides = array<i32>} : memref<16x128xf32, #tpu.memory_space<vmem>>, vector<1x16xf32>,
    %swap3A_2138 = vector.shape_cast %swap3A_2137 : vector<1x16xf32> to vector<16xf32>
    %swap3A_2139 = vector.shape_cast %broadcast_in_dim3A_34 : vector<16xf32> to vector<1x16xf32>
    tpu.vector_store %arg8[%swap3A_2135, %swap3A_2136], %swap3A_2139 {strides = array<i32>} : memref<16x128xf32, #tpu.memory_space<vmem>>, vector<1x16xf32>,
    %swap3A_2140 = arith.constant 12 : i32
    %swap3A_2141 = arith.index_cast %swap3A_2140 : i32 to index
    %swap3A_2142 = arith.constant 112 : index
    %swap3A_2143 = tpu.vector_load %arg8[%swap3A_2141, %swap3A_2142] {strides = array<i32>} : memref<16x128xf32, #tpu.memory_space<vmem>>, vector<1x16xf32>,
    %swap3A_2144 = vector.shape_cast %swap3A_2143 : vector<1x16xf32> to vector<16xf32>
    %swap3A_2145 = vector.shape_cast %broadcast_in_dim3A_34 : vector<16xf32> to vector<1x16xf32>
    tpu.vector_store %arg8[%swap3A_2141, %swap3A_2142], %swap3A_2145 {strides = array<i32>} : memref<16x128xf32, #tpu.memory_space<vmem>>, vector<1x16xf32>,
    %swap3A_2146 = arith.constant 13 : i32
    %swap3A_2147 = arith.index_cast %swap3A_2146 : i32 to index
    %swap3A_2148 = arith.constant 0 : index
    %swap3A_2149 = tpu.vector_load %arg8[%swap3A_2147, %swap3A_2148] {strides = array<i32>} : memref<16x128xf32, #tpu.memory_space<vmem>>, vector<1x16xf32>,
    %swap3A_2150 = vector.shape_cast %swap3A_2149 : vector<1x16xf32> to vector<16xf32>
    %swap3A_2151 = vector.shape_cast %broadcast_in_dim3A_34 : vector<16xf32> to vector<1x16xf32>
    tpu.vector_store %arg8[%swap3A_2147, %swap3A_2148], %swap3A_2151 {strides = array<i32>} : memref<16x128xf32, #tpu.memory_space<vmem>>, vector<1x16xf32>,
    %swap3A_2152 = arith.constant 13 : i32
    %swap3A_2153 = arith.index_cast %swap3A_2152 : i32 to index
    %swap3A_2154 = arith.constant 16 : index
    %swap3A_2155 = tpu.vector_load %arg8[%swap3A_2153, %swap3A_2154] {strides = array<i32>} : memref<16x128xf32, #tpu.memory_space<vmem>>, vector<1x16xf32>,
    %swap3A_2156 = vector.shape_cast %swap3A_2155 : vector<1x16xf32> to vector<16xf32>
    %swap3A_2157 = vector.shape_cast %broadcast_in_dim3A_34 : vector<16xf32> to vector<1x16xf32>
    tpu.vector_store %arg8[%swap3A_2153, %swap3A_2154], %swap3A_2157 {strides = array<i32>} : memref<16x128xf32, #tpu.memory_space<vmem>>, vector<1x16xf32>,
    %swap3A_2158 = arith.constant 13 : i32
    %swap3A_2159 = arith.index_cast %swap3A_2158 : i32 to index
    %swap3A_2160 = arith.constant 32 : index
    %swap3A_2161 = tpu.vector_load %arg8[%swap3A_2159, %swap3A_2160] {strides = array<i32>} : memref<16x128xf32, #tpu.memory_space<vmem>>, vector<1x16xf32>,
    %swap3A_2162 = vector.shape_cast %swap3A_2161 : vector<1x16xf32> to vector<16xf32>
    %swap3A_2163 = vector.shape_cast %broadcast_in_dim3A_34 : vector<16xf32> to vector<1x16xf32>
    tpu.vector_store %arg8[%swap3A_2159, %swap3A_2160], %swap3A_2163 {strides = array<i32>} : memref<16x128xf32, #tpu.memory_space<vmem>>, vector<1x16xf32>,
    %swap3A_2164 = arith.constant 13 : i32
    %swap3A_2165 = arith.index_cast %swap3A_2164 : i32 to index
    %swap3A_2166 = arith.constant 48 : index
    %swap3A_2167 = tpu.vector_load %arg8[%swap3A_2165, %swap3A_2166] {strides = array<i32>} : memref<16x128xf32, #tpu.memory_space<vmem>>, vector<1x16xf32>,
    %swap3A_2168 = vector.shape_cast %swap3A_2167 : vector<1x16xf32> to vector<16xf32>
    %swap3A_2169 = vector.shape_cast %broadcast_in_dim3A_34 : vector<16xf32> to vector<1x16xf32>
    tpu.vector_store %arg8[%swap3A_2165, %swap3A_2166], %swap3A_2169 {strides = array<i32>} : memref<16x128xf32, #tpu.memory_space<vmem>>, vector<1x16xf32>,
    %swap3A_2170 = arith.constant 13 : i32
    %swap3A_2171 = arith.index_cast %swap3A_2170 : i32 to index
    %swap3A_2172 = arith.constant 64 : index
    %swap3A_2173 = tpu.vector_load %arg8[%swap3A_2171, %swap3A_2172] {strides = array<i32>} : memref<16x128xf32, #tpu.memory_space<vmem>>, vector<1x16xf32>,
    %swap3A_2174 = vector.shape_cast %swap3A_2173 : vector<1x16xf32> to vector<16xf32>
    %swap3A_2175 = vector.shape_cast %broadcast_in_dim3A_34 : vector<16xf32> to vector<1x16xf32>
    tpu.vector_store %arg8[%swap3A_2171, %swap3A_2172], %swap3A_2175 {strides = array<i32>} : memref<16x128xf32, #tpu.memory_space<vmem>>, vector<1x16xf32>,
    %swap3A_2176 = arith.constant 13 : i32
    %swap3A_2177 = arith.index_cast %swap3A_2176 : i32 to index
    %swap3A_2178 = arith.constant 80 : index
    %swap3A_2179 = tpu.vector_load %arg8[%swap3A_2177, %swap3A_2178] {strides = array<i32>} : memref<16x128xf32, #tpu.memory_space<vmem>>, vector<1x16xf32>,
    %swap3A_2180 = vector.shape_cast %swap3A_2179 : vector<1x16xf32> to vector<16xf32>
    %swap3A_2181 = vector.shape_cast %broadcast_in_dim3A_34 : vector<16xf32> to vector<1x16xf32>
    tpu.vector_store %arg8[%swap3A_2177, %swap3A_2178], %swap3A_2181 {strides = array<i32>} : memref<16x128xf32, #tpu.memory_space<vmem>>, vector<1x16xf32>,
    %swap3A_2182 = arith.constant 13 : i32
    %swap3A_2183 = arith.index_cast %swap3A_2182 : i32 to index
    %swap3A_2184 = arith.constant 96 : index
    %swap3A_2185 = tpu.vector_load %arg8[%swap3A_2183, %swap3A_2184] {strides = array<i32>} : memref<16x128xf32, #tpu.memory_space<vmem>>, vector<1x16xf32>,
    %swap3A_2186 = vector.shape_cast %swap3A_2185 : vector<1x16xf32> to vector<16xf32>
    %swap3A_2187 = vector.shape_cast %broadcast_in_dim3A_34 : vector<16xf32> to vector<1x16xf32>
    tpu.vector_store %arg8[%swap3A_2183, %swap3A_2184], %swap3A_2187 {strides = array<i32>} : memref<16x128xf32, #tpu.memory_space<vmem>>, vector<1x16xf32>,
    %swap3A_2188 = arith.constant 13 : i32
    %swap3A_2189 = arith.index_cast %swap3A_2188 : i32 to index
    %swap3A_2190 = arith.constant 112 : index
    %swap3A_2191 = tpu.vector_load %arg8[%swap3A_2189, %swap3A_2190] {strides = array<i32>} : memref<16x128xf32, #tpu.memory_space<vmem>>, vector<1x16xf32>,
    %swap3A_2192 = vector.shape_cast %swap3A_2191 : vector<1x16xf32> to vector<16xf32>
    %swap3A_2193 = vector.shape_cast %broadcast_in_dim3A_34 : vector<16xf32> to vector<1x16xf32>
    tpu.vector_store %arg8[%swap3A_2189, %swap3A_2190], %swap3A_2193 {strides = array<i32>} : memref<16x128xf32, #tpu.memory_space<vmem>>, vector<1x16xf32>,
    %swap3A_2194 = arith.constant 14 : i32
    %swap3A_2195 = arith.index_cast %swap3A_2194 : i32 to index
    %swap3A_2196 = arith.constant 0 : index
    %swap3A_2197 = tpu.vector_load %arg8[%swap3A_2195, %swap3A_2196] {strides = array<i32>} : memref<16x128xf32, #tpu.memory_space<vmem>>, vector<1x16xf32>,
    %swap3A_2198 = vector.shape_cast %swap3A_2197 : vector<1x16xf32> to vector<16xf32>
    %swap3A_2199 = vector.shape_cast %broadcast_in_dim3A_34 : vector<16xf32> to vector<1x16xf32>
    tpu.vector_store %arg8[%swap3A_2195, %swap3A_2196], %swap3A_2199 {strides = array<i32>} : memref<16x128xf32, #tpu.memory_space<vmem>>, vector<1x16xf32>,
    %swap3A_2200 = arith.constant 14 : i32
    %swap3A_2201 = arith.index_cast %swap3A_2200 : i32 to index
    %swap3A_2202 = arith.constant 16 : index
    %swap3A_2203 = tpu.vector_load %arg8[%swap3A_2201, %swap3A_2202] {strides = array<i32>} : memref<16x128xf32, #tpu.memory_space<vmem>>, vector<1x16xf32>,
    %swap3A_2204 = vector.shape_cast %swap3A_2203 : vector<1x16xf32> to vector<16xf32>
    %swap3A_2205 = vector.shape_cast %broadcast_in_dim3A_34 : vector<16xf32> to vector<1x16xf32>
    tpu.vector_store %arg8[%swap3A_2201, %swap3A_2202], %swap3A_2205 {strides = array<i32>} : memref<16x128xf32, #tpu.memory_space<vmem>>, vector<1x16xf32>,
    %swap3A_2206 = arith.constant 14 : i32
    %swap3A_2207 = arith.index_cast %swap3A_2206 : i32 to index
    %swap3A_2208 = arith.constant 32 : index
    %swap3A_2209 = tpu.vector_load %arg8[%swap3A_2207, %swap3A_2208] {strides = array<i32>} : memref<16x128xf32, #tpu.memory_space<vmem>>, vector<1x16xf32>,
    %swap3A_2210 = vector.shape_cast %swap3A_2209 : vector<1x16xf32> to vector<16xf32>
    %swap3A_2211 = vector.shape_cast %broadcast_in_dim3A_34 : vector<16xf32> to vector<1x16xf32>
    tpu.vector_store %arg8[%swap3A_2207, %swap3A_2208], %swap3A_2211 {strides = array<i32>} : memref<16x128xf32, #tpu.memory_space<vmem>>, vector<1x16xf32>,
    %swap3A_2212 = arith.constant 14 : i32
    %swap3A_2213 = arith.index_cast %swap3A_2212 : i32 to index
    %swap3A_2214 = arith.constant 48 : index
    %swap3A_2215 = tpu.vector_load %arg8[%swap3A_2213, %swap3A_2214] {strides = array<i32>} : memref<16x128xf32, #tpu.memory_space<vmem>>, vector<1x16xf32>,
    %swap3A_2216 = vector.shape_cast %swap3A_2215 : vector<1x16xf32> to vector<16xf32>
    %swap3A_2217 = vector.shape_cast %broadcast_in_dim3A_34 : vector<16xf32> to vector<1x16xf32>
    tpu.vector_store %arg8[%swap3A_2213, %swap3A_2214], %swap3A_2217 {strides = array<i32>} : memref<16x128xf32, #tpu.memory_space<vmem>>, vector<1x16xf32>,
    %swap3A_2218 = arith.constant 14 : i32
    %swap3A_2219 = arith.index_cast %swap3A_2218 : i32 to index
    %swap3A_2220 = arith.constant 64 : index
    %swap3A_2221 = tpu.vector_load %arg8[%swap3A_2219, %swap3A_2220] {strides = array<i32>} : memref<16x128xf32, #tpu.memory_space<vmem>>, vector<1x16xf32>,
    %swap3A_2222 = vector.shape_cast %swap3A_2221 : vector<1x16xf32> to vector<16xf32>
    %swap3A_2223 = vector.shape_cast %broadcast_in_dim3A_34 : vector<16xf32> to vector<1x16xf32>
    tpu.vector_store %arg8[%swap3A_2219, %swap3A_2220], %swap3A_2223 {strides = array<i32>} : memref<16x128xf32, #tpu.memory_space<vmem>>, vector<1x16xf32>,
    %swap3A_2224 = arith.constant 14 : i32
    %swap3A_2225 = arith.index_cast %swap3A_2224 : i32 to index
    %swap3A_2226 = arith.constant 80 : index
    %swap3A_2227 = tpu.vector_load %arg8[%swap3A_2225, %swap3A_2226] {strides = array<i32>} : memref<16x128xf32, #tpu.memory_space<vmem>>, vector<1x16xf32>,
    %swap3A_2228 = vector.shape_cast %swap3A_2227 : vector<1x16xf32> to vector<16xf32>
    %swap3A_2229 = vector.shape_cast %broadcast_in_dim3A_34 : vector<16xf32> to vector<1x16xf32>
    tpu.vector_store %arg8[%swap3A_2225, %swap3A_2226], %swap3A_2229 {strides = array<i32>} : memref<16x128xf32, #tpu.memory_space<vmem>>, vector<1x16xf32>,
    %swap3A_2230 = arith.constant 14 : i32
    %swap3A_2231 = arith.index_cast %swap3A_2230 : i32 to index
    %swap3A_2232 = arith.constant 96 : index
    %swap3A_2233 = tpu.vector_load %arg8[%swap3A_2231, %swap3A_2232] {strides = array<i32>} : memref<16x128xf32, #tpu.memory_space<vmem>>, vector<1x16xf32>,
    %swap3A_2234 = vector.shape_cast %swap3A_2233 : vector<1x16xf32> to vector<16xf32>
    %swap3A_2235 = vector.shape_cast %broadcast_in_dim3A_34 : vector<16xf32> to vector<1x16xf32>
    tpu.vector_store %arg8[%swap3A_2231, %swap3A_2232], %swap3A_2235 {strides = array<i32>} : memref<16x128xf32, #tpu.memory_space<vmem>>, vector<1x16xf32>,
    %swap3A_2236 = arith.constant 14 : i32
    %swap3A_2237 = arith.index_cast %swap3A_2236 : i32 to index
    %swap3A_2238 = arith.constant 112 : index
    %swap3A_2239 = tpu.vector_load %arg8[%swap3A_2237, %swap3A_2238] {strides = array<i32>} : memref<16x128xf32, #tpu.memory_space<vmem>>, vector<1x16xf32>,
    %swap3A_2240 = vector.shape_cast %swap3A_2239 : vector<1x16xf32> to vector<16xf32>
    %swap3A_2241 = vector.shape_cast %broadcast_in_dim3A_34 : vector<16xf32> to vector<1x16xf32>
    tpu.vector_store %arg8[%swap3A_2237, %swap3A_2238], %swap3A_2241 {strides = array<i32>} : memref<16x128xf32, #tpu.memory_space<vmem>>, vector<1x16xf32>,
    %swap3A_2242 = arith.constant 15 : i32
    %swap3A_2243 = arith.index_cast %swap3A_2242 : i32 to index
    %swap3A_2244 = arith.constant 0 : index
    %swap3A_2245 = tpu.vector_load %arg8[%swap3A_2243, %swap3A_2244] {strides = array<i32>} : memref<16x128xf32, #tpu.memory_space<vmem>>, vector<1x16xf32>,
    %swap3A_2246 = vector.shape_cast %swap3A_2245 : vector<1x16xf32> to vector<16xf32>
    %swap3A_2247 = vector.shape_cast %broadcast_in_dim3A_34 : vector<16xf32> to vector<1x16xf32>
    tpu.vector_store %arg8[%swap3A_2243, %swap3A_2244], %swap3A_2247 {strides = array<i32>} : memref<16x128xf32, #tpu.memory_space<vmem>>, vector<1x16xf32>,
    %swap3A_2248 = arith.constant 15 : i32
    %swap3A_2249 = arith.index_cast %swap3A_2248 : i32 to index
    %swap3A_2250 = arith.constant 16 : index
    %swap3A_2251 = tpu.vector_load %arg8[%swap3A_2249, %swap3A_2250] {strides = array<i32>} : memref<16x128xf32, #tpu.memory_space<vmem>>, vector<1x16xf32>,
    %swap3A_2252 = vector.shape_cast %swap3A_2251 : vector<1x16xf32> to vector<16xf32>
    %swap3A_2253 = vector.shape_cast %broadcast_in_dim3A_34 : vector<16xf32> to vector<1x16xf32>
    tpu.vector_store %arg8[%swap3A_2249, %swap3A_2250], %swap3A_2253 {strides = array<i32>} : memref<16x128xf32, #tpu.memory_space<vmem>>, vector<1x16xf32>,
    %swap3A_2254 = arith.constant 15 : i32
    %swap3A_2255 = arith.index_cast %swap3A_2254 : i32 to index
    %swap3A_2256 = arith.constant 32 : index
    %swap3A_2257 = tpu.vector_load %arg8[%swap3A_2255, %swap3A_2256] {strides = array<i32>} : memref<16x128xf32, #tpu.memory_space<vmem>>, vector<1x16xf32>,
    %swap3A_2258 = vector.shape_cast %swap3A_2257 : vector<1x16xf32> to vector<16xf32>
    %swap3A_2259 = vector.shape_cast %broadcast_in_dim3A_34 : vector<16xf32> to vector<1x16xf32>
    tpu.vector_store %arg8[%swap3A_2255, %swap3A_2256], %swap3A_2259 {strides = array<i32>} : memref<16x128xf32, #tpu.memory_space<vmem>>, vector<1x16xf32>,
    %swap3A_2260 = arith.constant 15 : i32
    %swap3A_2261 = arith.index_cast %swap3A_2260 : i32 to index
    %swap3A_2262 = arith.constant 48 : index
    %swap3A_2263 = tpu.vector_load %arg8[%swap3A_2261, %swap3A_2262] {strides = array<i32>} : memref<16x128xf32, #tpu.memory_space<vmem>>, vector<1x16xf32>,
    %swap3A_2264 = vector.shape_cast %swap3A_2263 : vector<1x16xf32> to vector<16xf32>
    %swap3A_2265 = vector.shape_cast %broadcast_in_dim3A_34 : vector<16xf32> to vector<1x16xf32>
    tpu.vector_store %arg8[%swap3A_2261, %swap3A_2262], %swap3A_2265 {strides = array<i32>} : memref<16x128xf32, #tpu.memory_space<vmem>>, vector<1x16xf32>,
    %swap3A_2266 = arith.constant 15 : i32
    %swap3A_2267 = arith.index_cast %swap3A_2266 : i32 to index
    %swap3A_2268 = arith.constant 64 : index
    %swap3A_2269 = tpu.vector_load %arg8[%swap3A_2267, %swap3A_2268] {strides = array<i32>} : memref<16x128xf32, #tpu.memory_space<vmem>>, vector<1x16xf32>,
    %swap3A_2270 = vector.shape_cast %swap3A_2269 : vector<1x16xf32> to vector<16xf32>
    %swap3A_2271 = vector.shape_cast %broadcast_in_dim3A_34 : vector<16xf32> to vector<1x16xf32>
    tpu.vector_store %arg8[%swap3A_2267, %swap3A_2268], %swap3A_2271 {strides = array<i32>} : memref<16x128xf32, #tpu.memory_space<vmem>>, vector<1x16xf32>,
    %swap3A_2272 = arith.constant 15 : i32
    %swap3A_2273 = arith.index_cast %swap3A_2272 : i32 to index
    %swap3A_2274 = arith.constant 80 : index
    %swap3A_2275 = tpu.vector_load %arg8[%swap3A_2273, %swap3A_2274] {strides = array<i32>} : memref<16x128xf32, #tpu.memory_space<vmem>>, vector<1x16xf32>,
    %swap3A_2276 = vector.shape_cast %swap3A_2275 : vector<1x16xf32> to vector<16xf32>
    %swap3A_2277 = vector.shape_cast %broadcast_in_dim3A_34 : vector<16xf32> to vector<1x16xf32>
    tpu.vector_store %arg8[%swap3A_2273, %swap3A_2274], %swap3A_2277 {strides = array<i32>} : memref<16x128xf32, #tpu.memory_space<vmem>>, vector<1x16xf32>,
    %swap3A_2278 = arith.constant 15 : i32
    %swap3A_2279 = arith.index_cast %swap3A_2278 : i32 to index
    %swap3A_2280 = arith.constant 96 : index
    %swap3A_2281 = tpu.vector_load %arg8[%swap3A_2279, %swap3A_2280] {strides = array<i32>} : memref<16x128xf32, #tpu.memory_space<vmem>>, vector<1x16xf32>,
    %swap3A_2282 = vector.shape_cast %swap3A_2281 : vector<1x16xf32> to vector<16xf32>
    %swap3A_2283 = vector.shape_cast %broadcast_in_dim3A_34 : vector<16xf32> to vector<1x16xf32>
    tpu.vector_store %arg8[%swap3A_2279, %swap3A_2280], %swap3A_2283 {strides = array<i32>} : memref<16x128xf32, #tpu.memory_space<vmem>>, vector<1x16xf32>,
    %swap3A_2284 = arith.constant 15 : i32
    %swap3A_2285 = arith.index_cast %swap3A_2284 : i32 to index
    %swap3A_2286 = arith.constant 112 : index
    %swap3A_2287 = tpu.vector_load %arg8[%swap3A_2285, %swap3A_2286] {strides = array<i32>} : memref<16x128xf32, #tpu.memory_space<vmem>>, vector<1x16xf32>,
    %swap3A_2288 = vector.shape_cast %swap3A_2287 : vector<1x16xf32> to vector<16xf32>
    %swap3A_2289 = vector.shape_cast %broadcast_in_dim3A_34 : vector<16xf32> to vector<1x16xf32>
    tpu.vector_store %arg8[%swap3A_2285, %swap3A_2286], %swap3A_2289 {strides = array<i32>} : memref<16x128xf32, #tpu.memory_space<vmem>>, vector<1x16xf32>,
    %mul3A_2290 = arith.constant 32 : i32
    %mul3A_2291 = arith.muli %arg1, %mul3A_2290 : i32
    "tpu.region"() ({
      %run_scoped3A = tpu.sem_alloc : memref<!tpu.dma_semaphore, #tpu.memory_space<semaphore_mem>>
      %dma_start3A_2314 = arith.constant 0 : i32
      %dma_start3A_2315 = tpu.memref_slice %arg10[%mul3A_2291, %dma_start3A_2314] : memref<512x128xf32, #tpu.memory_space<vmem_shared>> -> memref<32x128xf32, #tpu.memory_space<vmem_shared>>
      %dma_start3A_2316 = arith.constant 0 : i32
      %dma_start3A_2317 = tpu.memref_slice %arg10[%mul3A_2291, %dma_start3A_2316] : memref<512x128xf32, #tpu.memory_space<vmem_shared>> -> memref<32x128xf32, #tpu.memory_space<vmem_shared>>
      tpu.enqueue_dma source(%arg7 : memref<32x128xf32, #tpu.memory_space<vmem>>) target(%dma_start3A_2317 : memref<32x128xf32, #tpu.memory_space<vmem_shared>>) target_semaphore(%run_scoped3A : memref<!tpu.dma_semaphore, #tpu.memory_space<semaphore_mem>>)
      %dma_wait3A = arith.constant 0 : i32
      %dma_wait3A_2318 = tpu.memref_slice %arg10[%mul3A_2291, %dma_wait3A] : memref<512x128xf32, #tpu.memory_space<vmem_shared>> -> memref<32x128xf32, #tpu.memory_space<vmem_shared>>
      %dma_wait3A_2319 = arith.constant 0 : i32
      %dma_wait3A_2320 = tpu.memref_slice %arg10[%mul3A_2291, %dma_wait3A_2319] : memref<512x128xf32, #tpu.memory_space<vmem_shared>> -> memref<32x128xf32, #tpu.memory_space<vmem_shared>>
      tpu.wait_dma2 semaphore(%run_scoped3A : memref<!tpu.dma_semaphore, #tpu.memory_space<semaphore_mem>>) src(%arg7 : memref<32x128xf32, #tpu.memory_space<vmem>>) dst(%dma_wait3A_2320 : memref<32x128xf32, #tpu.memory_space<vmem_shared>>)
      tpu.yield
    }) : () -> ()
    %barrier3A = arith.constant 0 : index
    tpu.barrier barrier_id(%barrier3A)
    %gt3A = arith.constant 1 : i32
    %gt3A_2292 = arith.cmpi sgt, %add3A_4, %gt3A : i32
    %convert_element_type3A = arith.extui %gt3A_2292 : i1 to i32
    %cond3A = arith.constant 0 : i32
    %cond3A_2293 = arith.cmpi ne, %convert_element_type3A, %cond3A : i32
    scf.if %cond3A_2293 {
      %add3A_2314 = arith.constant 1 : i32
      %add3A_2315 = arith.addi %add3A_8, %add3A_2314 : i32
      %mul3A_2316 = arith.constant 128 : i32
      %mul3A_2317 = arith.muli %add3A_2315, %mul3A_2316 : i32
      %dma_start3A_2318 = arith.constant 1 : i32
      %dma_start3A_2319 = arith.constant 0 : i32
      %dma_start3A_2320 = arith.constant 0 : i32
      %dma_start3A_2321 = tpu.memref_slice %arg5[%dma_start3A_2318, %dma_start3A_2319, %dma_start3A_2320] : memref<3x128x128xf32, #tpu.memory_space<vmem>> -> memref<1x128x128xf32, #tpu.memory_space<vmem>>
      %dma_start3A_2322 = tpu.memref_squeeze %dma_start3A_2321 : memref<1x128x128xf32, #tpu.memory_space<vmem>> -> memref<128x128xf32, #tpu.memory_space<vmem>>
      %dma_start3A_2323 = arith.constant 0 : i32
      %dma_start3A_2324 = tpu.memref_slice %arg2[%mul3A_2317, %dma_start3A_2323] : memref<100000x128xf32, #tpu.memory_space<hbm>> -> memref<128x128xf32, #tpu.memory_space<hbm>>
      %dma_start3A_2325 = arith.constant 0 : i32
      %dma_start3A_2326 = arith.constant 0 : i32
      %dma_start3A_2327 = tpu.memref_slice %arg5[%dma_start3A_2318, %dma_start3A_2325, %dma_start3A_2326] : memref<3x128x128xf32, #tpu.memory_space<vmem>> -> memref<1x128x128xf32, #tpu.memory_space<vmem>>
      %dma_start3A_2328 = tpu.memref_squeeze %dma_start3A_2327 : memref<1x128x128xf32, #tpu.memory_space<vmem>> -> memref<128x128xf32, #tpu.memory_space<vmem>>
      %dma_start3A_2329 = arith.constant 0 : i32
      %dma_start3A_2330 = tpu.memref_slice %arg2[%mul3A_2317, %dma_start3A_2329] : memref<100000x128xf32, #tpu.memory_space<hbm>> -> memref<128x128xf32, #tpu.memory_space<hbm>>
      tpu.enqueue_dma source(%dma_start3A_2330 : memref<128x128xf32, #tpu.memory_space<hbm>>) target(%dma_start3A_2328 : memref<128x128xf32, #tpu.memory_space<vmem>>) target_semaphore(%arg11 : memref<!tpu.dma_semaphore, #tpu.memory_space<semaphore_mem>>)
      %dma_start3A_2331 = arith.constant 1 : i32
      %dma_start3A_2332 = arith.constant 0 : i32
      %dma_start3A_2333 = tpu.memref_slice %arg6[%dma_start3A_2331, %dma_start3A_2332] : memref<3x128xi32, #tpu.memory_space<vmem>> -> memref<1x128xi32, #tpu.memory_space<vmem>>
      %dma_start3A_2334 = tpu.memref_squeeze %dma_start3A_2333 : memref<1x128xi32, #tpu.memory_space<vmem>> -> memref<128xi32, #tpu.memory_space<vmem>>
      %dma_start3A_2335 = tpu.memref_slice %arg3[%mul3A_2317] : memref<100000xi32, #tpu.memory_space<hbm>> -> memref<128xi32, #tpu.memory_space<hbm>>
      %dma_start3A_2336 = arith.constant 0 : i32
      %dma_start3A_2337 = tpu.memref_slice %arg6[%dma_start3A_2331, %dma_start3A_2336] : memref<3x128xi32, #tpu.memory_space<vmem>> -> memref<1x128xi32, #tpu.memory_space<vmem>>
      %dma_start3A_2338 = tpu.memref_squeeze %dma_start3A_2337 : memref<1x128xi32, #tpu.memory_space<vmem>> -> memref<128xi32, #tpu.memory_space<vmem>>
      %dma_start3A_2339 = tpu.memref_slice %arg3[%mul3A_2317] : memref<100000xi32, #tpu.memory_space<hbm>> -> memref<128xi32, #tpu.memory_space<hbm>>
      tpu.enqueue_dma source(%dma_start3A_2339 : memref<128xi32, #tpu.memory_space<hbm>>) target(%dma_start3A_2338 : memref<128xi32, #tpu.memory_space<vmem>>) target_semaphore(%arg12 : memref<!tpu.dma_semaphore, #tpu.memory_space<semaphore_mem>>)
    } else {
    }
    %while3A = arith.constant 0 : i32
    %while3A_2294 = arith.constant 0 : i32
    %while3A_2295 = arith.subi %add3A_4, %while3A : i32
    %while3A_2296 = arith.addi %while3A, %while3A_2295 : i32
    %while3A_2297 = arith.constant 1 : i32
    %while3A_2298 = arith.divsi %while3A_2295, %while3A_2297 : i32
    %while3A_2299 = arith.muli %while3A_2298, %while3A_2297 : i32
    %while3A_2300 = arith.addi %while3A, %while3A_2299 : i32
    %while3A_2301 = arith.constant 1 : i32
    %while3A_2302 = scf.for %while3A_2314 = %while3A to %while3A_2300 step %while3A_2301 iter_args(%while3A_2315 = %while3A_2294) -> (i32)  : i32 {
      %rem3A = arith.constant 3 : i32
      %rem3A_2316 = arith.remsi %while3A_2314, %rem3A : i32
      %add3A_2317 = arith.addi %add3A_8, %while3A_2314 : i32
      %mul3A_2318 = arith.constant 128 : i32
      %mul3A_2319 = arith.muli %add3A_2317, %mul3A_2318 : i32
      %dma_wait3A = arith.constant 0 : i32
      %dma_wait3A_2320 = arith.constant 0 : i32
      %dma_wait3A_2321 = tpu.memref_slice %arg5[%rem3A_2316, %dma_wait3A, %dma_wait3A_2320] : memref<3x128x128xf32, #tpu.memory_space<vmem>> -> memref<1x128x128xf32, #tpu.memory_space<vmem>>
      %dma_wait3A_2322 = tpu.memref_squeeze %dma_wait3A_2321 : memref<1x128x128xf32, #tpu.memory_space<vmem>> -> memref<128x128xf32, #tpu.memory_space<vmem>>
      %dma_wait3A_2323 = arith.constant 0 : i32
      %dma_wait3A_2324 = tpu.memref_slice %arg2[%mul3A_2319, %dma_wait3A_2323] : memref<100000x128xf32, #tpu.memory_space<hbm>> -> memref<128x128xf32, #tpu.memory_space<hbm>>
      %dma_wait3A_2325 = arith.constant 0 : i32
      %dma_wait3A_2326 = arith.constant 0 : i32
      %dma_wait3A_2327 = tpu.memref_slice %arg5[%rem3A_2316, %dma_wait3A_2325, %dma_wait3A_2326] : memref<3x128x128xf32, #tpu.memory_space<vmem>> -> memref<1x128x128xf32, #tpu.memory_space<vmem>>
      %dma_wait3A_2328 = tpu.memref_squeeze %dma_wait3A_2327 : memref<1x128x128xf32, #tpu.memory_space<vmem>> -> memref<128x128xf32, #tpu.memory_space<vmem>>
      %dma_wait3A_2329 = arith.constant 0 : i32
      %dma_wait3A_2330 = tpu.memref_slice %arg2[%mul3A_2319, %dma_wait3A_2329] : memref<100000x128xf32, #tpu.memory_space<hbm>> -> memref<128x128xf32, #tpu.memory_space<hbm>>
      tpu.wait_dma2 semaphore(%arg11 : memref<!tpu.dma_semaphore, #tpu.memory_space<semaphore_mem>>) src(%dma_wait3A_2330 : memref<128x128xf32, #tpu.memory_space<hbm>>) dst(%dma_wait3A_2328 : memref<128x128xf32, #tpu.memory_space<vmem>>)
      %dma_wait3A_2331 = arith.constant 0 : i32
      %dma_wait3A_2332 = tpu.memref_slice %arg6[%rem3A_2316, %dma_wait3A_2331] : memref<3x128xi32, #tpu.memory_space<vmem>> -> memref<1x128xi32, #tpu.memory_space<vmem>>
      %dma_wait3A_2333 = tpu.memref_squeeze %dma_wait3A_2332 : memref<1x128xi32, #tpu.memory_space<vmem>> -> memref<128xi32, #tpu.memory_space<vmem>>
      %dma_wait3A_2334 = tpu.memref_slice %arg3[%mul3A_2319] : memref<100000xi32, #tpu.memory_space<hbm>> -> memref<128xi32, #tpu.memory_space<hbm>>
      %dma_wait3A_2335 = arith.constant 0 : i32
      %dma_wait3A_2336 = tpu.memref_slice %arg6[%rem3A_2316, %dma_wait3A_2335] : memref<3x128xi32, #tpu.memory_space<vmem>> -> memref<1x128xi32, #tpu.memory_space<vmem>>
      %dma_wait3A_2337 = tpu.memref_squeeze %dma_wait3A_2336 : memref<1x128xi32, #tpu.memory_space<vmem>> -> memref<128xi32, #tpu.memory_space<vmem>>
      %dma_wait3A_2338 = tpu.memref_slice %arg3[%mul3A_2319] : memref<100000xi32, #tpu.memory_space<hbm>> -> memref<128xi32, #tpu.memory_space<hbm>>
      tpu.wait_dma2 semaphore(%arg12 : memref<!tpu.dma_semaphore, #tpu.memory_space<semaphore_mem>>) src(%dma_wait3A_2338 : memref<128xi32, #tpu.memory_space<hbm>>) dst(%dma_wait3A_2337 : memref<128xi32, #tpu.memory_space<vmem>>)
      %get3A = arith.index_cast %rem3A_2316 : i32 to index
      %get3A_2339 = arith.constant 0 : index
      %get3A_2340 = tpu.vector_load %arg6[%get3A, %get3A_2339] {strides = array<i32>} : memref<3x128xi32, #tpu.memory_space<vmem>>, vector<1x16xi32>,
      %get3A_2341 = vector.shape_cast %get3A_2340 : vector<1x16xi32> to vector<16xi32>
      %get3A_2342 = arith.index_cast %rem3A_2316 : i32 to index
      %get3A_2343 = arith.constant 112 : index
      %get3A_2344 = tpu.vector_load %arg6[%get3A_2342, %get3A_2343] {strides = array<i32>} : memref<3x128xi32, #tpu.memory_space<vmem>>, vector<1x16xi32>,
      %get3A_2345 = vector.shape_cast %get3A_2344 : vector<1x16xi32> to vector<16xi32>
      %slice3A = vector.extract_strided_slice %get3A_2345 {offsets = [15], sizes = [1], strides = [1]} : vector<16xi32> to vector<1xi32>
      %squeeze3A = vector.extract %slice3A[0] : i32 from vector<1xi32>
      %slice3A_2346 = vector.extract_strided_slice %get3A_2341 {offsets = [0], sizes = [1], strides = [1]} : vector<16xi32> to vector<1xi32>
      %squeeze3A_2347 = vector.extract %slice3A_2346[0] : i32 from vector<1xi32>
      %sub3A = arith.subi %squeeze3A, %squeeze3A_2347 : i32
      %ne3A = arith.constant 0 : i32
      %ne3A_2348 = arith.cmpi ne, %sub3A, %ne3A : i32
      %jit3A_2349 = arith.constant 1 : i32
      %jit3A_2350 = arith.constant 0 : i32
      %select_n3A_2351 = arith.select %ne3A_2348, %jit3A_2349, %jit3A_2350 : i32
      %ne3A_2352 = arith.constant 0 : i32
      %ne3A_2353 = arith.cmpi ne, %sub3A, %ne3A_2352 : i32
      %convert_element_type3A_2354 = arith.extui %ne3A_2353 : i1 to i32
      %cond3A_2355 = arith.constant 0 : i32
      %cond3A_2356 = arith.cmpi ne, %convert_element_type3A_2354, %cond3A_2355 : i32
      scf.if %cond3A_2356 {
        %dma_start3A_2373 = arith.constant 0 : i32
        %dma_start3A_2374 = arith.constant 0 : i32
        %dma_start3A_2375 = tpu.memref_slice %arg5[%rem3A_2316, %dma_start3A_2373, %dma_start3A_2374] : memref<3x128x128xf32, #tpu.memory_space<vmem>> -> memref<1x128x128xf32, #tpu.memory_space<vmem>>
        %dma_start3A_2376 = tpu.memref_squeeze %dma_start3A_2375 : memref<1x128x128xf32, #tpu.memory_space<vmem>> -> memref<128x128xf32, #tpu.memory_space<vmem>>
        %dma_start3A_2377 = arith.constant 0 : i32
        %dma_start3A_2378 = tpu.memref_slice %arg6[%rem3A_2316, %dma_start3A_2377] : memref<3x128xi32, #tpu.memory_space<vmem>> -> memref<1x128xi32, #tpu.memory_space<vmem>>
        %dma_start3A_2379 = tpu.memref_squeeze %dma_start3A_2378 : memref<1x128xi32, #tpu.memory_space<vmem>> -> memref<128xi32, #tpu.memory_space<vmem>>
        %dma_start3A_2380 = arith.constant 0 : i32
        %dma_start3A_2381 = arith.constant 0 : i32
        %dma_start3A_2382 = tpu.memref_slice %arg10[%dma_start3A_2380, %dma_start3A_2381] : memref<512x128xf32, #tpu.memory_space<vmem_shared>> -> memref<512x128xf32, #tpu.memory_space<vmem_shared>>
        tpu.enqueue_indirect_dma source(%dma_start3A_2376 : memref<128x128xf32, #tpu.memory_space<vmem>>) target(%dma_start3A_2382 : memref<512x128xf32, #tpu.memory_space<vmem_shared>>) offsets(%dma_start3A_2379 : memref<128xi32, #tpu.memory_space<vmem>>) semaphore(%arg13 : memref<!tpu.dma_semaphore, #tpu.memory_space<semaphore_mem>>) {add = true}
      } else {
      }
      %eq3A_2357 = arith.constant 1 : i32
      %eq3A_2358 = arith.cmpi eq, %while3A_2315, %eq3A_2357 : i32
      %convert_element_type3A_2359 = arith.extui %eq3A_2358 : i1 to i32
      %cond3A_2360 = arith.constant 0 : i32
      %cond3A_2361 = arith.cmpi ne, %convert_element_type3A_2359, %cond3A_2360 : i32
      scf.if %cond3A_2361 {
        %sub3A_2373 = arith.constant 1 : i32
        %sub3A_2374 = arith.subi %while3A_2314, %sub3A_2373 : i32
        %sub3A_2375 = arith.constant 1 : i32
        %sub3A_2376 = arith.subi %while3A_2314, %sub3A_2375 : i32
        %rem3A_2377 = arith.constant 3 : i32
        %rem3A_2378 = arith.remsi %sub3A_2376, %rem3A_2377 : i32
        %dma_wait3A_2379 = arith.constant 0 : i32
        %dma_wait3A_2380 = arith.constant 0 : i32
        %dma_wait3A_2381 = tpu.memref_slice %arg5[%rem3A_2378, %dma_wait3A_2379, %dma_wait3A_2380] : memref<3x128x128xf32, #tpu.memory_space<vmem>> -> memref<1x128x128xf32, #tpu.memory_space<vmem>>
        %dma_wait3A_2382 = tpu.memref_squeeze %dma_wait3A_2381 : memref<1x128x128xf32, #tpu.memory_space<vmem>> -> memref<128x128xf32, #tpu.memory_space<vmem>>
        %dma_wait3A_2383 = arith.constant 0 : i32
        %dma_wait3A_2384 = tpu.memref_slice %arg6[%rem3A_2378, %dma_wait3A_2383] : memref<3x128xi32, #tpu.memory_space<vmem>> -> memref<1x128xi32, #tpu.memory_space<vmem>>
        %dma_wait3A_2385 = tpu.memref_squeeze %dma_wait3A_2384 : memref<1x128xi32, #tpu.memory_space<vmem>> -> memref<128xi32, #tpu.memory_space<vmem>>
        %dma_wait3A_2386 = arith.constant 0 : i32
        %dma_wait3A_2387 = arith.constant 0 : i32
        %dma_wait3A_2388 = tpu.memref_slice %arg10[%dma_wait3A_2386, %dma_wait3A_2387] : memref<512x128xf32, #tpu.memory_space<vmem_shared>> -> memref<512x128xf32, #tpu.memory_space<vmem_shared>>
        tpu.wait_indirect_dma semaphore(%arg13 : memref<!tpu.dma_semaphore, #tpu.memory_space<semaphore_mem>>) src(%dma_wait3A_2382 : memref<128x128xf32, #tpu.memory_space<vmem>>) dst(%dma_wait3A_2388 : memref<512x128xf32, #tpu.memory_space<vmem_shared>>)
      } else {
      }
      %add3A_2362 = arith.constant 2 : i32
      %add3A_2363 = arith.addi %while3A_2314, %add3A_2362 : i32
      %lt3A_2364 = arith.cmpi slt, %add3A_2363, %add3A_4 : i32
      %convert_element_type3A_2365 = arith.extui %lt3A_2364 : i1 to i32
      %cond3A_2366 = arith.constant 0 : i32
      %cond3A_2367 = arith.cmpi ne, %convert_element_type3A_2365, %cond3A_2366 : i32
      scf.if %cond3A_2367 {
        %add3A_2373 = arith.constant 2 : i32
        %add3A_2374 = arith.addi %while3A_2314, %add3A_2373 : i32
        %add3A_2375 = arith.constant 2 : i32
        %add3A_2376 = arith.addi %while3A_2314, %add3A_2375 : i32
        %rem3A_2377 = arith.constant 3 : i32
        %rem3A_2378 = arith.remsi %add3A_2376, %rem3A_2377 : i32
        %add3A_2379 = arith.addi %add3A_8, %add3A_2374 : i32
        %mul3A_2380 = arith.constant 128 : i32
        %mul3A_2381 = arith.muli %add3A_2379, %mul3A_2380 : i32
        %dma_start3A_2382 = arith.constant 0 : i32
        %dma_start3A_2383 = arith.constant 0 : i32
        %dma_start3A_2384 = tpu.memref_slice %arg5[%rem3A_2378, %dma_start3A_2382, %dma_start3A_2383] : memref<3x128x128xf32, #tpu.memory_space<vmem>> -> memref<1x128x128xf32, #tpu.memory_space<vmem>>
        %dma_start3A_2385 = tpu.memref_squeeze %dma_start3A_2384 : memref<1x128x128xf32, #tpu.memory_space<vmem>> -> memref<128x128xf32, #tpu.memory_space<vmem>>
        %dma_start3A_2386 = arith.constant 0 : i32
        %dma_start3A_2387 = tpu.memref_slice %arg2[%mul3A_2381, %dma_start3A_2386] : memref<100000x128xf32, #tpu.memory_space<hbm>> -> memref<128x128xf32, #tpu.memory_space<hbm>>
        %dma_start3A_2388 = arith.constant 0 : i32
        %dma_start3A_2389 = arith.constant 0 : i32
        %dma_start3A_2390 = tpu.memref_slice %arg5[%rem3A_2378, %dma_start3A_2388, %dma_start3A_2389] : memref<3x128x128xf32, #tpu.memory_space<vmem>> -> memref<1x128x128xf32, #tpu.memory_space<vmem>>
        %dma_start3A_2391 = tpu.memref_squeeze %dma_start3A_2390 : memref<1x128x128xf32, #tpu.memory_space<vmem>> -> memref<128x128xf32, #tpu.memory_space<vmem>>
        %dma_start3A_2392 = arith.constant 0 : i32
        %dma_start3A_2393 = tpu.memref_slice %arg2[%mul3A_2381, %dma_start3A_2392] : memref<100000x128xf32, #tpu.memory_space<hbm>> -> memref<128x128xf32, #tpu.memory_space<hbm>>
        tpu.enqueue_dma source(%dma_start3A_2393 : memref<128x128xf32, #tpu.memory_space<hbm>>) target(%dma_start3A_2391 : memref<128x128xf32, #tpu.memory_space<vmem>>) target_semaphore(%arg11 : memref<!tpu.dma_semaphore, #tpu.memory_space<semaphore_mem>>)
        %dma_start3A_2394 = arith.constant 0 : i32
        %dma_start3A_2395 = tpu.memref_slice %arg6[%rem3A_2378, %dma_start3A_2394] : memref<3x128xi32, #tpu.memory_space<vmem>> -> memref<1x128xi32, #tpu.memory_space<vmem>>
        %dma_start3A_2396 = tpu.memref_squeeze %dma_start3A_2395 : memref<1x128xi32, #tpu.memory_space<vmem>> -> memref<128xi32, #tpu.memory_space<vmem>>
        %dma_start3A_2397 = tpu.memref_slice %arg3[%mul3A_2381] : memref<100000xi32, #tpu.memory_space<hbm>> -> memref<128xi32, #tpu.memory_space<hbm>>
        %dma_start3A_2398 = arith.constant 0 : i32
        %dma_start3A_2399 = tpu.memref_slice %arg6[%rem3A_2378, %dma_start3A_2398] : memref<3x128xi32, #tpu.memory_space<vmem>> -> memref<1x128xi32, #tpu.memory_space<vmem>>
        %dma_start3A_2400 = tpu.memref_squeeze %dma_start3A_2399 : memref<1x128xi32, #tpu.memory_space<vmem>> -> memref<128xi32, #tpu.memory_space<vmem>>
        %dma_start3A_2401 = tpu.memref_slice %arg3[%mul3A_2381] : memref<100000xi32, #tpu.memory_space<hbm>> -> memref<128xi32, #tpu.memory_space<hbm>>
        tpu.enqueue_dma source(%dma_start3A_2401 : memref<128xi32, #tpu.memory_space<hbm>>) target(%dma_start3A_2400 : memref<128xi32, #tpu.memory_space<vmem>>) target_semaphore(%arg12 : memref<!tpu.dma_semaphore, #tpu.memory_space<semaphore_mem>>)
      } else {
      }
      %eq3A_2368 = arith.constant 0 : i32
      %eq3A_2369 = arith.cmpi eq, %sub3A, %eq3A_2368 : i32
      %convert_element_type3A_2370 = arith.extui %eq3A_2369 : i1 to i32
      %cond3A_2371 = arith.constant 0 : i32
      %cond3A_2372 = arith.cmpi ne, %convert_element_type3A_2370, %cond3A_2371 : i32
      scf.if %cond3A_2372 {
        %broadcast_in_dim3A_2373 = arith.constant 0.000000e+00 : f32
        %broadcast_in_dim3A_2374 = vector.broadcast %broadcast_in_dim3A_2373 : f32 to vector<16xf32>
        %broadcast_in_dim3A_2375 = arith.constant 0.000000e+00 : f32
        %broadcast_in_dim3A_2376 = vector.broadcast %broadcast_in_dim3A_2375 : f32 to vector<16xf32>
        %broadcast_in_dim3A_2377 = arith.constant 0.000000e+00 : f32
        %broadcast_in_dim3A_2378 = vector.broadcast %broadcast_in_dim3A_2377 : f32 to vector<16xf32>
        %broadcast_in_dim3A_2379 = arith.constant 0.000000e+00 : f32
        %broadcast_in_dim3A_2380 = vector.broadcast %broadcast_in_dim3A_2379 : f32 to vector<16xf32>
        %broadcast_in_dim3A_2381 = arith.constant 0.000000e+00 : f32
        %broadcast_in_dim3A_2382 = vector.broadcast %broadcast_in_dim3A_2381 : f32 to vector<16xf32>
        %broadcast_in_dim3A_2383 = arith.constant 0.000000e+00 : f32
        %broadcast_in_dim3A_2384 = vector.broadcast %broadcast_in_dim3A_2383 : f32 to vector<16xf32>
        %broadcast_in_dim3A_2385 = arith.constant 0.000000e+00 : f32
        %broadcast_in_dim3A_2386 = vector.broadcast %broadcast_in_dim3A_2385 : f32 to vector<16xf32>
        %broadcast_in_dim3A_2387 = arith.constant 0.000000e+00 : f32
        %broadcast_in_dim3A_2388 = vector.broadcast %broadcast_in_dim3A_2387 : f32 to vector<16xf32>
        %scan3A = arith.constant 0 : i32
        %scan3A_2389 = arith.constant 16 : i32
        %scan3A_2390 = arith.addi %scan3A, %scan3A_2389 : i32
        %scan3A_2391 = arith.constant 1 : i32
        %scan3A_2392:8 = scf.for %scan3A_2446 = %scan3A to %scan3A_2390 step %scan3A_2391 iter_args(%scan3A_2447 = %broadcast_in_dim3A_2374, %scan3A_2448 = %broadcast_in_dim3A_2376, %scan3A_2449 = %broadcast_in_dim3A_2378, %scan3A_2450 = %broadcast_in_dim3A_2380, %scan3A_2451 = %broadcast_in_dim3A_2382, %scan3A_2452 = %broadcast_in_dim3A_2384, %scan3A_2453 = %broadcast_in_dim3A_2386, %scan3A_2454 = %broadcast_in_dim3A_2388) -> (vector<16xf32>, vector<16xf32>, vector<16xf32>, vector<16xf32>, vector<16xf32>, vector<16xf32>, vector<16xf32>, vector<16xf32>)  : i32 {
          %mul3A_2455 = arith.constant 8 : i32
          %mul3A_2456 = arith.muli %scan3A_2446, %mul3A_2455 : i32
          %add3A_2457 = arith.constant 0 : i32
          %add3A_2458 = arith.addi %mul3A_2456, %add3A_2457 : i32
          %get3A_2459 = arith.index_cast %rem3A_2316 : i32 to index
          %get3A_2460 = arith.index_cast %add3A_2458 : i32 to index
          %get3A_2461 = arith.constant 0 : index
          %get3A_2462 = tpu.vector_load %arg5[%get3A_2459, %get3A_2460, %get3A_2461] {strides = array<i32>} : memref<3x128x128xf32, #tpu.memory_space<vmem>>, vector<1x1x16xf32>,
          %get3A_2463 = vector.shape_cast %get3A_2462 : vector<1x1x16xf32> to vector<16xf32>
          %add3A_2464 = arith.addf %scan3A_2447, %get3A_2463 : vector<16xf32>
          %mul3A_2465 = arith.constant 8 : i32
          %mul3A_2466 = arith.muli %scan3A_2446, %mul3A_2465 : i32
          %add3A_2467 = arith.constant 1 : i32
          %add3A_2468 = arith.addi %mul3A_2466, %add3A_2467 : i32
          %get3A_2469 = arith.index_cast %rem3A_2316 : i32 to index
          %get3A_2470 = arith.index_cast %add3A_2468 : i32 to index
          %get3A_2471 = arith.constant 0 : index
          %get3A_2472 = tpu.vector_load %arg5[%get3A_2469, %get3A_2470, %get3A_2471] {strides = array<i32>} : memref<3x128x128xf32, #tpu.memory_space<vmem>>, vector<1x1x16xf32>,
          %get3A_2473 = vector.shape_cast %get3A_2472 : vector<1x1x16xf32> to vector<16xf32>
          %add3A_2474 = arith.addf %add3A_2464, %get3A_2473 : vector<16xf32>
          %mul3A_2475 = arith.constant 8 : i32
          %mul3A_2476 = arith.muli %scan3A_2446, %mul3A_2475 : i32
          %add3A_2477 = arith.constant 2 : i32
          %add3A_2478 = arith.addi %mul3A_2476, %add3A_2477 : i32
          %get3A_2479 = arith.index_cast %rem3A_2316 : i32 to index
          %get3A_2480 = arith.index_cast %add3A_2478 : i32 to index
          %get3A_2481 = arith.constant 0 : index
          %get3A_2482 = tpu.vector_load %arg5[%get3A_2479, %get3A_2480, %get3A_2481] {strides = array<i32>} : memref<3x128x128xf32, #tpu.memory_space<vmem>>, vector<1x1x16xf32>,
          %get3A_2483 = vector.shape_cast %get3A_2482 : vector<1x1x16xf32> to vector<16xf32>
          %add3A_2484 = arith.addf %add3A_2474, %get3A_2483 : vector<16xf32>
          %mul3A_2485 = arith.constant 8 : i32
          %mul3A_2486 = arith.muli %scan3A_2446, %mul3A_2485 : i32
          %add3A_2487 = arith.constant 3 : i32
          %add3A_2488 = arith.addi %mul3A_2486, %add3A_2487 : i32
          %get3A_2489 = arith.index_cast %rem3A_2316 : i32 to index
          %get3A_2490 = arith.index_cast %add3A_2488 : i32 to index
          %get3A_2491 = arith.constant 0 : index
          %get3A_2492 = tpu.vector_load %arg5[%get3A_2489, %get3A_2490, %get3A_2491] {strides = array<i32>} : memref<3x128x128xf32, #tpu.memory_space<vmem>>, vector<1x1x16xf32>,
          %get3A_2493 = vector.shape_cast %get3A_2492 : vector<1x1x16xf32> to vector<16xf32>
          %add3A_2494 = arith.addf %add3A_2484, %get3A_2493 : vector<16xf32>
          %mul3A_2495 = arith.constant 8 : i32
          %mul3A_2496 = arith.muli %scan3A_2446, %mul3A_2495 : i32
          %add3A_2497 = arith.constant 4 : i32
          %add3A_2498 = arith.addi %mul3A_2496, %add3A_2497 : i32
          %get3A_2499 = arith.index_cast %rem3A_2316 : i32 to index
          %get3A_2500 = arith.index_cast %add3A_2498 : i32 to index
          %get3A_2501 = arith.constant 0 : index
          %get3A_2502 = tpu.vector_load %arg5[%get3A_2499, %get3A_2500, %get3A_2501] {strides = array<i32>} : memref<3x128x128xf32, #tpu.memory_space<vmem>>, vector<1x1x16xf32>,
          %get3A_2503 = vector.shape_cast %get3A_2502 : vector<1x1x16xf32> to vector<16xf32>
          %add3A_2504 = arith.addf %add3A_2494, %get3A_2503 : vector<16xf32>
          %mul3A_2505 = arith.constant 8 : i32
          %mul3A_2506 = arith.muli %scan3A_2446, %mul3A_2505 : i32
          %add3A_2507 = arith.constant 5 : i32
          %add3A_2508 = arith.addi %mul3A_2506, %add3A_2507 : i32
          %get3A_2509 = arith.index_cast %rem3A_2316 : i32 to index
          %get3A_2510 = arith.index_cast %add3A_2508 : i32 to index
          %get3A_2511 = arith.constant 0 : index
          %get3A_2512 = tpu.vector_load %arg5[%get3A_2509, %get3A_2510, %get3A_2511] {strides = array<i32>} : memref<3x128x128xf32, #tpu.memory_space<vmem>>, vector<1x1x16xf32>,
          %get3A_2513 = vector.shape_cast %get3A_2512 : vector<1x1x16xf32> to vector<16xf32>
          %add3A_2514 = arith.addf %add3A_2504, %get3A_2513 : vector<16xf32>
          %mul3A_2515 = arith.constant 8 : i32
          %mul3A_2516 = arith.muli %scan3A_2446, %mul3A_2515 : i32
          %add3A_2517 = arith.constant 6 : i32
          %add3A_2518 = arith.addi %mul3A_2516, %add3A_2517 : i32
          %get3A_2519 = arith.index_cast %rem3A_2316 : i32 to index
          %get3A_2520 = arith.index_cast %add3A_2518 : i32 to index
          %get3A_2521 = arith.constant 0 : index
          %get3A_2522 = tpu.vector_load %arg5[%get3A_2519, %get3A_2520, %get3A_2521] {strides = array<i32>} : memref<3x128x128xf32, #tpu.memory_space<vmem>>, vector<1x1x16xf32>,
          %get3A_2523 = vector.shape_cast %get3A_2522 : vector<1x1x16xf32> to vector<16xf32>
          %add3A_2524 = arith.addf %add3A_2514, %get3A_2523 : vector<16xf32>
          %mul3A_2525 = arith.constant 8 : i32
          %mul3A_2526 = arith.muli %scan3A_2446, %mul3A_2525 : i32
          %add3A_2527 = arith.constant 7 : i32
          %add3A_2528 = arith.addi %mul3A_2526, %add3A_2527 : i32
          %get3A_2529 = arith.index_cast %rem3A_2316 : i32 to index
          %get3A_2530 = arith.index_cast %add3A_2528 : i32 to index
          %get3A_2531 = arith.constant 0 : index
          %get3A_2532 = tpu.vector_load %arg5[%get3A_2529, %get3A_2530, %get3A_2531] {strides = array<i32>} : memref<3x128x128xf32, #tpu.memory_space<vmem>>, vector<1x1x16xf32>,
          %get3A_2533 = vector.shape_cast %get3A_2532 : vector<1x1x16xf32> to vector<16xf32>
          %add3A_2534 = arith.addf %add3A_2524, %get3A_2533 : vector<16xf32>
          %mul3A_2535 = arith.constant 8 : i32
          %mul3A_2536 = arith.muli %scan3A_2446, %mul3A_2535 : i32
          %add3A_2537 = arith.constant 0 : i32
          %add3A_2538 = arith.addi %mul3A_2536, %add3A_2537 : i32
          %get3A_2539 = arith.index_cast %rem3A_2316 : i32 to index
          %get3A_2540 = arith.index_cast %add3A_2538 : i32 to index
          %get3A_2541 = arith.constant 16 : index
          %get3A_2542 = tpu.vector_load %arg5[%get3A_2539, %get3A_2540, %get3A_2541] {strides = array<i32>} : memref<3x128x128xf32, #tpu.memory_space<vmem>>, vector<1x1x16xf32>,
          %get3A_2543 = vector.shape_cast %get3A_2542 : vector<1x1x16xf32> to vector<16xf32>
          %add3A_2544 = arith.addf %scan3A_2448, %get3A_2543 : vector<16xf32>
          %mul3A_2545 = arith.constant 8 : i32
          %mul3A_2546 = arith.muli %scan3A_2446, %mul3A_2545 : i32
          %add3A_2547 = arith.constant 1 : i32
          %add3A_2548 = arith.addi %mul3A_2546, %add3A_2547 : i32
          %get3A_2549 = arith.index_cast %rem3A_2316 : i32 to index
          %get3A_2550 = arith.index_cast %add3A_2548 : i32 to index
          %get3A_2551 = arith.constant 16 : index
          %get3A_2552 = tpu.vector_load %arg5[%get3A_2549, %get3A_2550, %get3A_2551] {strides = array<i32>} : memref<3x128x128xf32, #tpu.memory_space<vmem>>, vector<1x1x16xf32>,
          %get3A_2553 = vector.shape_cast %get3A_2552 : vector<1x1x16xf32> to vector<16xf32>
          %add3A_2554 = arith.addf %add3A_2544, %get3A_2553 : vector<16xf32>
          %mul3A_2555 = arith.constant 8 : i32
          %mul3A_2556 = arith.muli %scan3A_2446, %mul3A_2555 : i32
          %add3A_2557 = arith.constant 2 : i32
          %add3A_2558 = arith.addi %mul3A_2556, %add3A_2557 : i32
          %get3A_2559 = arith.index_cast %rem3A_2316 : i32 to index
          %get3A_2560 = arith.index_cast %add3A_2558 : i32 to index
          %get3A_2561 = arith.constant 16 : index
          %get3A_2562 = tpu.vector_load %arg5[%get3A_2559, %get3A_2560, %get3A_2561] {strides = array<i32>} : memref<3x128x128xf32, #tpu.memory_space<vmem>>, vector<1x1x16xf32>,
          %get3A_2563 = vector.shape_cast %get3A_2562 : vector<1x1x16xf32> to vector<16xf32>
          %add3A_2564 = arith.addf %add3A_2554, %get3A_2563 : vector<16xf32>
          %mul3A_2565 = arith.constant 8 : i32
          %mul3A_2566 = arith.muli %scan3A_2446, %mul3A_2565 : i32
          %add3A_2567 = arith.constant 3 : i32
          %add3A_2568 = arith.addi %mul3A_2566, %add3A_2567 : i32
          %get3A_2569 = arith.index_cast %rem3A_2316 : i32 to index
          %get3A_2570 = arith.index_cast %add3A_2568 : i32 to index
          %get3A_2571 = arith.constant 16 : index
          %get3A_2572 = tpu.vector_load %arg5[%get3A_2569, %get3A_2570, %get3A_2571] {strides = array<i32>} : memref<3x128x128xf32, #tpu.memory_space<vmem>>, vector<1x1x16xf32>,
          %get3A_2573 = vector.shape_cast %get3A_2572 : vector<1x1x16xf32> to vector<16xf32>
          %add3A_2574 = arith.addf %add3A_2564, %get3A_2573 : vector<16xf32>
          %mul3A_2575 = arith.constant 8 : i32
          %mul3A_2576 = arith.muli %scan3A_2446, %mul3A_2575 : i32
          %add3A_2577 = arith.constant 4 : i32
          %add3A_2578 = arith.addi %mul3A_2576, %add3A_2577 : i32
          %get3A_2579 = arith.index_cast %rem3A_2316 : i32 to index
          %get3A_2580 = arith.index_cast %add3A_2578 : i32 to index
          %get3A_2581 = arith.constant 16 : index
          %get3A_2582 = tpu.vector_load %arg5[%get3A_2579, %get3A_2580, %get3A_2581] {strides = array<i32>} : memref<3x128x128xf32, #tpu.memory_space<vmem>>, vector<1x1x16xf32>,
          %get3A_2583 = vector.shape_cast %get3A_2582 : vector<1x1x16xf32> to vector<16xf32>
          %add3A_2584 = arith.addf %add3A_2574, %get3A_2583 : vector<16xf32>
          %mul3A_2585 = arith.constant 8 : i32
          %mul3A_2586 = arith.muli %scan3A_2446, %mul3A_2585 : i32
          %add3A_2587 = arith.constant 5 : i32
          %add3A_2588 = arith.addi %mul3A_2586, %add3A_2587 : i32
          %get3A_2589 = arith.index_cast %rem3A_2316 : i32 to index
          %get3A_2590 = arith.index_cast %add3A_2588 : i32 to index
          %get3A_2591 = arith.constant 16 : index
          %get3A_2592 = tpu.vector_load %arg5[%get3A_2589, %get3A_2590, %get3A_2591] {strides = array<i32>} : memref<3x128x128xf32, #tpu.memory_space<vmem>>, vector<1x1x16xf32>,
          %get3A_2593 = vector.shape_cast %get3A_2592 : vector<1x1x16xf32> to vector<16xf32>
          %add3A_2594 = arith.addf %add3A_2584, %get3A_2593 : vector<16xf32>
          %mul3A_2595 = arith.constant 8 : i32
          %mul3A_2596 = arith.muli %scan3A_2446, %mul3A_2595 : i32
          %add3A_2597 = arith.constant 6 : i32
          %add3A_2598 = arith.addi %mul3A_2596, %add3A_2597 : i32
          %get3A_2599 = arith.index_cast %rem3A_2316 : i32 to index
          %get3A_2600 = arith.index_cast %add3A_2598 : i32 to index
          %get3A_2601 = arith.constant 16 : index
          %get3A_2602 = tpu.vector_load %arg5[%get3A_2599, %get3A_2600, %get3A_2601] {strides = array<i32>} : memref<3x128x128xf32, #tpu.memory_space<vmem>>, vector<1x1x16xf32>,
          %get3A_2603 = vector.shape_cast %get3A_2602 : vector<1x1x16xf32> to vector<16xf32>
          %add3A_2604 = arith.addf %add3A_2594, %get3A_2603 : vector<16xf32>
          %mul3A_2605 = arith.constant 8 : i32
          %mul3A_2606 = arith.muli %scan3A_2446, %mul3A_2605 : i32
          %add3A_2607 = arith.constant 7 : i32
          %add3A_2608 = arith.addi %mul3A_2606, %add3A_2607 : i32
          %get3A_2609 = arith.index_cast %rem3A_2316 : i32 to index
          %get3A_2610 = arith.index_cast %add3A_2608 : i32 to index
          %get3A_2611 = arith.constant 16 : index
          %get3A_2612 = tpu.vector_load %arg5[%get3A_2609, %get3A_2610, %get3A_2611] {strides = array<i32>} : memref<3x128x128xf32, #tpu.memory_space<vmem>>, vector<1x1x16xf32>,
          %get3A_2613 = vector.shape_cast %get3A_2612 : vector<1x1x16xf32> to vector<16xf32>
          %add3A_2614 = arith.addf %add3A_2604, %get3A_2613 : vector<16xf32>
          %mul3A_2615 = arith.constant 8 : i32
          %mul3A_2616 = arith.muli %scan3A_2446, %mul3A_2615 : i32
          %add3A_2617 = arith.constant 0 : i32
          %add3A_2618 = arith.addi %mul3A_2616, %add3A_2617 : i32
          %get3A_2619 = arith.index_cast %rem3A_2316 : i32 to index
          %get3A_2620 = arith.index_cast %add3A_2618 : i32 to index
          %get3A_2621 = arith.constant 32 : index
          %get3A_2622 = tpu.vector_load %arg5[%get3A_2619, %get3A_2620, %get3A_2621] {strides = array<i32>} : memref<3x128x128xf32, #tpu.memory_space<vmem>>, vector<1x1x16xf32>,
          %get3A_2623 = vector.shape_cast %get3A_2622 : vector<1x1x16xf32> to vector<16xf32>
          %add3A_2624 = arith.addf %scan3A_2449, %get3A_2623 : vector<16xf32>
          %mul3A_2625 = arith.constant 8 : i32
          %mul3A_2626 = arith.muli %scan3A_2446, %mul3A_2625 : i32
          %add3A_2627 = arith.constant 1 : i32
          %add3A_2628 = arith.addi %mul3A_2626, %add3A_2627 : i32
          %get3A_2629 = arith.index_cast %rem3A_2316 : i32 to index
          %get3A_2630 = arith.index_cast %add3A_2628 : i32 to index
          %get3A_2631 = arith.constant 32 : index
          %get3A_2632 = tpu.vector_load %arg5[%get3A_2629, %get3A_2630, %get3A_2631] {strides = array<i32>} : memref<3x128x128xf32, #tpu.memory_space<vmem>>, vector<1x1x16xf32>,
          %get3A_2633 = vector.shape_cast %get3A_2632 : vector<1x1x16xf32> to vector<16xf32>
          %add3A_2634 = arith.addf %add3A_2624, %get3A_2633 : vector<16xf32>
          %mul3A_2635 = arith.constant 8 : i32
          %mul3A_2636 = arith.muli %scan3A_2446, %mul3A_2635 : i32
          %add3A_2637 = arith.constant 2 : i32
          %add3A_2638 = arith.addi %mul3A_2636, %add3A_2637 : i32
          %get3A_2639 = arith.index_cast %rem3A_2316 : i32 to index
          %get3A_2640 = arith.index_cast %add3A_2638 : i32 to index
          %get3A_2641 = arith.constant 32 : index
          %get3A_2642 = tpu.vector_load %arg5[%get3A_2639, %get3A_2640, %get3A_2641] {strides = array<i32>} : memref<3x128x128xf32, #tpu.memory_space<vmem>>, vector<1x1x16xf32>,
          %get3A_2643 = vector.shape_cast %get3A_2642 : vector<1x1x16xf32> to vector<16xf32>
          %add3A_2644 = arith.addf %add3A_2634, %get3A_2643 : vector<16xf32>
          %mul3A_2645 = arith.constant 8 : i32
          %mul3A_2646 = arith.muli %scan3A_2446, %mul3A_2645 : i32
          %add3A_2647 = arith.constant 3 : i32
          %add3A_2648 = arith.addi %mul3A_2646, %add3A_2647 : i32
          %get3A_2649 = arith.index_cast %rem3A_2316 : i32 to index
          %get3A_2650 = arith.index_cast %add3A_2648 : i32 to index
          %get3A_2651 = arith.constant 32 : index
          %get3A_2652 = tpu.vector_load %arg5[%get3A_2649, %get3A_2650, %get3A_2651] {strides = array<i32>} : memref<3x128x128xf32, #tpu.memory_space<vmem>>, vector<1x1x16xf32>,
          %get3A_2653 = vector.shape_cast %get3A_2652 : vector<1x1x16xf32> to vector<16xf32>
          %add3A_2654 = arith.addf %add3A_2644, %get3A_2653 : vector<16xf32>
          %mul3A_2655 = arith.constant 8 : i32
          %mul3A_2656 = arith.muli %scan3A_2446, %mul3A_2655 : i32
          %add3A_2657 = arith.constant 4 : i32
          %add3A_2658 = arith.addi %mul3A_2656, %add3A_2657 : i32
          %get3A_2659 = arith.index_cast %rem3A_2316 : i32 to index
          %get3A_2660 = arith.index_cast %add3A_2658 : i32 to index
          %get3A_2661 = arith.constant 32 : index
          %get3A_2662 = tpu.vector_load %arg5[%get3A_2659, %get3A_2660, %get3A_2661] {strides = array<i32>} : memref<3x128x128xf32, #tpu.memory_space<vmem>>, vector<1x1x16xf32>,
          %get3A_2663 = vector.shape_cast %get3A_2662 : vector<1x1x16xf32> to vector<16xf32>
          %add3A_2664 = arith.addf %add3A_2654, %get3A_2663 : vector<16xf32>
          %mul3A_2665 = arith.constant 8 : i32
          %mul3A_2666 = arith.muli %scan3A_2446, %mul3A_2665 : i32
          %add3A_2667 = arith.constant 5 : i32
          %add3A_2668 = arith.addi %mul3A_2666, %add3A_2667 : i32
          %get3A_2669 = arith.index_cast %rem3A_2316 : i32 to index
          %get3A_2670 = arith.index_cast %add3A_2668 : i32 to index
          %get3A_2671 = arith.constant 32 : index
          %get3A_2672 = tpu.vector_load %arg5[%get3A_2669, %get3A_2670, %get3A_2671] {strides = array<i32>} : memref<3x128x128xf32, #tpu.memory_space<vmem>>, vector<1x1x16xf32>,
          %get3A_2673 = vector.shape_cast %get3A_2672 : vector<1x1x16xf32> to vector<16xf32>
          %add3A_2674 = arith.addf %add3A_2664, %get3A_2673 : vector<16xf32>
          %mul3A_2675 = arith.constant 8 : i32
          %mul3A_2676 = arith.muli %scan3A_2446, %mul3A_2675 : i32
          %add3A_2677 = arith.constant 6 : i32
          %add3A_2678 = arith.addi %mul3A_2676, %add3A_2677 : i32
          %get3A_2679 = arith.index_cast %rem3A_2316 : i32 to index
          %get3A_2680 = arith.index_cast %add3A_2678 : i32 to index
          %get3A_2681 = arith.constant 32 : index
          %get3A_2682 = tpu.vector_load %arg5[%get3A_2679, %get3A_2680, %get3A_2681] {strides = array<i32>} : memref<3x128x128xf32, #tpu.memory_space<vmem>>, vector<1x1x16xf32>,
          %get3A_2683 = vector.shape_cast %get3A_2682 : vector<1x1x16xf32> to vector<16xf32>
          %add3A_2684 = arith.addf %add3A_2674, %get3A_2683 : vector<16xf32>
          %mul3A_2685 = arith.constant 8 : i32
          %mul3A_2686 = arith.muli %scan3A_2446, %mul3A_2685 : i32
          %add3A_2687 = arith.constant 7 : i32
          %add3A_2688 = arith.addi %mul3A_2686, %add3A_2687 : i32
          %get3A_2689 = arith.index_cast %rem3A_2316 : i32 to index
          %get3A_2690 = arith.index_cast %add3A_2688 : i32 to index
          %get3A_2691 = arith.constant 32 : index
          %get3A_2692 = tpu.vector_load %arg5[%get3A_2689, %get3A_2690, %get3A_2691] {strides = array<i32>} : memref<3x128x128xf32, #tpu.memory_space<vmem>>, vector<1x1x16xf32>,
          %get3A_2693 = vector.shape_cast %get3A_2692 : vector<1x1x16xf32> to vector<16xf32>
          %add3A_2694 = arith.addf %add3A_2684, %get3A_2693 : vector<16xf32>
          %mul3A_2695 = arith.constant 8 : i32
          %mul3A_2696 = arith.muli %scan3A_2446, %mul3A_2695 : i32
          %add3A_2697 = arith.constant 0 : i32
          %add3A_2698 = arith.addi %mul3A_2696, %add3A_2697 : i32
          %get3A_2699 = arith.index_cast %rem3A_2316 : i32 to index
          %get3A_2700 = arith.index_cast %add3A_2698 : i32 to index
          %get3A_2701 = arith.constant 48 : index
          %get3A_2702 = tpu.vector_load %arg5[%get3A_2699, %get3A_2700, %get3A_2701] {strides = array<i32>} : memref<3x128x128xf32, #tpu.memory_space<vmem>>, vector<1x1x16xf32>,
          %get3A_2703 = vector.shape_cast %get3A_2702 : vector<1x1x16xf32> to vector<16xf32>
          %add3A_2704 = arith.addf %scan3A_2450, %get3A_2703 : vector<16xf32>
          %mul3A_2705 = arith.constant 8 : i32
          %mul3A_2706 = arith.muli %scan3A_2446, %mul3A_2705 : i32
          %add3A_2707 = arith.constant 1 : i32
          %add3A_2708 = arith.addi %mul3A_2706, %add3A_2707 : i32
          %get3A_2709 = arith.index_cast %rem3A_2316 : i32 to index
          %get3A_2710 = arith.index_cast %add3A_2708 : i32 to index
          %get3A_2711 = arith.constant 48 : index
          %get3A_2712 = tpu.vector_load %arg5[%get3A_2709, %get3A_2710, %get3A_2711] {strides = array<i32>} : memref<3x128x128xf32, #tpu.memory_space<vmem>>, vector<1x1x16xf32>,
          %get3A_2713 = vector.shape_cast %get3A_2712 : vector<1x1x16xf32> to vector<16xf32>
          %add3A_2714 = arith.addf %add3A_2704, %get3A_2713 : vector<16xf32>
          %mul3A_2715 = arith.constant 8 : i32
          %mul3A_2716 = arith.muli %scan3A_2446, %mul3A_2715 : i32
          %add3A_2717 = arith.constant 2 : i32
          %add3A_2718 = arith.addi %mul3A_2716, %add3A_2717 : i32
          %get3A_2719 = arith.index_cast %rem3A_2316 : i32 to index
          %get3A_2720 = arith.index_cast %add3A_2718 : i32 to index
          %get3A_2721 = arith.constant 48 : index
          %get3A_2722 = tpu.vector_load %arg5[%get3A_2719, %get3A_2720, %get3A_2721] {strides = array<i32>} : memref<3x128x128xf32, #tpu.memory_space<vmem>>, vector<1x1x16xf32>,
          %get3A_2723 = vector.shape_cast %get3A_2722 : vector<1x1x16xf32> to vector<16xf32>
          %add3A_2724 = arith.addf %add3A_2714, %get3A_2723 : vector<16xf32>
          %mul3A_2725 = arith.constant 8 : i32
          %mul3A_2726 = arith.muli %scan3A_2446, %mul3A_2725 : i32
          %add3A_2727 = arith.constant 3 : i32
          %add3A_2728 = arith.addi %mul3A_2726, %add3A_2727 : i32
          %get3A_2729 = arith.index_cast %rem3A_2316 : i32 to index
          %get3A_2730 = arith.index_cast %add3A_2728 : i32 to index
          %get3A_2731 = arith.constant 48 : index
          %get3A_2732 = tpu.vector_load %arg5[%get3A_2729, %get3A_2730, %get3A_2731] {strides = array<i32>} : memref<3x128x128xf32, #tpu.memory_space<vmem>>, vector<1x1x16xf32>,
          %get3A_2733 = vector.shape_cast %get3A_2732 : vector<1x1x16xf32> to vector<16xf32>
          %add3A_2734 = arith.addf %add3A_2724, %get3A_2733 : vector<16xf32>
          %mul3A_2735 = arith.constant 8 : i32
          %mul3A_2736 = arith.muli %scan3A_2446, %mul3A_2735 : i32
          %add3A_2737 = arith.constant 4 : i32
          %add3A_2738 = arith.addi %mul3A_2736, %add3A_2737 : i32
          %get3A_2739 = arith.index_cast %rem3A_2316 : i32 to index
          %get3A_2740 = arith.index_cast %add3A_2738 : i32 to index
          %get3A_2741 = arith.constant 48 : index
          %get3A_2742 = tpu.vector_load %arg5[%get3A_2739, %get3A_2740, %get3A_2741] {strides = array<i32>} : memref<3x128x128xf32, #tpu.memory_space<vmem>>, vector<1x1x16xf32>,
          %get3A_2743 = vector.shape_cast %get3A_2742 : vector<1x1x16xf32> to vector<16xf32>
          %add3A_2744 = arith.addf %add3A_2734, %get3A_2743 : vector<16xf32>
          %mul3A_2745 = arith.constant 8 : i32
          %mul3A_2746 = arith.muli %scan3A_2446, %mul3A_2745 : i32
          %add3A_2747 = arith.constant 5 : i32
          %add3A_2748 = arith.addi %mul3A_2746, %add3A_2747 : i32
          %get3A_2749 = arith.index_cast %rem3A_2316 : i32 to index
          %get3A_2750 = arith.index_cast %add3A_2748 : i32 to index
          %get3A_2751 = arith.constant 48 : index
          %get3A_2752 = tpu.vector_load %arg5[%get3A_2749, %get3A_2750, %get3A_2751] {strides = array<i32>} : memref<3x128x128xf32, #tpu.memory_space<vmem>>, vector<1x1x16xf32>,
          %get3A_2753 = vector.shape_cast %get3A_2752 : vector<1x1x16xf32> to vector<16xf32>
          %add3A_2754 = arith.addf %add3A_2744, %get3A_2753 : vector<16xf32>
          %mul3A_2755 = arith.constant 8 : i32
          %mul3A_2756 = arith.muli %scan3A_2446, %mul3A_2755 : i32
          %add3A_2757 = arith.constant 6 : i32
          %add3A_2758 = arith.addi %mul3A_2756, %add3A_2757 : i32
          %get3A_2759 = arith.index_cast %rem3A_2316 : i32 to index
          %get3A_2760 = arith.index_cast %add3A_2758 : i32 to index
          %get3A_2761 = arith.constant 48 : index
          %get3A_2762 = tpu.vector_load %arg5[%get3A_2759, %get3A_2760, %get3A_2761] {strides = array<i32>} : memref<3x128x128xf32, #tpu.memory_space<vmem>>, vector<1x1x16xf32>,
          %get3A_2763 = vector.shape_cast %get3A_2762 : vector<1x1x16xf32> to vector<16xf32>
          %add3A_2764 = arith.addf %add3A_2754, %get3A_2763 : vector<16xf32>
          %mul3A_2765 = arith.constant 8 : i32
          %mul3A_2766 = arith.muli %scan3A_2446, %mul3A_2765 : i32
          %add3A_2767 = arith.constant 7 : i32
          %add3A_2768 = arith.addi %mul3A_2766, %add3A_2767 : i32
          %get3A_2769 = arith.index_cast %rem3A_2316 : i32 to index
          %get3A_2770 = arith.index_cast %add3A_2768 : i32 to index
          %get3A_2771 = arith.constant 48 : index
          %get3A_2772 = tpu.vector_load %arg5[%get3A_2769, %get3A_2770, %get3A_2771] {strides = array<i32>} : memref<3x128x128xf32, #tpu.memory_space<vmem>>, vector<1x1x16xf32>,
          %get3A_2773 = vector.shape_cast %get3A_2772 : vector<1x1x16xf32> to vector<16xf32>
          %add3A_2774 = arith.addf %add3A_2764, %get3A_2773 : vector<16xf32>
          %mul3A_2775 = arith.constant 8 : i32
          %mul3A_2776 = arith.muli %scan3A_2446, %mul3A_2775 : i32
          %add3A_2777 = arith.constant 0 : i32
          %add3A_2778 = arith.addi %mul3A_2776, %add3A_2777 : i32
          %get3A_2779 = arith.index_cast %rem3A_2316 : i32 to index
          %get3A_2780 = arith.index_cast %add3A_2778 : i32 to index
          %get3A_2781 = arith.constant 64 : index
          %get3A_2782 = tpu.vector_load %arg5[%get3A_2779, %get3A_2780, %get3A_2781] {strides = array<i32>} : memref<3x128x128xf32, #tpu.memory_space<vmem>>, vector<1x1x16xf32>,
          %get3A_2783 = vector.shape_cast %get3A_2782 : vector<1x1x16xf32> to vector<16xf32>
          %add3A_2784 = arith.addf %scan3A_2451, %get3A_2783 : vector<16xf32>
          %mul3A_2785 = arith.constant 8 : i32
          %mul3A_2786 = arith.muli %scan3A_2446, %mul3A_2785 : i32
          %add3A_2787 = arith.constant 1 : i32
          %add3A_2788 = arith.addi %mul3A_2786, %add3A_2787 : i32
          %get3A_2789 = arith.index_cast %rem3A_2316 : i32 to index
          %get3A_2790 = arith.index_cast %add3A_2788 : i32 to index
          %get3A_2791 = arith.constant 64 : index
          %get3A_2792 = tpu.vector_load %arg5[%get3A_2789, %get3A_2790, %get3A_2791] {strides = array<i32>} : memref<3x128x128xf32, #tpu.memory_space<vmem>>, vector<1x1x16xf32>,
          %get3A_2793 = vector.shape_cast %get3A_2792 : vector<1x1x16xf32> to vector<16xf32>
          %add3A_2794 = arith.addf %add3A_2784, %get3A_2793 : vector<16xf32>
          %mul3A_2795 = arith.constant 8 : i32
          %mul3A_2796 = arith.muli %scan3A_2446, %mul3A_2795 : i32
          %add3A_2797 = arith.constant 2 : i32
          %add3A_2798 = arith.addi %mul3A_2796, %add3A_2797 : i32
          %get3A_2799 = arith.index_cast %rem3A_2316 : i32 to index
          %get3A_2800 = arith.index_cast %add3A_2798 : i32 to index
          %get3A_2801 = arith.constant 64 : index
          %get3A_2802 = tpu.vector_load %arg5[%get3A_2799, %get3A_2800, %get3A_2801] {strides = array<i32>} : memref<3x128x128xf32, #tpu.memory_space<vmem>>, vector<1x1x16xf32>,
          %get3A_2803 = vector.shape_cast %get3A_2802 : vector<1x1x16xf32> to vector<16xf32>
          %add3A_2804 = arith.addf %add3A_2794, %get3A_2803 : vector<16xf32>
          %mul3A_2805 = arith.constant 8 : i32
          %mul3A_2806 = arith.muli %scan3A_2446, %mul3A_2805 : i32
          %add3A_2807 = arith.constant 3 : i32
          %add3A_2808 = arith.addi %mul3A_2806, %add3A_2807 : i32
          %get3A_2809 = arith.index_cast %rem3A_2316 : i32 to index
          %get3A_2810 = arith.index_cast %add3A_2808 : i32 to index
          %get3A_2811 = arith.constant 64 : index
          %get3A_2812 = tpu.vector_load %arg5[%get3A_2809, %get3A_2810, %get3A_2811] {strides = array<i32>} : memref<3x128x128xf32, #tpu.memory_space<vmem>>, vector<1x1x16xf32>,
          %get3A_2813 = vector.shape_cast %get3A_2812 : vector<1x1x16xf32> to vector<16xf32>
          %add3A_2814 = arith.addf %add3A_2804, %get3A_2813 : vector<16xf32>
          %mul3A_2815 = arith.constant 8 : i32
          %mul3A_2816 = arith.muli %scan3A_2446, %mul3A_2815 : i32
          %add3A_2817 = arith.constant 4 : i32
          %add3A_2818 = arith.addi %mul3A_2816, %add3A_2817 : i32
          %get3A_2819 = arith.index_cast %rem3A_2316 : i32 to index
          %get3A_2820 = arith.index_cast %add3A_2818 : i32 to index
          %get3A_2821 = arith.constant 64 : index
          %get3A_2822 = tpu.vector_load %arg5[%get3A_2819, %get3A_2820, %get3A_2821] {strides = array<i32>} : memref<3x128x128xf32, #tpu.memory_space<vmem>>, vector<1x1x16xf32>,
          %get3A_2823 = vector.shape_cast %get3A_2822 : vector<1x1x16xf32> to vector<16xf32>
          %add3A_2824 = arith.addf %add3A_2814, %get3A_2823 : vector<16xf32>
          %mul3A_2825 = arith.constant 8 : i32
          %mul3A_2826 = arith.muli %scan3A_2446, %mul3A_2825 : i32
          %add3A_2827 = arith.constant 5 : i32
          %add3A_2828 = arith.addi %mul3A_2826, %add3A_2827 : i32
          %get3A_2829 = arith.index_cast %rem3A_2316 : i32 to index
          %get3A_2830 = arith.index_cast %add3A_2828 : i32 to index
          %get3A_2831 = arith.constant 64 : index
          %get3A_2832 = tpu.vector_load %arg5[%get3A_2829, %get3A_2830, %get3A_2831] {strides = array<i32>} : memref<3x128x128xf32, #tpu.memory_space<vmem>>, vector<1x1x16xf32>,
          %get3A_2833 = vector.shape_cast %get3A_2832 : vector<1x1x16xf32> to vector<16xf32>
          %add3A_2834 = arith.addf %add3A_2824, %get3A_2833 : vector<16xf32>
          %mul3A_2835 = arith.constant 8 : i32
          %mul3A_2836 = arith.muli %scan3A_2446, %mul3A_2835 : i32
          %add3A_2837 = arith.constant 6 : i32
          %add3A_2838 = arith.addi %mul3A_2836, %add3A_2837 : i32
          %get3A_2839 = arith.index_cast %rem3A_2316 : i32 to index
          %get3A_2840 = arith.index_cast %add3A_2838 : i32 to index
          %get3A_2841 = arith.constant 64 : index
          %get3A_2842 = tpu.vector_load %arg5[%get3A_2839, %get3A_2840, %get3A_2841] {strides = array<i32>} : memref<3x128x128xf32, #tpu.memory_space<vmem>>, vector<1x1x16xf32>,
          %get3A_2843 = vector.shape_cast %get3A_2842 : vector<1x1x16xf32> to vector<16xf32>
          %add3A_2844 = arith.addf %add3A_2834, %get3A_2843 : vector<16xf32>
          %mul3A_2845 = arith.constant 8 : i32
          %mul3A_2846 = arith.muli %scan3A_2446, %mul3A_2845 : i32
          %add3A_2847 = arith.constant 7 : i32
          %add3A_2848 = arith.addi %mul3A_2846, %add3A_2847 : i32
          %get3A_2849 = arith.index_cast %rem3A_2316 : i32 to index
          %get3A_2850 = arith.index_cast %add3A_2848 : i32 to index
          %get3A_2851 = arith.constant 64 : index
          %get3A_2852 = tpu.vector_load %arg5[%get3A_2849, %get3A_2850, %get3A_2851] {strides = array<i32>} : memref<3x128x128xf32, #tpu.memory_space<vmem>>, vector<1x1x16xf32>,
          %get3A_2853 = vector.shape_cast %get3A_2852 : vector<1x1x16xf32> to vector<16xf32>
          %add3A_2854 = arith.addf %add3A_2844, %get3A_2853 : vector<16xf32>
          %mul3A_2855 = arith.constant 8 : i32
          %mul3A_2856 = arith.muli %scan3A_2446, %mul3A_2855 : i32
          %add3A_2857 = arith.constant 0 : i32
          %add3A_2858 = arith.addi %mul3A_2856, %add3A_2857 : i32
          %get3A_2859 = arith.index_cast %rem3A_2316 : i32 to index
          %get3A_2860 = arith.index_cast %add3A_2858 : i32 to index
          %get3A_2861 = arith.constant 80 : index
          %get3A_2862 = tpu.vector_load %arg5[%get3A_2859, %get3A_2860, %get3A_2861] {strides = array<i32>} : memref<3x128x128xf32, #tpu.memory_space<vmem>>, vector<1x1x16xf32>,
          %get3A_2863 = vector.shape_cast %get3A_2862 : vector<1x1x16xf32> to vector<16xf32>
          %add3A_2864 = arith.addf %scan3A_2452, %get3A_2863 : vector<16xf32>
          %mul3A_2865 = arith.constant 8 : i32
          %mul3A_2866 = arith.muli %scan3A_2446, %mul3A_2865 : i32
          %add3A_2867 = arith.constant 1 : i32
          %add3A_2868 = arith.addi %mul3A_2866, %add3A_2867 : i32
          %get3A_2869 = arith.index_cast %rem3A_2316 : i32 to index
          %get3A_2870 = arith.index_cast %add3A_2868 : i32 to index
          %get3A_2871 = arith.constant 80 : index
          %get3A_2872 = tpu.vector_load %arg5[%get3A_2869, %get3A_2870, %get3A_2871] {strides = array<i32>} : memref<3x128x128xf32, #tpu.memory_space<vmem>>, vector<1x1x16xf32>,
          %get3A_2873 = vector.shape_cast %get3A_2872 : vector<1x1x16xf32> to vector<16xf32>
          %add3A_2874 = arith.addf %add3A_2864, %get3A_2873 : vector<16xf32>
          %mul3A_2875 = arith.constant 8 : i32
          %mul3A_2876 = arith.muli %scan3A_2446, %mul3A_2875 : i32
          %add3A_2877 = arith.constant 2 : i32
          %add3A_2878 = arith.addi %mul3A_2876, %add3A_2877 : i32
          %get3A_2879 = arith.index_cast %rem3A_2316 : i32 to index
          %get3A_2880 = arith.index_cast %add3A_2878 : i32 to index
          %get3A_2881 = arith.constant 80 : index
          %get3A_2882 = tpu.vector_load %arg5[%get3A_2879, %get3A_2880, %get3A_2881] {strides = array<i32>} : memref<3x128x128xf32, #tpu.memory_space<vmem>>, vector<1x1x16xf32>,
          %get3A_2883 = vector.shape_cast %get3A_2882 : vector<1x1x16xf32> to vector<16xf32>
          %add3A_2884 = arith.addf %add3A_2874, %get3A_2883 : vector<16xf32>
          %mul3A_2885 = arith.constant 8 : i32
          %mul3A_2886 = arith.muli %scan3A_2446, %mul3A_2885 : i32
          %add3A_2887 = arith.constant 3 : i32
          %add3A_2888 = arith.addi %mul3A_2886, %add3A_2887 : i32
          %get3A_2889 = arith.index_cast %rem3A_2316 : i32 to index
          %get3A_2890 = arith.index_cast %add3A_2888 : i32 to index
          %get3A_2891 = arith.constant 80 : index
          %get3A_2892 = tpu.vector_load %arg5[%get3A_2889, %get3A_2890, %get3A_2891] {strides = array<i32>} : memref<3x128x128xf32, #tpu.memory_space<vmem>>, vector<1x1x16xf32>,
          %get3A_2893 = vector.shape_cast %get3A_2892 : vector<1x1x16xf32> to vector<16xf32>
          %add3A_2894 = arith.addf %add3A_2884, %get3A_2893 : vector<16xf32>
          %mul3A_2895 = arith.constant 8 : i32
          %mul3A_2896 = arith.muli %scan3A_2446, %mul3A_2895 : i32
          %add3A_2897 = arith.constant 4 : i32
          %add3A_2898 = arith.addi %mul3A_2896, %add3A_2897 : i32
          %get3A_2899 = arith.index_cast %rem3A_2316 : i32 to index
          %get3A_2900 = arith.index_cast %add3A_2898 : i32 to index
          %get3A_2901 = arith.constant 80 : index
          %get3A_2902 = tpu.vector_load %arg5[%get3A_2899, %get3A_2900, %get3A_2901] {strides = array<i32>} : memref<3x128x128xf32, #tpu.memory_space<vmem>>, vector<1x1x16xf32>,
          %get3A_2903 = vector.shape_cast %get3A_2902 : vector<1x1x16xf32> to vector<16xf32>
          %add3A_2904 = arith.addf %add3A_2894, %get3A_2903 : vector<16xf32>
          %mul3A_2905 = arith.constant 8 : i32
          %mul3A_2906 = arith.muli %scan3A_2446, %mul3A_2905 : i32
          %add3A_2907 = arith.constant 5 : i32
          %add3A_2908 = arith.addi %mul3A_2906, %add3A_2907 : i32
          %get3A_2909 = arith.index_cast %rem3A_2316 : i32 to index
          %get3A_2910 = arith.index_cast %add3A_2908 : i32 to index
          %get3A_2911 = arith.constant 80 : index
          %get3A_2912 = tpu.vector_load %arg5[%get3A_2909, %get3A_2910, %get3A_2911] {strides = array<i32>} : memref<3x128x128xf32, #tpu.memory_space<vmem>>, vector<1x1x16xf32>,
          %get3A_2913 = vector.shape_cast %get3A_2912 : vector<1x1x16xf32> to vector<16xf32>
          %add3A_2914 = arith.addf %add3A_2904, %get3A_2913 : vector<16xf32>
          %mul3A_2915 = arith.constant 8 : i32
          %mul3A_2916 = arith.muli %scan3A_2446, %mul3A_2915 : i32
          %add3A_2917 = arith.constant 6 : i32
          %add3A_2918 = arith.addi %mul3A_2916, %add3A_2917 : i32
          %get3A_2919 = arith.index_cast %rem3A_2316 : i32 to index
          %get3A_2920 = arith.index_cast %add3A_2918 : i32 to index
          %get3A_2921 = arith.constant 80 : index
          %get3A_2922 = tpu.vector_load %arg5[%get3A_2919, %get3A_2920, %get3A_2921] {strides = array<i32>} : memref<3x128x128xf32, #tpu.memory_space<vmem>>, vector<1x1x16xf32>,
          %get3A_2923 = vector.shape_cast %get3A_2922 : vector<1x1x16xf32> to vector<16xf32>
          %add3A_2924 = arith.addf %add3A_2914, %get3A_2923 : vector<16xf32>
          %mul3A_2925 = arith.constant 8 : i32
          %mul3A_2926 = arith.muli %scan3A_2446, %mul3A_2925 : i32
          %add3A_2927 = arith.constant 7 : i32
          %add3A_2928 = arith.addi %mul3A_2926, %add3A_2927 : i32
          %get3A_2929 = arith.index_cast %rem3A_2316 : i32 to index
          %get3A_2930 = arith.index_cast %add3A_2928 : i32 to index
          %get3A_2931 = arith.constant 80 : index
          %get3A_2932 = tpu.vector_load %arg5[%get3A_2929, %get3A_2930, %get3A_2931] {strides = array<i32>} : memref<3x128x128xf32, #tpu.memory_space<vmem>>, vector<1x1x16xf32>,
          %get3A_2933 = vector.shape_cast %get3A_2932 : vector<1x1x16xf32> to vector<16xf32>
          %add3A_2934 = arith.addf %add3A_2924, %get3A_2933 : vector<16xf32>
          %mul3A_2935 = arith.constant 8 : i32
          %mul3A_2936 = arith.muli %scan3A_2446, %mul3A_2935 : i32
          %add3A_2937 = arith.constant 0 : i32
          %add3A_2938 = arith.addi %mul3A_2936, %add3A_2937 : i32
          %get3A_2939 = arith.index_cast %rem3A_2316 : i32 to index
          %get3A_2940 = arith.index_cast %add3A_2938 : i32 to index
          %get3A_2941 = arith.constant 96 : index
          %get3A_2942 = tpu.vector_load %arg5[%get3A_2939, %get3A_2940, %get3A_2941] {strides = array<i32>} : memref<3x128x128xf32, #tpu.memory_space<vmem>>, vector<1x1x16xf32>,
          %get3A_2943 = vector.shape_cast %get3A_2942 : vector<1x1x16xf32> to vector<16xf32>
          %add3A_2944 = arith.addf %scan3A_2453, %get3A_2943 : vector<16xf32>
          %mul3A_2945 = arith.constant 8 : i32
          %mul3A_2946 = arith.muli %scan3A_2446, %mul3A_2945 : i32
          %add3A_2947 = arith.constant 1 : i32
          %add3A_2948 = arith.addi %mul3A_2946, %add3A_2947 : i32
          %get3A_2949 = arith.index_cast %rem3A_2316 : i32 to index
          %get3A_2950 = arith.index_cast %add3A_2948 : i32 to index
          %get3A_2951 = arith.constant 96 : index
          %get3A_2952 = tpu.vector_load %arg5[%get3A_2949, %get3A_2950, %get3A_2951] {strides = array<i32>} : memref<3x128x128xf32, #tpu.memory_space<vmem>>, vector<1x1x16xf32>,
          %get3A_2953 = vector.shape_cast %get3A_2952 : vector<1x1x16xf32> to vector<16xf32>
          %add3A_2954 = arith.addf %add3A_2944, %get3A_2953 : vector<16xf32>
          %mul3A_2955 = arith.constant 8 : i32
          %mul3A_2956 = arith.muli %scan3A_2446, %mul3A_2955 : i32
          %add3A_2957 = arith.constant 2 : i32
          %add3A_2958 = arith.addi %mul3A_2956, %add3A_2957 : i32
          %get3A_2959 = arith.index_cast %rem3A_2316 : i32 to index
          %get3A_2960 = arith.index_cast %add3A_2958 : i32 to index
          %get3A_2961 = arith.constant 96 : index
          %get3A_2962 = tpu.vector_load %arg5[%get3A_2959, %get3A_2960, %get3A_2961] {strides = array<i32>} : memref<3x128x128xf32, #tpu.memory_space<vmem>>, vector<1x1x16xf32>,
          %get3A_2963 = vector.shape_cast %get3A_2962 : vector<1x1x16xf32> to vector<16xf32>
          %add3A_2964 = arith.addf %add3A_2954, %get3A_2963 : vector<16xf32>
          %mul3A_2965 = arith.constant 8 : i32
          %mul3A_2966 = arith.muli %scan3A_2446, %mul3A_2965 : i32
          %add3A_2967 = arith.constant 3 : i32
          %add3A_2968 = arith.addi %mul3A_2966, %add3A_2967 : i32
          %get3A_2969 = arith.index_cast %rem3A_2316 : i32 to index
          %get3A_2970 = arith.index_cast %add3A_2968 : i32 to index
          %get3A_2971 = arith.constant 96 : index
          %get3A_2972 = tpu.vector_load %arg5[%get3A_2969, %get3A_2970, %get3A_2971] {strides = array<i32>} : memref<3x128x128xf32, #tpu.memory_space<vmem>>, vector<1x1x16xf32>,
          %get3A_2973 = vector.shape_cast %get3A_2972 : vector<1x1x16xf32> to vector<16xf32>
          %add3A_2974 = arith.addf %add3A_2964, %get3A_2973 : vector<16xf32>
          %mul3A_2975 = arith.constant 8 : i32
          %mul3A_2976 = arith.muli %scan3A_2446, %mul3A_2975 : i32
          %add3A_2977 = arith.constant 4 : i32
          %add3A_2978 = arith.addi %mul3A_2976, %add3A_2977 : i32
          %get3A_2979 = arith.index_cast %rem3A_2316 : i32 to index
          %get3A_2980 = arith.index_cast %add3A_2978 : i32 to index
          %get3A_2981 = arith.constant 96 : index
          %get3A_2982 = tpu.vector_load %arg5[%get3A_2979, %get3A_2980, %get3A_2981] {strides = array<i32>} : memref<3x128x128xf32, #tpu.memory_space<vmem>>, vector<1x1x16xf32>,
          %get3A_2983 = vector.shape_cast %get3A_2982 : vector<1x1x16xf32> to vector<16xf32>
          %add3A_2984 = arith.addf %add3A_2974, %get3A_2983 : vector<16xf32>
          %mul3A_2985 = arith.constant 8 : i32
          %mul3A_2986 = arith.muli %scan3A_2446, %mul3A_2985 : i32
          %add3A_2987 = arith.constant 5 : i32
          %add3A_2988 = arith.addi %mul3A_2986, %add3A_2987 : i32
          %get3A_2989 = arith.index_cast %rem3A_2316 : i32 to index
          %get3A_2990 = arith.index_cast %add3A_2988 : i32 to index
          %get3A_2991 = arith.constant 96 : index
          %get3A_2992 = tpu.vector_load %arg5[%get3A_2989, %get3A_2990, %get3A_2991] {strides = array<i32>} : memref<3x128x128xf32, #tpu.memory_space<vmem>>, vector<1x1x16xf32>,
          %get3A_2993 = vector.shape_cast %get3A_2992 : vector<1x1x16xf32> to vector<16xf32>
          %add3A_2994 = arith.addf %add3A_2984, %get3A_2993 : vector<16xf32>
          %mul3A_2995 = arith.constant 8 : i32
          %mul3A_2996 = arith.muli %scan3A_2446, %mul3A_2995 : i32
          %add3A_2997 = arith.constant 6 : i32
          %add3A_2998 = arith.addi %mul3A_2996, %add3A_2997 : i32
          %get3A_2999 = arith.index_cast %rem3A_2316 : i32 to index
          %get3A_3000 = arith.index_cast %add3A_2998 : i32 to index
          %get3A_3001 = arith.constant 96 : index
          %get3A_3002 = tpu.vector_load %arg5[%get3A_2999, %get3A_3000, %get3A_3001] {strides = array<i32>} : memref<3x128x128xf32, #tpu.memory_space<vmem>>, vector<1x1x16xf32>,
          %get3A_3003 = vector.shape_cast %get3A_3002 : vector<1x1x16xf32> to vector<16xf32>
          %add3A_3004 = arith.addf %add3A_2994, %get3A_3003 : vector<16xf32>
          %mul3A_3005 = arith.constant 8 : i32
          %mul3A_3006 = arith.muli %scan3A_2446, %mul3A_3005 : i32
          %add3A_3007 = arith.constant 7 : i32
          %add3A_3008 = arith.addi %mul3A_3006, %add3A_3007 : i32
          %get3A_3009 = arith.index_cast %rem3A_2316 : i32 to index
          %get3A_3010 = arith.index_cast %add3A_3008 : i32 to index
          %get3A_3011 = arith.constant 96 : index
          %get3A_3012 = tpu.vector_load %arg5[%get3A_3009, %get3A_3010, %get3A_3011] {strides = array<i32>} : memref<3x128x128xf32, #tpu.memory_space<vmem>>, vector<1x1x16xf32>,
          %get3A_3013 = vector.shape_cast %get3A_3012 : vector<1x1x16xf32> to vector<16xf32>
          %add3A_3014 = arith.addf %add3A_3004, %get3A_3013 : vector<16xf32>
          %mul3A_3015 = arith.constant 8 : i32
          %mul3A_3016 = arith.muli %scan3A_2446, %mul3A_3015 : i32
          %add3A_3017 = arith.constant 0 : i32
          %add3A_3018 = arith.addi %mul3A_3016, %add3A_3017 : i32
          %get3A_3019 = arith.index_cast %rem3A_2316 : i32 to index
          %get3A_3020 = arith.index_cast %add3A_3018 : i32 to index
          %get3A_3021 = arith.constant 112 : index
          %get3A_3022 = tpu.vector_load %arg5[%get3A_3019, %get3A_3020, %get3A_3021] {strides = array<i32>} : memref<3x128x128xf32, #tpu.memory_space<vmem>>, vector<1x1x16xf32>,
          %get3A_3023 = vector.shape_cast %get3A_3022 : vector<1x1x16xf32> to vector<16xf32>
          %add3A_3024 = arith.addf %scan3A_2454, %get3A_3023 : vector<16xf32>
          %mul3A_3025 = arith.constant 8 : i32
          %mul3A_3026 = arith.muli %scan3A_2446, %mul3A_3025 : i32
          %add3A_3027 = arith.constant 1 : i32
          %add3A_3028 = arith.addi %mul3A_3026, %add3A_3027 : i32
          %get3A_3029 = arith.index_cast %rem3A_2316 : i32 to index
          %get3A_3030 = arith.index_cast %add3A_3028 : i32 to index
          %get3A_3031 = arith.constant 112 : index
          %get3A_3032 = tpu.vector_load %arg5[%get3A_3029, %get3A_3030, %get3A_3031] {strides = array<i32>} : memref<3x128x128xf32, #tpu.memory_space<vmem>>, vector<1x1x16xf32>,
          %get3A_3033 = vector.shape_cast %get3A_3032 : vector<1x1x16xf32> to vector<16xf32>
          %add3A_3034 = arith.addf %add3A_3024, %get3A_3033 : vector<16xf32>
          %mul3A_3035 = arith.constant 8 : i32
          %mul3A_3036 = arith.muli %scan3A_2446, %mul3A_3035 : i32
          %add3A_3037 = arith.constant 2 : i32
          %add3A_3038 = arith.addi %mul3A_3036, %add3A_3037 : i32
          %get3A_3039 = arith.index_cast %rem3A_2316 : i32 to index
          %get3A_3040 = arith.index_cast %add3A_3038 : i32 to index
          %get3A_3041 = arith.constant 112 : index
          %get3A_3042 = tpu.vector_load %arg5[%get3A_3039, %get3A_3040, %get3A_3041] {strides = array<i32>} : memref<3x128x128xf32, #tpu.memory_space<vmem>>, vector<1x1x16xf32>,
          %get3A_3043 = vector.shape_cast %get3A_3042 : vector<1x1x16xf32> to vector<16xf32>
          %add3A_3044 = arith.addf %add3A_3034, %get3A_3043 : vector<16xf32>
          %mul3A_3045 = arith.constant 8 : i32
          %mul3A_3046 = arith.muli %scan3A_2446, %mul3A_3045 : i32
          %add3A_3047 = arith.constant 3 : i32
          %add3A_3048 = arith.addi %mul3A_3046, %add3A_3047 : i32
          %get3A_3049 = arith.index_cast %rem3A_2316 : i32 to index
          %get3A_3050 = arith.index_cast %add3A_3048 : i32 to index
          %get3A_3051 = arith.constant 112 : index
          %get3A_3052 = tpu.vector_load %arg5[%get3A_3049, %get3A_3050, %get3A_3051] {strides = array<i32>} : memref<3x128x128xf32, #tpu.memory_space<vmem>>, vector<1x1x16xf32>,
          %get3A_3053 = vector.shape_cast %get3A_3052 : vector<1x1x16xf32> to vector<16xf32>
          %add3A_3054 = arith.addf %add3A_3044, %get3A_3053 : vector<16xf32>
          %mul3A_3055 = arith.constant 8 : i32
          %mul3A_3056 = arith.muli %scan3A_2446, %mul3A_3055 : i32
          %add3A_3057 = arith.constant 4 : i32
          %add3A_3058 = arith.addi %mul3A_3056, %add3A_3057 : i32
          %get3A_3059 = arith.index_cast %rem3A_2316 : i32 to index
          %get3A_3060 = arith.index_cast %add3A_3058 : i32 to index
          %get3A_3061 = arith.constant 112 : index
          %get3A_3062 = tpu.vector_load %arg5[%get3A_3059, %get3A_3060, %get3A_3061] {strides = array<i32>} : memref<3x128x128xf32, #tpu.memory_space<vmem>>, vector<1x1x16xf32>,
          %get3A_3063 = vector.shape_cast %get3A_3062 : vector<1x1x16xf32> to vector<16xf32>
          %add3A_3064 = arith.addf %add3A_3054, %get3A_3063 : vector<16xf32>
          %mul3A_3065 = arith.constant 8 : i32
          %mul3A_3066 = arith.muli %scan3A_2446, %mul3A_3065 : i32
          %add3A_3067 = arith.constant 5 : i32
          %add3A_3068 = arith.addi %mul3A_3066, %add3A_3067 : i32
          %get3A_3069 = arith.index_cast %rem3A_2316 : i32 to index
          %get3A_3070 = arith.index_cast %add3A_3068 : i32 to index
          %get3A_3071 = arith.constant 112 : index
          %get3A_3072 = tpu.vector_load %arg5[%get3A_3069, %get3A_3070, %get3A_3071] {strides = array<i32>} : memref<3x128x128xf32, #tpu.memory_space<vmem>>, vector<1x1x16xf32>,
          %get3A_3073 = vector.shape_cast %get3A_3072 : vector<1x1x16xf32> to vector<16xf32>
          %add3A_3074 = arith.addf %add3A_3064, %get3A_3073 : vector<16xf32>
          %mul3A_3075 = arith.constant 8 : i32
          %mul3A_3076 = arith.muli %scan3A_2446, %mul3A_3075 : i32
          %add3A_3077 = arith.constant 6 : i32
          %add3A_3078 = arith.addi %mul3A_3076, %add3A_3077 : i32
          %get3A_3079 = arith.index_cast %rem3A_2316 : i32 to index
          %get3A_3080 = arith.index_cast %add3A_3078 : i32 to index
          %get3A_3081 = arith.constant 112 : index
          %get3A_3082 = tpu.vector_load %arg5[%get3A_3079, %get3A_3080, %get3A_3081] {strides = array<i32>} : memref<3x128x128xf32, #tpu.memory_space<vmem>>, vector<1x1x16xf32>,
          %get3A_3083 = vector.shape_cast %get3A_3082 : vector<1x1x16xf32> to vector<16xf32>
          %add3A_3084 = arith.addf %add3A_3074, %get3A_3083 : vector<16xf32>
          %mul3A_3085 = arith.constant 8 : i32
          %mul3A_3086 = arith.muli %scan3A_2446, %mul3A_3085 : i32
          %add3A_3087 = arith.constant 7 : i32
          %add3A_3088 = arith.addi %mul3A_3086, %add3A_3087 : i32
          %get3A_3089 = arith.index_cast %rem3A_2316 : i32 to index
          %get3A_3090 = arith.index_cast %add3A_3088 : i32 to index
          %get3A_3091 = arith.constant 112 : index
          %get3A_3092 = tpu.vector_load %arg5[%get3A_3089, %get3A_3090, %get3A_3091] {strides = array<i32>} : memref<3x128x128xf32, #tpu.memory_space<vmem>>, vector<1x1x16xf32>,
          %get3A_3093 = vector.shape_cast %get3A_3092 : vector<1x1x16xf32> to vector<16xf32>
          %add3A_3094 = arith.addf %add3A_3084, %get3A_3093 : vector<16xf32>
          scf.yield %add3A_2534, %add3A_2614, %add3A_2694, %add3A_2774, %add3A_2854, %add3A_2934, %add3A_3014, %add3A_3094 : vector<16xf32>, vector<16xf32>, vector<16xf32>, vector<16xf32>, vector<16xf32>, vector<16xf32>, vector<16xf32>, vector<16xf32>
        }
        %scan3A_2393 = arith.constant 16 : i32
        %swap3A_2394 = arith.constant 0 : i32
        %swap3A_2395 = arith.index_cast %swap3A_2394 : i32 to index
        %swap3A_2396 = arith.constant 0 : index
        %swap3A_2397 = tpu.vector_load %arg8[%swap3A_2395, %swap3A_2396] {strides = array<i32>} : memref<16x128xf32, #tpu.memory_space<vmem>>, vector<1x16xf32>,
        %swap3A_2398 = vector.shape_cast %swap3A_2397 : vector<1x16xf32> to vector<16xf32>
        %swap3A_2399 = vector.shape_cast %scan3A_2392#0 : vector<16xf32> to vector<1x16xf32>
        tpu.vector_store %arg8[%swap3A_2395, %swap3A_2396], %swap3A_2399 {strides = array<i32>} : memref<16x128xf32, #tpu.memory_space<vmem>>, vector<1x16xf32>,
        %swap3A_2400 = arith.constant 0 : i32
        %swap3A_2401 = arith.index_cast %swap3A_2400 : i32 to index
        %swap3A_2402 = arith.constant 16 : index
        %swap3A_2403 = tpu.vector_load %arg8[%swap3A_2401, %swap3A_2402] {strides = array<i32>} : memref<16x128xf32, #tpu.memory_space<vmem>>, vector<1x16xf32>,
        %swap3A_2404 = vector.shape_cast %swap3A_2403 : vector<1x16xf32> to vector<16xf32>
        %swap3A_2405 = vector.shape_cast %scan3A_2392#1 : vector<16xf32> to vector<1x16xf32>
        tpu.vector_store %arg8[%swap3A_2401, %swap3A_2402], %swap3A_2405 {strides = array<i32>} : memref<16x128xf32, #tpu.memory_space<vmem>>, vector<1x16xf32>,
        %swap3A_2406 = arith.constant 0 : i32
        %swap3A_2407 = arith.index_cast %swap3A_2406 : i32 to index
        %swap3A_2408 = arith.constant 32 : index
        %swap3A_2409 = tpu.vector_load %arg8[%swap3A_2407, %swap3A_2408] {strides = array<i32>} : memref<16x128xf32, #tpu.memory_space<vmem>>, vector<1x16xf32>,
        %swap3A_2410 = vector.shape_cast %swap3A_2409 : vector<1x16xf32> to vector<16xf32>
        %swap3A_2411 = vector.shape_cast %scan3A_2392#2 : vector<16xf32> to vector<1x16xf32>
        tpu.vector_store %arg8[%swap3A_2407, %swap3A_2408], %swap3A_2411 {strides = array<i32>} : memref<16x128xf32, #tpu.memory_space<vmem>>, vector<1x16xf32>,
        %swap3A_2412 = arith.constant 0 : i32
        %swap3A_2413 = arith.index_cast %swap3A_2412 : i32 to index
        %swap3A_2414 = arith.constant 48 : index
        %swap3A_2415 = tpu.vector_load %arg8[%swap3A_2413, %swap3A_2414] {strides = array<i32>} : memref<16x128xf32, #tpu.memory_space<vmem>>, vector<1x16xf32>,
        %swap3A_2416 = vector.shape_cast %swap3A_2415 : vector<1x16xf32> to vector<16xf32>
        %swap3A_2417 = vector.shape_cast %scan3A_2392#3 : vector<16xf32> to vector<1x16xf32>
        tpu.vector_store %arg8[%swap3A_2413, %swap3A_2414], %swap3A_2417 {strides = array<i32>} : memref<16x128xf32, #tpu.memory_space<vmem>>, vector<1x16xf32>,
        %swap3A_2418 = arith.constant 0 : i32
        %swap3A_2419 = arith.index_cast %swap3A_2418 : i32 to index
        %swap3A_2420 = arith.constant 64 : index
        %swap3A_2421 = tpu.vector_load %arg8[%swap3A_2419, %swap3A_2420] {strides = array<i32>} : memref<16x128xf32, #tpu.memory_space<vmem>>, vector<1x16xf32>,
        %swap3A_2422 = vector.shape_cast %swap3A_2421 : vector<1x16xf32> to vector<16xf32>
        %swap3A_2423 = vector.shape_cast %scan3A_2392#4 : vector<16xf32> to vector<1x16xf32>
        tpu.vector_store %arg8[%swap3A_2419, %swap3A_2420], %swap3A_2423 {strides = array<i32>} : memref<16x128xf32, #tpu.memory_space<vmem>>, vector<1x16xf32>,
        %swap3A_2424 = arith.constant 0 : i32
        %swap3A_2425 = arith.index_cast %swap3A_2424 : i32 to index
        %swap3A_2426 = arith.constant 80 : index
        %swap3A_2427 = tpu.vector_load %arg8[%swap3A_2425, %swap3A_2426] {strides = array<i32>} : memref<16x128xf32, #tpu.memory_space<vmem>>, vector<1x16xf32>,
        %swap3A_2428 = vector.shape_cast %swap3A_2427 : vector<1x16xf32> to vector<16xf32>
        %swap3A_2429 = vector.shape_cast %scan3A_2392#5 : vector<16xf32> to vector<1x16xf32>
        tpu.vector_store %arg8[%swap3A_2425, %swap3A_2426], %swap3A_2429 {strides = array<i32>} : memref<16x128xf32, #tpu.memory_space<vmem>>, vector<1x16xf32>,
        %swap3A_2430 = arith.constant 0 : i32
        %swap3A_2431 = arith.index_cast %swap3A_2430 : i32 to index
        %swap3A_2432 = arith.constant 96 : index
        %swap3A_2433 = tpu.vector_load %arg8[%swap3A_2431, %swap3A_2432] {strides = array<i32>} : memref<16x128xf32, #tpu.memory_space<vmem>>, vector<1x16xf32>,
        %swap3A_2434 = vector.shape_cast %swap3A_2433 : vector<1x16xf32> to vector<16xf32>
        %swap3A_2435 = vector.shape_cast %scan3A_2392#6 : vector<16xf32> to vector<1x16xf32>
        tpu.vector_store %arg8[%swap3A_2431, %swap3A_2432], %swap3A_2435 {strides = array<i32>} : memref<16x128xf32, #tpu.memory_space<vmem>>, vector<1x16xf32>,
        %swap3A_2436 = arith.constant 0 : i32
        %swap3A_2437 = arith.index_cast %swap3A_2436 : i32 to index
        %swap3A_2438 = arith.constant 112 : index
        %swap3A_2439 = tpu.vector_load %arg8[%swap3A_2437, %swap3A_2438] {strides = array<i32>} : memref<16x128xf32, #tpu.memory_space<vmem>>, vector<1x16xf32>,
        %swap3A_2440 = vector.shape_cast %swap3A_2439 : vector<1x16xf32> to vector<16xf32>
        %swap3A_2441 = vector.shape_cast %scan3A_2392#7 : vector<16xf32> to vector<1x16xf32>
        tpu.vector_store %arg8[%swap3A_2437, %swap3A_2438], %swap3A_2441 {strides = array<i32>} : memref<16x128xf32, #tpu.memory_space<vmem>>, vector<1x16xf32>,
        %swap3A_2442 = arith.constant 0 : index
        %swap3A_2443 = tpu.vector_load %arg9[%swap3A_2442] {strides = array<i32>} : memref<16xi32, #tpu.memory_space<vmem>>, vector<16xi32>,
        %swap3A_2444 = vector.shape_cast %swap3A_2443 : vector<16xi32> to vector<16xi32>
        %swap3A_2445 = vector.shape_cast %get3A_2341 : vector<16xi32> to vector<16xi32>
        tpu.vector_store %arg9[%swap3A_2442], %swap3A_2445 {strides = array<i32>} : memref<16xi32, #tpu.memory_space<vmem>>, vector<16xi32>,
        "tpu.region"() ({
          %run_scoped3A = tpu.sem_alloc : memref<!tpu.dma_semaphore, #tpu.memory_space<semaphore_mem>>
          %dma_start3A_2446 = arith.constant 0 : i32
          %dma_start3A_2447 = arith.constant 0 : i32
          %dma_start3A_2448 = tpu.memref_slice %arg10[%dma_start3A_2446, %dma_start3A_2447] : memref<512x128xf32, #tpu.memory_space<vmem_shared>> -> memref<512x128xf32, #tpu.memory_space<vmem_shared>>
          tpu.enqueue_indirect_dma source(%arg8 : memref<16x128xf32, #tpu.memory_space<vmem>>) target(%dma_start3A_2448 : memref<512x128xf32, #tpu.memory_space<vmem_shared>>) offsets(%arg9 : memref<16xi32, #tpu.memory_space<vmem>>) semaphore(%run_scoped3A : memref<!tpu.dma_semaphore, #tpu.memory_space<semaphore_mem>>) {add = true}
          %dma_wait3A_2449 = arith.constant 0 : i32
          %dma_wait3A_2450 = arith.constant 0 : i32
          %dma_wait3A_2451 = tpu.memref_slice %arg10[%dma_wait3A_2449, %dma_wait3A_2450] : memref<512x128xf32, #tpu.memory_space<vmem_shared>> -> memref<512x128xf32, #tpu.memory_space<vmem_shared>>
          tpu.wait_indirect_dma semaphore(%run_scoped3A : memref<!tpu.dma_semaphore, #tpu.memory_space<semaphore_mem>>) src(%arg8 : memref<16x128xf32, #tpu.memory_space<vmem>>) dst(%dma_wait3A_2451 : memref<512x128xf32, #tpu.memory_space<vmem_shared>>)
          tpu.yield
        }) : () -> ()
      } else {
      }
      scf.yield %select_n3A_2351 : i32
    }
    %while3A_2303 = arith.constant 1 : i32
    %while3A_2304 = scf.for %while3A_2314 = %while3A_2300 to %while3A_2296 step %while3A_2303 iter_args(%while3A_2315 = %while3A_2302) -> (i32)  : i32 {
      %rem3A = arith.constant 3 : i32
      %rem3A_2316 = arith.remsi %while3A_2314, %rem3A : i32
      %add3A_2317 = arith.addi %add3A_8, %while3A_2314 : i32
      %mul3A_2318 = arith.constant 128 : i32
      %mul3A_2319 = arith.muli %add3A_2317, %mul3A_2318 : i32
      %dma_wait3A = arith.constant 0 : i32
      %dma_wait3A_2320 = arith.constant 0 : i32
      %dma_wait3A_2321 = tpu.memref_slice %arg5[%rem3A_2316, %dma_wait3A, %dma_wait3A_2320] : memref<3x128x128xf32, #tpu.memory_space<vmem>> -> memref<1x128x128xf32, #tpu.memory_space<vmem>>
      %dma_wait3A_2322 = tpu.memref_squeeze %dma_wait3A_2321 : memref<1x128x128xf32, #tpu.memory_space<vmem>> -> memref<128x128xf32, #tpu.memory_space<vmem>>
      %dma_wait3A_2323 = arith.constant 0 : i32
      %dma_wait3A_2324 = tpu.memref_slice %arg2[%mul3A_2319, %dma_wait3A_2323] : memref<100000x128xf32, #tpu.memory_space<hbm>> -> memref<128x128xf32, #tpu.memory_space<hbm>>
      %dma_wait3A_2325 = arith.constant 0 : i32
      %dma_wait3A_2326 = arith.constant 0 : i32
      %dma_wait3A_2327 = tpu.memref_slice %arg5[%rem3A_2316, %dma_wait3A_2325, %dma_wait3A_2326] : memref<3x128x128xf32, #tpu.memory_space<vmem>> -> memref<1x128x128xf32, #tpu.memory_space<vmem>>
      %dma_wait3A_2328 = tpu.memref_squeeze %dma_wait3A_2327 : memref<1x128x128xf32, #tpu.memory_space<vmem>> -> memref<128x128xf32, #tpu.memory_space<vmem>>
      %dma_wait3A_2329 = arith.constant 0 : i32
      %dma_wait3A_2330 = tpu.memref_slice %arg2[%mul3A_2319, %dma_wait3A_2329] : memref<100000x128xf32, #tpu.memory_space<hbm>> -> memref<128x128xf32, #tpu.memory_space<hbm>>
      tpu.wait_dma2 semaphore(%arg11 : memref<!tpu.dma_semaphore, #tpu.memory_space<semaphore_mem>>) src(%dma_wait3A_2330 : memref<128x128xf32, #tpu.memory_space<hbm>>) dst(%dma_wait3A_2328 : memref<128x128xf32, #tpu.memory_space<vmem>>)
      %dma_wait3A_2331 = arith.constant 0 : i32
      %dma_wait3A_2332 = tpu.memref_slice %arg6[%rem3A_2316, %dma_wait3A_2331] : memref<3x128xi32, #tpu.memory_space<vmem>> -> memref<1x128xi32, #tpu.memory_space<vmem>>
      %dma_wait3A_2333 = tpu.memref_squeeze %dma_wait3A_2332 : memref<1x128xi32, #tpu.memory_space<vmem>> -> memref<128xi32, #tpu.memory_space<vmem>>
      %dma_wait3A_2334 = tpu.memref_slice %arg3[%mul3A_2319] : memref<100000xi32, #tpu.memory_space<hbm>> -> memref<128xi32, #tpu.memory_space<hbm>>
      %dma_wait3A_2335 = arith.constant 0 : i32
      %dma_wait3A_2336 = tpu.memref_slice %arg6[%rem3A_2316, %dma_wait3A_2335] : memref<3x128xi32, #tpu.memory_space<vmem>> -> memref<1x128xi32, #tpu.memory_space<vmem>>
      %dma_wait3A_2337 = tpu.memref_squeeze %dma_wait3A_2336 : memref<1x128xi32, #tpu.memory_space<vmem>> -> memref<128xi32, #tpu.memory_space<vmem>>
      %dma_wait3A_2338 = tpu.memref_slice %arg3[%mul3A_2319] : memref<100000xi32, #tpu.memory_space<hbm>> -> memref<128xi32, #tpu.memory_space<hbm>>
      tpu.wait_dma2 semaphore(%arg12 : memref<!tpu.dma_semaphore, #tpu.memory_space<semaphore_mem>>) src(%dma_wait3A_2338 : memref<128xi32, #tpu.memory_space<hbm>>) dst(%dma_wait3A_2337 : memref<128xi32, #tpu.memory_space<vmem>>)
      %get3A = arith.index_cast %rem3A_2316 : i32 to index
      %get3A_2339 = arith.constant 0 : index
      %get3A_2340 = tpu.vector_load %arg6[%get3A, %get3A_2339] {strides = array<i32>} : memref<3x128xi32, #tpu.memory_space<vmem>>, vector<1x16xi32>,
      %get3A_2341 = vector.shape_cast %get3A_2340 : vector<1x16xi32> to vector<16xi32>
      %get3A_2342 = arith.index_cast %rem3A_2316 : i32 to index
      %get3A_2343 = arith.constant 112 : index
      %get3A_2344 = tpu.vector_load %arg6[%get3A_2342, %get3A_2343] {strides = array<i32>} : memref<3x128xi32, #tpu.memory_space<vmem>>, vector<1x16xi32>,
      %get3A_2345 = vector.shape_cast %get3A_2344 : vector<1x16xi32> to vector<16xi32>
      %slice3A = vector.extract_strided_slice %get3A_2345 {offsets = [15], sizes = [1], strides = [1]} : vector<16xi32> to vector<1xi32>
      %squeeze3A = vector.extract %slice3A[0] : i32 from vector<1xi32>
      %slice3A_2346 = vector.extract_strided_slice %get3A_2341 {offsets = [0], sizes = [1], strides = [1]} : vector<16xi32> to vector<1xi32>
      %squeeze3A_2347 = vector.extract %slice3A_2346[0] : i32 from vector<1xi32>
      %sub3A = arith.subi %squeeze3A, %squeeze3A_2347 : i32
      %ne3A = arith.constant 0 : i32
      %ne3A_2348 = arith.cmpi ne, %sub3A, %ne3A : i32
      %jit3A_2349 = arith.constant 1 : i32
      %jit3A_2350 = arith.constant 0 : i32
      %select_n3A_2351 = arith.select %ne3A_2348, %jit3A_2349, %jit3A_2350 : i32
      %ne3A_2352 = arith.constant 0 : i32
      %ne3A_2353 = arith.cmpi ne, %sub3A, %ne3A_2352 : i32
      %convert_element_type3A_2354 = arith.extui %ne3A_2353 : i1 to i32
      %cond3A_2355 = arith.constant 0 : i32
      %cond3A_2356 = arith.cmpi ne, %convert_element_type3A_2354, %cond3A_2355 : i32
      scf.if %cond3A_2356 {
        %dma_start3A_2373 = arith.constant 0 : i32
        %dma_start3A_2374 = arith.constant 0 : i32
        %dma_start3A_2375 = tpu.memref_slice %arg5[%rem3A_2316, %dma_start3A_2373, %dma_start3A_2374] : memref<3x128x128xf32, #tpu.memory_space<vmem>> -> memref<1x128x128xf32, #tpu.memory_space<vmem>>
        %dma_start3A_2376 = tpu.memref_squeeze %dma_start3A_2375 : memref<1x128x128xf32, #tpu.memory_space<vmem>> -> memref<128x128xf32, #tpu.memory_space<vmem>>
        %dma_start3A_2377 = arith.constant 0 : i32
        %dma_start3A_2378 = tpu.memref_slice %arg6[%rem3A_2316, %dma_start3A_2377] : memref<3x128xi32, #tpu.memory_space<vmem>> -> memref<1x128xi32, #tpu.memory_space<vmem>>
        %dma_start3A_2379 = tpu.memref_squeeze %dma_start3A_2378 : memref<1x128xi32, #tpu.memory_space<vmem>> -> memref<128xi32, #tpu.memory_space<vmem>>
        %dma_start3A_2380 = arith.constant 0 : i32
        %dma_start3A_2381 = arith.constant 0 : i32
        %dma_start3A_2382 = tpu.memref_slice %arg10[%dma_start3A_2380, %dma_start3A_2381] : memref<512x128xf32, #tpu.memory_space<vmem_shared>> -> memref<512x128xf32, #tpu.memory_space<vmem_shared>>
        tpu.enqueue_indirect_dma source(%dma_start3A_2376 : memref<128x128xf32, #tpu.memory_space<vmem>>) target(%dma_start3A_2382 : memref<512x128xf32, #tpu.memory_space<vmem_shared>>) offsets(%dma_start3A_2379 : memref<128xi32, #tpu.memory_space<vmem>>) semaphore(%arg13 : memref<!tpu.dma_semaphore, #tpu.memory_space<semaphore_mem>>) {add = true}
      } else {
      }
      %eq3A_2357 = arith.constant 1 : i32
      %eq3A_2358 = arith.cmpi eq, %while3A_2315, %eq3A_2357 : i32
      %convert_element_type3A_2359 = arith.extui %eq3A_2358 : i1 to i32
      %cond3A_2360 = arith.constant 0 : i32
      %cond3A_2361 = arith.cmpi ne, %convert_element_type3A_2359, %cond3A_2360 : i32
      scf.if %cond3A_2361 {
        %sub3A_2373 = arith.constant 1 : i32
        %sub3A_2374 = arith.subi %while3A_2314, %sub3A_2373 : i32
        %sub3A_2375 = arith.constant 1 : i32
        %sub3A_2376 = arith.subi %while3A_2314, %sub3A_2375 : i32
        %rem3A_2377 = arith.constant 3 : i32
        %rem3A_2378 = arith.remsi %sub3A_2376, %rem3A_2377 : i32
        %dma_wait3A_2379 = arith.constant 0 : i32
        %dma_wait3A_2380 = arith.constant 0 : i32
        %dma_wait3A_2381 = tpu.memref_slice %arg5[%rem3A_2378, %dma_wait3A_2379, %dma_wait3A_2380] : memref<3x128x128xf32, #tpu.memory_space<vmem>> -> memref<1x128x128xf32, #tpu.memory_space<vmem>>
        %dma_wait3A_2382 = tpu.memref_squeeze %dma_wait3A_2381 : memref<1x128x128xf32, #tpu.memory_space<vmem>> -> memref<128x128xf32, #tpu.memory_space<vmem>>
        %dma_wait3A_2383 = arith.constant 0 : i32
        %dma_wait3A_2384 = tpu.memref_slice %arg6[%rem3A_2378, %dma_wait3A_2383] : memref<3x128xi32, #tpu.memory_space<vmem>> -> memref<1x128xi32, #tpu.memory_space<vmem>>
        %dma_wait3A_2385 = tpu.memref_squeeze %dma_wait3A_2384 : memref<1x128xi32, #tpu.memory_space<vmem>> -> memref<128xi32, #tpu.memory_space<vmem>>
        %dma_wait3A_2386 = arith.constant 0 : i32
        %dma_wait3A_2387 = arith.constant 0 : i32
        %dma_wait3A_2388 = tpu.memref_slice %arg10[%dma_wait3A_2386, %dma_wait3A_2387] : memref<512x128xf32, #tpu.memory_space<vmem_shared>> -> memref<512x128xf32, #tpu.memory_space<vmem_shared>>
        tpu.wait_indirect_dma semaphore(%arg13 : memref<!tpu.dma_semaphore, #tpu.memory_space<semaphore_mem>>) src(%dma_wait3A_2382 : memref<128x128xf32, #tpu.memory_space<vmem>>) dst(%dma_wait3A_2388 : memref<512x128xf32, #tpu.memory_space<vmem_shared>>)
      } else {
      }
      %add3A_2362 = arith.constant 2 : i32
      %add3A_2363 = arith.addi %while3A_2314, %add3A_2362 : i32
      %lt3A_2364 = arith.cmpi slt, %add3A_2363, %add3A_4 : i32
      %convert_element_type3A_2365 = arith.extui %lt3A_2364 : i1 to i32
      %cond3A_2366 = arith.constant 0 : i32
      %cond3A_2367 = arith.cmpi ne, %convert_element_type3A_2365, %cond3A_2366 : i32
      scf.if %cond3A_2367 {
        %add3A_2373 = arith.constant 2 : i32
        %add3A_2374 = arith.addi %while3A_2314, %add3A_2373 : i32
        %add3A_2375 = arith.constant 2 : i32
        %add3A_2376 = arith.addi %while3A_2314, %add3A_2375 : i32
        %rem3A_2377 = arith.constant 3 : i32
        %rem3A_2378 = arith.remsi %add3A_2376, %rem3A_2377 : i32
        %add3A_2379 = arith.addi %add3A_8, %add3A_2374 : i32
        %mul3A_2380 = arith.constant 128 : i32
        %mul3A_2381 = arith.muli %add3A_2379, %mul3A_2380 : i32
        %dma_start3A_2382 = arith.constant 0 : i32
        %dma_start3A_2383 = arith.constant 0 : i32
        %dma_start3A_2384 = tpu.memref_slice %arg5[%rem3A_2378, %dma_start3A_2382, %dma_start3A_2383] : memref<3x128x128xf32, #tpu.memory_space<vmem>> -> memref<1x128x128xf32, #tpu.memory_space<vmem>>
        %dma_start3A_2385 = tpu.memref_squeeze %dma_start3A_2384 : memref<1x128x128xf32, #tpu.memory_space<vmem>> -> memref<128x128xf32, #tpu.memory_space<vmem>>
        %dma_start3A_2386 = arith.constant 0 : i32
        %dma_start3A_2387 = tpu.memref_slice %arg2[%mul3A_2381, %dma_start3A_2386] : memref<100000x128xf32, #tpu.memory_space<hbm>> -> memref<128x128xf32, #tpu.memory_space<hbm>>
        %dma_start3A_2388 = arith.constant 0 : i32
        %dma_start3A_2389 = arith.constant 0 : i32
        %dma_start3A_2390 = tpu.memref_slice %arg5[%rem3A_2378, %dma_start3A_2388, %dma_start3A_2389] : memref<3x128x128xf32, #tpu.memory_space<vmem>> -> memref<1x128x128xf32, #tpu.memory_space<vmem>>
        %dma_start3A_2391 = tpu.memref_squeeze %dma_start3A_2390 : memref<1x128x128xf32, #tpu.memory_space<vmem>> -> memref<128x128xf32, #tpu.memory_space<vmem>>
        %dma_start3A_2392 = arith.constant 0 : i32
        %dma_start3A_2393 = tpu.memref_slice %arg2[%mul3A_2381, %dma_start3A_2392] : memref<100000x128xf32, #tpu.memory_space<hbm>> -> memref<128x128xf32, #tpu.memory_space<hbm>>
        tpu.enqueue_dma source(%dma_start3A_2393 : memref<128x128xf32, #tpu.memory_space<hbm>>) target(%dma_start3A_2391 : memref<128x128xf32, #tpu.memory_space<vmem>>) target_semaphore(%arg11 : memref<!tpu.dma_semaphore, #tpu.memory_space<semaphore_mem>>)
        %dma_start3A_2394 = arith.constant 0 : i32
        %dma_start3A_2395 = tpu.memref_slice %arg6[%rem3A_2378, %dma_start3A_2394] : memref<3x128xi32, #tpu.memory_space<vmem>> -> memref<1x128xi32, #tpu.memory_space<vmem>>
        %dma_start3A_2396 = tpu.memref_squeeze %dma_start3A_2395 : memref<1x128xi32, #tpu.memory_space<vmem>> -> memref<128xi32, #tpu.memory_space<vmem>>
        %dma_start3A_2397 = tpu.memref_slice %arg3[%mul3A_2381] : memref<100000xi32, #tpu.memory_space<hbm>> -> memref<128xi32, #tpu.memory_space<hbm>>
        %dma_start3A_2398 = arith.constant 0 : i32
        %dma_start3A_2399 = tpu.memref_slice %arg6[%rem3A_2378, %dma_start3A_2398] : memref<3x128xi32, #tpu.memory_space<vmem>> -> memref<1x128xi32, #tpu.memory_space<vmem>>
        %dma_start3A_2400 = tpu.memref_squeeze %dma_start3A_2399 : memref<1x128xi32, #tpu.memory_space<vmem>> -> memref<128xi32, #tpu.memory_space<vmem>>
        %dma_start3A_2401 = tpu.memref_slice %arg3[%mul3A_2381] : memref<100000xi32, #tpu.memory_space<hbm>> -> memref<128xi32, #tpu.memory_space<hbm>>
        tpu.enqueue_dma source(%dma_start3A_2401 : memref<128xi32, #tpu.memory_space<hbm>>) target(%dma_start3A_2400 : memref<128xi32, #tpu.memory_space<vmem>>) target_semaphore(%arg12 : memref<!tpu.dma_semaphore, #tpu.memory_space<semaphore_mem>>)
      } else {
      }
      %eq3A_2368 = arith.constant 0 : i32
      %eq3A_2369 = arith.cmpi eq, %sub3A, %eq3A_2368 : i32
      %convert_element_type3A_2370 = arith.extui %eq3A_2369 : i1 to i32
      %cond3A_2371 = arith.constant 0 : i32
      %cond3A_2372 = arith.cmpi ne, %convert_element_type3A_2370, %cond3A_2371 : i32
      scf.if %cond3A_2372 {
        %broadcast_in_dim3A_2373 = arith.constant 0.000000e+00 : f32
        %broadcast_in_dim3A_2374 = vector.broadcast %broadcast_in_dim3A_2373 : f32 to vector<16xf32>
        %broadcast_in_dim3A_2375 = arith.constant 0.000000e+00 : f32
        %broadcast_in_dim3A_2376 = vector.broadcast %broadcast_in_dim3A_2375 : f32 to vector<16xf32>
        %broadcast_in_dim3A_2377 = arith.constant 0.000000e+00 : f32
        %broadcast_in_dim3A_2378 = vector.broadcast %broadcast_in_dim3A_2377 : f32 to vector<16xf32>
        %broadcast_in_dim3A_2379 = arith.constant 0.000000e+00 : f32
        %broadcast_in_dim3A_2380 = vector.broadcast %broadcast_in_dim3A_2379 : f32 to vector<16xf32>
        %broadcast_in_dim3A_2381 = arith.constant 0.000000e+00 : f32
        %broadcast_in_dim3A_2382 = vector.broadcast %broadcast_in_dim3A_2381 : f32 to vector<16xf32>
        %broadcast_in_dim3A_2383 = arith.constant 0.000000e+00 : f32
        %broadcast_in_dim3A_2384 = vector.broadcast %broadcast_in_dim3A_2383 : f32 to vector<16xf32>
        %broadcast_in_dim3A_2385 = arith.constant 0.000000e+00 : f32
        %broadcast_in_dim3A_2386 = vector.broadcast %broadcast_in_dim3A_2385 : f32 to vector<16xf32>
        %broadcast_in_dim3A_2387 = arith.constant 0.000000e+00 : f32
        %broadcast_in_dim3A_2388 = vector.broadcast %broadcast_in_dim3A_2387 : f32 to vector<16xf32>
        %scan3A = arith.constant 0 : i32
        %scan3A_2389 = arith.constant 16 : i32
        %scan3A_2390 = arith.addi %scan3A, %scan3A_2389 : i32
        %scan3A_2391 = arith.constant 1 : i32
        %scan3A_2392:8 = scf.for %scan3A_2446 = %scan3A to %scan3A_2390 step %scan3A_2391 iter_args(%scan3A_2447 = %broadcast_in_dim3A_2374, %scan3A_2448 = %broadcast_in_dim3A_2376, %scan3A_2449 = %broadcast_in_dim3A_2378, %scan3A_2450 = %broadcast_in_dim3A_2380, %scan3A_2451 = %broadcast_in_dim3A_2382, %scan3A_2452 = %broadcast_in_dim3A_2384, %scan3A_2453 = %broadcast_in_dim3A_2386, %scan3A_2454 = %broadcast_in_dim3A_2388) -> (vector<16xf32>, vector<16xf32>, vector<16xf32>, vector<16xf32>, vector<16xf32>, vector<16xf32>, vector<16xf32>, vector<16xf32>)  : i32 {
          %mul3A_2455 = arith.constant 8 : i32
          %mul3A_2456 = arith.muli %scan3A_2446, %mul3A_2455 : i32
          %add3A_2457 = arith.constant 0 : i32
          %add3A_2458 = arith.addi %mul3A_2456, %add3A_2457 : i32
          %get3A_2459 = arith.index_cast %rem3A_2316 : i32 to index
          %get3A_2460 = arith.index_cast %add3A_2458 : i32 to index
          %get3A_2461 = arith.constant 0 : index
          %get3A_2462 = tpu.vector_load %arg5[%get3A_2459, %get3A_2460, %get3A_2461] {strides = array<i32>} : memref<3x128x128xf32, #tpu.memory_space<vmem>>, vector<1x1x16xf32>,
          %get3A_2463 = vector.shape_cast %get3A_2462 : vector<1x1x16xf32> to vector<16xf32>
          %add3A_2464 = arith.addf %scan3A_2447, %get3A_2463 : vector<16xf32>
          %mul3A_2465 = arith.constant 8 : i32
          %mul3A_2466 = arith.muli %scan3A_2446, %mul3A_2465 : i32
          %add3A_2467 = arith.constant 1 : i32
          %add3A_2468 = arith.addi %mul3A_2466, %add3A_2467 : i32
          %get3A_2469 = arith.index_cast %rem3A_2316 : i32 to index
          %get3A_2470 = arith.index_cast %add3A_2468 : i32 to index
          %get3A_2471 = arith.constant 0 : index
          %get3A_2472 = tpu.vector_load %arg5[%get3A_2469, %get3A_2470, %get3A_2471] {strides = array<i32>} : memref<3x128x128xf32, #tpu.memory_space<vmem>>, vector<1x1x16xf32>,
          %get3A_2473 = vector.shape_cast %get3A_2472 : vector<1x1x16xf32> to vector<16xf32>
          %add3A_2474 = arith.addf %add3A_2464, %get3A_2473 : vector<16xf32>
          %mul3A_2475 = arith.constant 8 : i32
          %mul3A_2476 = arith.muli %scan3A_2446, %mul3A_2475 : i32
          %add3A_2477 = arith.constant 2 : i32
          %add3A_2478 = arith.addi %mul3A_2476, %add3A_2477 : i32
          %get3A_2479 = arith.index_cast %rem3A_2316 : i32 to index
          %get3A_2480 = arith.index_cast %add3A_2478 : i32 to index
          %get3A_2481 = arith.constant 0 : index
          %get3A_2482 = tpu.vector_load %arg5[%get3A_2479, %get3A_2480, %get3A_2481] {strides = array<i32>} : memref<3x128x128xf32, #tpu.memory_space<vmem>>, vector<1x1x16xf32>,
          %get3A_2483 = vector.shape_cast %get3A_2482 : vector<1x1x16xf32> to vector<16xf32>
          %add3A_2484 = arith.addf %add3A_2474, %get3A_2483 : vector<16xf32>
          %mul3A_2485 = arith.constant 8 : i32
          %mul3A_2486 = arith.muli %scan3A_2446, %mul3A_2485 : i32
          %add3A_2487 = arith.constant 3 : i32
          %add3A_2488 = arith.addi %mul3A_2486, %add3A_2487 : i32
          %get3A_2489 = arith.index_cast %rem3A_2316 : i32 to index
          %get3A_2490 = arith.index_cast %add3A_2488 : i32 to index
          %get3A_2491 = arith.constant 0 : index
          %get3A_2492 = tpu.vector_load %arg5[%get3A_2489, %get3A_2490, %get3A_2491] {strides = array<i32>} : memref<3x128x128xf32, #tpu.memory_space<vmem>>, vector<1x1x16xf32>,
          %get3A_2493 = vector.shape_cast %get3A_2492 : vector<1x1x16xf32> to vector<16xf32>
          %add3A_2494 = arith.addf %add3A_2484, %get3A_2493 : vector<16xf32>
          %mul3A_2495 = arith.constant 8 : i32
          %mul3A_2496 = arith.muli %scan3A_2446, %mul3A_2495 : i32
          %add3A_2497 = arith.constant 4 : i32
          %add3A_2498 = arith.addi %mul3A_2496, %add3A_2497 : i32
          %get3A_2499 = arith.index_cast %rem3A_2316 : i32 to index
          %get3A_2500 = arith.index_cast %add3A_2498 : i32 to index
          %get3A_2501 = arith.constant 0 : index
          %get3A_2502 = tpu.vector_load %arg5[%get3A_2499, %get3A_2500, %get3A_2501] {strides = array<i32>} : memref<3x128x128xf32, #tpu.memory_space<vmem>>, vector<1x1x16xf32>,
          %get3A_2503 = vector.shape_cast %get3A_2502 : vector<1x1x16xf32> to vector<16xf32>
          %add3A_2504 = arith.addf %add3A_2494, %get3A_2503 : vector<16xf32>
          %mul3A_2505 = arith.constant 8 : i32
          %mul3A_2506 = arith.muli %scan3A_2446, %mul3A_2505 : i32
          %add3A_2507 = arith.constant 5 : i32
          %add3A_2508 = arith.addi %mul3A_2506, %add3A_2507 : i32
          %get3A_2509 = arith.index_cast %rem3A_2316 : i32 to index
          %get3A_2510 = arith.index_cast %add3A_2508 : i32 to index
          %get3A_2511 = arith.constant 0 : index
          %get3A_2512 = tpu.vector_load %arg5[%get3A_2509, %get3A_2510, %get3A_2511] {strides = array<i32>} : memref<3x128x128xf32, #tpu.memory_space<vmem>>, vector<1x1x16xf32>,
          %get3A_2513 = vector.shape_cast %get3A_2512 : vector<1x1x16xf32> to vector<16xf32>
          %add3A_2514 = arith.addf %add3A_2504, %get3A_2513 : vector<16xf32>
          %mul3A_2515 = arith.constant 8 : i32
          %mul3A_2516 = arith.muli %scan3A_2446, %mul3A_2515 : i32
          %add3A_2517 = arith.constant 6 : i32
          %add3A_2518 = arith.addi %mul3A_2516, %add3A_2517 : i32
          %get3A_2519 = arith.index_cast %rem3A_2316 : i32 to index
          %get3A_2520 = arith.index_cast %add3A_2518 : i32 to index
          %get3A_2521 = arith.constant 0 : index
          %get3A_2522 = tpu.vector_load %arg5[%get3A_2519, %get3A_2520, %get3A_2521] {strides = array<i32>} : memref<3x128x128xf32, #tpu.memory_space<vmem>>, vector<1x1x16xf32>,
          %get3A_2523 = vector.shape_cast %get3A_2522 : vector<1x1x16xf32> to vector<16xf32>
          %add3A_2524 = arith.addf %add3A_2514, %get3A_2523 : vector<16xf32>
          %mul3A_2525 = arith.constant 8 : i32
          %mul3A_2526 = arith.muli %scan3A_2446, %mul3A_2525 : i32
          %add3A_2527 = arith.constant 7 : i32
          %add3A_2528 = arith.addi %mul3A_2526, %add3A_2527 : i32
          %get3A_2529 = arith.index_cast %rem3A_2316 : i32 to index
          %get3A_2530 = arith.index_cast %add3A_2528 : i32 to index
          %get3A_2531 = arith.constant 0 : index
          %get3A_2532 = tpu.vector_load %arg5[%get3A_2529, %get3A_2530, %get3A_2531] {strides = array<i32>} : memref<3x128x128xf32, #tpu.memory_space<vmem>>, vector<1x1x16xf32>,
          %get3A_2533 = vector.shape_cast %get3A_2532 : vector<1x1x16xf32> to vector<16xf32>
          %add3A_2534 = arith.addf %add3A_2524, %get3A_2533 : vector<16xf32>
          %mul3A_2535 = arith.constant 8 : i32
          %mul3A_2536 = arith.muli %scan3A_2446, %mul3A_2535 : i32
          %add3A_2537 = arith.constant 0 : i32
          %add3A_2538 = arith.addi %mul3A_2536, %add3A_2537 : i32
          %get3A_2539 = arith.index_cast %rem3A_2316 : i32 to index
          %get3A_2540 = arith.index_cast %add3A_2538 : i32 to index
          %get3A_2541 = arith.constant 16 : index
          %get3A_2542 = tpu.vector_load %arg5[%get3A_2539, %get3A_2540, %get3A_2541] {strides = array<i32>} : memref<3x128x128xf32, #tpu.memory_space<vmem>>, vector<1x1x16xf32>,
          %get3A_2543 = vector.shape_cast %get3A_2542 : vector<1x1x16xf32> to vector<16xf32>
          %add3A_2544 = arith.addf %scan3A_2448, %get3A_2543 : vector<16xf32>
          %mul3A_2545 = arith.constant 8 : i32
          %mul3A_2546 = arith.muli %scan3A_2446, %mul3A_2545 : i32
          %add3A_2547 = arith.constant 1 : i32
          %add3A_2548 = arith.addi %mul3A_2546, %add3A_2547 : i32
          %get3A_2549 = arith.index_cast %rem3A_2316 : i32 to index
          %get3A_2550 = arith.index_cast %add3A_2548 : i32 to index
          %get3A_2551 = arith.constant 16 : index
          %get3A_2552 = tpu.vector_load %arg5[%get3A_2549, %get3A_2550, %get3A_2551] {strides = array<i32>} : memref<3x128x128xf32, #tpu.memory_space<vmem>>, vector<1x1x16xf32>,
          %get3A_2553 = vector.shape_cast %get3A_2552 : vector<1x1x16xf32> to vector<16xf32>
          %add3A_2554 = arith.addf %add3A_2544, %get3A_2553 : vector<16xf32>
          %mul3A_2555 = arith.constant 8 : i32
          %mul3A_2556 = arith.muli %scan3A_2446, %mul3A_2555 : i32
          %add3A_2557 = arith.constant 2 : i32
          %add3A_2558 = arith.addi %mul3A_2556, %add3A_2557 : i32
          %get3A_2559 = arith.index_cast %rem3A_2316 : i32 to index
          %get3A_2560 = arith.index_cast %add3A_2558 : i32 to index
          %get3A_2561 = arith.constant 16 : index
          %get3A_2562 = tpu.vector_load %arg5[%get3A_2559, %get3A_2560, %get3A_2561] {strides = array<i32>} : memref<3x128x128xf32, #tpu.memory_space<vmem>>, vector<1x1x16xf32>,
          %get3A_2563 = vector.shape_cast %get3A_2562 : vector<1x1x16xf32> to vector<16xf32>
          %add3A_2564 = arith.addf %add3A_2554, %get3A_2563 : vector<16xf32>
          %mul3A_2565 = arith.constant 8 : i32
          %mul3A_2566 = arith.muli %scan3A_2446, %mul3A_2565 : i32
          %add3A_2567 = arith.constant 3 : i32
          %add3A_2568 = arith.addi %mul3A_2566, %add3A_2567 : i32
          %get3A_2569 = arith.index_cast %rem3A_2316 : i32 to index
          %get3A_2570 = arith.index_cast %add3A_2568 : i32 to index
          %get3A_2571 = arith.constant 16 : index
          %get3A_2572 = tpu.vector_load %arg5[%get3A_2569, %get3A_2570, %get3A_2571] {strides = array<i32>} : memref<3x128x128xf32, #tpu.memory_space<vmem>>, vector<1x1x16xf32>,
          %get3A_2573 = vector.shape_cast %get3A_2572 : vector<1x1x16xf32> to vector<16xf32>
          %add3A_2574 = arith.addf %add3A_2564, %get3A_2573 : vector<16xf32>
          %mul3A_2575 = arith.constant 8 : i32
          %mul3A_2576 = arith.muli %scan3A_2446, %mul3A_2575 : i32
          %add3A_2577 = arith.constant 4 : i32
          %add3A_2578 = arith.addi %mul3A_2576, %add3A_2577 : i32
          %get3A_2579 = arith.index_cast %rem3A_2316 : i32 to index
          %get3A_2580 = arith.index_cast %add3A_2578 : i32 to index
          %get3A_2581 = arith.constant 16 : index
          %get3A_2582 = tpu.vector_load %arg5[%get3A_2579, %get3A_2580, %get3A_2581] {strides = array<i32>} : memref<3x128x128xf32, #tpu.memory_space<vmem>>, vector<1x1x16xf32>,
          %get3A_2583 = vector.shape_cast %get3A_2582 : vector<1x1x16xf32> to vector<16xf32>
          %add3A_2584 = arith.addf %add3A_2574, %get3A_2583 : vector<16xf32>
          %mul3A_2585 = arith.constant 8 : i32
          %mul3A_2586 = arith.muli %scan3A_2446, %mul3A_2585 : i32
          %add3A_2587 = arith.constant 5 : i32
          %add3A_2588 = arith.addi %mul3A_2586, %add3A_2587 : i32
          %get3A_2589 = arith.index_cast %rem3A_2316 : i32 to index
          %get3A_2590 = arith.index_cast %add3A_2588 : i32 to index
          %get3A_2591 = arith.constant 16 : index
          %get3A_2592 = tpu.vector_load %arg5[%get3A_2589, %get3A_2590, %get3A_2591] {strides = array<i32>} : memref<3x128x128xf32, #tpu.memory_space<vmem>>, vector<1x1x16xf32>,
          %get3A_2593 = vector.shape_cast %get3A_2592 : vector<1x1x16xf32> to vector<16xf32>
          %add3A_2594 = arith.addf %add3A_2584, %get3A_2593 : vector<16xf32>
          %mul3A_2595 = arith.constant 8 : i32
          %mul3A_2596 = arith.muli %scan3A_2446, %mul3A_2595 : i32
          %add3A_2597 = arith.constant 6 : i32
          %add3A_2598 = arith.addi %mul3A_2596, %add3A_2597 : i32
          %get3A_2599 = arith.index_cast %rem3A_2316 : i32 to index
          %get3A_2600 = arith.index_cast %add3A_2598 : i32 to index
          %get3A_2601 = arith.constant 16 : index
          %get3A_2602 = tpu.vector_load %arg5[%get3A_2599, %get3A_2600, %get3A_2601] {strides = array<i32>} : memref<3x128x128xf32, #tpu.memory_space<vmem>>, vector<1x1x16xf32>,
          %get3A_2603 = vector.shape_cast %get3A_2602 : vector<1x1x16xf32> to vector<16xf32>
          %add3A_2604 = arith.addf %add3A_2594, %get3A_2603 : vector<16xf32>
          %mul3A_2605 = arith.constant 8 : i32
          %mul3A_2606 = arith.muli %scan3A_2446, %mul3A_2605 : i32
          %add3A_2607 = arith.constant 7 : i32
          %add3A_2608 = arith.addi %mul3A_2606, %add3A_2607 : i32
          %get3A_2609 = arith.index_cast %rem3A_2316 : i32 to index
          %get3A_2610 = arith.index_cast %add3A_2608 : i32 to index
          %get3A_2611 = arith.constant 16 : index
          %get3A_2612 = tpu.vector_load %arg5[%get3A_2609, %get3A_2610, %get3A_2611] {strides = array<i32>} : memref<3x128x128xf32, #tpu.memory_space<vmem>>, vector<1x1x16xf32>,
          %get3A_2613 = vector.shape_cast %get3A_2612 : vector<1x1x16xf32> to vector<16xf32>
          %add3A_2614 = arith.addf %add3A_2604, %get3A_2613 : vector<16xf32>
          %mul3A_2615 = arith.constant 8 : i32
          %mul3A_2616 = arith.muli %scan3A_2446, %mul3A_2615 : i32
          %add3A_2617 = arith.constant 0 : i32
          %add3A_2618 = arith.addi %mul3A_2616, %add3A_2617 : i32
          %get3A_2619 = arith.index_cast %rem3A_2316 : i32 to index
          %get3A_2620 = arith.index_cast %add3A_2618 : i32 to index
          %get3A_2621 = arith.constant 32 : index
          %get3A_2622 = tpu.vector_load %arg5[%get3A_2619, %get3A_2620, %get3A_2621] {strides = array<i32>} : memref<3x128x128xf32, #tpu.memory_space<vmem>>, vector<1x1x16xf32>,
          %get3A_2623 = vector.shape_cast %get3A_2622 : vector<1x1x16xf32> to vector<16xf32>
          %add3A_2624 = arith.addf %scan3A_2449, %get3A_2623 : vector<16xf32>
          %mul3A_2625 = arith.constant 8 : i32
          %mul3A_2626 = arith.muli %scan3A_2446, %mul3A_2625 : i32
          %add3A_2627 = arith.constant 1 : i32
          %add3A_2628 = arith.addi %mul3A_2626, %add3A_2627 : i32
          %get3A_2629 = arith.index_cast %rem3A_2316 : i32 to index
          %get3A_2630 = arith.index_cast %add3A_2628 : i32 to index
          %get3A_2631 = arith.constant 32 : index
          %get3A_2632 = tpu.vector_load %arg5[%get3A_2629, %get3A_2630, %get3A_2631] {strides = array<i32>} : memref<3x128x128xf32, #tpu.memory_space<vmem>>, vector<1x1x16xf32>,
          %get3A_2633 = vector.shape_cast %get3A_2632 : vector<1x1x16xf32> to vector<16xf32>
          %add3A_2634 = arith.addf %add3A_2624, %get3A_2633 : vector<16xf32>
          %mul3A_2635 = arith.constant 8 : i32
          %mul3A_2636 = arith.muli %scan3A_2446, %mul3A_2635 : i32
          %add3A_2637 = arith.constant 2 : i32
          %add3A_2638 = arith.addi %mul3A_2636, %add3A_2637 : i32
          %get3A_2639 = arith.index_cast %rem3A_2316 : i32 to index
          %get3A_2640 = arith.index_cast %add3A_2638 : i32 to index
          %get3A_2641 = arith.constant 32 : index
          %get3A_2642 = tpu.vector_load %arg5[%get3A_2639, %get3A_2640, %get3A_2641] {strides = array<i32>} : memref<3x128x128xf32, #tpu.memory_space<vmem>>, vector<1x1x16xf32>,
          %get3A_2643 = vector.shape_cast %get3A_2642 : vector<1x1x16xf32> to vector<16xf32>
          %add3A_2644 = arith.addf %add3A_2634, %get3A_2643 : vector<16xf32>
          %mul3A_2645 = arith.constant 8 : i32
          %mul3A_2646 = arith.muli %scan3A_2446, %mul3A_2645 : i32
          %add3A_2647 = arith.constant 3 : i32
          %add3A_2648 = arith.addi %mul3A_2646, %add3A_2647 : i32
          %get3A_2649 = arith.index_cast %rem3A_2316 : i32 to index
          %get3A_2650 = arith.index_cast %add3A_2648 : i32 to index
          %get3A_2651 = arith.constant 32 : index
          %get3A_2652 = tpu.vector_load %arg5[%get3A_2649, %get3A_2650, %get3A_2651] {strides = array<i32>} : memref<3x128x128xf32, #tpu.memory_space<vmem>>, vector<1x1x16xf32>,
          %get3A_2653 = vector.shape_cast %get3A_2652 : vector<1x1x16xf32> to vector<16xf32>
          %add3A_2654 = arith.addf %add3A_2644, %get3A_2653 : vector<16xf32>
          %mul3A_2655 = arith.constant 8 : i32
          %mul3A_2656 = arith.muli %scan3A_2446, %mul3A_2655 : i32
          %add3A_2657 = arith.constant 4 : i32
          %add3A_2658 = arith.addi %mul3A_2656, %add3A_2657 : i32
          %get3A_2659 = arith.index_cast %rem3A_2316 : i32 to index
          %get3A_2660 = arith.index_cast %add3A_2658 : i32 to index
          %get3A_2661 = arith.constant 32 : index
          %get3A_2662 = tpu.vector_load %arg5[%get3A_2659, %get3A_2660, %get3A_2661] {strides = array<i32>} : memref<3x128x128xf32, #tpu.memory_space<vmem>>, vector<1x1x16xf32>,
          %get3A_2663 = vector.shape_cast %get3A_2662 : vector<1x1x16xf32> to vector<16xf32>
          %add3A_2664 = arith.addf %add3A_2654, %get3A_2663 : vector<16xf32>
          %mul3A_2665 = arith.constant 8 : i32
          %mul3A_2666 = arith.muli %scan3A_2446, %mul3A_2665 : i32
          %add3A_2667 = arith.constant 5 : i32
          %add3A_2668 = arith.addi %mul3A_2666, %add3A_2667 : i32
          %get3A_2669 = arith.index_cast %rem3A_2316 : i32 to index
          %get3A_2670 = arith.index_cast %add3A_2668 : i32 to index
          %get3A_2671 = arith.constant 32 : index
          %get3A_2672 = tpu.vector_load %arg5[%get3A_2669, %get3A_2670, %get3A_2671] {strides = array<i32>} : memref<3x128x128xf32, #tpu.memory_space<vmem>>, vector<1x1x16xf32>,
          %get3A_2673 = vector.shape_cast %get3A_2672 : vector<1x1x16xf32> to vector<16xf32>
          %add3A_2674 = arith.addf %add3A_2664, %get3A_2673 : vector<16xf32>
          %mul3A_2675 = arith.constant 8 : i32
          %mul3A_2676 = arith.muli %scan3A_2446, %mul3A_2675 : i32
          %add3A_2677 = arith.constant 6 : i32
          %add3A_2678 = arith.addi %mul3A_2676, %add3A_2677 : i32
          %get3A_2679 = arith.index_cast %rem3A_2316 : i32 to index
          %get3A_2680 = arith.index_cast %add3A_2678 : i32 to index
          %get3A_2681 = arith.constant 32 : index
          %get3A_2682 = tpu.vector_load %arg5[%get3A_2679, %get3A_2680, %get3A_2681] {strides = array<i32>} : memref<3x128x128xf32, #tpu.memory_space<vmem>>, vector<1x1x16xf32>,
          %get3A_2683 = vector.shape_cast %get3A_2682 : vector<1x1x16xf32> to vector<16xf32>
          %add3A_2684 = arith.addf %add3A_2674, %get3A_2683 : vector<16xf32>
          %mul3A_2685 = arith.constant 8 : i32
          %mul3A_2686 = arith.muli %scan3A_2446, %mul3A_2685 : i32
          %add3A_2687 = arith.constant 7 : i32
          %add3A_2688 = arith.addi %mul3A_2686, %add3A_2687 : i32
          %get3A_2689 = arith.index_cast %rem3A_2316 : i32 to index
          %get3A_2690 = arith.index_cast %add3A_2688 : i32 to index
          %get3A_2691 = arith.constant 32 : index
          %get3A_2692 = tpu.vector_load %arg5[%get3A_2689, %get3A_2690, %get3A_2691] {strides = array<i32>} : memref<3x128x128xf32, #tpu.memory_space<vmem>>, vector<1x1x16xf32>,
          %get3A_2693 = vector.shape_cast %get3A_2692 : vector<1x1x16xf32> to vector<16xf32>
          %add3A_2694 = arith.addf %add3A_2684, %get3A_2693 : vector<16xf32>
          %mul3A_2695 = arith.constant 8 : i32
          %mul3A_2696 = arith.muli %scan3A_2446, %mul3A_2695 : i32
          %add3A_2697 = arith.constant 0 : i32
          %add3A_2698 = arith.addi %mul3A_2696, %add3A_2697 : i32
          %get3A_2699 = arith.index_cast %rem3A_2316 : i32 to index
          %get3A_2700 = arith.index_cast %add3A_2698 : i32 to index
          %get3A_2701 = arith.constant 48 : index
          %get3A_2702 = tpu.vector_load %arg5[%get3A_2699, %get3A_2700, %get3A_2701] {strides = array<i32>} : memref<3x128x128xf32, #tpu.memory_space<vmem>>, vector<1x1x16xf32>,
          %get3A_2703 = vector.shape_cast %get3A_2702 : vector<1x1x16xf32> to vector<16xf32>
          %add3A_2704 = arith.addf %scan3A_2450, %get3A_2703 : vector<16xf32>
          %mul3A_2705 = arith.constant 8 : i32
          %mul3A_2706 = arith.muli %scan3A_2446, %mul3A_2705 : i32
          %add3A_2707 = arith.constant 1 : i32
          %add3A_2708 = arith.addi %mul3A_2706, %add3A_2707 : i32
          %get3A_2709 = arith.index_cast %rem3A_2316 : i32 to index
          %get3A_2710 = arith.index_cast %add3A_2708 : i32 to index
          %get3A_2711 = arith.constant 48 : index
          %get3A_2712 = tpu.vector_load %arg5[%get3A_2709, %get3A_2710, %get3A_2711] {strides = array<i32>} : memref<3x128x128xf32, #tpu.memory_space<vmem>>, vector<1x1x16xf32>,
          %get3A_2713 = vector.shape_cast %get3A_2712 : vector<1x1x16xf32> to vector<16xf32>
          %add3A_2714 = arith.addf %add3A_2704, %get3A_2713 : vector<16xf32>
          %mul3A_2715 = arith.constant 8 : i32
          %mul3A_2716 = arith.muli %scan3A_2446, %mul3A_2715 : i32
          %add3A_2717 = arith.constant 2 : i32
          %add3A_2718 = arith.addi %mul3A_2716, %add3A_2717 : i32
          %get3A_2719 = arith.index_cast %rem3A_2316 : i32 to index
          %get3A_2720 = arith.index_cast %add3A_2718 : i32 to index
          %get3A_2721 = arith.constant 48 : index
          %get3A_2722 = tpu.vector_load %arg5[%get3A_2719, %get3A_2720, %get3A_2721] {strides = array<i32>} : memref<3x128x128xf32, #tpu.memory_space<vmem>>, vector<1x1x16xf32>,
          %get3A_2723 = vector.shape_cast %get3A_2722 : vector<1x1x16xf32> to vector<16xf32>
          %add3A_2724 = arith.addf %add3A_2714, %get3A_2723 : vector<16xf32>
          %mul3A_2725 = arith.constant 8 : i32
          %mul3A_2726 = arith.muli %scan3A_2446, %mul3A_2725 : i32
          %add3A_2727 = arith.constant 3 : i32
          %add3A_2728 = arith.addi %mul3A_2726, %add3A_2727 : i32
          %get3A_2729 = arith.index_cast %rem3A_2316 : i32 to index
          %get3A_2730 = arith.index_cast %add3A_2728 : i32 to index
          %get3A_2731 = arith.constant 48 : index
          %get3A_2732 = tpu.vector_load %arg5[%get3A_2729, %get3A_2730, %get3A_2731] {strides = array<i32>} : memref<3x128x128xf32, #tpu.memory_space<vmem>>, vector<1x1x16xf32>,
          %get3A_2733 = vector.shape_cast %get3A_2732 : vector<1x1x16xf32> to vector<16xf32>
          %add3A_2734 = arith.addf %add3A_2724, %get3A_2733 : vector<16xf32>
          %mul3A_2735 = arith.constant 8 : i32
          %mul3A_2736 = arith.muli %scan3A_2446, %mul3A_2735 : i32
          %add3A_2737 = arith.constant 4 : i32
          %add3A_2738 = arith.addi %mul3A_2736, %add3A_2737 : i32
          %get3A_2739 = arith.index_cast %rem3A_2316 : i32 to index
          %get3A_2740 = arith.index_cast %add3A_2738 : i32 to index
          %get3A_2741 = arith.constant 48 : index
          %get3A_2742 = tpu.vector_load %arg5[%get3A_2739, %get3A_2740, %get3A_2741] {strides = array<i32>} : memref<3x128x128xf32, #tpu.memory_space<vmem>>, vector<1x1x16xf32>,
          %get3A_2743 = vector.shape_cast %get3A_2742 : vector<1x1x16xf32> to vector<16xf32>
          %add3A_2744 = arith.addf %add3A_2734, %get3A_2743 : vector<16xf32>
          %mul3A_2745 = arith.constant 8 : i32
          %mul3A_2746 = arith.muli %scan3A_2446, %mul3A_2745 : i32
          %add3A_2747 = arith.constant 5 : i32
          %add3A_2748 = arith.addi %mul3A_2746, %add3A_2747 : i32
          %get3A_2749 = arith.index_cast %rem3A_2316 : i32 to index
          %get3A_2750 = arith.index_cast %add3A_2748 : i32 to index
          %get3A_2751 = arith.constant 48 : index
          %get3A_2752 = tpu.vector_load %arg5[%get3A_2749, %get3A_2750, %get3A_2751] {strides = array<i32>} : memref<3x128x128xf32, #tpu.memory_space<vmem>>, vector<1x1x16xf32>,
          %get3A_2753 = vector.shape_cast %get3A_2752 : vector<1x1x16xf32> to vector<16xf32>
          %add3A_2754 = arith.addf %add3A_2744, %get3A_2753 : vector<16xf32>
          %mul3A_2755 = arith.constant 8 : i32
          %mul3A_2756 = arith.muli %scan3A_2446, %mul3A_2755 : i32
          %add3A_2757 = arith.constant 6 : i32
          %add3A_2758 = arith.addi %mul3A_2756, %add3A_2757 : i32
          %get3A_2759 = arith.index_cast %rem3A_2316 : i32 to index
          %get3A_2760 = arith.index_cast %add3A_2758 : i32 to index
          %get3A_2761 = arith.constant 48 : index
          %get3A_2762 = tpu.vector_load %arg5[%get3A_2759, %get3A_2760, %get3A_2761] {strides = array<i32>} : memref<3x128x128xf32, #tpu.memory_space<vmem>>, vector<1x1x16xf32>,
          %get3A_2763 = vector.shape_cast %get3A_2762 : vector<1x1x16xf32> to vector<16xf32>
          %add3A_2764 = arith.addf %add3A_2754, %get3A_2763 : vector<16xf32>
          %mul3A_2765 = arith.constant 8 : i32
          %mul3A_2766 = arith.muli %scan3A_2446, %mul3A_2765 : i32
          %add3A_2767 = arith.constant 7 : i32
          %add3A_2768 = arith.addi %mul3A_2766, %add3A_2767 : i32
          %get3A_2769 = arith.index_cast %rem3A_2316 : i32 to index
          %get3A_2770 = arith.index_cast %add3A_2768 : i32 to index
          %get3A_2771 = arith.constant 48 : index
          %get3A_2772 = tpu.vector_load %arg5[%get3A_2769, %get3A_2770, %get3A_2771] {strides = array<i32>} : memref<3x128x128xf32, #tpu.memory_space<vmem>>, vector<1x1x16xf32>,
          %get3A_2773 = vector.shape_cast %get3A_2772 : vector<1x1x16xf32> to vector<16xf32>
          %add3A_2774 = arith.addf %add3A_2764, %get3A_2773 : vector<16xf32>
          %mul3A_2775 = arith.constant 8 : i32
          %mul3A_2776 = arith.muli %scan3A_2446, %mul3A_2775 : i32
          %add3A_2777 = arith.constant 0 : i32
          %add3A_2778 = arith.addi %mul3A_2776, %add3A_2777 : i32
          %get3A_2779 = arith.index_cast %rem3A_2316 : i32 to index
          %get3A_2780 = arith.index_cast %add3A_2778 : i32 to index
          %get3A_2781 = arith.constant 64 : index
          %get3A_2782 = tpu.vector_load %arg5[%get3A_2779, %get3A_2780, %get3A_2781] {strides = array<i32>} : memref<3x128x128xf32, #tpu.memory_space<vmem>>, vector<1x1x16xf32>,
          %get3A_2783 = vector.shape_cast %get3A_2782 : vector<1x1x16xf32> to vector<16xf32>
          %add3A_2784 = arith.addf %scan3A_2451, %get3A_2783 : vector<16xf32>
          %mul3A_2785 = arith.constant 8 : i32
          %mul3A_2786 = arith.muli %scan3A_2446, %mul3A_2785 : i32
          %add3A_2787 = arith.constant 1 : i32
          %add3A_2788 = arith.addi %mul3A_2786, %add3A_2787 : i32
          %get3A_2789 = arith.index_cast %rem3A_2316 : i32 to index
          %get3A_2790 = arith.index_cast %add3A_2788 : i32 to index
          %get3A_2791 = arith.constant 64 : index
          %get3A_2792 = tpu.vector_load %arg5[%get3A_2789, %get3A_2790, %get3A_2791] {strides = array<i32>} : memref<3x128x128xf32, #tpu.memory_space<vmem>>, vector<1x1x16xf32>,
          %get3A_2793 = vector.shape_cast %get3A_2792 : vector<1x1x16xf32> to vector<16xf32>
          %add3A_2794 = arith.addf %add3A_2784, %get3A_2793 : vector<16xf32>
          %mul3A_2795 = arith.constant 8 : i32
          %mul3A_2796 = arith.muli %scan3A_2446, %mul3A_2795 : i32
          %add3A_2797 = arith.constant 2 : i32
          %add3A_2798 = arith.addi %mul3A_2796, %add3A_2797 : i32
          %get3A_2799 = arith.index_cast %rem3A_2316 : i32 to index
          %get3A_2800 = arith.index_cast %add3A_2798 : i32 to index
          %get3A_2801 = arith.constant 64 : index
          %get3A_2802 = tpu.vector_load %arg5[%get3A_2799, %get3A_2800, %get3A_2801] {strides = array<i32>} : memref<3x128x128xf32, #tpu.memory_space<vmem>>, vector<1x1x16xf32>,
          %get3A_2803 = vector.shape_cast %get3A_2802 : vector<1x1x16xf32> to vector<16xf32>
          %add3A_2804 = arith.addf %add3A_2794, %get3A_2803 : vector<16xf32>
          %mul3A_2805 = arith.constant 8 : i32
          %mul3A_2806 = arith.muli %scan3A_2446, %mul3A_2805 : i32
          %add3A_2807 = arith.constant 3 : i32
          %add3A_2808 = arith.addi %mul3A_2806, %add3A_2807 : i32
          %get3A_2809 = arith.index_cast %rem3A_2316 : i32 to index
          %get3A_2810 = arith.index_cast %add3A_2808 : i32 to index
          %get3A_2811 = arith.constant 64 : index
          %get3A_2812 = tpu.vector_load %arg5[%get3A_2809, %get3A_2810, %get3A_2811] {strides = array<i32>} : memref<3x128x128xf32, #tpu.memory_space<vmem>>, vector<1x1x16xf32>,
          %get3A_2813 = vector.shape_cast %get3A_2812 : vector<1x1x16xf32> to vector<16xf32>
          %add3A_2814 = arith.addf %add3A_2804, %get3A_2813 : vector<16xf32>
          %mul3A_2815 = arith.constant 8 : i32
          %mul3A_2816 = arith.muli %scan3A_2446, %mul3A_2815 : i32
          %add3A_2817 = arith.constant 4 : i32
          %add3A_2818 = arith.addi %mul3A_2816, %add3A_2817 : i32
          %get3A_2819 = arith.index_cast %rem3A_2316 : i32 to index
          %get3A_2820 = arith.index_cast %add3A_2818 : i32 to index
          %get3A_2821 = arith.constant 64 : index
          %get3A_2822 = tpu.vector_load %arg5[%get3A_2819, %get3A_2820, %get3A_2821] {strides = array<i32>} : memref<3x128x128xf32, #tpu.memory_space<vmem>>, vector<1x1x16xf32>,
          %get3A_2823 = vector.shape_cast %get3A_2822 : vector<1x1x16xf32> to vector<16xf32>
          %add3A_2824 = arith.addf %add3A_2814, %get3A_2823 : vector<16xf32>
          %mul3A_2825 = arith.constant 8 : i32
          %mul3A_2826 = arith.muli %scan3A_2446, %mul3A_2825 : i32
          %add3A_2827 = arith.constant 5 : i32
          %add3A_2828 = arith.addi %mul3A_2826, %add3A_2827 : i32
          %get3A_2829 = arith.index_cast %rem3A_2316 : i32 to index
          %get3A_2830 = arith.index_cast %add3A_2828 : i32 to index
          %get3A_2831 = arith.constant 64 : index
          %get3A_2832 = tpu.vector_load %arg5[%get3A_2829, %get3A_2830, %get3A_2831] {strides = array<i32>} : memref<3x128x128xf32, #tpu.memory_space<vmem>>, vector<1x1x16xf32>,
          %get3A_2833 = vector.shape_cast %get3A_2832 : vector<1x1x16xf32> to vector<16xf32>
          %add3A_2834 = arith.addf %add3A_2824, %get3A_2833 : vector<16xf32>
          %mul3A_2835 = arith.constant 8 : i32
          %mul3A_2836 = arith.muli %scan3A_2446, %mul3A_2835 : i32
          %add3A_2837 = arith.constant 6 : i32
          %add3A_2838 = arith.addi %mul3A_2836, %add3A_2837 : i32
          %get3A_2839 = arith.index_cast %rem3A_2316 : i32 to index
          %get3A_2840 = arith.index_cast %add3A_2838 : i32 to index
          %get3A_2841 = arith.constant 64 : index
          %get3A_2842 = tpu.vector_load %arg5[%get3A_2839, %get3A_2840, %get3A_2841] {strides = array<i32>} : memref<3x128x128xf32, #tpu.memory_space<vmem>>, vector<1x1x16xf32>,
          %get3A_2843 = vector.shape_cast %get3A_2842 : vector<1x1x16xf32> to vector<16xf32>
          %add3A_2844 = arith.addf %add3A_2834, %get3A_2843 : vector<16xf32>
          %mul3A_2845 = arith.constant 8 : i32
          %mul3A_2846 = arith.muli %scan3A_2446, %mul3A_2845 : i32
          %add3A_2847 = arith.constant 7 : i32
          %add3A_2848 = arith.addi %mul3A_2846, %add3A_2847 : i32
          %get3A_2849 = arith.index_cast %rem3A_2316 : i32 to index
          %get3A_2850 = arith.index_cast %add3A_2848 : i32 to index
          %get3A_2851 = arith.constant 64 : index
          %get3A_2852 = tpu.vector_load %arg5[%get3A_2849, %get3A_2850, %get3A_2851] {strides = array<i32>} : memref<3x128x128xf32, #tpu.memory_space<vmem>>, vector<1x1x16xf32>,
          %get3A_2853 = vector.shape_cast %get3A_2852 : vector<1x1x16xf32> to vector<16xf32>
          %add3A_2854 = arith.addf %add3A_2844, %get3A_2853 : vector<16xf32>
          %mul3A_2855 = arith.constant 8 : i32
          %mul3A_2856 = arith.muli %scan3A_2446, %mul3A_2855 : i32
          %add3A_2857 = arith.constant 0 : i32
          %add3A_2858 = arith.addi %mul3A_2856, %add3A_2857 : i32
          %get3A_2859 = arith.index_cast %rem3A_2316 : i32 to index
          %get3A_2860 = arith.index_cast %add3A_2858 : i32 to index
          %get3A_2861 = arith.constant 80 : index
          %get3A_2862 = tpu.vector_load %arg5[%get3A_2859, %get3A_2860, %get3A_2861] {strides = array<i32>} : memref<3x128x128xf32, #tpu.memory_space<vmem>>, vector<1x1x16xf32>,
          %get3A_2863 = vector.shape_cast %get3A_2862 : vector<1x1x16xf32> to vector<16xf32>
          %add3A_2864 = arith.addf %scan3A_2452, %get3A_2863 : vector<16xf32>
          %mul3A_2865 = arith.constant 8 : i32
          %mul3A_2866 = arith.muli %scan3A_2446, %mul3A_2865 : i32
          %add3A_2867 = arith.constant 1 : i32
          %add3A_2868 = arith.addi %mul3A_2866, %add3A_2867 : i32
          %get3A_2869 = arith.index_cast %rem3A_2316 : i32 to index
          %get3A_2870 = arith.index_cast %add3A_2868 : i32 to index
          %get3A_2871 = arith.constant 80 : index
          %get3A_2872 = tpu.vector_load %arg5[%get3A_2869, %get3A_2870, %get3A_2871] {strides = array<i32>} : memref<3x128x128xf32, #tpu.memory_space<vmem>>, vector<1x1x16xf32>,
          %get3A_2873 = vector.shape_cast %get3A_2872 : vector<1x1x16xf32> to vector<16xf32>
          %add3A_2874 = arith.addf %add3A_2864, %get3A_2873 : vector<16xf32>
          %mul3A_2875 = arith.constant 8 : i32
          %mul3A_2876 = arith.muli %scan3A_2446, %mul3A_2875 : i32
          %add3A_2877 = arith.constant 2 : i32
          %add3A_2878 = arith.addi %mul3A_2876, %add3A_2877 : i32
          %get3A_2879 = arith.index_cast %rem3A_2316 : i32 to index
          %get3A_2880 = arith.index_cast %add3A_2878 : i32 to index
          %get3A_2881 = arith.constant 80 : index
          %get3A_2882 = tpu.vector_load %arg5[%get3A_2879, %get3A_2880, %get3A_2881] {strides = array<i32>} : memref<3x128x128xf32, #tpu.memory_space<vmem>>, vector<1x1x16xf32>,
          %get3A_2883 = vector.shape_cast %get3A_2882 : vector<1x1x16xf32> to vector<16xf32>
          %add3A_2884 = arith.addf %add3A_2874, %get3A_2883 : vector<16xf32>
          %mul3A_2885 = arith.constant 8 : i32
          %mul3A_2886 = arith.muli %scan3A_2446, %mul3A_2885 : i32
          %add3A_2887 = arith.constant 3 : i32
          %add3A_2888 = arith.addi %mul3A_2886, %add3A_2887 : i32
          %get3A_2889 = arith.index_cast %rem3A_2316 : i32 to index
          %get3A_2890 = arith.index_cast %add3A_2888 : i32 to index
          %get3A_2891 = arith.constant 80 : index
          %get3A_2892 = tpu.vector_load %arg5[%get3A_2889, %get3A_2890, %get3A_2891] {strides = array<i32>} : memref<3x128x128xf32, #tpu.memory_space<vmem>>, vector<1x1x16xf32>,
          %get3A_2893 = vector.shape_cast %get3A_2892 : vector<1x1x16xf32> to vector<16xf32>
          %add3A_2894 = arith.addf %add3A_2884, %get3A_2893 : vector<16xf32>
          %mul3A_2895 = arith.constant 8 : i32
          %mul3A_2896 = arith.muli %scan3A_2446, %mul3A_2895 : i32
          %add3A_2897 = arith.constant 4 : i32
          %add3A_2898 = arith.addi %mul3A_2896, %add3A_2897 : i32
          %get3A_2899 = arith.index_cast %rem3A_2316 : i32 to index
          %get3A_2900 = arith.index_cast %add3A_2898 : i32 to index
          %get3A_2901 = arith.constant 80 : index
          %get3A_2902 = tpu.vector_load %arg5[%get3A_2899, %get3A_2900, %get3A_2901] {strides = array<i32>} : memref<3x128x128xf32, #tpu.memory_space<vmem>>, vector<1x1x16xf32>,
          %get3A_2903 = vector.shape_cast %get3A_2902 : vector<1x1x16xf32> to vector<16xf32>
          %add3A_2904 = arith.addf %add3A_2894, %get3A_2903 : vector<16xf32>
          %mul3A_2905 = arith.constant 8 : i32
          %mul3A_2906 = arith.muli %scan3A_2446, %mul3A_2905 : i32
          %add3A_2907 = arith.constant 5 : i32
          %add3A_2908 = arith.addi %mul3A_2906, %add3A_2907 : i32
          %get3A_2909 = arith.index_cast %rem3A_2316 : i32 to index
          %get3A_2910 = arith.index_cast %add3A_2908 : i32 to index
          %get3A_2911 = arith.constant 80 : index
          %get3A_2912 = tpu.vector_load %arg5[%get3A_2909, %get3A_2910, %get3A_2911] {strides = array<i32>} : memref<3x128x128xf32, #tpu.memory_space<vmem>>, vector<1x1x16xf32>,
          %get3A_2913 = vector.shape_cast %get3A_2912 : vector<1x1x16xf32> to vector<16xf32>
          %add3A_2914 = arith.addf %add3A_2904, %get3A_2913 : vector<16xf32>
          %mul3A_2915 = arith.constant 8 : i32
          %mul3A_2916 = arith.muli %scan3A_2446, %mul3A_2915 : i32
          %add3A_2917 = arith.constant 6 : i32
          %add3A_2918 = arith.addi %mul3A_2916, %add3A_2917 : i32
          %get3A_2919 = arith.index_cast %rem3A_2316 : i32 to index
          %get3A_2920 = arith.index_cast %add3A_2918 : i32 to index
          %get3A_2921 = arith.constant 80 : index
          %get3A_2922 = tpu.vector_load %arg5[%get3A_2919, %get3A_2920, %get3A_2921] {strides = array<i32>} : memref<3x128x128xf32, #tpu.memory_space<vmem>>, vector<1x1x16xf32>,
          %get3A_2923 = vector.shape_cast %get3A_2922 : vector<1x1x16xf32> to vector<16xf32>
          %add3A_2924 = arith.addf %add3A_2914, %get3A_2923 : vector<16xf32>
          %mul3A_2925 = arith.constant 8 : i32
          %mul3A_2926 = arith.muli %scan3A_2446, %mul3A_2925 : i32
          %add3A_2927 = arith.constant 7 : i32
          %add3A_2928 = arith.addi %mul3A_2926, %add3A_2927 : i32
          %get3A_2929 = arith.index_cast %rem3A_2316 : i32 to index
          %get3A_2930 = arith.index_cast %add3A_2928 : i32 to index
          %get3A_2931 = arith.constant 80 : index
          %get3A_2932 = tpu.vector_load %arg5[%get3A_2929, %get3A_2930, %get3A_2931] {strides = array<i32>} : memref<3x128x128xf32, #tpu.memory_space<vmem>>, vector<1x1x16xf32>,
          %get3A_2933 = vector.shape_cast %get3A_2932 : vector<1x1x16xf32> to vector<16xf32>
          %add3A_2934 = arith.addf %add3A_2924, %get3A_2933 : vector<16xf32>
          %mul3A_2935 = arith.constant 8 : i32
          %mul3A_2936 = arith.muli %scan3A_2446, %mul3A_2935 : i32
          %add3A_2937 = arith.constant 0 : i32
          %add3A_2938 = arith.addi %mul3A_2936, %add3A_2937 : i32
          %get3A_2939 = arith.index_cast %rem3A_2316 : i32 to index
          %get3A_2940 = arith.index_cast %add3A_2938 : i32 to index
          %get3A_2941 = arith.constant 96 : index
          %get3A_2942 = tpu.vector_load %arg5[%get3A_2939, %get3A_2940, %get3A_2941] {strides = array<i32>} : memref<3x128x128xf32, #tpu.memory_space<vmem>>, vector<1x1x16xf32>,
          %get3A_2943 = vector.shape_cast %get3A_2942 : vector<1x1x16xf32> to vector<16xf32>
          %add3A_2944 = arith.addf %scan3A_2453, %get3A_2943 : vector<16xf32>
          %mul3A_2945 = arith.constant 8 : i32
          %mul3A_2946 = arith.muli %scan3A_2446, %mul3A_2945 : i32
          %add3A_2947 = arith.constant 1 : i32
          %add3A_2948 = arith.addi %mul3A_2946, %add3A_2947 : i32
          %get3A_2949 = arith.index_cast %rem3A_2316 : i32 to index
          %get3A_2950 = arith.index_cast %add3A_2948 : i32 to index
          %get3A_2951 = arith.constant 96 : index
          %get3A_2952 = tpu.vector_load %arg5[%get3A_2949, %get3A_2950, %get3A_2951] {strides = array<i32>} : memref<3x128x128xf32, #tpu.memory_space<vmem>>, vector<1x1x16xf32>,
          %get3A_2953 = vector.shape_cast %get3A_2952 : vector<1x1x16xf32> to vector<16xf32>
          %add3A_2954 = arith.addf %add3A_2944, %get3A_2953 : vector<16xf32>
          %mul3A_2955 = arith.constant 8 : i32
          %mul3A_2956 = arith.muli %scan3A_2446, %mul3A_2955 : i32
          %add3A_2957 = arith.constant 2 : i32
          %add3A_2958 = arith.addi %mul3A_2956, %add3A_2957 : i32
          %get3A_2959 = arith.index_cast %rem3A_2316 : i32 to index
          %get3A_2960 = arith.index_cast %add3A_2958 : i32 to index
          %get3A_2961 = arith.constant 96 : index
          %get3A_2962 = tpu.vector_load %arg5[%get3A_2959, %get3A_2960, %get3A_2961] {strides = array<i32>} : memref<3x128x128xf32, #tpu.memory_space<vmem>>, vector<1x1x16xf32>,
          %get3A_2963 = vector.shape_cast %get3A_2962 : vector<1x1x16xf32> to vector<16xf32>
          %add3A_2964 = arith.addf %add3A_2954, %get3A_2963 : vector<16xf32>
          %mul3A_2965 = arith.constant 8 : i32
          %mul3A_2966 = arith.muli %scan3A_2446, %mul3A_2965 : i32
          %add3A_2967 = arith.constant 3 : i32
          %add3A_2968 = arith.addi %mul3A_2966, %add3A_2967 : i32
          %get3A_2969 = arith.index_cast %rem3A_2316 : i32 to index
          %get3A_2970 = arith.index_cast %add3A_2968 : i32 to index
          %get3A_2971 = arith.constant 96 : index
          %get3A_2972 = tpu.vector_load %arg5[%get3A_2969, %get3A_2970, %get3A_2971] {strides = array<i32>} : memref<3x128x128xf32, #tpu.memory_space<vmem>>, vector<1x1x16xf32>,
          %get3A_2973 = vector.shape_cast %get3A_2972 : vector<1x1x16xf32> to vector<16xf32>
          %add3A_2974 = arith.addf %add3A_2964, %get3A_2973 : vector<16xf32>
          %mul3A_2975 = arith.constant 8 : i32
          %mul3A_2976 = arith.muli %scan3A_2446, %mul3A_2975 : i32
          %add3A_2977 = arith.constant 4 : i32
          %add3A_2978 = arith.addi %mul3A_2976, %add3A_2977 : i32
          %get3A_2979 = arith.index_cast %rem3A_2316 : i32 to index
          %get3A_2980 = arith.index_cast %add3A_2978 : i32 to index
          %get3A_2981 = arith.constant 96 : index
          %get3A_2982 = tpu.vector_load %arg5[%get3A_2979, %get3A_2980, %get3A_2981] {strides = array<i32>} : memref<3x128x128xf32, #tpu.memory_space<vmem>>, vector<1x1x16xf32>,
          %get3A_2983 = vector.shape_cast %get3A_2982 : vector<1x1x16xf32> to vector<16xf32>
          %add3A_2984 = arith.addf %add3A_2974, %get3A_2983 : vector<16xf32>
          %mul3A_2985 = arith.constant 8 : i32
          %mul3A_2986 = arith.muli %scan3A_2446, %mul3A_2985 : i32
          %add3A_2987 = arith.constant 5 : i32
          %add3A_2988 = arith.addi %mul3A_2986, %add3A_2987 : i32
          %get3A_2989 = arith.index_cast %rem3A_2316 : i32 to index
          %get3A_2990 = arith.index_cast %add3A_2988 : i32 to index
          %get3A_2991 = arith.constant 96 : index
          %get3A_2992 = tpu.vector_load %arg5[%get3A_2989, %get3A_2990, %get3A_2991] {strides = array<i32>} : memref<3x128x128xf32, #tpu.memory_space<vmem>>, vector<1x1x16xf32>,
          %get3A_2993 = vector.shape_cast %get3A_2992 : vector<1x1x16xf32> to vector<16xf32>
          %add3A_2994 = arith.addf %add3A_2984, %get3A_2993 : vector<16xf32>
          %mul3A_2995 = arith.constant 8 : i32
          %mul3A_2996 = arith.muli %scan3A_2446, %mul3A_2995 : i32
          %add3A_2997 = arith.constant 6 : i32
          %add3A_2998 = arith.addi %mul3A_2996, %add3A_2997 : i32
          %get3A_2999 = arith.index_cast %rem3A_2316 : i32 to index
          %get3A_3000 = arith.index_cast %add3A_2998 : i32 to index
          %get3A_3001 = arith.constant 96 : index
          %get3A_3002 = tpu.vector_load %arg5[%get3A_2999, %get3A_3000, %get3A_3001] {strides = array<i32>} : memref<3x128x128xf32, #tpu.memory_space<vmem>>, vector<1x1x16xf32>,
          %get3A_3003 = vector.shape_cast %get3A_3002 : vector<1x1x16xf32> to vector<16xf32>
          %add3A_3004 = arith.addf %add3A_2994, %get3A_3003 : vector<16xf32>
          %mul3A_3005 = arith.constant 8 : i32
          %mul3A_3006 = arith.muli %scan3A_2446, %mul3A_3005 : i32
          %add3A_3007 = arith.constant 7 : i32
          %add3A_3008 = arith.addi %mul3A_3006, %add3A_3007 : i32
          %get3A_3009 = arith.index_cast %rem3A_2316 : i32 to index
          %get3A_3010 = arith.index_cast %add3A_3008 : i32 to index
          %get3A_3011 = arith.constant 96 : index
          %get3A_3012 = tpu.vector_load %arg5[%get3A_3009, %get3A_3010, %get3A_3011] {strides = array<i32>} : memref<3x128x128xf32, #tpu.memory_space<vmem>>, vector<1x1x16xf32>,
          %get3A_3013 = vector.shape_cast %get3A_3012 : vector<1x1x16xf32> to vector<16xf32>
          %add3A_3014 = arith.addf %add3A_3004, %get3A_3013 : vector<16xf32>
          %mul3A_3015 = arith.constant 8 : i32
          %mul3A_3016 = arith.muli %scan3A_2446, %mul3A_3015 : i32
          %add3A_3017 = arith.constant 0 : i32
          %add3A_3018 = arith.addi %mul3A_3016, %add3A_3017 : i32
          %get3A_3019 = arith.index_cast %rem3A_2316 : i32 to index
          %get3A_3020 = arith.index_cast %add3A_3018 : i32 to index
          %get3A_3021 = arith.constant 112 : index
          %get3A_3022 = tpu.vector_load %arg5[%get3A_3019, %get3A_3020, %get3A_3021] {strides = array<i32>} : memref<3x128x128xf32, #tpu.memory_space<vmem>>, vector<1x1x16xf32>,
          %get3A_3023 = vector.shape_cast %get3A_3022 : vector<1x1x16xf32> to vector<16xf32>
          %add3A_3024 = arith.addf %scan3A_2454, %get3A_3023 : vector<16xf32>
          %mul3A_3025 = arith.constant 8 : i32
          %mul3A_3026 = arith.muli %scan3A_2446, %mul3A_3025 : i32
          %add3A_3027 = arith.constant 1 : i32
          %add3A_3028 = arith.addi %mul3A_3026, %add3A_3027 : i32
          %get3A_3029 = arith.index_cast %rem3A_2316 : i32 to index
          %get3A_3030 = arith.index_cast %add3A_3028 : i32 to index
          %get3A_3031 = arith.constant 112 : index
          %get3A_3032 = tpu.vector_load %arg5[%get3A_3029, %get3A_3030, %get3A_3031] {strides = array<i32>} : memref<3x128x128xf32, #tpu.memory_space<vmem>>, vector<1x1x16xf32>,
          %get3A_3033 = vector.shape_cast %get3A_3032 : vector<1x1x16xf32> to vector<16xf32>
          %add3A_3034 = arith.addf %add3A_3024, %get3A_3033 : vector<16xf32>
          %mul3A_3035 = arith.constant 8 : i32
          %mul3A_3036 = arith.muli %scan3A_2446, %mul3A_3035 : i32
          %add3A_3037 = arith.constant 2 : i32
          %add3A_3038 = arith.addi %mul3A_3036, %add3A_3037 : i32
          %get3A_3039 = arith.index_cast %rem3A_2316 : i32 to index
          %get3A_3040 = arith.index_cast %add3A_3038 : i32 to index
          %get3A_3041 = arith.constant 112 : index
          %get3A_3042 = tpu.vector_load %arg5[%get3A_3039, %get3A_3040, %get3A_3041] {strides = array<i32>} : memref<3x128x128xf32, #tpu.memory_space<vmem>>, vector<1x1x16xf32>,
          %get3A_3043 = vector.shape_cast %get3A_3042 : vector<1x1x16xf32> to vector<16xf32>
          %add3A_3044 = arith.addf %add3A_3034, %get3A_3043 : vector<16xf32>
          %mul3A_3045 = arith.constant 8 : i32
          %mul3A_3046 = arith.muli %scan3A_2446, %mul3A_3045 : i32
          %add3A_3047 = arith.constant 3 : i32
          %add3A_3048 = arith.addi %mul3A_3046, %add3A_3047 : i32
          %get3A_3049 = arith.index_cast %rem3A_2316 : i32 to index
          %get3A_3050 = arith.index_cast %add3A_3048 : i32 to index
          %get3A_3051 = arith.constant 112 : index
          %get3A_3052 = tpu.vector_load %arg5[%get3A_3049, %get3A_3050, %get3A_3051] {strides = array<i32>} : memref<3x128x128xf32, #tpu.memory_space<vmem>>, vector<1x1x16xf32>,
          %get3A_3053 = vector.shape_cast %get3A_3052 : vector<1x1x16xf32> to vector<16xf32>
          %add3A_3054 = arith.addf %add3A_3044, %get3A_3053 : vector<16xf32>
          %mul3A_3055 = arith.constant 8 : i32
          %mul3A_3056 = arith.muli %scan3A_2446, %mul3A_3055 : i32
          %add3A_3057 = arith.constant 4 : i32
          %add3A_3058 = arith.addi %mul3A_3056, %add3A_3057 : i32
          %get3A_3059 = arith.index_cast %rem3A_2316 : i32 to index
          %get3A_3060 = arith.index_cast %add3A_3058 : i32 to index
          %get3A_3061 = arith.constant 112 : index
          %get3A_3062 = tpu.vector_load %arg5[%get3A_3059, %get3A_3060, %get3A_3061] {strides = array<i32>} : memref<3x128x128xf32, #tpu.memory_space<vmem>>, vector<1x1x16xf32>,
          %get3A_3063 = vector.shape_cast %get3A_3062 : vector<1x1x16xf32> to vector<16xf32>
          %add3A_3064 = arith.addf %add3A_3054, %get3A_3063 : vector<16xf32>
          %mul3A_3065 = arith.constant 8 : i32
          %mul3A_3066 = arith.muli %scan3A_2446, %mul3A_3065 : i32
          %add3A_3067 = arith.constant 5 : i32
          %add3A_3068 = arith.addi %mul3A_3066, %add3A_3067 : i32
          %get3A_3069 = arith.index_cast %rem3A_2316 : i32 to index
          %get3A_3070 = arith.index_cast %add3A_3068 : i32 to index
          %get3A_3071 = arith.constant 112 : index
          %get3A_3072 = tpu.vector_load %arg5[%get3A_3069, %get3A_3070, %get3A_3071] {strides = array<i32>} : memref<3x128x128xf32, #tpu.memory_space<vmem>>, vector<1x1x16xf32>,
          %get3A_3073 = vector.shape_cast %get3A_3072 : vector<1x1x16xf32> to vector<16xf32>
          %add3A_3074 = arith.addf %add3A_3064, %get3A_3073 : vector<16xf32>
          %mul3A_3075 = arith.constant 8 : i32
          %mul3A_3076 = arith.muli %scan3A_2446, %mul3A_3075 : i32
          %add3A_3077 = arith.constant 6 : i32
          %add3A_3078 = arith.addi %mul3A_3076, %add3A_3077 : i32
          %get3A_3079 = arith.index_cast %rem3A_2316 : i32 to index
          %get3A_3080 = arith.index_cast %add3A_3078 : i32 to index
          %get3A_3081 = arith.constant 112 : index
          %get3A_3082 = tpu.vector_load %arg5[%get3A_3079, %get3A_3080, %get3A_3081] {strides = array<i32>} : memref<3x128x128xf32, #tpu.memory_space<vmem>>, vector<1x1x16xf32>,
          %get3A_3083 = vector.shape_cast %get3A_3082 : vector<1x1x16xf32> to vector<16xf32>
          %add3A_3084 = arith.addf %add3A_3074, %get3A_3083 : vector<16xf32>
          %mul3A_3085 = arith.constant 8 : i32
          %mul3A_3086 = arith.muli %scan3A_2446, %mul3A_3085 : i32
          %add3A_3087 = arith.constant 7 : i32
          %add3A_3088 = arith.addi %mul3A_3086, %add3A_3087 : i32
          %get3A_3089 = arith.index_cast %rem3A_2316 : i32 to index
          %get3A_3090 = arith.index_cast %add3A_3088 : i32 to index
          %get3A_3091 = arith.constant 112 : index
          %get3A_3092 = tpu.vector_load %arg5[%get3A_3089, %get3A_3090, %get3A_3091] {strides = array<i32>} : memref<3x128x128xf32, #tpu.memory_space<vmem>>, vector<1x1x16xf32>,
          %get3A_3093 = vector.shape_cast %get3A_3092 : vector<1x1x16xf32> to vector<16xf32>
          %add3A_3094 = arith.addf %add3A_3084, %get3A_3093 : vector<16xf32>
          scf.yield %add3A_2534, %add3A_2614, %add3A_2694, %add3A_2774, %add3A_2854, %add3A_2934, %add3A_3014, %add3A_3094 : vector<16xf32>, vector<16xf32>, vector<16xf32>, vector<16xf32>, vector<16xf32>, vector<16xf32>, vector<16xf32>, vector<16xf32>
        }
        %scan3A_2393 = arith.constant 16 : i32
        %swap3A_2394 = arith.constant 0 : i32
        %swap3A_2395 = arith.index_cast %swap3A_2394 : i32 to index
        %swap3A_2396 = arith.constant 0 : index
        %swap3A_2397 = tpu.vector_load %arg8[%swap3A_2395, %swap3A_2396] {strides = array<i32>} : memref<16x128xf32, #tpu.memory_space<vmem>>, vector<1x16xf32>,
        %swap3A_2398 = vector.shape_cast %swap3A_2397 : vector<1x16xf32> to vector<16xf32>
        %swap3A_2399 = vector.shape_cast %scan3A_2392#0 : vector<16xf32> to vector<1x16xf32>
        tpu.vector_store %arg8[%swap3A_2395, %swap3A_2396], %swap3A_2399 {strides = array<i32>} : memref<16x128xf32, #tpu.memory_space<vmem>>, vector<1x16xf32>,
        %swap3A_2400 = arith.constant 0 : i32
        %swap3A_2401 = arith.index_cast %swap3A_2400 : i32 to index
        %swap3A_2402 = arith.constant 16 : index
        %swap3A_2403 = tpu.vector_load %arg8[%swap3A_2401, %swap3A_2402] {strides = array<i32>} : memref<16x128xf32, #tpu.memory_space<vmem>>, vector<1x16xf32>,
        %swap3A_2404 = vector.shape_cast %swap3A_2403 : vector<1x16xf32> to vector<16xf32>
        %swap3A_2405 = vector.shape_cast %scan3A_2392#1 : vector<16xf32> to vector<1x16xf32>
        tpu.vector_store %arg8[%swap3A_2401, %swap3A_2402], %swap3A_2405 {strides = array<i32>} : memref<16x128xf32, #tpu.memory_space<vmem>>, vector<1x16xf32>,
        %swap3A_2406 = arith.constant 0 : i32
        %swap3A_2407 = arith.index_cast %swap3A_2406 : i32 to index
        %swap3A_2408 = arith.constant 32 : index
        %swap3A_2409 = tpu.vector_load %arg8[%swap3A_2407, %swap3A_2408] {strides = array<i32>} : memref<16x128xf32, #tpu.memory_space<vmem>>, vector<1x16xf32>,
        %swap3A_2410 = vector.shape_cast %swap3A_2409 : vector<1x16xf32> to vector<16xf32>
        %swap3A_2411 = vector.shape_cast %scan3A_2392#2 : vector<16xf32> to vector<1x16xf32>
        tpu.vector_store %arg8[%swap3A_2407, %swap3A_2408], %swap3A_2411 {strides = array<i32>} : memref<16x128xf32, #tpu.memory_space<vmem>>, vector<1x16xf32>,
        %swap3A_2412 = arith.constant 0 : i32
        %swap3A_2413 = arith.index_cast %swap3A_2412 : i32 to index
        %swap3A_2414 = arith.constant 48 : index
        %swap3A_2415 = tpu.vector_load %arg8[%swap3A_2413, %swap3A_2414] {strides = array<i32>} : memref<16x128xf32, #tpu.memory_space<vmem>>, vector<1x16xf32>,
        %swap3A_2416 = vector.shape_cast %swap3A_2415 : vector<1x16xf32> to vector<16xf32>
        %swap3A_2417 = vector.shape_cast %scan3A_2392#3 : vector<16xf32> to vector<1x16xf32>
        tpu.vector_store %arg8[%swap3A_2413, %swap3A_2414], %swap3A_2417 {strides = array<i32>} : memref<16x128xf32, #tpu.memory_space<vmem>>, vector<1x16xf32>,
        %swap3A_2418 = arith.constant 0 : i32
        %swap3A_2419 = arith.index_cast %swap3A_2418 : i32 to index
        %swap3A_2420 = arith.constant 64 : index
        %swap3A_2421 = tpu.vector_load %arg8[%swap3A_2419, %swap3A_2420] {strides = array<i32>} : memref<16x128xf32, #tpu.memory_space<vmem>>, vector<1x16xf32>,
        %swap3A_2422 = vector.shape_cast %swap3A_2421 : vector<1x16xf32> to vector<16xf32>
        %swap3A_2423 = vector.shape_cast %scan3A_2392#4 : vector<16xf32> to vector<1x16xf32>
        tpu.vector_store %arg8[%swap3A_2419, %swap3A_2420], %swap3A_2423 {strides = array<i32>} : memref<16x128xf32, #tpu.memory_space<vmem>>, vector<1x16xf32>,
        %swap3A_2424 = arith.constant 0 : i32
        %swap3A_2425 = arith.index_cast %swap3A_2424 : i32 to index
        %swap3A_2426 = arith.constant 80 : index
        %swap3A_2427 = tpu.vector_load %arg8[%swap3A_2425, %swap3A_2426] {strides = array<i32>} : memref<16x128xf32, #tpu.memory_space<vmem>>, vector<1x16xf32>,
        %swap3A_2428 = vector.shape_cast %swap3A_2427 : vector<1x16xf32> to vector<16xf32>
        %swap3A_2429 = vector.shape_cast %scan3A_2392#5 : vector<16xf32> to vector<1x16xf32>
        tpu.vector_store %arg8[%swap3A_2425, %swap3A_2426], %swap3A_2429 {strides = array<i32>} : memref<16x128xf32, #tpu.memory_space<vmem>>, vector<1x16xf32>,
        %swap3A_2430 = arith.constant 0 : i32
        %swap3A_2431 = arith.index_cast %swap3A_2430 : i32 to index
        %swap3A_2432 = arith.constant 96 : index
        %swap3A_2433 = tpu.vector_load %arg8[%swap3A_2431, %swap3A_2432] {strides = array<i32>} : memref<16x128xf32, #tpu.memory_space<vmem>>, vector<1x16xf32>,
        %swap3A_2434 = vector.shape_cast %swap3A_2433 : vector<1x16xf32> to vector<16xf32>
        %swap3A_2435 = vector.shape_cast %scan3A_2392#6 : vector<16xf32> to vector<1x16xf32>
        tpu.vector_store %arg8[%swap3A_2431, %swap3A_2432], %swap3A_2435 {strides = array<i32>} : memref<16x128xf32, #tpu.memory_space<vmem>>, vector<1x16xf32>,
        %swap3A_2436 = arith.constant 0 : i32
        %swap3A_2437 = arith.index_cast %swap3A_2436 : i32 to index
        %swap3A_2438 = arith.constant 112 : index
        %swap3A_2439 = tpu.vector_load %arg8[%swap3A_2437, %swap3A_2438] {strides = array<i32>} : memref<16x128xf32, #tpu.memory_space<vmem>>, vector<1x16xf32>,
        %swap3A_2440 = vector.shape_cast %swap3A_2439 : vector<1x16xf32> to vector<16xf32>
        %swap3A_2441 = vector.shape_cast %scan3A_2392#7 : vector<16xf32> to vector<1x16xf32>
        tpu.vector_store %arg8[%swap3A_2437, %swap3A_2438], %swap3A_2441 {strides = array<i32>} : memref<16x128xf32, #tpu.memory_space<vmem>>, vector<1x16xf32>,
        %swap3A_2442 = arith.constant 0 : index
        %swap3A_2443 = tpu.vector_load %arg9[%swap3A_2442] {strides = array<i32>} : memref<16xi32, #tpu.memory_space<vmem>>, vector<16xi32>,
        %swap3A_2444 = vector.shape_cast %swap3A_2443 : vector<16xi32> to vector<16xi32>
        %swap3A_2445 = vector.shape_cast %get3A_2341 : vector<16xi32> to vector<16xi32>
        tpu.vector_store %arg9[%swap3A_2442], %swap3A_2445 {strides = array<i32>} : memref<16xi32, #tpu.memory_space<vmem>>, vector<16xi32>,
        "tpu.region"() ({
          %run_scoped3A = tpu.sem_alloc : memref<!tpu.dma_semaphore, #tpu.memory_space<semaphore_mem>>
          %dma_start3A_2446 = arith.constant 0 : i32
          %dma_start3A_2447 = arith.constant 0 : i32
          %dma_start3A_2448 = tpu.memref_slice %arg10[%dma_start3A_2446, %dma_start3A_2447] : memref<512x128xf32, #tpu.memory_space<vmem_shared>> -> memref<512x128xf32, #tpu.memory_space<vmem_shared>>
          tpu.enqueue_indirect_dma source(%arg8 : memref<16x128xf32, #tpu.memory_space<vmem>>) target(%dma_start3A_2448 : memref<512x128xf32, #tpu.memory_space<vmem_shared>>) offsets(%arg9 : memref<16xi32, #tpu.memory_space<vmem>>) semaphore(%run_scoped3A : memref<!tpu.dma_semaphore, #tpu.memory_space<semaphore_mem>>) {add = true}
          %dma_wait3A_2449 = arith.constant 0 : i32
          %dma_wait3A_2450 = arith.constant 0 : i32
          %dma_wait3A_2451 = tpu.memref_slice %arg10[%dma_wait3A_2449, %dma_wait3A_2450] : memref<512x128xf32, #tpu.memory_space<vmem_shared>> -> memref<512x128xf32, #tpu.memory_space<vmem_shared>>
          tpu.wait_indirect_dma semaphore(%run_scoped3A : memref<!tpu.dma_semaphore, #tpu.memory_space<semaphore_mem>>) src(%arg8 : memref<16x128xf32, #tpu.memory_space<vmem>>) dst(%dma_wait3A_2451 : memref<512x128xf32, #tpu.memory_space<vmem_shared>>)
          tpu.yield
        }) : () -> ()
      } else {
      }
      scf.yield %select_n3A_2351 : i32
    }
    %eq3A = arith.constant 1 : i32
    %eq3A_2305 = arith.cmpi eq, %while3A_2304, %eq3A : i32
    %convert_element_type3A_2306 = arith.extui %eq3A_2305 : i1 to i32
    %cond3A_2307 = arith.constant 0 : i32
    %cond3A_2308 = arith.cmpi ne, %convert_element_type3A_2306, %cond3A_2307 : i32
    scf.if %cond3A_2308 {
      %sub3A = arith.constant 1 : i32
      %sub3A_2314 = arith.subi %add3A_4, %sub3A : i32
      %sub3A_2315 = arith.constant 1 : i32
      %sub3A_2316 = arith.subi %add3A_4, %sub3A_2315 : i32
      %rem3A = arith.constant 3 : i32
      %rem3A_2317 = arith.remsi %sub3A_2316, %rem3A : i32
      %dma_wait3A = arith.constant 0 : i32
      %dma_wait3A_2318 = arith.constant 0 : i32
      %dma_wait3A_2319 = tpu.memref_slice %arg5[%rem3A_2317, %dma_wait3A, %dma_wait3A_2318] : memref<3x128x128xf32, #tpu.memory_space<vmem>> -> memref<1x128x128xf32, #tpu.memory_space<vmem>>
      %dma_wait3A_2320 = tpu.memref_squeeze %dma_wait3A_2319 : memref<1x128x128xf32, #tpu.memory_space<vmem>> -> memref<128x128xf32, #tpu.memory_space<vmem>>
      %dma_wait3A_2321 = arith.constant 0 : i32
      %dma_wait3A_2322 = tpu.memref_slice %arg6[%rem3A_2317, %dma_wait3A_2321] : memref<3x128xi32, #tpu.memory_space<vmem>> -> memref<1x128xi32, #tpu.memory_space<vmem>>
      %dma_wait3A_2323 = tpu.memref_squeeze %dma_wait3A_2322 : memref<1x128xi32, #tpu.memory_space<vmem>> -> memref<128xi32, #tpu.memory_space<vmem>>
      %dma_wait3A_2324 = arith.constant 0 : i32
      %dma_wait3A_2325 = arith.constant 0 : i32
      %dma_wait3A_2326 = tpu.memref_slice %arg10[%dma_wait3A_2324, %dma_wait3A_2325] : memref<512x128xf32, #tpu.memory_space<vmem_shared>> -> memref<512x128xf32, #tpu.memory_space<vmem_shared>>
      tpu.wait_indirect_dma semaphore(%arg13 : memref<!tpu.dma_semaphore, #tpu.memory_space<semaphore_mem>>) src(%dma_wait3A_2320 : memref<128x128xf32, #tpu.memory_space<vmem>>) dst(%dma_wait3A_2326 : memref<512x128xf32, #tpu.memory_space<vmem_shared>>)
    } else {
    }
    %barrier3A_2309 = arith.constant 0 : index
    tpu.barrier barrier_id(%barrier3A_2309)
    %mul3A_2310 = arith.constant 32 : i32
    %mul3A_2311 = arith.muli %arg1, %mul3A_2310 : i32
    %mul3A_2312 = arith.constant 32 : i32
    %mul3A_2313 = arith.muli %arg1, %mul3A_2312 : i32
    "tpu.region"() ({
      %run_scoped3A = tpu.sem_alloc : memref<!tpu.dma_semaphore, #tpu.memory_space<semaphore_mem>>
      %dma_start3A_2314 = arith.constant 0 : i32
      %dma_start3A_2315 = tpu.memref_slice %arg4[%arg0, %mul3A_2313, %dma_start3A_2314] : memref<2x512x128xf32, #tpu.memory_space<hbm>> -> memref<1x32x128xf32, #tpu.memory_space<hbm>>
      %dma_start3A_2316 = tpu.memref_squeeze %dma_start3A_2315 : memref<1x32x128xf32, #tpu.memory_space<hbm>> -> memref<32x128xf32, #tpu.memory_space<hbm>>
      %dma_start3A_2317 = arith.constant 0 : i32
      %dma_start3A_2318 = tpu.memref_slice %arg10[%mul3A_2311, %dma_start3A_2317] : memref<512x128xf32, #tpu.memory_space<vmem_shared>> -> memref<32x128xf32, #tpu.memory_space<vmem_shared>>
      tpu.enqueue_dma source(%dma_start3A_2318 : memref<32x128xf32, #tpu.memory_space<vmem_shared>>) target(%dma_start3A_2316 : memref<32x128xf32, #tpu.memory_space<hbm>>) target_semaphore(%run_scoped3A : memref<!tpu.dma_semaphore, #tpu.memory_space<semaphore_mem>>)
      %dma_wait3A = arith.constant 0 : i32
      %dma_wait3A_2319 = tpu.memref_slice %arg4[%arg0, %mul3A_2313, %dma_wait3A] : memref<2x512x128xf32, #tpu.memory_space<hbm>> -> memref<1x32x128xf32, #tpu.memory_space<hbm>>
      %dma_wait3A_2320 = tpu.memref_squeeze %dma_wait3A_2319 : memref<1x32x128xf32, #tpu.memory_space<hbm>> -> memref<32x128xf32, #tpu.memory_space<hbm>>
      %dma_wait3A_2321 = arith.constant 0 : i32
      %dma_wait3A_2322 = tpu.memref_slice %arg10[%mul3A_2311, %dma_wait3A_2321] : memref<512x128xf32, #tpu.memory_space<vmem_shared>> -> memref<32x128xf32, #tpu.memory_space<vmem_shared>>
      tpu.wait_dma2 semaphore(%run_scoped3A : memref<!tpu.dma_semaphore, #tpu.memory_space<semaphore_mem>>) src(%dma_wait3A_2322 : memref<32x128xf32, #tpu.memory_space<vmem_shared>>) dst(%dma_wait3A_2320 : memref<32x128xf32, #tpu.memory_space<hbm>>)
      tpu.yield
    }) : () -> ()
    return
  }
}

module attributes {stable_mosaic.version = 14 : i64} {
  func.func @_mlp_body(%arg0: memref<2x512x128xf32, #tpu.memory_space<vmem>>, %arg1: memref<512x128xf32, #tpu.memory_space<vmem>>, %arg2: memref<512x128xf32, #tpu.memory_space<vmem>>, %arg3: memref<128x100xf32, #tpu.memory_space<vmem>>, %arg4: memref<128x100xf32, #tpu.memory_space<vmem>>, %arg5: memref<1x100xf32, #tpu.memory_space<vmem>>, %arg6: memref<100x100xf32, #tpu.memory_space<vmem>>, %arg7: memref<1x100xf32, #tpu.memory_space<vmem>>, %arg8: memref<100x100xf32, #tpu.memory_space<vmem>>, %arg9: memref<1x100xf32, #tpu.memory_space<vmem>>, %arg10: memref<100x128xf32, #tpu.memory_space<vmem>>, %arg11: memref<1x128xf32, #tpu.memory_space<vmem>>, %arg12: memref<1x128xf32, #tpu.memory_space<vmem>>, %arg13: memref<1x128xf32, #tpu.memory_space<vmem>>, %arg14: memref<512x128xf32, #tpu.memory_space<vmem>>) attributes {dimension_semantics = [], scalar_prefetch = 0 : i64, scratch_operands = 0 : i64, tpu.core_type = #tpu.core_type<tc>} {
    %get3A = arith.constant 0 : index
    %get3A_0 = arith.constant 0 : index
    %get3A_1 = arith.constant 0 : index
    %get3A_2 = vector.load %arg0[%get3A, %get3A_0, %get3A_1] : memref<2x512x128xf32, #tpu.memory_space<vmem>>, vector<1x512x128xf32>
    %get3A_3 = vector.shape_cast %get3A_2 : vector<1x512x128xf32> to vector<512x128xf32>
    %get3A_4 = arith.constant 1 : index
    %get3A_5 = arith.constant 0 : index
    %get3A_6 = arith.constant 0 : index
    %get3A_7 = vector.load %arg0[%get3A_4, %get3A_5, %get3A_6] : memref<2x512x128xf32, #tpu.memory_space<vmem>>, vector<1x512x128xf32>
    %get3A_8 = vector.shape_cast %get3A_7 : vector<1x512x128xf32> to vector<512x128xf32>
    %add3A = arith.addf %get3A_3, %get3A_8 : vector<512x128xf32>
    %get3A_9 = arith.constant 0 : index
    %get3A_10 = arith.constant 0 : index
    %get3A_11 = vector.load %arg1[%get3A_9, %get3A_10] : memref<512x128xf32, #tpu.memory_space<vmem>>, vector<512x128xf32>
    %add3A_12 = arith.addf %add3A, %get3A_11 : vector<512x128xf32>
    %get3A_13 = arith.constant 0 : index
    %get3A_14 = arith.constant 0 : index
    %get3A_15 = vector.load %arg2[%get3A_13, %get3A_14] : memref<512x128xf32, #tpu.memory_space<vmem>>, vector<512x128xf32>
    %get3A_16 = arith.constant 0 : index
    %get3A_17 = arith.constant 0 : index
    %get3A_18 = vector.load %arg3[%get3A_16, %get3A_17] : memref<128x100xf32, #tpu.memory_space<vmem>>, vector<128x100xf32>
    %dot_general3A = arith.constant dense<0.000000e+00> : vector<512x100xf32>
    %dot_general3A_19 = tpu.matmul %get3A_15, %get3A_18, %dot_general3A {dimension_numbers = #tpu.dot_dimension_numbers<[1], [0], [0], [1], [0, 0, 1, 1], [], []>, transpose_lhs_hint = false} : vector<512x128xf32>, vector<128x100xf32>, vector<512x100xf32> -> vector<512x100xf32>
    %get3A_20 = arith.constant 0 : index
    %get3A_21 = arith.constant 0 : index
    %get3A_22 = vector.load %arg4[%get3A_20, %get3A_21] : memref<128x100xf32, #tpu.memory_space<vmem>>, vector<128x100xf32>
    %dot_general3A_23 = arith.constant dense<0.000000e+00> : vector<512x100xf32>
    %dot_general3A_24 = tpu.matmul %add3A_12, %get3A_22, %dot_general3A_23 {dimension_numbers = #tpu.dot_dimension_numbers<[1], [0], [0], [1], [0, 0, 1, 1], [], []>, transpose_lhs_hint = false} : vector<512x128xf32>, vector<128x100xf32>, vector<512x100xf32> -> vector<512x100xf32>
    %add3A_25 = arith.addf %dot_general3A_19, %dot_general3A_24 : vector<512x100xf32>
    %get3A_26 = arith.constant 0 : index
    %get3A_27 = arith.constant 0 : index
    %get3A_28 = vector.load %arg5[%get3A_26, %get3A_27] : memref<1x100xf32, #tpu.memory_space<vmem>>, vector<1x100xf32>
    %add3A_29 = vector.broadcast %get3A_28 : vector<1x100xf32> to vector<512x100xf32>
    %add3A_30 = arith.addf %add3A_25, %add3A_29 : vector<512x100xf32>
    %max3A = arith.constant 0.000000e+00 : f32
    %max3A_31 = vector.broadcast %max3A : f32 to vector<512x100xf32>
    %max3A_32 = arith.maximumf %add3A_30, %max3A_31 : vector<512x100xf32>
    %get3A_33 = arith.constant 0 : index
    %get3A_34 = arith.constant 0 : index
    %get3A_35 = vector.load %arg6[%get3A_33, %get3A_34] : memref<100x100xf32, #tpu.memory_space<vmem>>, vector<100x100xf32>
    %dot_general3A_36 = arith.constant dense<0.000000e+00> : vector<512x100xf32>
    %dot_general3A_37 = tpu.matmul %max3A_32, %get3A_35, %dot_general3A_36 {dimension_numbers = #tpu.dot_dimension_numbers<[1], [0], [0], [1], [0, 0, 1, 1], [], []>, transpose_lhs_hint = false} : vector<512x100xf32>, vector<100x100xf32>, vector<512x100xf32> -> vector<512x100xf32>
    %get3A_38 = arith.constant 0 : index
    %get3A_39 = arith.constant 0 : index
    %get3A_40 = vector.load %arg7[%get3A_38, %get3A_39] : memref<1x100xf32, #tpu.memory_space<vmem>>, vector<1x100xf32>
    %add3A_41 = vector.broadcast %get3A_40 : vector<1x100xf32> to vector<512x100xf32>
    %add3A_42 = arith.addf %dot_general3A_37, %add3A_41 : vector<512x100xf32>
    %max3A_43 = arith.constant 0.000000e+00 : f32
    %max3A_44 = vector.broadcast %max3A_43 : f32 to vector<512x100xf32>
    %max3A_45 = arith.maximumf %add3A_42, %max3A_44 : vector<512x100xf32>
    %get3A_46 = arith.constant 0 : index
    %get3A_47 = arith.constant 0 : index
    %get3A_48 = vector.load %arg8[%get3A_46, %get3A_47] : memref<100x100xf32, #tpu.memory_space<vmem>>, vector<100x100xf32>
    %dot_general3A_49 = arith.constant dense<0.000000e+00> : vector<512x100xf32>
    %dot_general3A_50 = tpu.matmul %max3A_45, %get3A_48, %dot_general3A_49 {dimension_numbers = #tpu.dot_dimension_numbers<[1], [0], [0], [1], [0, 0, 1, 1], [], []>, transpose_lhs_hint = false} : vector<512x100xf32>, vector<100x100xf32>, vector<512x100xf32> -> vector<512x100xf32>
    %get3A_51 = arith.constant 0 : index
    %get3A_52 = arith.constant 0 : index
    %get3A_53 = vector.load %arg9[%get3A_51, %get3A_52] : memref<1x100xf32, #tpu.memory_space<vmem>>, vector<1x100xf32>
    %add3A_54 = vector.broadcast %get3A_53 : vector<1x100xf32> to vector<512x100xf32>
    %add3A_55 = arith.addf %dot_general3A_50, %add3A_54 : vector<512x100xf32>
    %max3A_56 = arith.constant 0.000000e+00 : f32
    %max3A_57 = vector.broadcast %max3A_56 : f32 to vector<512x100xf32>
    %max3A_58 = arith.maximumf %add3A_55, %max3A_57 : vector<512x100xf32>
    %get3A_59 = arith.constant 0 : index
    %get3A_60 = arith.constant 0 : index
    %get3A_61 = vector.load %arg10[%get3A_59, %get3A_60] : memref<100x128xf32, #tpu.memory_space<vmem>>, vector<100x128xf32>
    %dot_general3A_62 = arith.constant dense<0.000000e+00> : vector<512x128xf32>
    %dot_general3A_63 = tpu.matmul %max3A_58, %get3A_61, %dot_general3A_62 {dimension_numbers = #tpu.dot_dimension_numbers<[1], [0], [0], [1], [0, 0, 1, 1], [], []>, transpose_lhs_hint = false} : vector<512x100xf32>, vector<100x128xf32>, vector<512x128xf32> -> vector<512x128xf32>
    %get3A_64 = arith.constant 0 : index
    %get3A_65 = arith.constant 0 : index
    %get3A_66 = vector.load %arg11[%get3A_64, %get3A_65] : memref<1x128xf32, #tpu.memory_space<vmem>>, vector<1x128xf32>
    %add3A_67 = vector.broadcast %get3A_66 : vector<1x128xf32> to vector<512x128xf32>
    %add3A_68 = arith.addf %dot_general3A_63, %add3A_67 : vector<512x128xf32>
    %reduce_sum3A = arith.constant dense<0.000000e+00> : vector<512xf32>
    %reduce_sum3A_69 = vector.multi_reduction <add>, %add3A_68, %reduce_sum3A [1] : vector<512x128xf32> to vector<512xf32>
    %broadcast_in_dim3A = vector.shape_cast %reduce_sum3A_69 : vector<512xf32> to vector<512x1xf32>
    %div3A = arith.constant 1.280000e+02 : f32
    %div3A_70 = vector.broadcast %div3A : f32 to vector<512x1xf32>
    %div3A_71 = arith.divf %broadcast_in_dim3A, %div3A_70 : vector<512x1xf32>
    %sub3A = vector.broadcast %div3A_71 : vector<512x1xf32> to vector<512x128xf32>
    %sub3A_72 = arith.subf %add3A_68, %sub3A : vector<512x128xf32>
    %integer_pow3A = arith.mulf %sub3A_72, %sub3A_72 : vector<512x128xf32>
    %reduce_sum3A_73 = arith.constant dense<0.000000e+00> : vector<512xf32>
    %reduce_sum3A_74 = vector.multi_reduction <add>, %integer_pow3A, %reduce_sum3A_73 [1] : vector<512x128xf32> to vector<512xf32>
    %broadcast_in_dim3A_75 = vector.shape_cast %reduce_sum3A_74 : vector<512xf32> to vector<512x1xf32>
    %div3A_76 = arith.constant 1.280000e+02 : f32
    %div3A_77 = vector.broadcast %div3A_76 : f32 to vector<512x1xf32>
    %div3A_78 = arith.divf %broadcast_in_dim3A_75, %div3A_77 : vector<512x1xf32>
    %sub3A_79 = vector.broadcast %div3A_71 : vector<512x1xf32> to vector<512x128xf32>
    %sub3A_80 = arith.subf %add3A_68, %sub3A_79 : vector<512x128xf32>
    %add3A_81 = arith.constant 9.99999974E-6 : f32
    %add3A_82 = vector.broadcast %add3A_81 : f32 to vector<512x1xf32>
    %add3A_83 = arith.addf %div3A_78, %add3A_82 : vector<512x1xf32>
    %sqrt3A = math.sqrt %add3A_83 : vector<512x1xf32>
    %div3A_84 = vector.broadcast %sqrt3A : vector<512x1xf32> to vector<512x128xf32>
    %div3A_85 = arith.divf %sub3A_80, %div3A_84 : vector<512x128xf32>
    %get3A_86 = arith.constant 0 : index
    %get3A_87 = arith.constant 0 : index
    %get3A_88 = vector.load %arg12[%get3A_86, %get3A_87] : memref<1x128xf32, #tpu.memory_space<vmem>>, vector<1x128xf32>
    %mul3A = vector.broadcast %get3A_88 : vector<1x128xf32> to vector<512x128xf32>
    %mul3A_89 = arith.mulf %div3A_85, %mul3A : vector<512x128xf32>
    %get3A_90 = arith.constant 0 : index
    %get3A_91 = arith.constant 0 : index
    %get3A_92 = vector.load %arg13[%get3A_90, %get3A_91] : memref<1x128xf32, #tpu.memory_space<vmem>>, vector<1x128xf32>
    %add3A_93 = vector.broadcast %get3A_92 : vector<1x128xf32> to vector<512x128xf32>
    %add3A_94 = arith.addf %mul3A_89, %add3A_93 : vector<512x128xf32>
    %add3A_95 = arith.addf %get3A_15, %add3A_94 : vector<512x128xf32>
    %swap3A = arith.constant 0 : index
    %swap3A_96 = arith.constant 0 : index
    %swap3A_97 = vector.load %arg14[%swap3A, %swap3A_96] : memref<512x128xf32, #tpu.memory_space<vmem>>, vector<512x128xf32>
    tpu.vector_store %arg14[%swap3A, %swap3A_96], %add3A_95 {strides = array<i32>} : memref<512x128xf32, #tpu.memory_space<vmem>>, vector<512x128xf32>,
    return
  }
}

module attributes {stable_mosaic.version = 14 : i64} {
  func.func @_tc_seg_body(%arg0: i32, %arg1: memref<1x1x800xi32, #tpu.memory_space<vmem>>, %arg2: memref<800x128xf32, #tpu.memory_space<vmem>>, %arg3: memref<512x128xf32, #tpu.memory_space<vmem>>) attributes {dimension_semantics = [#tpu.dimension_semantics<arbitrary>], iteration_bounds = array<i64: 13>, scalar_prefetch = 0 : i64, scratch_operands = 0 : i64, tpu.core_type = #tpu.core_type<tc>, window_params = [{transform_indices = @transform_0, window_bounds = array<i64: 1, 1, 800>}, {transform_indices = @transform_1, window_bounds = array<i64: 800, 128>}, {pipeline_mode = #tpu.pipeline_mode<synchronous>, transform_indices = @transform_2, window_bounds = array<i64: 512, 128>}]} {
    %get3A = arith.constant 0 : index
    %get3A_0 = arith.constant 0 : index
    %get3A_1 = arith.constant 0 : index
    %get3A_2 = vector.load %arg1[%get3A, %get3A_0, %get3A_1] : memref<1x1x800xi32, #tpu.memory_space<vmem>>, vector<1x1x800xi32>
    %get3A_3 = vector.shape_cast %get3A_2 : vector<1x1x800xi32> to vector<800xi32>
    %broadcast_in_dim3A = vector.shape_cast %get3A_3 : vector<800xi32> to vector<1x800xi32>
    %iota3A = tpu.iota {dimensions = array<i32: 0>} : vector<512x800xi32>
    %eq3A = vector.broadcast %broadcast_in_dim3A : vector<1x800xi32> to vector<512x800xi32>
    %eq3A_4 = arith.cmpi eq, %eq3A, %iota3A : vector<512x800xi32>
    %convert_element_type3A = arith.extui %eq3A_4 : vector<512x800xi1> to vector<512x800xi32>
    %convert_element_type3A_5 = arith.sitofp %convert_element_type3A : vector<512x800xi32> to vector<512x800xf32>
    %convert_element_type3A_6 = arith.truncf %convert_element_type3A_5 : vector<512x800xf32> to vector<512x800xbf16>
    %get3A_7 = arith.constant 0 : index
    %get3A_8 = arith.constant 0 : index
    %get3A_9 = vector.load %arg2[%get3A_7, %get3A_8] : memref<800x128xf32, #tpu.memory_space<vmem>>, vector<800x128xf32>
    %convert_element_type3A_10 = arith.truncf %get3A_9 : vector<800x128xf32> to vector<800x128xbf16>
    %dot_general3A = arith.constant dense<0.000000e+00> : vector<512x128xf32>
    %dot_general3A_11 = tpu.matmul %convert_element_type3A_6, %convert_element_type3A_10, %dot_general3A {dimension_numbers = #tpu.dot_dimension_numbers<[1], [0], [0], [1], [0, 0, 1, 1], [], []>, transpose_lhs_hint = false} : vector<512x800xbf16>, vector<800x128xbf16>, vector<512x128xf32> -> vector<512x128xf32>
    %eq3A_12 = arith.constant 0 : i32
    %eq3A_13 = arith.cmpi eq, %arg0, %eq3A_12 : i32
    %convert_element_type3A_14 = arith.extui %eq3A_13 : i1 to i32
    %cond3A = arith.constant 0 : i32
    %cond3A_15 = arith.cmpi ne, %convert_element_type3A_14, %cond3A : i32
    scf.if %cond3A_15 {
      %swap3A = arith.constant 0 : index
      %swap3A_20 = arith.constant 0 : index
      %swap3A_21 = vector.load %arg3[%swap3A, %swap3A_20] : memref<512x128xf32, #tpu.memory_space<vmem>>, vector<512x128xf32>
      tpu.vector_store %arg3[%swap3A, %swap3A_20], %dot_general3A_11 {strides = array<i32>} : memref<512x128xf32, #tpu.memory_space<vmem>>, vector<512x128xf32>,
    } else {
    }
    %gt3A = arith.constant 0 : i32
    %gt3A_16 = arith.cmpi sgt, %arg0, %gt3A : i32
    %convert_element_type3A_17 = arith.extui %gt3A_16 : i1 to i32
    %cond3A_18 = arith.constant 0 : i32
    %cond3A_19 = arith.cmpi ne, %convert_element_type3A_17, %cond3A_18 : i32
    scf.if %cond3A_19 {
      %get3A_20 = arith.constant 0 : index
      %get3A_21 = arith.constant 0 : index
      %get3A_22 = vector.load %arg3[%get3A_20, %get3A_21] : memref<512x128xf32, #tpu.memory_space<vmem>>, vector<512x128xf32>
      %add3A = arith.addf %get3A_22, %dot_general3A_11 : vector<512x128xf32>
      %swap3A = arith.constant 0 : index
      %swap3A_23 = arith.constant 0 : index
      %swap3A_24 = vector.load %arg3[%swap3A, %swap3A_23] : memref<512x128xf32, #tpu.memory_space<vmem>>, vector<512x128xf32>
      tpu.vector_store %arg3[%swap3A, %swap3A_23], %add3A {strides = array<i32>} : memref<512x128xf32, #tpu.memory_space<vmem>>, vector<512x128xf32>,
    } else {
    }
    return
  }
  func.func @transform_0(%arg0: i32) -> (i32, i32, i32) {
    %add3A = arith.constant 112 : i32
    %add3A_0 = arith.addi %add3A, %arg0 : i32
    %c0_i32 = arith.constant 0 : i32
    %c0_i32_1 = arith.constant 0 : i32
    %c0_i32_2 = arith.constant 0 : i32
    return %add3A_0, %c0_i32, %c0_i32_1 : i32, i32, i32
  }
  func.func @transform_1(%arg0: i32) -> (i32, i32) {
    %add3A = arith.constant 112 : i32
    %add3A_0 = arith.addi %add3A, %arg0 : i32
    %c0_i32 = arith.constant 0 : i32
    %c0_i32_1 = arith.constant 0 : i32
    return %add3A_0, %c0_i32 : i32, i32
  }
  func.func @transform_2(%arg0: i32) -> (i32, i32) {
    %c0_i32 = arith.constant 0 : i32
    %c0_i32_0 = arith.constant 0 : i32
    %c0_i32_1 = arith.constant 0 : i32
    return %c0_i32, %c0_i32_0 : i32, i32
  }
}

</mosaic_0001>

<sc_bundles>
// kernel: kernel.5.cloned.1.call-start
scs
__scs_entry_jumppad:
0x0: {  	(pc) =	sbr.rel $0x88, $3  }
0x1: {  	(tag) =	ssettag $0x0;
	lr =	simm.s32 $0x1  }
0x2: {  	[smem:$0x3F94] =	sst lr;
	_ =	strace $0xD0000000  }
0x3: {  	_ = 	snop  }
0x4: {  	_ = 	snop  }
0x5: {  	_ = 	snop  }
0x6: {  	_ = 	snop  }
0x7: {  	_ = 	snop  }
__scs_overlays_trampoline_lowered:
0x8: {  	[smem:$0x3FA3] =	sst s0  }
0x9: {  	[smem:$0x3FA4] =	sst s1  }
0xa: {  	[smem:$0x3FA5] =	sst s2  }
0xb: {  	[smem:$0x3FA6] =	sst s3  }
0xc: {  	[smem:$0x3FA7] =	sst s4  }
0xd: {  	[smem:$0x3FA8] =	sst s5  }
0xe: {  	[smem:$0x3FA9] =	sst s6  }
0xf: {  	[smem:$0x3FAA] =	sst s7  }
0x10: {  	[smem:$0x3FAB] =	sst s8  }
0x11: {  	[smem:$0x3FAC] =	sst s9;
	s0 =	simm.s32 @!p0 $0x0  }
0x12: {  	s1 =	sld [smem:$0x3F92];
	s0 =	simm.s32 @p0 $0x1  }
0x13: {  	[smem:$0x3FAD] =	sst s0;
	s0 =	simm.s32 @!p1 $0x0  }
0x14: {  	s2 =	sld [smem:$0x3F91];
	s0 =	simm.s32 @p1 $0x1  }
0x15: {  	[smem:$0x3FAE] =	sst s0;
	s0 =	simm.s32 @!p2 $0x0  }
0x16: {  	s3 =	sld [smem:$0x3FDB];
	s0 =	simm.s32 @p2 $0x1  }
0x17: {  	s4 =	simm.s32 $0x1BF5;
	[smem:$0x3FB0] =	sst s0  }
0x18: {  	s0 =	sld [smem:$0x3F93];
	_ =	swait.ge [sflag:s4], $0x0  }
0x19: {  	s7 =	sld [smem:$0x3F94]  }
0x1a: {  	s8 =	sadd.s32 $0xFFFFE003, lr  }
0x1b: {  	s9 =	sadd.s32 $0xFFFFFEF7, lr;
	s5 =	simm.s32 $0xFFFFFFFF;
	p2 =	slt.u32 s8, $0xFFFFF086  }
0x1c: {  	p1 =	slt.u32 s9, $0xF7A;
	s5 =	simm.s32 @!p2 $0x0  }
0x1d: {  	s5 =	simm.s32 @p1 $0x1;
	p0 =	seq.s32 s7, s2  }
0x1e: {  	s7 =	smul.u32 @!p0 $0xF7A, s2;
	p2 =	seq.s32 @!p0 s5, $0x0  }
0x1f: {  	s9 =	smul.u32 $0xF7A, s1;
	s8 =	simm.s32 @!p0 $0x1BF5;
	p2 =	por !p2, p0  }
0x20: {  	[sflag:s8] =	ssyncset.s32 @!p0 $0xFFFFF086;
	s6 =	sadd.s32 @!p0 s3, s7;
	s7 =	simm.s32 @!p0 $0x108  }
0x21: {  	s3 =	sadd.s32 s3, s9;
	s6 =	sadd.s32 @!p0 $0x88, s6;
	s7 =	simm.s32 @p2 $0x1082  }
0x22: {  	[simem:s7], [sflag:s8] =	dma.local @!p0 [hbm:s6], $0xF7A  }
0x23: {  	s9 =	sor.u32 $0xD0000000, s2;
	s6 =	simm.s32 $0x108;
	_ =	swait.ge @!p0 [sflag:s8], $0x0  }
0x24: {  	s3 =	sadd.s32 $0x88, s3;
	s6 =	simm.s32 @!p1 $0x1082;
	[sflag:s4] =	ssyncset.s32 $0xFFFFF086  }
0x25: {  	[simem:s6], [sflag:s4] =	dma.local [hbm:s3], $0xF7A  }
0x26: {  	[smem:$0x3F94] =	sst s1;
	(tag) =	ssettag s2;
	_ =	strace s9  }
0x27: {  	s1 =	sld [smem:$0x3FA4]  }
0x28: {  	s2 =	sld [smem:$0x3FA5]  }
0x29: {  	s4 =	sld [smem:$0x3FA7]  }
0x2a: {  	p0 =	seq.s32 s5, $0x0;
	s5 =	sld [smem:$0x3FA8]  }
0x2b: {  	s6 =	sld [smem:$0x3FA9]  }
0x2c: {  	s7 =	sld [smem:$0x3FAA]  }
0x2d: {  	s3 =	simm.s32 $0x108;
	s8 =	sld [smem:$0x3FAB]  }
0x2e: {  	s3 =	simm.s32 @!p0 $0x1082;
	s9 =	sld [smem:$0x3FAC]  }
0x2f: {  	lr =	sadd.s32 s0, s3;
	s0 =	sld [smem:$0x3FA3]  }
0x30: {  	s3 =	sld [smem:$0x3FA6]  }
0x31: {  	[smem:$0x3FAF] =	sst s10  }
0x32: {  	s10 =	sld [smem:$0x3FAD];
	_ =	sdelay $0x3  }
0x33: {  	p0 =	seq.s32 s10, $0x1;
	s10 =	sld [smem:$0x3FAF];
	_ =	sdelay $0x3  }
0x34: {  	[smem:$0x3FAF] =	sst s10  }
0x35: {  	s10 =	sld [smem:$0x3FAE];
	_ =	sdelay $0x3  }
0x36: {  	p1 =	seq.s32 s10, $0x1;
	s10 =	sld [smem:$0x3FAF];
	_ =	sdelay $0x3  }
0x37: {  	[smem:$0x3FAF] =	sst s10  }
0x38: {  	s10 =	sld [smem:$0x3FB0]  }
0x39: {  	_ = 	snop;
	(pc) =	sbr.ind lr, $3  }
0x3a: {  	_ = 	snop  }
0x3b: {  	_ = 	snop  }
0x3c: {  	p2 =	seq.s32 s10, $0x1;
	s10 =	sld [smem:$0x3FAF]  }
0x3d: {  	_ =	shalt  }
0x3e: {  	_ =	shalt  }
0x3f: {  	_ =	shalt  }
0x40: {  	_ =	shalt  }
0x41: {  	_ =	shalt  }
0x42: {  	_ =	shalt  }
0x43: {  	_ =	shalt  }
0x44: {  	_ =	shalt  }
0x45: {  	_ =	shalt  }
0x46: {  	_ =	shalt  }
0x47: {  	_ =	shalt  }
0x48: {  	_ =	shalt  }
0x49: {  	_ =	shalt  }
0x4a: {  	_ =	shalt  }
0x4b: {  	_ =	shalt  }
0x4c: {  	_ =	shalt  }
0x4d: {  	_ =	shalt  }
0x4e: {  	_ =	shalt  }
0x4f: {  	_ =	shalt  }
0x50: {  	_ =	shalt  }
0x51: {  	_ =	shalt  }
0x52: {  	_ =	shalt  }
0x53: {  	_ =	shalt  }
0x54: {  	_ =	shalt  }
0x55: {  	_ =	shalt  }
0x56: {  	_ =	shalt  }
0x57: {  	_ =	shalt  }
0x58: {  	_ =	shalt  }
0x59: {  	_ =	shalt  }
0x5a: {  	_ =	shalt  }
0x5b: {  	_ =	shalt  }
0x5c: {  	_ =	shalt  }
0x5d: {  	_ =	shalt  }
0x5e: {  	_ =	shalt  }
0x5f: {  	_ =	shalt  }
0x60: {  	_ =	shalt  }
0x61: {  	_ =	shalt  }
0x62: {  	_ =	shalt  }
0x63: {  	_ =	shalt  }
0x64: {  	_ =	shalt  }
0x65: {  	_ =	shalt  }
0x66: {  	_ =	shalt  }
0x67: {  	_ =	shalt  }
0x68: {  	_ =	shalt  }
0x69: {  	_ =	shalt  }
0x6a: {  	_ =	shalt  }
0x6b: {  	_ =	shalt  }
0x6c: {  	_ =	shalt  }
0x6d: {  	_ =	shalt  }
0x6e: {  	_ =	shalt  }
0x6f: {  	_ =	shalt  }
0x70: {  	_ =	shalt  }
0x71: {  	_ =	shalt  }
0x72: {  	_ =	shalt  }
0x73: {  	_ =	shalt  }
0x74: {  	_ =	shalt  }
0x75: {  	_ =	shalt  }
0x76: {  	_ =	shalt  }
0x77: {  	_ =	shalt  }
0x78: {  	_ =	shalt  }
0x79: {  	_ =	shalt  }
0x7a: {  	_ =	shalt  }
0x7b: {  	_ =	shalt  }
0x7c: {  	_ =	shalt  }
0x7d: {  	_ =	shalt  }
0x7e: {  	_ =	shalt  }
0x7f: {  	_ =	shalt  }
0x80: {  	_ =	shalt  }
0x81: {  	_ =	shalt  }
0x82: {  	_ =	shalt  }
0x83: {  	_ =	shalt  }
0x84: {  	_ =	shalt  }
0x85: {  	_ =	shalt  }
0x86: {  	_ =	shalt  }
0x87: {  	_ =	shalt  }
.Lfunc_end0:
.L_simem_size_0:
called_computation_lowered:
.L_overlay_start_0:
0x88: {  	s2 =	sld [smem:$0x3FD9]  }
0x89: {  	s3 =	sld [smem:$0x3FFE];
	_ =	sdelay $0x1  }
0x8a: {  	s1 =	srdreg.scid  }
0x8b: {  	s0 =	sand.u32 $0x1, s1  }
0x8c: {  	s17 =	sshll.u32 s0, $0xA;
	s2 =	sadd.s32 s3, s2  }
0x8d: {  	s2 =	sadd.s32 s2, s17  }
0x8e: {  	[smem:$0x3FBB] =	sst s2  }
0x8f: {  	_ = 	snop  }
0x90: {  	s2 =	sld [smem:$0x3FC9]  }
0x91: {  	s18 =	sld [smem:$0x3FC7];
	(tm) =	ssettm $0x1  }
0x92: {  	s4 =	sld [smem:$0x3FFB];
	_ =	sdelay $0x3  }
0x93: {  	_ =	strace s4  }
0x94: {  	s4 =	sld [smem:$0x3FFC];
	_ =	sdelay $0x3  }
0x95: {  	_ =	strace s4  }
0x96: {  	s4 =	sld [smem:$0x3FFD];
	_ =	sdelay $0x3  }
0x97: {  	_ =	strace s4  }
0x98: {  	_ =	strace $0x8FFFFFFF  }
0x99: {  	s19 =	sld [smem:$0x3FDB];
	_ =	sdelay $0x1  }
0x9a: {  	s5 =	simm.s32 $_scs_section_size  }
0x9b: {  	s6 =	simm.s32 $_size__tile_overlayer_lowered;
	s7 =	simm.s32 $_tile_overlayer_lowered  }
0x9c: {  	s22 =	simm.s32 $0x1BFF;
	s21 =	sshll.u32 s7, $0x1;
	s4 =	sadd.s32 s5, s19  }
0x9d: {  	s8 =	simm.s32 $0x0;
	s20 =	sshll.u32 s6, $0x1;
	s6 =	sadd.s32 s21, s4  }
0x9e: {  	[timem:s8], [sflag:s22] =	dma.local [hbm:s6], s20  }
0x9f: {  	_ =	swait.ge [sflag:s22], s20  }
0xa0: {  	s5 =	ssub.s32 $0x0, s20;
	[sflag:s22] =	ssyncset.done $0x0  }
0xa1: {  	[sflag:s22] =	ssyncadd.s32 s5;
	_ =	sdelay $0x1  }
0xa2: {  	s23 =	simm.s32 $0x1B8B  }
0xa3: {  	_ =	swait.ge [sflag:s23], $0x1  }
0xa4: {  	[sflag:s23] =	ssyncset.done $0x0  }
0xa5: {  	s25 =	simm.s32 $0x1B8E;
	s24 =	sld [smem:$0x3FFE];
	[sflag:s23] =	ssyncadd.s32 $0xFFFFFFFF  }
0xa6: {  	s26 =	simm.s32 $execute0_lowered;
	[smem:$0x3FD2] =	sst s25  }
0xa7: {  	s6 =	sshll.u32 s26, $0x1;
	_ =	strace $0x80000046;
	[dreg:$0x1] =	wrdreg $0xFFFFFFFF  }
0xa8: {  	s28 =	simm.s32 $_size_execute0_lowered;
	s4 =	sadd.s32 s4, s6;
	[dreg:$0x0] =	wrdreg $0x0  }
0xa9: {  	s6 =	sshll.u32 s28, $0x1;
	[dreg:$0x2] =	wrdreg s4  }
0xaa: {  	[dreg:$0x3] =	wrdreg s6  }
0xab: {  	[dreg:$0x4] =	wrdreg $0xC0  }
0xac: {  	_ =	task [dreg:s8], $0x5FFFF  }
0xad: {  	[dreg:$0x1] =	wrdreg $0xFFFFFFFF  }
0xae: {  	[dreg:$0x0] =	wrdreg $0x60  }
0xaf: {  	[dreg:$0x2] =	wrdreg s2  }
0xb0: {  	[dreg:$0x3] =	wrdreg s18  }
0xb1: {  	[dreg:$0x4] =	wrdreg s24  }
0xb2: {  	[dreg:$0x5] =	wrdreg $0xDA800  }
0xb3: {  	[dreg:$0x6] =	wrdreg $0x9  }
0xb4: {  	_ =	task.clear_ibuf [dreg:s8], $0x7FFFF;
	_ =	strace $0x90000046  }
0xb5: {  	s29 =	simm.s32 $0x9;
	_ =	strace $0x80000048  }
0xb6: {  	_ =	swait.ge [sflag:s29], $0x1  }
0xb7: {  	[sflag:s29] =	ssyncadd.s32 $0xFFFFFFFF  }
0xb8: {  	_ =	strace $0x90000048  }
0xb9: {  	_ =	sfence  }
0xba: {  	s30 =	sld [smem:$0x0];
	_ =	sdelay $0x2  }
0xbb: {  	s31 =	sshll.u32 s1, $0xD;
	s1 =	sshrl.u32 s1, $0x2  }
0xbc: {  	s3 =	sand.u32 $0x4000, s31;
	s1 =	sadd.s32 s1, s30  }
0xbd: {  	s0 =	sor.u32 s3, s0;
	s1 =	sshll.u32 s1, $0x11  }
0xbe: {  	s0 =	sor.u32 s1, s0  }
0xbf: {  	s0 =	sadd.s32 $0x8F2B, s0  }
0xc0: {  	[sflag:s0] =	ssyncadd.remote.s32 $0x1  }
0xc1: {  	_ =	sfence.sel $0xFFFF  }
0xc2: {  	[dreg:$0x0] =	wrdreg $0xFFFFFFFF;
	(pc) =	sbr.abs _section_cstart, $3  }
0xc3: {  	[dreg:$0x1] =	wrdreg $0xFFFFFFFF  }
0xc4: {  	_ =	task.clear_ibuf [dreg:s8], $0x2FFFF;
	_ =	strace $0x9FFFFFFF  }
0xc5: {  	(tm) =	ssettm $0x7FFFFFFF  }
tec
execute0_lowered:
.L_overlay_start_1:
0x0: {  	(tag) =	ssettag $0x1  }
0x1: {  	s1 =	rddreg [dreg:$0x0]  }
0x2: {  	s2 =	rddreg [dreg:$0x1]  }
0x3: {  	s6 =	rddreg [dreg:$0x2]  }
0x4: {  	s4 =	rddreg [dreg:$0x3];
	s5 =	simm.s32 $0x0;
	s0 =	stileid.u32  }
0x5: {  	s7 =	srdreg.scid;
	s17 =	simm.s32 $0x4;
	s20 =	simm.s32 $0x1  }
0x6: {  	s21 =	simm.s32 $0x2;
	s22 =	simm.s32 $0x10;
	s23 =	simm.s32 $0xDA00  }
0x7: {  	[smem:$0x7FF] =	sst s5;
	s11 =	sand.u32 $0x1, s7;
	s24 =	sshll.u32 s0, $0x1  }
0x8: {  	s8 =	sshll.u32 s0, $0x9;
	p0 =	slt.u32 s0, $0xE;
	s13 =	sshll.u32 s0, $0xC  }
0x9: {  	_ =	strace $0x80000047;
	s7 =	sor.u32 s11, s24;
	s9 =	ssub.s32 $0x2, s11  }
0xa: {  	s12 =	sadd.s32 s8, s6;
	s6 =	simm.s32 $0x16;
	s16 =	sshll.u32 s11, $0xD  }
0xb: {  	s24 =	simm.s32 $0xD200;
	s10 =	smul.u32 $0x15, s7;
	s25 =	sshrl.u32 s9, $0x1  }
0xc: {  	s7 =	smin.u32 s7, $0x1C;
	s6 =	simm.s32 @!p0 $0x15;
	s31 =	sadd.s32 s16, s12  }
0xd: {  	s14 =	ssub.s32 s9, s25;
	s25 =	simm.s32 $0x3;
	s7 =	sadd.s32 s7, s10  }
.Ltmp0:
0xe: {  	s14 =	smax.u32 s14, $0x1;
	s26 =	sshll.u32 s7, $0xB;
	(pc) =	sbr.rel .LBB2_1-.Ltmp0, $4  }
0xf: {  	s28 =	sshll.u32 s7, $0x4;
	s10 =	sshll.u32 s7, $0x7;
	s8 =	sadd.s32 s1, s26  }
0x10: {  	s9 =	sadd.s32 s2, s28;
	s15 =	sadd.s32 $0x80, s10;
	s10 =	sadd.s32 s13, s4  }
0x11: {  	s13 =	sadd.s32 $0x2000, s31;
	s29 =	sshll.u32 s15, $0x4;
	s30 =	sshrl.u32 s15, $0x3  }
0x12: {  	v0 =	vimm.f32 $0.0e+00;
	s26 =	simm.s32 $0x0;
	s11 =	sadd.s32 s1, s29;
	s12 =	sadd.s32 s2, s30  }
.LBB2_8:
0x13: {  	_ =	swait.ge [sflag:s25], $0x4000  }
0x14: {  	[sflag:s25] =	ssyncset.done $0x0  }
0x15: {  	[sflag:s25] =	ssyncadd.s32 $0xFFFFC000  }
.LBB2_9:
0x16: {  	s0 =	stileid.u32;
	s26 =	sadd.s32 $0x1, s26  }
0x17: {  	[bflag:$0x0] =	sbarrier.arrive $0xFFFF;
	s0 =	sshll.u32 s0, $0x6;
	p0 =	sne.s32 s26, s14  }
.Ltmp1:
0x18: {  	s3 =	sshrl.u32 s10, $0x3;
	s0 =	sor.u32 $0x1C04, s0;
	(pc) =	sbr.rel @!p0 .LBB2_10-.Ltmp1, $4  }
0x19: {  	[hbm:s13], [sflag:s0] =	dma.local [spmem:s3], $0x200  }
0x1a: {  	_ =	swait.ge [sflag:s17], $0x200  }
0x1b: {  	[sflag:s17] =	ssyncset.done $0x0  }
0x1c: {  	[sflag:s17] =	ssyncadd.s32 $0xFFFFFE00  }
.LBB2_1:
0x1d: {  	[tilespmem:s5], [sflag:$0x1] =	stream.linear.gather [hbm4b:s8+s5], $0x4000, $0x38;
	[tilespmem:$0xEA80] =	vst v63  }
0x1e: {  	s0 =	simm.s32 $0xC000  }
0x1f: {  	[tilespmem:s0], [sflag:$0x2] =	stream.linear.gather [hbm4b:s9+s5], $0x80, $0x38;
	[tilespmem:$0xEA80] =	vst v63  }
0x20: {  	[tilespmem:$0xC200] =	vst v0  }
0x21: {  	[tilespmem:$0xC210] =	vst v0  }
0x22: {  	[tilespmem:$0xC220] =	vst v0  }
0x23: {  	[tilespmem:$0xC230] =	vst v0  }
0x24: {  	[tilespmem:$0xC240] =	vst v0  }
0x25: {  	[tilespmem:$0xC250] =	vst v0  }
0x26: {  	[tilespmem:$0xC260] =	vst v0  }
0x27: {  	[tilespmem:$0xC270] =	vst v0  }
0x28: {  	[tilespmem:$0xC280] =	vst v0  }
0x29: {  	[tilespmem:$0xC290] =	vst v0  }
0x2a: {  	[tilespmem:$0xC2A0] =	vst v0  }
0x2b: {  	[tilespmem:$0xC2B0] =	vst v0  }
0x2c: {  	[tilespmem:$0xC2C0] =	vst v0  }
0x2d: {  	[tilespmem:$0xC2D0] =	vst v0  }
0x2e: {  	[tilespmem:$0xC2E0] =	vst v0  }
0x2f: {  	[tilespmem:$0xC2F0] =	vst v0  }
0x30: {  	[tilespmem:$0xC300] =	vst v0  }
0x31: {  	[tilespmem:$0xC310] =	vst v0  }
0x32: {  	[tilespmem:$0xC320] =	vst v0  }
0x33: {  	[tilespmem:$0xC330] =	vst v0  }
0x34: {  	[tilespmem:$0xC340] =	vst v0  }
0x35: {  	[tilespmem:$0xC350] =	vst v0  }
0x36: {  	[tilespmem:$0xC360] =	vst v0  }
0x37: {  	[tilespmem:$0xC370] =	vst v0  }
0x38: {  	[tilespmem:$0xC380] =	vst v0  }
0x39: {  	[tilespmem:$0xC390] =	vst v0  }
0x3a: {  	[tilespmem:$0xC3A0] =	vst v0  }
0x3b: {  	[tilespmem:$0xC3B0] =	vst v0  }
0x3c: {  	[tilespmem:$0xC3C0] =	vst v0  }
0x3d: {  	[tilespmem:$0xC3D0] =	vst v0  }
0x3e: {  	[tilespmem:$0xC3E0] =	vst v0  }
0x3f: {  	[tilespmem:$0xC3F0] =	vst v0  }
0x40: {  	[tilespmem:$0xC400] =	vst v0  }
0x41: {  	[tilespmem:$0xC410] =	vst v0  }
0x42: {  	[tilespmem:$0xC420] =	vst v0  }
0x43: {  	[tilespmem:$0xC430] =	vst v0  }
0x44: {  	[tilespmem:$0xC440] =	vst v0  }
0x45: {  	[tilespmem:$0xC450] =	vst v0  }
0x46: {  	[tilespmem:$0xC460] =	vst v0  }
0x47: {  	[tilespmem:$0xC470] =	vst v0  }
0x48: {  	[tilespmem:$0xC480] =	vst v0  }
0x49: {  	[tilespmem:$0xC490] =	vst v0  }
0x4a: {  	[tilespmem:$0xC4A0] =	vst v0  }
0x4b: {  	[tilespmem:$0xC4B0] =	vst v0  }
0x4c: {  	[tilespmem:$0xC4C0] =	vst v0  }
0x4d: {  	[tilespmem:$0xC4D0] =	vst v0  }
0x4e: {  	[tilespmem:$0xC4E0] =	vst v0  }
0x4f: {  	[tilespmem:$0xC4F0] =	vst v0  }
0x50: {  	[tilespmem:$0xC500] =	vst v0  }
0x51: {  	[tilespmem:$0xC510] =	vst v0  }
0x52: {  	[tilespmem:$0xC520] =	vst v0  }
0x53: {  	[tilespmem:$0xC530] =	vst v0  }
0x54: {  	[tilespmem:$0xC540] =	vst v0  }
0x55: {  	[tilespmem:$0xC550] =	vst v0  }
0x56: {  	[tilespmem:$0xC560] =	vst v0  }
0x57: {  	[tilespmem:$0xC570] =	vst v0  }
0x58: {  	[tilespmem:$0xC580] =	vst v0  }
0x59: {  	[tilespmem:$0xC590] =	vst v0  }
0x5a: {  	[tilespmem:$0xC5A0] =	vst v0  }
0x5b: {  	[tilespmem:$0xC5B0] =	vst v0  }
0x5c: {  	[tilespmem:$0xC5C0] =	vst v0  }
0x5d: {  	[tilespmem:$0xC5D0] =	vst v0  }
0x5e: {  	[tilespmem:$0xC5E0] =	vst v0  }
0x5f: {  	[tilespmem:$0xC5F0] =	vst v0  }
0x60: {  	[tilespmem:$0xC600] =	vst v0  }
0x61: {  	[tilespmem:$0xC610] =	vst v0  }
0x62: {  	[tilespmem:$0xC620] =	vst v0  }
0x63: {  	[tilespmem:$0xC630] =	vst v0  }
0x64: {  	[tilespmem:$0xC640] =	vst v0  }
0x65: {  	[tilespmem:$0xC650] =	vst v0  }
0x66: {  	[tilespmem:$0xC660] =	vst v0  }
0x67: {  	[tilespmem:$0xC670] =	vst v0  }
0x68: {  	[tilespmem:$0xC680] =	vst v0  }
0x69: {  	[tilespmem:$0xC690] =	vst v0  }
0x6a: {  	[tilespmem:$0xC6A0] =	vst v0  }
0x6b: {  	[tilespmem:$0xC6B0] =	vst v0  }
0x6c: {  	[tilespmem:$0xC6C0] =	vst v0  }
0x6d: {  	[tilespmem:$0xC6D0] =	vst v0  }
0x6e: {  	[tilespmem:$0xC6E0] =	vst v0  }
0x6f: {  	[tilespmem:$0xC6F0] =	vst v0  }
0x70: {  	[tilespmem:$0xC700] =	vst v0  }
0x71: {  	[tilespmem:$0xC710] =	vst v0  }
0x72: {  	[tilespmem:$0xC720] =	vst v0  }
0x73: {  	[tilespmem:$0xC730] =	vst v0  }
0x74: {  	[tilespmem:$0xC740] =	vst v0  }
0x75: {  	[tilespmem:$0xC750] =	vst v0  }
0x76: {  	[tilespmem:$0xC760] =	vst v0  }
0x77: {  	[tilespmem:$0xC770] =	vst v0  }
0x78: {  	[tilespmem:$0xC780] =	vst v0  }
0x79: {  	[tilespmem:$0xC790] =	vst v0  }
0x7a: {  	[tilespmem:$0xC7A0] =	vst v0  }
0x7b: {  	[tilespmem:$0xC7B0] =	vst v0  }
0x7c: {  	[tilespmem:$0xC7C0] =	vst v0  }
0x7d: {  	[tilespmem:$0xC7D0] =	vst v0  }
0x7e: {  	[tilespmem:$0xC7E0] =	vst v0  }
0x7f: {  	[tilespmem:$0xC7F0] =	vst v0  }
0x80: {  	[tilespmem:$0xC800] =	vst v0  }
0x81: {  	[tilespmem:$0xC810] =	vst v0  }
0x82: {  	[tilespmem:$0xC820] =	vst v0  }
0x83: {  	[tilespmem:$0xC830] =	vst v0  }
0x84: {  	[tilespmem:$0xC840] =	vst v0  }
0x85: {  	[tilespmem:$0xC850] =	vst v0  }
0x86: {  	[tilespmem:$0xC860] =	vst v0  }
0x87: {  	[tilespmem:$0xC870] =	vst v0  }
0x88: {  	[tilespmem:$0xC880] =	vst v0  }
0x89: {  	[tilespmem:$0xC890] =	vst v0  }
0x8a: {  	[tilespmem:$0xC8A0] =	vst v0  }
0x8b: {  	[tilespmem:$0xC8B0] =	vst v0  }
0x8c: {  	[tilespmem:$0xC8C0] =	vst v0  }
0x8d: {  	[tilespmem:$0xC8D0] =	vst v0  }
0x8e: {  	[tilespmem:$0xC8E0] =	vst v0  }
0x8f: {  	[tilespmem:$0xC8F0] =	vst v0  }
0x90: {  	[tilespmem:$0xC900] =	vst v0  }
0x91: {  	[tilespmem:$0xC910] =	vst v0  }
0x92: {  	[tilespmem:$0xC920] =	vst v0  }
0x93: {  	[tilespmem:$0xC930] =	vst v0  }
0x94: {  	[tilespmem:$0xC940] =	vst v0  }
0x95: {  	[tilespmem:$0xC950] =	vst v0  }
0x96: {  	[tilespmem:$0xC960] =	vst v0  }
0x97: {  	[tilespmem:$0xC970] =	vst v0  }
0x98: {  	[tilespmem:$0xC980] =	vst v0  }
0x99: {  	[tilespmem:$0xC990] =	vst v0  }
0x9a: {  	[tilespmem:$0xC9A0] =	vst v0  }
0x9b: {  	[tilespmem:$0xC9B0] =	vst v0  }
0x9c: {  	[tilespmem:$0xC9C0] =	vst v0  }
0x9d: {  	[tilespmem:$0xC9D0] =	vst v0  }
0x9e: {  	[tilespmem:$0xC9E0] =	vst v0  }
0x9f: {  	[tilespmem:$0xC9F0] =	vst v0  }
0xa0: {  	[tilespmem:$0xCA00] =	vst v0  }
0xa1: {  	[tilespmem:$0xCA10] =	vst v0  }
0xa2: {  	[tilespmem:$0xCA20] =	vst v0  }
0xa3: {  	[tilespmem:$0xCA30] =	vst v0  }
0xa4: {  	[tilespmem:$0xCA40] =	vst v0  }
0xa5: {  	[tilespmem:$0xCA50] =	vst v0  }
0xa6: {  	[tilespmem:$0xCA60] =	vst v0  }
0xa7: {  	[tilespmem:$0xCA70] =	vst v0  }
0xa8: {  	[tilespmem:$0xCA80] =	vst v0  }
0xa9: {  	[tilespmem:$0xCA90] =	vst v0  }
0xaa: {  	[tilespmem:$0xCAA0] =	vst v0  }
0xab: {  	[tilespmem:$0xCAB0] =	vst v0  }
0xac: {  	[tilespmem:$0xCAC0] =	vst v0  }
0xad: {  	[tilespmem:$0xCAD0] =	vst v0  }
0xae: {  	[tilespmem:$0xCAE0] =	vst v0  }
0xaf: {  	[tilespmem:$0xCAF0] =	vst v0  }
0xb0: {  	[tilespmem:$0xCB00] =	vst v0  }
0xb1: {  	[tilespmem:$0xCB10] =	vst v0  }
0xb2: {  	[tilespmem:$0xCB20] =	vst v0  }
0xb3: {  	[tilespmem:$0xCB30] =	vst v0  }
0xb4: {  	[tilespmem:$0xCB40] =	vst v0  }
0xb5: {  	[tilespmem:$0xCB50] =	vst v0  }
0xb6: {  	[tilespmem:$0xCB60] =	vst v0  }
0xb7: {  	[tilespmem:$0xCB70] =	vst v0  }
0xb8: {  	[tilespmem:$0xCB80] =	vst v0  }
0xb9: {  	[tilespmem:$0xCB90] =	vst v0  }
0xba: {  	[tilespmem:$0xCBA0] =	vst v0  }
0xbb: {  	[tilespmem:$0xCBB0] =	vst v0  }
0xbc: {  	[tilespmem:$0xCBC0] =	vst v0  }
0xbd: {  	[tilespmem:$0xCBD0] =	vst v0  }
0xbe: {  	[tilespmem:$0xCBE0] =	vst v0  }
0xbf: {  	[tilespmem:$0xCBF0] =	vst v0  }
0xc0: {  	[tilespmem:$0xCC00] =	vst v0  }
0xc1: {  	[tilespmem:$0xCC10] =	vst v0  }
0xc2: {  	[tilespmem:$0xCC20] =	vst v0  }
0xc3: {  	[tilespmem:$0xCC30] =	vst v0  }
0xc4: {  	[tilespmem:$0xCC40] =	vst v0  }
0xc5: {  	[tilespmem:$0xCC50] =	vst v0  }
0xc6: {  	[tilespmem:$0xCC60] =	vst v0  }
0xc7: {  	[tilespmem:$0xCC70] =	vst v0  }
0xc8: {  	[tilespmem:$0xCC80] =	vst v0  }
0xc9: {  	[tilespmem:$0xCC90] =	vst v0  }
0xca: {  	[tilespmem:$0xCCA0] =	vst v0  }
0xcb: {  	[tilespmem:$0xCCB0] =	vst v0  }
0xcc: {  	[tilespmem:$0xCCC0] =	vst v0  }
0xcd: {  	[tilespmem:$0xCCD0] =	vst v0  }
0xce: {  	[tilespmem:$0xCCE0] =	vst v0  }
0xcf: {  	[tilespmem:$0xCCF0] =	vst v0  }
0xd0: {  	[tilespmem:$0xCD00] =	vst v0  }
0xd1: {  	[tilespmem:$0xCD10] =	vst v0  }
0xd2: {  	[tilespmem:$0xCD20] =	vst v0  }
0xd3: {  	[tilespmem:$0xCD30] =	vst v0  }
0xd4: {  	[tilespmem:$0xCD40] =	vst v0  }
0xd5: {  	[tilespmem:$0xCD50] =	vst v0  }
0xd6: {  	[tilespmem:$0xCD60] =	vst v0  }
0xd7: {  	[tilespmem:$0xCD70] =	vst v0  }
0xd8: {  	[tilespmem:$0xCD80] =	vst v0  }
0xd9: {  	[tilespmem:$0xCD90] =	vst v0  }
0xda: {  	[tilespmem:$0xCDA0] =	vst v0  }
0xdb: {  	[tilespmem:$0xCDB0] =	vst v0  }
0xdc: {  	[tilespmem:$0xCDC0] =	vst v0  }
0xdd: {  	[tilespmem:$0xCDD0] =	vst v0  }
0xde: {  	[tilespmem:$0xCDE0] =	vst v0  }
0xdf: {  	[tilespmem:$0xCDF0] =	vst v0  }
0xe0: {  	[tilespmem:$0xCE00] =	vst v0  }
0xe1: {  	[tilespmem:$0xCE10] =	vst v0  }
0xe2: {  	[tilespmem:$0xCE20] =	vst v0  }
0xe3: {  	[tilespmem:$0xCE30] =	vst v0  }
0xe4: {  	[tilespmem:$0xCE40] =	vst v0  }
0xe5: {  	[tilespmem:$0xCE50] =	vst v0  }
0xe6: {  	[tilespmem:$0xCE60] =	vst v0  }
0xe7: {  	[tilespmem:$0xCE70] =	vst v0  }
0xe8: {  	[tilespmem:$0xCE80] =	vst v0  }
0xe9: {  	[tilespmem:$0xCE90] =	vst v0  }
0xea: {  	[tilespmem:$0xCEA0] =	vst v0  }
0xeb: {  	[tilespmem:$0xCEB0] =	vst v0  }
0xec: {  	[tilespmem:$0xCEC0] =	vst v0  }
0xed: {  	[tilespmem:$0xCED0] =	vst v0  }
0xee: {  	[tilespmem:$0xCEE0] =	vst v0  }
0xef: {  	[tilespmem:$0xCEF0] =	vst v0  }
0xf0: {  	[tilespmem:$0xCF00] =	vst v0  }
0xf1: {  	[tilespmem:$0xCF10] =	vst v0  }
0xf2: {  	[tilespmem:$0xCF20] =	vst v0  }
0xf3: {  	[tilespmem:$0xCF30] =	vst v0  }
0xf4: {  	[tilespmem:$0xCF40] =	vst v0  }
0xf5: {  	[tilespmem:$0xCF50] =	vst v0  }
0xf6: {  	[tilespmem:$0xCF60] =	vst v0  }
0xf7: {  	[tilespmem:$0xCF70] =	vst v0  }
0xf8: {  	[tilespmem:$0xCF80] =	vst v0  }
0xf9: {  	[tilespmem:$0xCF90] =	vst v0  }
0xfa: {  	[tilespmem:$0xCFA0] =	vst v0  }
0xfb: {  	[tilespmem:$0xCFB0] =	vst v0  }
0xfc: {  	[tilespmem:$0xCFC0] =	vst v0  }
0xfd: {  	[tilespmem:$0xCFD0] =	vst v0  }
0xfe: {  	[tilespmem:$0xCFE0] =	vst v0  }
0xff: {  	[tilespmem:$0xCFF0] =	vst v0  }
0x100: {  	[tilespmem:$0xD000] =	vst v0  }
0x101: {  	[tilespmem:$0xD010] =	vst v0  }
0x102: {  	[tilespmem:$0xD020] =	vst v0  }
0x103: {  	[tilespmem:$0xD030] =	vst v0  }
0x104: {  	[tilespmem:$0xD040] =	vst v0  }
0x105: {  	[tilespmem:$0xD050] =	vst v0  }
0x106: {  	[tilespmem:$0xD060] =	vst v0  }
0x107: {  	[tilespmem:$0xD070] =	vst v0  }
0x108: {  	[tilespmem:$0xD080] =	vst v0  }
0x109: {  	[tilespmem:$0xD090] =	vst v0  }
0x10a: {  	[tilespmem:$0xD0A0] =	vst v0  }
0x10b: {  	[tilespmem:$0xD0B0] =	vst v0  }
0x10c: {  	[tilespmem:$0xD0C0] =	vst v0  }
0x10d: {  	[tilespmem:$0xD0D0] =	vst v0  }
0x10e: {  	[tilespmem:$0xD0E0] =	vst v0  }
0x10f: {  	[tilespmem:$0xD0F0] =	vst v0  }
0x110: {  	[tilespmem:$0xD100] =	vst v0  }
0x111: {  	[tilespmem:$0xD110] =	vst v0  }
0x112: {  	[tilespmem:$0xD120] =	vst v0  }
0x113: {  	[tilespmem:$0xD130] =	vst v0  }
0x114: {  	[tilespmem:$0xD140] =	vst v0  }
0x115: {  	[tilespmem:$0xD150] =	vst v0  }
0x116: {  	[tilespmem:$0xD160] =	vst v0  }
0x117: {  	[tilespmem:$0xD170] =	vst v0  }
0x118: {  	[tilespmem:$0xD180] =	vst v0  }
0x119: {  	[tilespmem:$0xD190] =	vst v0  }
0x11a: {  	[tilespmem:$0xD1A0] =	vst v0  }
0x11b: {  	[tilespmem:$0xD1B0] =	vst v0  }
0x11c: {  	[tilespmem:$0xD1C0] =	vst v0  }
0x11d: {  	[tilespmem:$0xD1D0] =	vst v0  }
0x11e: {  	[tilespmem:$0xD1E0] =	vst v0  }
0x11f: {  	[tilespmem:$0xD1F0] =	vst v0  }
0x120: {  	[tilespmem:$0xD280] =	vst v0  }
0x121: {  	[tilespmem:$0xD290] =	vst v0  }
0x122: {  	[tilespmem:$0xD2A0] =	vst v0  }
0x123: {  	[tilespmem:$0xD2B0] =	vst v0  }
0x124: {  	[tilespmem:$0xD2C0] =	vst v0  }
0x125: {  	[tilespmem:$0xD2D0] =	vst v0  }
0x126: {  	[tilespmem:$0xD2E0] =	vst v0  }
0x127: {  	[tilespmem:$0xD2F0] =	vst v0  }
0x128: {  	[tilespmem:$0xD300] =	vst v0  }
0x129: {  	[tilespmem:$0xD310] =	vst v0  }
0x12a: {  	[tilespmem:$0xD320] =	vst v0  }
0x12b: {  	[tilespmem:$0xD330] =	vst v0  }
0x12c: {  	[tilespmem:$0xD340] =	vst v0  }
0x12d: {  	[tilespmem:$0xD350] =	vst v0  }
0x12e: {  	[tilespmem:$0xD360] =	vst v0  }
0x12f: {  	[tilespmem:$0xD370] =	vst v0  }
0x130: {  	[tilespmem:$0xD380] =	vst v0  }
0x131: {  	[tilespmem:$0xD390] =	vst v0  }
0x132: {  	[tilespmem:$0xD3A0] =	vst v0  }
0x133: {  	[tilespmem:$0xD3B0] =	vst v0  }
0x134: {  	[tilespmem:$0xD3C0] =	vst v0  }
0x135: {  	[tilespmem:$0xD3D0] =	vst v0  }
0x136: {  	[tilespmem:$0xD3E0] =	vst v0  }
0x137: {  	[tilespmem:$0xD3F0] =	vst v0  }
0x138: {  	[tilespmem:$0xD400] =	vst v0  }
0x139: {  	[tilespmem:$0xD410] =	vst v0  }
0x13a: {  	[tilespmem:$0xD420] =	vst v0  }
0x13b: {  	[tilespmem:$0xD430] =	vst v0  }
0x13c: {  	[tilespmem:$0xD440] =	vst v0  }
0x13d: {  	[tilespmem:$0xD450] =	vst v0  }
0x13e: {  	[tilespmem:$0xD460] =	vst v0  }
0x13f: {  	[tilespmem:$0xD470] =	vst v0  }
0x140: {  	[tilespmem:$0xD480] =	vst v0  }
0x141: {  	[tilespmem:$0xD490] =	vst v0  }
0x142: {  	[tilespmem:$0xD4A0] =	vst v0  }
0x143: {  	[tilespmem:$0xD4B0] =	vst v0  }
0x144: {  	[tilespmem:$0xD4C0] =	vst v0  }
0x145: {  	[tilespmem:$0xD4D0] =	vst v0  }
0x146: {  	[tilespmem:$0xD4E0] =	vst v0  }
0x147: {  	[tilespmem:$0xD4F0] =	vst v0  }
0x148: {  	[tilespmem:$0xD500] =	vst v0  }
0x149: {  	[tilespmem:$0xD510] =	vst v0  }
0x14a: {  	[tilespmem:$0xD520] =	vst v0  }
0x14b: {  	[tilespmem:$0xD530] =	vst v0  }
0x14c: {  	[tilespmem:$0xD540] =	vst v0  }
0x14d: {  	[tilespmem:$0xD550] =	vst v0  }
0x14e: {  	[tilespmem:$0xD560] =	vst v0  }
0x14f: {  	[tilespmem:$0xD570] =	vst v0  }
0x150: {  	[tilespmem:$0xD580] =	vst v0  }
0x151: {  	[tilespmem:$0xD590] =	vst v0  }
0x152: {  	[tilespmem:$0xD5A0] =	vst v0  }
0x153: {  	[tilespmem:$0xD5B0] =	vst v0  }
0x154: {  	[tilespmem:$0xD5C0] =	vst v0  }
0x155: {  	[tilespmem:$0xD5D0] =	vst v0  }
0x156: {  	[tilespmem:$0xD5E0] =	vst v0  }
0x157: {  	[tilespmem:$0xD5F0] =	vst v0  }
0x158: {  	[tilespmem:$0xD600] =	vst v0  }
0x159: {  	[tilespmem:$0xD610] =	vst v0  }
0x15a: {  	[tilespmem:$0xD620] =	vst v0  }
0x15b: {  	[tilespmem:$0xD630] =	vst v0  }
0x15c: {  	[tilespmem:$0xD640] =	vst v0  }
0x15d: {  	[tilespmem:$0xD650] =	vst v0  }
0x15e: {  	[tilespmem:$0xD660] =	vst v0  }
0x15f: {  	[tilespmem:$0xD670] =	vst v0  }
0x160: {  	[tilespmem:$0xD680] =	vst v0  }
0x161: {  	[tilespmem:$0xD690] =	vst v0  }
0x162: {  	[tilespmem:$0xD6A0] =	vst v0  }
0x163: {  	[tilespmem:$0xD6B0] =	vst v0  }
0x164: {  	[tilespmem:$0xD6C0] =	vst v0  }
0x165: {  	[tilespmem:$0xD6D0] =	vst v0  }
0x166: {  	[tilespmem:$0xD6E0] =	vst v0  }
0x167: {  	[tilespmem:$0xD6F0] =	vst v0  }
0x168: {  	[tilespmem:$0xD700] =	vst v0  }
0x169: {  	[tilespmem:$0xD710] =	vst v0  }
0x16a: {  	[tilespmem:$0xD720] =	vst v0  }
0x16b: {  	[tilespmem:$0xD730] =	vst v0  }
0x16c: {  	[tilespmem:$0xD740] =	vst v0  }
0x16d: {  	[tilespmem:$0xD750] =	vst v0  }
0x16e: {  	[tilespmem:$0xD760] =	vst v0  }
0x16f: {  	[tilespmem:$0xD770] =	vst v0  }
0x170: {  	[tilespmem:$0xD780] =	vst v0  }
0x171: {  	[tilespmem:$0xD790] =	vst v0  }
0x172: {  	[tilespmem:$0xD7A0] =	vst v0  }
0x173: {  	[tilespmem:$0xD7B0] =	vst v0  }
0x174: {  	[tilespmem:$0xD7C0] =	vst v0  }
0x175: {  	[tilespmem:$0xD7D0] =	vst v0  }
0x176: {  	[tilespmem:$0xD7E0] =	vst v0  }
0x177: {  	[tilespmem:$0xD7F0] =	vst v0  }
0x178: {  	[tilespmem:$0xD800] =	vst v0  }
0x179: {  	[tilespmem:$0xD810] =	vst v0  }
0x17a: {  	[tilespmem:$0xD820] =	vst v0  }
0x17b: {  	[tilespmem:$0xD830] =	vst v0  }
0x17c: {  	[tilespmem:$0xD840] =	vst v0  }
0x17d: {  	[tilespmem:$0xD850] =	vst v0  }
0x17e: {  	[tilespmem:$0xD860] =	vst v0  }
0x17f: {  	[tilespmem:$0xD870] =	vst v0  }
0x180: {  	[tilespmem:$0xD880] =	vst v0  }
0x181: {  	[tilespmem:$0xD890] =	vst v0  }
0x182: {  	[tilespmem:$0xD8A0] =	vst v0  }
0x183: {  	[tilespmem:$0xD8B0] =	vst v0  }
0x184: {  	[tilespmem:$0xD8C0] =	vst v0  }
0x185: {  	[tilespmem:$0xD8D0] =	vst v0  }
0x186: {  	[tilespmem:$0xD8E0] =	vst v0  }
0x187: {  	[tilespmem:$0xD8F0] =	vst v0  }
0x188: {  	[tilespmem:$0xD900] =	vst v0  }
0x189: {  	[tilespmem:$0xD910] =	vst v0  }
0x18a: {  	[tilespmem:$0xD920] =	vst v0  }
0x18b: {  	[tilespmem:$0xD930] =	vst v0  }
0x18c: {  	[tilespmem:$0xD940] =	vst v0  }
0x18d: {  	[tilespmem:$0xD950] =	vst v0  }
0x18e: {  	[tilespmem:$0xD960] =	vst v0  }
0x18f: {  	[tilespmem:$0xD970] =	vst v0  }
0x190: {  	[tilespmem:$0xD980] =	vst v0  }
0x191: {  	[tilespmem:$0xD990] =	vst v0  }
0x192: {  	[tilespmem:$0xD9A0] =	vst v0  }
0x193: {  	[tilespmem:$0xD9B0] =	vst v0  }
0x194: {  	[tilespmem:$0xD9C0] =	vst v0  }
0x195: {  	[tilespmem:$0xD9D0] =	vst v0  }
0x196: {  	[tilespmem:$0xD9E0] =	vst v0  }
0x197: {  	s19 =	simm.s32 $0xC200;
	[tilespmem:$0xD9F0] =	vst v0  }
0x198: {  	[spmem:s10] =	stream.linear.scatter [tilespmem:s19], [sflag:$0x4], $0x1000, $0x38;
	[tilespmem:$0xEA80] =	vst v63  }
0x199: {  	_ =	swait.ge [sflag:s17], $0x1000  }
0x19a: {  	[sflag:s17] =	ssyncset.done $0x0  }
.Ltmp2:
0x19b: {  	[sflag:s17] =	ssyncadd.s32 $0xFFFFF000;
	(pc) =	sbr.rel .LBB2_2-.Ltmp2, $4  }
0x19c: {  	s30 =	simm.s32 $0x4000;
	s31 =	simm.s32 $0xC080;
	[bflag:$0x0] =	sbarrier.arrive $0xFFFF  }
0x19d: {  	[tilespmem:s30], [sflag:$0x1] =	stream.linear.gather [hbm4b:s11+s5], $0x4000, $0x38;
	[tilespmem:$0xEA80] =	vst v63  }
0x19e: {  	p0 =	por $0x1, $0x1;
	s28 =	simm.s32 $0x0;
	s29 =	simm.s32 $0x0  }
0x19f: {  	[tilespmem:s31], [sflag:$0x2] =	stream.linear.gather [hbm4b:s12+s5], $0x80, $0x38;
	[tilespmem:$0xEA80] =	vst v63  }
.LBB2_7:
0x1a0: {  	s0 =	sadd.s32 $0x1, s28  }
0x1a1: {  	p1 =	sne.s32 s0, s6  }
.Ltmp3:
0x1a2: {  	_ = 	snop;
	(pc) =	sbr.rel @!p1 .LBB2_8-.Ltmp3, $1  }
0x1a3: {  	_ =	sdelay $0x3  }
.LBB2_6:
0x1a4: {  	s29 =	sadd.s32 $0x4000, s29;
	s28 =	sadd.s32 $0x1, s28  }
.LBB2_2:
0x1a5: {  	s30 =	smulhi.u32 $0xAAAAAAAB, s28;
	_ =	sdelay $0x1  }
0x1a6: {  	_ =	swait.ge [sflag:s20], $0x4000;
	s30 =	sshrl.u32 s30, $0x1  }
0x1a7: {  	[sflag:s20] =	ssyncset.done $0x0;
	s31 =	smul.u32 $0x3, s30  }
0x1a8: {  	[sflag:s20] =	ssyncadd.s32 $0xFFFFC000  }
0x1a9: {  	_ =	swait.ge [sflag:s21], $0x80;
	s31 =	ssub.s32 s28, s31  }
0x1aa: {  	[sflag:s21] =	ssyncset.done $0x0;
	s0 =	sshll.u32 s31, $0x7  }
0x1ab: {  	[sflag:s21] =	ssyncadd.s32 $0xFFFFFF80;
	s15 =	sor.u32 $0xC070, s0  }
0x1ac: {  	s0 =	sor.u32 $0xC000, s0;
	v2 =	vld [tilespmem:s15+$0x0]  }
0x1ad: {  	v1 =	vld [tilespmem:s0+$0x0];
	_ =	sdelay $0x3  }
0x1ae: {  	(v2sf) =	vpush v2, $0xF  }
0x1af: {  	(v2sf) =	vpush v1, $0x0;
	_ =	sdelay $0xd  }
0x1b0: {  	s15 =	spop (v2sf)  }
0x1b1: {  	s18 =	sadd.s32 $0x2, s28;
	s16 =	spop (v2sf)  }
0x1b2: {  	p2 =	por p0, p0;
	p1 =	sge.u32 s18, s6;
	p0 =	seq.s32 s15, s16  }
0x1b3: {  	s3 =	smulhi.u32 @!p1 $0xAAAAAAAB, s18;
	s31 =	sshll.u32 s31, $0xE;
	s19 =	simm.s32 @!p0 $0x80  }
0x1b4: {  	[spmem:s4] =	stream.indirect.scatter.add.f32 @!p0 [tilespmem:s31], [sflag:$0x3], $0x80, s0, s19, $0xb8;
	[tilespmem:$0xEA80] =	vst v63  }
0x1b5: {  	s3 =	sshrl.u32 @!p1 s3, $0x1;
	s0 =	simm.s32 @!p2 $0x3  }
0x1b6: {  	s3 =	smul.u32 @!p1 $0x3, s3;
	s19 =	sadd.s32 @!p1 s7, s18;
	_ =	swait.ge @!p2 [sflag:s0], $0x4000  }
0x1b7: {  	s31 =	sshll.u32 @!p1 s19, $0xB;
	[sflag:s0] =	ssyncset.done @!p2 $0x0  }
0x1b8: {  	[sflag:s0] =	ssyncadd.s32 @!p2 $0xFFFFC000;
	s0 =	ssub.s32 @!p1 s18, s3;
	s3 =	sand.u32 @!p1 $0x1FFFF800, s31  }
0x1b9: {  	s31 =	simm.s32 @!p1 $0x0;
	s18 =	sshll.u32 @!p1 s0, $0xE;
	s3 =	sadd.s32 @!p1 s1, s3  }
0x1ba: {  	[tilespmem:s18], [sflag:$0x1] =	stream.linear.gather @!p1 [hbm4b:s3+s31], $0x4000, $0x38;
	[tilespmem:$0xEA80] =	vst v63  }
0x1bb: {  	s3 =	sshll.u32 @!p1 s19, $0x4  }
0x1bc: {  	s0 =	sshll.u32 @!p1 s0, $0x7;
	s3 =	sand.u32 @!p1 $0x1FFFFFF0, s3  }
0x1bd: {  	s0 =	sor.u32 @!p1 $0xC000, s0;
	s3 =	sadd.s32 @!p1 s2, s3  }
0x1be: {  	[tilespmem:s0], [sflag:$0x2] =	stream.linear.gather @!p1 [hbm4b:s3+s31], $0x80, $0x38;
	[tilespmem:$0xEA80] =	vst v63  }
0x1bf: {  	p1 =	sne.s32 s15, s16  }
.Ltmp4:
0x1c0: {  	_ = 	snop;
	(pc) =	sbr.rel @p1 .LBB2_7-.Ltmp4, $1  }
0x1c1: {  	_ =	sdelay $0x3  }
0x1c2: {  	s0 =	smul.u32 $0xFFFD0000, s30;
	_ =	sdelay $0x1  }
0x1c3: {  	s0 =	sshra.s32 s0, $0x2  }
0x1c4: {  	s0 =	sadd.s32 s0, s29  }
0x1c5: {  	v4 =	vmov s0;
	_ =	sdelay $0x3  }
0x1c6: {  	s30 =	simm.s32 $0x0  }
0x1c7: {  	v9 =	vld.idx.msk [tilespmem:v4+s30+$0x380 ss:$0x1], $0xffff  }
0x1c8: {  	v10 =	vld.idx.msk [tilespmem:v4+s30+$0x390 ss:$0x1], $0xffff  }
0x1c9: {  	v11 =	vld.idx.msk [tilespmem:v4+s30+$0x3A0 ss:$0x1], $0xffff  }
0x1ca: {  	v12 =	vld.idx.msk [tilespmem:v4+s30+$0x3B0 ss:$0x1], $0xffff  }
0x1cb: {  	v3 =	vld.idx.msk [tilespmem:v4+s30+$0x3C0 ss:$0x1], $0xffff  }
0x1cc: {  	v2 =	vld.idx.msk [tilespmem:v4+s30+$0x3D0 ss:$0x1], $0xffff  }
0x1cd: {  	v17 =	vld.idx.msk [tilespmem:v4+s30+$0x300 ss:$0x1], $0xffff  }
0x1ce: {  	v19 =	vld.idx.msk [tilespmem:v4+s30+$0x310 ss:$0x1], $0xffff  }
0x1cf: {  	v16 =	vld.idx.msk [tilespmem:v4+s30+$0x320 ss:$0x1], $0xffff  }
0x1d0: {  	v18 =	vld.idx.msk [tilespmem:v4+s30+$0x330 ss:$0x1], $0xffff  }
0x1d1: {  	v6 =	vld.idx.msk [tilespmem:v4+s30+$0x340 ss:$0x1], $0xffff  }
0x1d2: {  	v5 =	vld.idx.msk [tilespmem:v4+s30+$0x350 ss:$0x1], $0xffff  }
0x1d3: {  	v20 =	vld.idx.msk [tilespmem:v4+s30+$0x280 ss:$0x1], $0xffff  }
0x1d4: {  	v21 =	vld.idx.msk [tilespmem:v4+s30+$0x290 ss:$0x1], $0xffff  }
0x1d5: {  	v22 =	vld.idx.msk [tilespmem:v4+s30+$0x2A0 ss:$0x1], $0xffff  }
0x1d6: {  	v24 =	vld.idx.msk [tilespmem:v4+s30+$0x2B0 ss:$0x1], $0xffff  }
0x1d7: {  	v8 =	vld.idx.msk [tilespmem:v4+s30+$0x2C0 ss:$0x1], $0xffff  }
0x1d8: {  	v7 =	vld.idx.msk [tilespmem:v4+s30+$0x2D0 ss:$0x1], $0xffff  }
0x1d9: {  	v23 =	vld.idx.msk [tilespmem:v4+s30+$0x200 ss:$0x1], $0xffff  }
0x1da: {  	v27 =	vld.idx.msk [tilespmem:v4+s30+$0x210 ss:$0x1], $0xffff  }
0x1db: {  	v28 =	vld.idx.msk [tilespmem:v4+s30+$0x220 ss:$0x1], $0xffff  }
0x1dc: {  	v29 =	vld.idx.msk [tilespmem:v4+s30+$0x230 ss:$0x1], $0xffff  }
0x1dd: {  	v14 =	vld.idx.msk [tilespmem:v4+s30+$0x240 ss:$0x1], $0xffff  }
0x1de: {  	v13 =	vld.idx.msk [tilespmem:v4+s30+$0x250 ss:$0x1], $0xffff  }
0x1df: {  	v30 =	vld.idx.msk [tilespmem:v4+s30+$0x180 ss:$0x1], $0xffff  }
0x1e0: {  	v33 =	vld.idx.msk [tilespmem:v4+s30+$0x190 ss:$0x1], $0xffff  }
0x1e1: {  	v31 =	vld.idx.msk [tilespmem:v4+s30+$0x100 ss:$0x1], $0xffff  }
0x1e2: {  	v32 =	vld.idx.msk [tilespmem:v4+s30+$0x110 ss:$0x1], $0xffff  }
0x1e3: {  	v25 =	vld.idx.msk [tilespmem:v4+s30+$0x80 ss:$0x1], $0xffff  }
0x1e4: {  	v26 =	vld.idx.msk [tilespmem:v4+s30+$0x90 ss:$0x1], $0xffff  }
0x1e5: {  	v34 =	vld.idx.msk [tilespmem:v4+s30+$0x0 ss:$0x1], $0xffff  }
0x1e6: {  	v35 =	vld.idx.msk [tilespmem:v4+s30+$0x10 ss:$0x1], $0xffff  }
0x1e7: {  	v36 =	vld.idx.msk [tilespmem:v4+s30+$0x20 ss:$0x1], $0xffff  }
0x1e8: {  	v37 =	vld.idx.msk [tilespmem:v4+s30+$0x30 ss:$0x1], $0xffff  }
0x1e9: {  	v38 =	vld.idx.msk [tilespmem:v4+s30+$0xA0 ss:$0x1], $0xffff  }
0x1ea: {  	v39 =	vld.idx.msk [tilespmem:v4+s30+$0xB0 ss:$0x1], $0xffff  }
0x1eb: {  	v15 =	vimm.f32 $0.0e+00;
	v40 =	vld.idx.msk [tilespmem:v4+s30+$0x120 ss:$0x1], $0xffff  }
0x1ec: {  	v41 =	vld.idx.msk [tilespmem:v4+s30+$0x130 ss:$0x1], $0xffff;
	v34 =	vadd.f32 v34, v15;
	v35 =	vadd.f32 v35, v15  }
0x1ed: {  	v42 =	vld.idx.msk [tilespmem:v4+s30+$0x1A0 ss:$0x1], $0xffff;
	v36 =	vadd.f32 v36, v15;
	v37 =	vadd.f32 v37, v15  }
0x1ee: {  	v43 =	vld.idx.msk [tilespmem:v4+s30+$0x1B0 ss:$0x1], $0xffff;
	v34 =	vadd.f32 v25, v34;
	v35 =	vadd.f32 v26, v35  }
0x1ef: {  	v25 =	vld.idx.msk [tilespmem:v4+s30+$0x1C0 ss:$0x1], $0xffff;
	v36 =	vadd.f32 v38, v36;
	v37 =	vadd.f32 v39, v37  }
0x1f0: {  	v26 =	vld.idx.msk [tilespmem:v4+s30+$0x1D0 ss:$0x1], $0xffff;
	v34 =	vadd.f32 v31, v34;
	v35 =	vadd.f32 v32, v35  }
0x1f1: {  	v31 =	vld.idx.msk [tilespmem:v4+s30+$0x140 ss:$0x1], $0xffff;
	v36 =	vadd.f32 v40, v36;
	v37 =	vadd.f32 v41, v37  }
0x1f2: {  	v32 =	vld.idx.msk [tilespmem:v4+s30+$0x150 ss:$0x1], $0xffff;
	v30 =	vadd.f32 v30, v34;
	v35 =	vadd.f32 v33, v35  }
0x1f3: {  	v33 =	vld.idx.msk [tilespmem:v4+s30+$0xC0 ss:$0x1], $0xffff;
	v36 =	vadd.f32 v42, v36;
	v37 =	vadd.f32 v43, v37  }
0x1f4: {  	v34 =	vld.idx.msk [tilespmem:v4+s30+$0xD0 ss:$0x1], $0xffff;
	v23 =	vadd.f32 v23, v30;
	v30 =	vadd.f32 v27, v35  }
0x1f5: {  	v35 =	vld.idx.msk [tilespmem:v4+s30+$0x40 ss:$0x1], $0xffff;
	v27 =	vadd.f32 v28, v36;
	v28 =	vadd.f32 v29, v37  }
0x1f6: {  	v36 =	vld.idx.msk [tilespmem:v4+s30+$0x50 ss:$0x1], $0xffff;
	v29 =	vadd.f32 v20, v23;
	v30 =	vadd.f32 v21, v30  }
0x1f7: {  	s31 =	simm.s32 $0x1000;
	v37 =	vld.idx.msk [tilespmem:v4+s30+$0x60 ss:$0x1], $0xffff;
	v23 =	vimm.f32 $0.0e+00;
	v21 =	vimm.f32 $0.0e+00;
	v20 =	vimm.f32 $0.0e+00  }
.LBB2_4:
0x1f8: {  	p1 =	sne.s32 s31, $0xF000;
	v22 =	vadd.f32 v22, v27;
	v24 =	vadd.f32 v24, v28;
	v38 =	vld.idx.msk [tilespmem:v4+s30+$0x70 ss:$0x1], $0xffff  }
0x1f9: {  	v17 =	vadd.f32 v17, v29;
	v19 =	vadd.f32 v19, v30;
	v39 =	vld.idx.msk [tilespmem:v4+s30+$0xE0 ss:$0x1], $0xffff  }
0x1fa: {  	v16 =	vadd.f32 v16, v22;
	v18 =	vadd.f32 v18, v24;
	v22 =	vld.idx.msk [tilespmem:v4+s30+$0xF0 ss:$0x1], $0xffff  }
0x1fb: {  	v27 =	vadd.f32 v9, v17;
	v28 =	vadd.f32 v10, v19;
	v9 =	vld.idx.msk [tilespmem:v4+s30+$0x160 ss:$0x1], $0xffff  }
0x1fc: {  	v29 =	vadd.f32 v11, v16;
	v30 =	vadd.f32 v12, v18;
	v10 =	vld.idx.msk [tilespmem:v4+s30+$0x170 ss:$0x1], $0xffff  }
0x1fd: {  	v11 =	vadd.f32 v35, v15;
	v12 =	vadd.f32 v36, v23;
	v15 =	vld.idx.msk [tilespmem:v4+s30+$0x1E0 ss:$0x1], $0xffff  }
0x1fe: {  	v16 =	vadd.f32 v37, v21;
	v17 =	vadd.f32 v38, v20;
	v18 =	vld.idx.msk [tilespmem:v4+s30+$0x1F0 ss:$0x1], $0xffff  }
0x1ff: {  	v11 =	vadd.f32 v33, v11;
	v12 =	vadd.f32 v34, v12;
	v19 =	vld.idx.msk [tilespmem:v4+s30+$0x260 ss:$0x1], $0xffff  }
0x200: {  	v16 =	vadd.f32 v39, v16;
	v17 =	vadd.f32 v22, v17;
	v20 =	vld.idx.msk [tilespmem:v4+s30+$0x270 ss:$0x1], $0xffff  }
0x201: {  	v11 =	vadd.f32 v31, v11;
	v12 =	vadd.f32 v32, v12;
	v21 =	vld.idx.msk [tilespmem:v4+s30+$0x2E0 ss:$0x1], $0xffff  }
0x202: {  	v9 =	vadd.f32 v9, v16;
	v10 =	vadd.f32 v10, v17;
	v16 =	vld.idx.msk [tilespmem:v4+s30+$0x2F0 ss:$0x1], $0xffff  }
0x203: {  	v11 =	vadd.f32 v25, v11;
	v12 =	vadd.f32 v26, v12;
	v17 =	vld.idx.msk [tilespmem:v4+s30+$0x360 ss:$0x1], $0xffff  }
0x204: {  	v9 =	vadd.f32 v15, v9;
	v10 =	vadd.f32 v18, v10;
	v15 =	vld.idx.msk [tilespmem:v4+s30+$0x370 ss:$0x1], $0xffff  }
0x205: {  	v11 =	vadd.f32 v14, v11;
	v12 =	vadd.f32 v13, v12;
	v13 =	vld.idx.msk [tilespmem:v4+s30+$0x3E0 ss:$0x1], $0xffff  }
0x206: {  	v14 =	vadd.f32 v19, v9;
	v18 =	vadd.f32 v20, v10;
	v19 =	vld.idx.msk [tilespmem:v4+s30+$0x3F0 ss:$0x1], $0xffff;
	s30 =	sshra.s32 s31, $0x2  }
0x207: {  	v8 =	vadd.f32 v8, v11;
	v7 =	vadd.f32 v7, v12;
	v9 =	vld.idx.msk [tilespmem:v4+s30+$0x380 ss:$0x1], $0xffff  }
0x208: {  	v14 =	vadd.f32 v21, v14;
	v16 =	vadd.f32 v16, v18;
	v10 =	vld.idx.msk [tilespmem:v4+s30+$0x390 ss:$0x1], $0xffff  }
0x209: {  	v6 =	vadd.f32 v6, v8;
	v5 =	vadd.f32 v5, v7;
	v11 =	vld.idx.msk [tilespmem:v4+s30+$0x3A0 ss:$0x1], $0xffff  }
0x20a: {  	v7 =	vadd.f32 v17, v14;
	v8 =	vadd.f32 v15, v16;
	v12 =	vld.idx.msk [tilespmem:v4+s30+$0x3B0 ss:$0x1], $0xffff  }
0x20b: {  	v15 =	vadd.f32 v3, v6;
	v23 =	vadd.f32 v2, v5;
	v3 =	vld.idx.msk [tilespmem:v4+s30+$0x3C0 ss:$0x1], $0xffff  }
0x20c: {  	v21 =	vadd.f32 v13, v7;
	v20 =	vadd.f32 v19, v8;
	v2 =	vld.idx.msk [tilespmem:v4+s30+$0x3D0 ss:$0x1], $0xffff  }
0x20d: {  	v17 =	vld.idx.msk [tilespmem:v4+s30+$0x300 ss:$0x1], $0xffff  }
0x20e: {  	v19 =	vld.idx.msk [tilespmem:v4+s30+$0x310 ss:$0x1], $0xffff  }
0x20f: {  	v16 =	vld.idx.msk [tilespmem:v4+s30+$0x320 ss:$0x1], $0xffff  }
0x210: {  	v18 =	vld.idx.msk [tilespmem:v4+s30+$0x330 ss:$0x1], $0xffff  }
0x211: {  	v6 =	vld.idx.msk [tilespmem:v4+s30+$0x340 ss:$0x1], $0xffff  }
0x212: {  	v5 =	vld.idx.msk [tilespmem:v4+s30+$0x350 ss:$0x1], $0xffff  }
0x213: {  	v37 =	vld.idx.msk [tilespmem:v4+s30+$0x280 ss:$0x1], $0xffff  }
0x214: {  	v38 =	vld.idx.msk [tilespmem:v4+s30+$0x290 ss:$0x1], $0xffff  }
0x215: {  	v22 =	vld.idx.msk [tilespmem:v4+s30+$0x2A0 ss:$0x1], $0xffff  }
0x216: {  	v24 =	vld.idx.msk [tilespmem:v4+s30+$0x2B0 ss:$0x1], $0xffff  }
0x217: {  	v8 =	vld.idx.msk [tilespmem:v4+s30+$0x2C0 ss:$0x1], $0xffff  }
0x218: {  	v7 =	vld.idx.msk [tilespmem:v4+s30+$0x2D0 ss:$0x1], $0xffff  }
0x219: {  	v35 =	vld.idx.msk [tilespmem:v4+s30+$0x200 ss:$0x1], $0xffff  }
0x21a: {  	v36 =	vld.idx.msk [tilespmem:v4+s30+$0x210 ss:$0x1], $0xffff  }
0x21b: {  	v39 =	vld.idx.msk [tilespmem:v4+s30+$0x220 ss:$0x1], $0xffff  }
0x21c: {  	v40 =	vld.idx.msk [tilespmem:v4+s30+$0x230 ss:$0x1], $0xffff  }
0x21d: {  	v14 =	vld.idx.msk [tilespmem:v4+s30+$0x240 ss:$0x1], $0xffff  }
0x21e: {  	v13 =	vld.idx.msk [tilespmem:v4+s30+$0x250 ss:$0x1], $0xffff  }
0x21f: {  	v33 =	vld.idx.msk [tilespmem:v4+s30+$0x180 ss:$0x1], $0xffff  }
0x220: {  	v34 =	vld.idx.msk [tilespmem:v4+s30+$0x190 ss:$0x1], $0xffff  }
0x221: {  	v31 =	vld.idx.msk [tilespmem:v4+s30+$0x100 ss:$0x1], $0xffff  }
0x222: {  	v32 =	vld.idx.msk [tilespmem:v4+s30+$0x110 ss:$0x1], $0xffff  }
0x223: {  	v25 =	vld.idx.msk [tilespmem:v4+s30+$0x80 ss:$0x1], $0xffff  }
0x224: {  	v26 =	vld.idx.msk [tilespmem:v4+s30+$0x90 ss:$0x1], $0xffff  }
0x225: {  	v41 =	vld.idx.msk [tilespmem:v4+s30+$0x0 ss:$0x1], $0xffff  }
0x226: {  	v42 =	vld.idx.msk [tilespmem:v4+s30+$0x10 ss:$0x1], $0xffff  }
0x227: {  	v43 =	vld.idx.msk [tilespmem:v4+s30+$0x20 ss:$0x1], $0xffff  }
0x228: {  	v44 =	vld.idx.msk [tilespmem:v4+s30+$0x30 ss:$0x1], $0xffff  }
0x229: {  	v45 =	vld.idx.msk [tilespmem:v4+s30+$0xA0 ss:$0x1], $0xffff  }
0x22a: {  	v46 =	vld.idx.msk [tilespmem:v4+s30+$0xB0 ss:$0x1], $0xffff  }
0x22b: {  	v47 =	vld.idx.msk [tilespmem:v4+s30+$0x120 ss:$0x1], $0xffff  }
0x22c: {  	v48 =	vld.idx.msk [tilespmem:v4+s30+$0x130 ss:$0x1], $0xffff  }
0x22d: {  	v27 =	vadd.f32 v41, v27;
	v28 =	vadd.f32 v42, v28;
	v41 =	vld.idx.msk [tilespmem:v4+s30+$0x1A0 ss:$0x1], $0xffff  }
0x22e: {  	v29 =	vadd.f32 v43, v29;
	v30 =	vadd.f32 v44, v30;
	v42 =	vld.idx.msk [tilespmem:v4+s30+$0x1B0 ss:$0x1], $0xffff  }
0x22f: {  	v27 =	vadd.f32 v25, v27;
	v28 =	vadd.f32 v26, v28;
	v25 =	vld.idx.msk [tilespmem:v4+s30+$0x1C0 ss:$0x1], $0xffff  }
0x230: {  	v29 =	vadd.f32 v45, v29;
	v30 =	vadd.f32 v46, v30;
	v26 =	vld.idx.msk [tilespmem:v4+s30+$0x1D0 ss:$0x1], $0xffff  }
0x231: {  	v27 =	vadd.f32 v31, v27;
	v28 =	vadd.f32 v32, v28;
	v31 =	vld.idx.msk [tilespmem:v4+s30+$0x140 ss:$0x1], $0xffff  }
0x232: {  	v29 =	vadd.f32 v47, v29;
	v30 =	vadd.f32 v48, v30;
	v32 =	vld.idx.msk [tilespmem:v4+s30+$0x150 ss:$0x1], $0xffff  }
.Ltmp5:
0x233: {  	v27 =	vadd.f32 v33, v27;
	v28 =	vadd.f32 v34, v28;
	v33 =	vld.idx.msk [tilespmem:v4+s30+$0xC0 ss:$0x1], $0xffff;
	(pc) =	sbr.rel @p1 .LBB2_4-.Ltmp5, $4  }
0x234: {  	v29 =	vadd.f32 v41, v29;
	v30 =	vadd.f32 v42, v30;
	v34 =	vld.idx.msk [tilespmem:v4+s30+$0xD0 ss:$0x1], $0xffff  }
0x235: {  	v41 =	vadd.f32 v35, v27;
	v42 =	vadd.f32 v36, v28;
	v35 =	vld.idx.msk [tilespmem:v4+s30+$0x40 ss:$0x1], $0xffff  }
0x236: {  	v27 =	vadd.f32 v39, v29;
	v28 =	vadd.f32 v40, v30;
	v36 =	vld.idx.msk [tilespmem:v4+s30+$0x50 ss:$0x1], $0xffff  }
0x237: {  	s31 =	sadd.s32 $0x1000, s31;
	v29 =	vadd.f32 v37, v41;
	v30 =	vadd.f32 v38, v42;
	v37 =	vld.idx.msk [tilespmem:v4+s30+$0x60 ss:$0x1], $0xffff  }
0x238: {  	_ =	sdelay $0x2  }
0x239: {  	v22 =	vadd.f32 v22, v27;
	v24 =	vadd.f32 v24, v28  }
0x23a: {  	v41 =	vld.idx.msk [tilespmem:v4+s30+$0x70 ss:$0x1], $0xffff;
	v17 =	vadd.f32 v17, v29;
	v19 =	vadd.f32 v19, v30  }
0x23b: {  	v42 =	vld.idx.msk [tilespmem:v4+s30+$0xE0 ss:$0x1], $0xffff;
	v16 =	vadd.f32 v16, v22;
	v18 =	vadd.f32 v18, v24  }
0x23c: {  	v43 =	vld.idx.msk [tilespmem:v4+s30+$0xF0 ss:$0x1], $0xffff;
	v15 =	vadd.f32 v35, v15;
	v9 =	vadd.f32 v9, v17  }
0x23d: {  	v44 =	vld.idx.msk [tilespmem:v4+s30+$0x160 ss:$0x1], $0xffff;
	v10 =	vadd.f32 v10, v19;
	v46 =	vadd.f32 v36, v23  }
0x23e: {  	v45 =	vld.idx.msk [tilespmem:v4+s30+$0x170 ss:$0x1], $0xffff;
	v11 =	vadd.f32 v11, v16;
	v12 =	vadd.f32 v12, v18  }
0x23f: {  	v47 =	vld.idx.msk [tilespmem:v4+s30+$0x1E0 ss:$0x1], $0xffff;
	v21 =	vadd.f32 v37, v21;
	v15 =	vadd.f32 v33, v15  }
0x240: {  	v48 =	vld.idx.msk [tilespmem:v4+s30+$0x1F0 ss:$0x1], $0xffff;
	v20 =	vadd.f32 v41, v20;
	v18 =	vadd.f32 v34, v46  }
0x241: {  	v49 =	vld.idx.msk [tilespmem:v4+s30+$0x260 ss:$0x1], $0xffff;
	v21 =	vadd.f32 v42, v21;
	v15 =	vadd.f32 v31, v15  }
0x242: {  	v50 =	vld.idx.msk [tilespmem:v4+s30+$0x270 ss:$0x1], $0xffff;
	v20 =	vadd.f32 v43, v20;
	v18 =	vadd.f32 v32, v18  }
0x243: {  	v51 =	vld.idx.msk [tilespmem:v4+s30+$0x2E0 ss:$0x1], $0xffff;
	v17 =	vadd.f32 v44, v21;
	v15 =	vadd.f32 v25, v15  }
0x244: {  	v52 =	vld.idx.msk [tilespmem:v4+s30+$0x2F0 ss:$0x1], $0xffff;
	v16 =	vadd.f32 v45, v20;
	v18 =	vadd.f32 v26, v18  }
0x245: {  	v53 =	vld.idx.msk [tilespmem:v4+s30+$0x360 ss:$0x1], $0xffff;
	v17 =	vadd.f32 v47, v17;
	v14 =	vadd.f32 v14, v15  }
0x246: {  	v55 =	vld.idx.msk [tilespmem:v4+s30+$0x370 ss:$0x1], $0xffff;
	v54 =	vadd.f32 v48, v16;
	v13 =	vadd.f32 v13, v18  }
0x247: {  	v56 =	vld.idx.msk [tilespmem:v4+s30+$0x3E0 ss:$0x1], $0xffff;
	v17 =	vadd.f32 v49, v17;
	v8 =	vadd.f32 v8, v14  }
0x248: {  	v58 =	vld.idx.msk [tilespmem:v4+s30+$0x3F0 ss:$0x1], $0xffff;
	[tilespmem:$0xDA00] =	vst v1;
	v57 =	vadd.f32 v50, v54;
	v7 =	vadd.f32 v7, v13  }
0x249: {  	[tilespmem:$0xD200] =	vst v9;
	v59 =	vadd.f32 v51, v17;
	v6 =	vadd.f32 v6, v8  }
0x24a: {  	[tilespmem:$0xD210] =	vst v10;
	v60 =	vadd.f32 v52, v57;
	v5 =	vadd.f32 v5, v7  }
0x24b: {  	[tilespmem:$0xD220] =	vst v11;
	v61 =	vadd.f32 v53, v59;
	v3 =	vadd.f32 v3, v6  }
0x24c: {  	[tilespmem:$0xD230] =	vst v12;
	v62 =	vadd.f32 v55, v60;
	v2 =	vadd.f32 v2, v5  }
0x24d: {  	v63 =	vadd.f32 v56, v61;
	[tilespmem:$0xD240] =	vst v3  }
0x24e: {  	v3 =	vadd.f32 v58, v62;
	[tilespmem:$0xD250] =	vst v2  }
0x24f: {  	s0 =	sadd.s32 $0x1, s28;
	[tilespmem:$0xD260] =	vst v63  }
0x250: {  	p1 =	seq.s32 s0, s6;
	[tilespmem:$0xD270] =	vst v3  }
0x251: {  	[spmem:s4] =	stream.indirect.scatter.add.f32 [tilespmem:s24], [sflag:$0x4], $0x80, s23, s22, $0xb8;
	[tilespmem:$0xEA80] =	vst v63  }
.Ltmp6:
0x252: {  	_ = 	snop;
	(pc) =	sbr.rel @!p1 .LBB2_6-.Ltmp6, $4  }
.Ltmp7:
0x253: {  	_ = 	snop;
	(pc) =	sbr.rel @p1 .LBB2_9-.Ltmp7, $4  }
0x254: {  	_ =	swait.ge [sflag:s17], $0x800  }
0x255: {  	[sflag:s17] =	ssyncset.done $0x0  }
0x256: {  	[sflag:s17] =	ssyncadd.s32 $0xFFFFF800  }
0x257: {  	_ = 	snop  }
.LBB2_10:
0x258: {  	_ =	sfence.sel $0x180000  }
0x259: {  	[bflag:$0x0] =	sbarrier.arrive $0xFFFF  }
0x25a: {  	_ =	strace $0x90000047  }
0x25b: {  	s0 =	stileid.u32;
	[bflag:$0x2] =	sbarrier.arrive $0xFFFF  }
0x25c: {  	p0 =	sne.s32 s0, $0x0;
	s0 =	rddreg [dreg:$0x4]  }
0x25d: {  	s0 =	sadd.s32 @!p0 $0x100000, s0  }
0x25e: {  	[sflag:s0] =	ssyncadd.tile.s32 @!p0 $0x1;
	_ =	shalt  }
.Lfunc_end2:
_tile_overlayer_lowered:
.L_overlay_start_2:
0x25f: {  	(tag) =	ssettag $0x2  }
0x260: {  	s0 =	rddreg [dreg:$0x0];
	s2 =	stileid.u32  }
0x261: {  	s1 =	rddreg [dreg:$0x1];
	p0 =	sne.s32 s2, $0x0  }
0x262: {  	s3 =	rddreg [dreg:$0x2];
	[bflag:$0x3] =	sbarrier.arrive $0xFFFF;
	s2 =	simm.s32 @!p0 $0x1C04  }
0x263: {  	[timem:s3], [sflag:s2] =	dma.local @!p0 [hbm:s0], s1  }
0x264: {  	s0 =	simm.s32 @!p0 $0x4  }
0x265: {  	_ =	swait.ge @!p0 [sflag:s0], s1  }
0x266: {  	s1 =	ssub.s32 @!p0 $0x0, s1;
	[sflag:s0] =	ssyncset.done @!p0 $0x0  }
0x267: {  	[sflag:s0] =	ssyncadd.s32 @!p0 s1  }
0x268: {  	[bflag:$0x3] =	sbarrier.arrive $0xFFFF  }
0x269: {  	_ =	shalt  }

</sc_bundles>
